<compile_context>
chip_gen: v7x
topology: tpu7x:2x2x1
jax: 0.10.2.dev20260603
libtpu: 0.0.44.dev20260713+nightly
codegen_flags: <defaults>
</compile_context>

<pallas_src>
import functools

import jax
import jax.numpy as jnp
from jax import lax
from jax.experimental import pallas as pl
from jax.experimental.pallas import tpu as pltpu
from jax.experimental.pallas import tpu_sc as plsc

_N = 10000
_E = 320000
_D = 128
_B = 8

_NC = 2
_NS = 16
_NW = _NC * _NS
_C = 128
_NBLK = _E // _C
_NCHUNK = -(-_NBLK // _NW)
_NFULL = _NBLK - (_NCHUNK - 1) * _NW

_RSTRIDE = 624
_RSIZE = 640

_BLK = 2000
_GRID = _N // _BLK


def _make_mp_kernel():
    mesh = plsc.VectorSubcoreMesh(core_axis_name="c", subcore_axis_name="s")

    @functools.partial(
        pl.kernel,
        out_type=jax.ShapeDtypeStruct((_NC, _N, _D), jnp.float32),
        mesh=mesh,
        scratch_types=[
            [pltpu.VMEM((_C,), jnp.int32) for _ in range(3)],
            [pltpu.VMEM((_C,), jnp.int32) for _ in range(3)],
            [pltpu.VMEM((_C,), jnp.int32) for _ in range(3)],
            [pltpu.VMEM((_C, _D), jnp.float32) for _ in range(3)],
            pltpu.VMEM_SHARED((_N, _D), jnp.float32),
            [pltpu.SemaphoreType.DMA for _ in range(3)],
            [pltpu.SemaphoreType.DMA for _ in range(3)],
            [pltpu.SemaphoreType.DMA for _ in range(3)],
            pltpu.SemaphoreType.DMA,
        ],
    )
    def mp(h_hbm, packed_hbm, zeros_hbm, out_hbm, pk, sb, db, rows, acc,
           pksem, gsem, ssem, zsem):
        c = lax.axis_index("c")
        s = lax.axis_index("s")
        az = pltpu.async_copy(zeros_hbm, acc.at[pl.ds(s * _RSTRIDE, _RSIZE)],
                              zsem)

        wid = s * _NC + c
        nch = lax.select(wid < _NFULL, _NCHUNK, _NCHUNK - 1)

        def start_pk(g, k):
            pltpu.async_copy(
                packed_hbm.at[pl.ds((g * _NW + wid) * _C, _C)], pk[k],
                pksem[k])

        def unpack(k):
            for j in range(_C // 16):
                p = pk[k][pl.ds(j * 16, 16)]
                sb[k][pl.ds(j * 16, 16)] = lax.bitwise_and(p, 0xFFFF)
                db[k][pl.ds(j * 16, 16)] = lax.shift_right_logical(p, 16)

        def drain_pk(k):
            pltpu.make_async_copy(
                packed_hbm.at[pl.ds(0, _C)], pk[k], pksem[k]).wait()

        def drain_rows(k, sem):
            pltpu.make_async_copy(
                h_hbm.at[pl.ds(0, _C)], rows[k], sem[k]).wait()

        start_pk(0, 0)
        start_pk(1, 1)
        drain_pk(0)
        unpack(0)
        pltpu.async_copy(h_hbm.at[sb[0]], rows[0], gsem[0])
        az.wait()
        plsc.subcore_barrier()

        def body(g, carry):
            def step(kg, kn, kp):
                drain_rows(kg, gsem)
                pltpu.async_copy(rows[kg], acc.at[db[kg]], ssem[kg],
                                 add=True)

                @pl.when(g + 1 < nch)
                def _():
                    @pl.when(g >= 2)
                    def _():
                        drain_rows(kn, ssem)
                    drain_pk(kn)
                    unpack(kn)
                    pltpu.async_copy(h_hbm.at[sb[kn]], rows[kn], gsem[kn])

                    @pl.when(g + 2 < nch)
                    def _():
                        start_pk(g + 2, kp)

            @pl.when(g % 3 == 0)
            def _():
                step(0, 1, 2)

            @pl.when(g % 3 == 1)
            def _():
                step(1, 2, 0)

            @pl.when(g % 3 == 2)
            def _():
                step(2, 0, 1)

            return carry

        lax.fori_loop(0, nch, body, 0)

        drain_rows(0, ssem)
        drain_rows(1, ssem)
        drain_rows(2, ssem)

        plsc.subcore_barrier()
        pltpu.sync_copy(acc.at[pl.ds(s * _RSTRIDE, _RSIZE)],
                        out_hbm.at[c, pl.ds(s * _RSTRIDE, _RSIZE)])

    return mp


_mp_kernel = _make_mp_kernel()


def _mm_body(a0_ref, a1_ref, w_ref, b_ref, o_ref):
    agg = a0_ref[...] + a1_ref[...]
    h = jnp.dot(agg, w_ref[...], preferred_element_type=jnp.float32)
    o_ref[...] = jnp.maximum(h + b_ref[...], 0.0)


def _mm_relu(a0, a1, w, b):
    return pl.pallas_call(
        _mm_body,
        grid=(_GRID,),
        in_specs=[
            pl.BlockSpec((_BLK, _D), lambda i: (i, 0)),
            pl.BlockSpec((_BLK, _D), lambda i: (i, 0)),
            pl.BlockSpec((_D, _D), lambda i: (0, 0)),
            pl.BlockSpec((1, _D), lambda i: (0, 0)),
        ],
        out_specs=pl.BlockSpec((_BLK, _D), lambda i: (i, 0)),
        out_shape=jax.ShapeDtypeStruct((_N, _D), jnp.float32),
    )(a0, a1, w, b)


def _mm_pool_body(a0_ref, a1_ref, w_ref, b_ref, batch_ref, o_ref,
                  sums_ref, counts_ref):
    i = pl.program_id(0)

    @pl.when(i == 0)
    def _init():
        sums_ref[...] = jnp.zeros_like(sums_ref)
        counts_ref[...] = jnp.zeros_like(counts_ref)

    agg = a0_ref[...] + a1_ref[...]
    h = jnp.dot(agg, w_ref[...], preferred_element_type=jnp.float32)
    h = jnp.maximum(h + b_ref[...], 0.0)

    bvec = batch_ref[0, 0, :]
    onehot = (bvec[None, :] == lax.broadcasted_iota(jnp.int32, (_B, _BLK), 0)
              ).astype(jnp.float32)
    sums_ref[...] += jnp.dot(onehot, h, preferred_element_type=jnp.float32)
    counts_ref[...] += jnp.broadcast_to(
        jnp.sum(onehot, axis=1, keepdims=True), (_B, _D))

    @pl.when(i == _GRID - 1)
    def _fin():
        o_ref[...] = sums_ref[...] / jnp.maximum(counts_ref[...], 1.0)


def _mm_relu_pool(a0, a1, w, b, batch3d):
    return pl.pallas_call(
        _mm_pool_body,
        grid=(_GRID,),
        in_specs=[
            pl.BlockSpec((_BLK, _D), lambda i: (i, 0)),
            pl.BlockSpec((_BLK, _D), lambda i: (i, 0)),
            pl.BlockSpec((_D, _D), lambda i: (0, 0)),
            pl.BlockSpec((1, _D), lambda i: (0, 0)),
            pl.BlockSpec((1, 1, _BLK), lambda i: (i, 0, 0)),
        ],
        out_specs=pl.BlockSpec((_B, _D), lambda i: (0, 0)),
        out_shape=jax.ShapeDtypeStruct((_B, _D), jnp.float32),
        scratch_shapes=[
            pltpu.VMEM((_B, _D), jnp.float32),
            pltpu.VMEM((_B, _D), jnp.float32),
        ],
    )(a0, a1, w, b, batch3d)


@jax.jit
def kernel(x, edge_index, batch, W0, b0, W1, b1):
    packed = edge_index[0] + edge_index[1] * 65536
    zeros = jnp.zeros((_RSIZE, _D), dtype=jnp.float32)

    parts = _mp_kernel(x, packed, zeros)
    h1 = _mm_relu(parts[0], parts[1], W0, b0.reshape(1, _D))

    parts2 = _mp_kernel(h1, packed, zeros)
    batch3d = batch.reshape(_GRID, 1, _BLK)
    emb = _mm_relu_pool(parts2[0], parts2[1], W1, b1.reshape(1, _D), batch3d)
    return emb

# --- scband reference (transcript-rebuilt; emitter-appended) ---
"""Pipeline reference for scband-embedding-module-44263932952799 (READ-ONLY COPY).

The authoritative reference and input builder live on the scoring server;
editing this copy changes nothing except your own understanding.
"""

import jax, jax.numpy as jnp
import numpy as np

N = 10000
E = 320000
D = 128
B = 8


def setup_inputs(seed: int = 0) -> dict:
    key = jax.random.key(seed)
    k1, k2, k3, k4, k5, k6, k7 = jax.random.split(key, 7)
    x = jax.random.normal(k1, (N, D), dtype=jnp.float32)
    edge_index = jax.random.randint(k2, (2, E), 0, N, dtype=jnp.int32)
    batch = jnp.sort(jax.random.randint(k3, (N,), 0, B, dtype=jnp.int32))
    scale = 1.0 / np.sqrt(D)
    W0 = jax.random.normal(k4, (D, D), dtype=jnp.float32) * scale
    b0 = jnp.zeros((D,), dtype=jnp.float32)
    W1 = jax.random.normal(k5, (D, D), dtype=jnp.float32) * scale
    b1 = jnp.zeros((D,), dtype=jnp.float32)
    return {"x": x, "edge_index": edge_index, "batch": batch, "W0": W0, "b0": b0, "W1": W1, "b1": b1}


def reference(x, edge_index, batch, W0, b0, W1, b1):
    # Faithful simplification of HeteroGNN.calculate_embedding:
    # num_layer=2 rounds of sum-aggregation message passing (aggr='sum')
    # followed by per-graph mean readout over the batch vector.
    src = edge_index[0]
    dst = edge_index[1]
    h = x
    for W, b in ((W0, b0), (W1, b1)):
        msg = h[src]                                    # gather over edges
        agg = jax.ops.segment_sum(msg, dst, num_segments=N)  # scatter-add to dst nodes
        h = jax.nn.relu(agg @ W + b)
    # global mean pool per graph (batch_dict readout)
    sums = jax.ops.segment_sum(h, batch, num_segments=B)
    counts = jax.ops.segment_sum(jnp.ones((N, 1), dtype=jnp.float32), batch, num_segments=B)
    emb = sums / jnp.maximum(counts, 1.0)
    return emb

if __name__ == "__main__":
    import jax
    _d = setup_inputs()
    print(jax.jit(kernel)(*tuple(_d.values())))

</pallas_src>

<mosaic_0001>
#map = affine_map<(d0, d1) -> (0, 0)>
#map1 = affine_map<(d0, d1) -> (0)>
#map2 = affine_map<(d0, d1) -> (0, 0, 0)>
module attributes {stable_mosaic.version = 14 : i64} {
  func.func @mp(%arg0: i32, %arg1: i32, %arg2: memref<10000x128xf32, #tpu.memory_space<hbm>>, %arg3: memref<320000xi32, #tpu.memory_space<hbm>>, %arg4: memref<640x128xf32, #tpu.memory_space<hbm>>, %arg5: memref<2x10000x128xf32, #tpu.memory_space<hbm>>, %arg6: memref<128xi32, #tpu.memory_space<vmem>>, %arg7: memref<128xi32, #tpu.memory_space<vmem>>, %arg8: memref<128xi32, #tpu.memory_space<vmem>>, %arg9: memref<128xi32, #tpu.memory_space<vmem>>, %arg10: memref<128xi32, #tpu.memory_space<vmem>>, %arg11: memref<128xi32, #tpu.memory_space<vmem>>, %arg12: memref<128xi32, #tpu.memory_space<vmem>>, %arg13: memref<128xi32, #tpu.memory_space<vmem>>, %arg14: memref<128xi32, #tpu.memory_space<vmem>>, %arg15: memref<128x128xf32, #tpu.memory_space<vmem>>, %arg16: memref<128x128xf32, #tpu.memory_space<vmem>>, %arg17: memref<128x128xf32, #tpu.memory_space<vmem>>, %arg18: memref<10000x128xf32, #tpu.memory_space<vmem_shared>>, %arg19: memref<!tpu.dma_semaphore, #tpu.memory_space<semaphore_mem>>, %arg20: memref<!tpu.dma_semaphore, #tpu.memory_space<semaphore_mem>>, %arg21: memref<!tpu.dma_semaphore, #tpu.memory_space<semaphore_mem>>, %arg22: memref<!tpu.dma_semaphore, #tpu.memory_space<semaphore_mem>>, %arg23: memref<!tpu.dma_semaphore, #tpu.memory_space<semaphore_mem>>, %arg24: memref<!tpu.dma_semaphore, #tpu.memory_space<semaphore_mem>>, %arg25: memref<!tpu.dma_semaphore, #tpu.memory_space<semaphore_mem>>, %arg26: memref<!tpu.dma_semaphore, #tpu.memory_space<semaphore_mem>>, %arg27: memref<!tpu.dma_semaphore, #tpu.memory_space<semaphore_mem>>, %arg28: memref<!tpu.dma_semaphore, #tpu.memory_space<semaphore_mem>>) attributes {dimension_semantics = [#tpu.dimension_semantics<core_parallel>, #tpu.dimension_semantics<subcore_parallel>], iteration_bounds = array<i64: 2, 16>, scalar_prefetch = 0 : i64, scratch_operands = 23 : i64, tpu.core_type = #tpu.core_type<sc_vector_subcore>, window_params = [{transform_indices = #map}, {transform_indices = #map1}, {transform_indices = #map}, {transform_indices = #map2}]} {
    %mul3A = arith.constant 624 : i32
    %mul3A_0 = arith.muli %arg1, %mul3A : i32
    %dma_start3A = arith.constant 0 : i32
    %dma_start3A_1 = tpu.memref_slice %arg18[%mul3A_0, %dma_start3A] : memref<10000x128xf32, #tpu.memory_space<vmem_shared>> -> memref<640x128xf32, #tpu.memory_space<vmem_shared>>
    tpu.enqueue_dma source(%arg4 : memref<640x128xf32, #tpu.memory_space<hbm>>) target(%dma_start3A_1 : memref<640x128xf32, #tpu.memory_space<vmem_shared>>) target_semaphore(%arg28 : memref<!tpu.dma_semaphore, #tpu.memory_space<semaphore_mem>>)
    %mul3A_2 = arith.constant 2 : i32
    %mul3A_3 = arith.muli %arg1, %mul3A_2 : i32
    %add3A = arith.addi %mul3A_3, %arg0 : i32
    %lt3A = arith.constant 4 : i32
    %lt3A_4 = arith.cmpi slt, %add3A, %lt3A : i32
    %select_n3A = arith.constant 78 : i32
    %select_n3A_5 = arith.constant 79 : i32
    %select_n3A_6 = arith.select %lt3A_4, %select_n3A_5, %select_n3A : i32
    %add3A_7 = arith.constant 0 : i32
    %add3A_8 = arith.addi %add3A_7, %add3A : i32
    %mul3A_9 = arith.constant 128 : i32
    %mul3A_10 = arith.muli %add3A_8, %mul3A_9 : i32
    %dma_start3A_11 = tpu.memref_slice %arg3[%mul3A_10] : memref<320000xi32, #tpu.memory_space<hbm>> -> memref<128xi32, #tpu.memory_space<hbm>>
    %dma_start3A_12 = tpu.memref_slice %arg3[%mul3A_10] : memref<320000xi32, #tpu.memory_space<hbm>> -> memref<128xi32, #tpu.memory_space<hbm>>
    tpu.enqueue_dma source(%dma_start3A_12 : memref<128xi32, #tpu.memory_space<hbm>>) target(%arg6 : memref<128xi32, #tpu.memory_space<vmem>>) target_semaphore(%arg19 : memref<!tpu.dma_semaphore, #tpu.memory_space<semaphore_mem>>)
    %add3A_13 = arith.constant 32 : i32
    %add3A_14 = arith.addi %add3A_13, %add3A : i32
    %mul3A_15 = arith.constant 128 : i32
    %mul3A_16 = arith.muli %add3A_14, %mul3A_15 : i32
    %dma_start3A_17 = tpu.memref_slice %arg3[%mul3A_16] : memref<320000xi32, #tpu.memory_space<hbm>> -> memref<128xi32, #tpu.memory_space<hbm>>
    %dma_start3A_18 = tpu.memref_slice %arg3[%mul3A_16] : memref<320000xi32, #tpu.memory_space<hbm>> -> memref<128xi32, #tpu.memory_space<hbm>>
    tpu.enqueue_dma source(%dma_start3A_18 : memref<128xi32, #tpu.memory_space<hbm>>) target(%arg7 : memref<128xi32, #tpu.memory_space<vmem>>) target_semaphore(%arg20 : memref<!tpu.dma_semaphore, #tpu.memory_space<semaphore_mem>>)
    %dma_wait3A = arith.constant 0 : i32
    %dma_wait3A_19 = tpu.memref_slice %arg3[%dma_wait3A] : memref<320000xi32, #tpu.memory_space<hbm>> -> memref<128xi32, #tpu.memory_space<hbm>>
    %dma_wait3A_20 = arith.constant 0 : i32
    %dma_wait3A_21 = tpu.memref_slice %arg3[%dma_wait3A_20] : memref<320000xi32, #tpu.memory_space<hbm>> -> memref<128xi32, #tpu.memory_space<hbm>>
    tpu.wait_dma2 semaphore(%arg19 : memref<!tpu.dma_semaphore, #tpu.memory_space<semaphore_mem>>) src(%dma_wait3A_21 : memref<128xi32, #tpu.memory_space<hbm>>) dst(%arg6 : memref<128xi32, #tpu.memory_space<vmem>>)
    %get3A = arith.constant 0 : index
    %get3A_22 = tpu.vector_load %arg6[%get3A] {strides = array<i32>} : memref<128xi32, #tpu.memory_space<vmem>>, vector<16xi32>,
    %get3A_23 = vector.shape_cast %get3A_22 : vector<16xi32> to vector<16xi32>
    %and3A = arith.constant 65535 : i32
    %and3A_24 = vector.broadcast %and3A : i32 to vector<16xi32>
    %and3A_25 = arith.andi %get3A_23, %and3A_24 : vector<16xi32>
    %swap3A = arith.constant 0 : index
    %swap3A_26 = tpu.vector_load %arg9[%swap3A] {strides = array<i32>} : memref<128xi32, #tpu.memory_space<vmem>>, vector<16xi32>,
    %swap3A_27 = vector.shape_cast %swap3A_26 : vector<16xi32> to vector<16xi32>
    %swap3A_28 = vector.shape_cast %and3A_25 : vector<16xi32> to vector<16xi32>
    tpu.vector_store %arg9[%swap3A], %swap3A_28 {strides = array<i32>} : memref<128xi32, #tpu.memory_space<vmem>>, vector<16xi32>,
    %shift_right_logical3A = arith.constant 16 : i32
    %shift_right_logical3A_29 = vector.broadcast %shift_right_logical3A : i32 to vector<16xi32>
    %shift_right_logical3A_30 = arith.shrui %get3A_23, %shift_right_logical3A_29 : vector<16xi32>
    %swap3A_31 = arith.constant 0 : index
    %swap3A_32 = tpu.vector_load %arg12[%swap3A_31] {strides = array<i32>} : memref<128xi32, #tpu.memory_space<vmem>>, vector<16xi32>,
    %swap3A_33 = vector.shape_cast %swap3A_32 : vector<16xi32> to vector<16xi32>
    %swap3A_34 = vector.shape_cast %shift_right_logical3A_30 : vector<16xi32> to vector<16xi32>
    tpu.vector_store %arg12[%swap3A_31], %swap3A_34 {strides = array<i32>} : memref<128xi32, #tpu.memory_space<vmem>>, vector<16xi32>,
    %get3A_35 = arith.constant 16 : index
    %get3A_36 = tpu.vector_load %arg6[%get3A_35] {strides = array<i32>} : memref<128xi32, #tpu.memory_space<vmem>>, vector<16xi32>,
    %get3A_37 = vector.shape_cast %get3A_36 : vector<16xi32> to vector<16xi32>
    %and3A_38 = arith.constant 65535 : i32
    %and3A_39 = vector.broadcast %and3A_38 : i32 to vector<16xi32>
    %and3A_40 = arith.andi %get3A_37, %and3A_39 : vector<16xi32>
    %swap3A_41 = arith.constant 16 : index
    %swap3A_42 = tpu.vector_load %arg9[%swap3A_41] {strides = array<i32>} : memref<128xi32, #tpu.memory_space<vmem>>, vector<16xi32>,
    %swap3A_43 = vector.shape_cast %swap3A_42 : vector<16xi32> to vector<16xi32>
    %swap3A_44 = vector.shape_cast %and3A_40 : vector<16xi32> to vector<16xi32>
    tpu.vector_store %arg9[%swap3A_41], %swap3A_44 {strides = array<i32>} : memref<128xi32, #tpu.memory_space<vmem>>, vector<16xi32>,
    %shift_right_logical3A_45 = arith.constant 16 : i32
    %shift_right_logical3A_46 = vector.broadcast %shift_right_logical3A_45 : i32 to vector<16xi32>
    %shift_right_logical3A_47 = arith.shrui %get3A_37, %shift_right_logical3A_46 : vector<16xi32>
    %swap3A_48 = arith.constant 16 : index
    %swap3A_49 = tpu.vector_load %arg12[%swap3A_48] {strides = array<i32>} : memref<128xi32, #tpu.memory_space<vmem>>, vector<16xi32>,
    %swap3A_50 = vector.shape_cast %swap3A_49 : vector<16xi32> to vector<16xi32>
    %swap3A_51 = vector.shape_cast %shift_right_logical3A_47 : vector<16xi32> to vector<16xi32>
    tpu.vector_store %arg12[%swap3A_48], %swap3A_51 {strides = array<i32>} : memref<128xi32, #tpu.memory_space<vmem>>, vector<16xi32>,
    %get3A_52 = arith.constant 32 : index
    %get3A_53 = tpu.vector_load %arg6[%get3A_52] {strides = array<i32>} : memref<128xi32, #tpu.memory_space<vmem>>, vector<16xi32>,
    %get3A_54 = vector.shape_cast %get3A_53 : vector<16xi32> to vector<16xi32>
    %and3A_55 = arith.constant 65535 : i32
    %and3A_56 = vector.broadcast %and3A_55 : i32 to vector<16xi32>
    %and3A_57 = arith.andi %get3A_54, %and3A_56 : vector<16xi32>
    %swap3A_58 = arith.constant 32 : index
    %swap3A_59 = tpu.vector_load %arg9[%swap3A_58] {strides = array<i32>} : memref<128xi32, #tpu.memory_space<vmem>>, vector<16xi32>,
    %swap3A_60 = vector.shape_cast %swap3A_59 : vector<16xi32> to vector<16xi32>
    %swap3A_61 = vector.shape_cast %and3A_57 : vector<16xi32> to vector<16xi32>
    tpu.vector_store %arg9[%swap3A_58], %swap3A_61 {strides = array<i32>} : memref<128xi32, #tpu.memory_space<vmem>>, vector<16xi32>,
    %shift_right_logical3A_62 = arith.constant 16 : i32
    %shift_right_logical3A_63 = vector.broadcast %shift_right_logical3A_62 : i32 to vector<16xi32>
    %shift_right_logical3A_64 = arith.shrui %get3A_54, %shift_right_logical3A_63 : vector<16xi32>
    %swap3A_65 = arith.constant 32 : index
    %swap3A_66 = tpu.vector_load %arg12[%swap3A_65] {strides = array<i32>} : memref<128xi32, #tpu.memory_space<vmem>>, vector<16xi32>,
    %swap3A_67 = vector.shape_cast %swap3A_66 : vector<16xi32> to vector<16xi32>
    %swap3A_68 = vector.shape_cast %shift_right_logical3A_64 : vector<16xi32> to vector<16xi32>
    tpu.vector_store %arg12[%swap3A_65], %swap3A_68 {strides = array<i32>} : memref<128xi32, #tpu.memory_space<vmem>>, vector<16xi32>,
    %get3A_69 = arith.constant 48 : index
    %get3A_70 = tpu.vector_load %arg6[%get3A_69] {strides = array<i32>} : memref<128xi32, #tpu.memory_space<vmem>>, vector<16xi32>,
    %get3A_71 = vector.shape_cast %get3A_70 : vector<16xi32> to vector<16xi32>
    %and3A_72 = arith.constant 65535 : i32
    %and3A_73 = vector.broadcast %and3A_72 : i32 to vector<16xi32>
    %and3A_74 = arith.andi %get3A_71, %and3A_73 : vector<16xi32>
    %swap3A_75 = arith.constant 48 : index
    %swap3A_76 = tpu.vector_load %arg9[%swap3A_75] {strides = array<i32>} : memref<128xi32, #tpu.memory_space<vmem>>, vector<16xi32>,
    %swap3A_77 = vector.shape_cast %swap3A_76 : vector<16xi32> to vector<16xi32>
    %swap3A_78 = vector.shape_cast %and3A_74 : vector<16xi32> to vector<16xi32>
    tpu.vector_store %arg9[%swap3A_75], %swap3A_78 {strides = array<i32>} : memref<128xi32, #tpu.memory_space<vmem>>, vector<16xi32>,
    %shift_right_logical3A_79 = arith.constant 16 : i32
    %shift_right_logical3A_80 = vector.broadcast %shift_right_logical3A_79 : i32 to vector<16xi32>
    %shift_right_logical3A_81 = arith.shrui %get3A_71, %shift_right_logical3A_80 : vector<16xi32>
    %swap3A_82 = arith.constant 48 : index
    %swap3A_83 = tpu.vector_load %arg12[%swap3A_82] {strides = array<i32>} : memref<128xi32, #tpu.memory_space<vmem>>, vector<16xi32>,
    %swap3A_84 = vector.shape_cast %swap3A_83 : vector<16xi32> to vector<16xi32>
    %swap3A_85 = vector.shape_cast %shift_right_logical3A_81 : vector<16xi32> to vector<16xi32>
    tpu.vector_store %arg12[%swap3A_82], %swap3A_85 {strides = array<i32>} : memref<128xi32, #tpu.memory_space<vmem>>, vector<16xi32>,
    %get3A_86 = arith.constant 64 : index
    %get3A_87 = tpu.vector_load %arg6[%get3A_86] {strides = array<i32>} : memref<128xi32, #tpu.memory_space<vmem>>, vector<16xi32>,
    %get3A_88 = vector.shape_cast %get3A_87 : vector<16xi32> to vector<16xi32>
    %and3A_89 = arith.constant 65535 : i32
    %and3A_90 = vector.broadcast %and3A_89 : i32 to vector<16xi32>
    %and3A_91 = arith.andi %get3A_88, %and3A_90 : vector<16xi32>
    %swap3A_92 = arith.constant 64 : index
    %swap3A_93 = tpu.vector_load %arg9[%swap3A_92] {strides = array<i32>} : memref<128xi32, #tpu.memory_space<vmem>>, vector<16xi32>,
    %swap3A_94 = vector.shape_cast %swap3A_93 : vector<16xi32> to vector<16xi32>
    %swap3A_95 = vector.shape_cast %and3A_91 : vector<16xi32> to vector<16xi32>
    tpu.vector_store %arg9[%swap3A_92], %swap3A_95 {strides = array<i32>} : memref<128xi32, #tpu.memory_space<vmem>>, vector<16xi32>,
    %shift_right_logical3A_96 = arith.constant 16 : i32
    %shift_right_logical3A_97 = vector.broadcast %shift_right_logical3A_96 : i32 to vector<16xi32>
    %shift_right_logical3A_98 = arith.shrui %get3A_88, %shift_right_logical3A_97 : vector<16xi32>
    %swap3A_99 = arith.constant 64 : index
    %swap3A_100 = tpu.vector_load %arg12[%swap3A_99] {strides = array<i32>} : memref<128xi32, #tpu.memory_space<vmem>>, vector<16xi32>,
    %swap3A_101 = vector.shape_cast %swap3A_100 : vector<16xi32> to vector<16xi32>
    %swap3A_102 = vector.shape_cast %shift_right_logical3A_98 : vector<16xi32> to vector<16xi32>
    tpu.vector_store %arg12[%swap3A_99], %swap3A_102 {strides = array<i32>} : memref<128xi32, #tpu.memory_space<vmem>>, vector<16xi32>,
    %get3A_103 = arith.constant 80 : index
    %get3A_104 = tpu.vector_load %arg6[%get3A_103] {strides = array<i32>} : memref<128xi32, #tpu.memory_space<vmem>>, vector<16xi32>,
    %get3A_105 = vector.shape_cast %get3A_104 : vector<16xi32> to vector<16xi32>
    %and3A_106 = arith.constant 65535 : i32
    %and3A_107 = vector.broadcast %and3A_106 : i32 to vector<16xi32>
    %and3A_108 = arith.andi %get3A_105, %and3A_107 : vector<16xi32>
    %swap3A_109 = arith.constant 80 : index
    %swap3A_110 = tpu.vector_load %arg9[%swap3A_109] {strides = array<i32>} : memref<128xi32, #tpu.memory_space<vmem>>, vector<16xi32>,
    %swap3A_111 = vector.shape_cast %swap3A_110 : vector<16xi32> to vector<16xi32>
    %swap3A_112 = vector.shape_cast %and3A_108 : vector<16xi32> to vector<16xi32>
    tpu.vector_store %arg9[%swap3A_109], %swap3A_112 {strides = array<i32>} : memref<128xi32, #tpu.memory_space<vmem>>, vector<16xi32>,
    %shift_right_logical3A_113 = arith.constant 16 : i32
    %shift_right_logical3A_114 = vector.broadcast %shift_right_logical3A_113 : i32 to vector<16xi32>
    %shift_right_logical3A_115 = arith.shrui %get3A_105, %shift_right_logical3A_114 : vector<16xi32>
    %swap3A_116 = arith.constant 80 : index
    %swap3A_117 = tpu.vector_load %arg12[%swap3A_116] {strides = array<i32>} : memref<128xi32, #tpu.memory_space<vmem>>, vector<16xi32>,
    %swap3A_118 = vector.shape_cast %swap3A_117 : vector<16xi32> to vector<16xi32>
    %swap3A_119 = vector.shape_cast %shift_right_logical3A_115 : vector<16xi32> to vector<16xi32>
    tpu.vector_store %arg12[%swap3A_116], %swap3A_119 {strides = array<i32>} : memref<128xi32, #tpu.memory_space<vmem>>, vector<16xi32>,
    %get3A_120 = arith.constant 96 : index
    %get3A_121 = tpu.vector_load %arg6[%get3A_120] {strides = array<i32>} : memref<128xi32, #tpu.memory_space<vmem>>, vector<16xi32>,
    %get3A_122 = vector.shape_cast %get3A_121 : vector<16xi32> to vector<16xi32>
    %and3A_123 = arith.constant 65535 : i32
    %and3A_124 = vector.broadcast %and3A_123 : i32 to vector<16xi32>
    %and3A_125 = arith.andi %get3A_122, %and3A_124 : vector<16xi32>
    %swap3A_126 = arith.constant 96 : index
    %swap3A_127 = tpu.vector_load %arg9[%swap3A_126] {strides = array<i32>} : memref<128xi32, #tpu.memory_space<vmem>>, vector<16xi32>,
    %swap3A_128 = vector.shape_cast %swap3A_127 : vector<16xi32> to vector<16xi32>
    %swap3A_129 = vector.shape_cast %and3A_125 : vector<16xi32> to vector<16xi32>
    tpu.vector_store %arg9[%swap3A_126], %swap3A_129 {strides = array<i32>} : memref<128xi32, #tpu.memory_space<vmem>>, vector<16xi32>,
    %shift_right_logical3A_130 = arith.constant 16 : i32
    %shift_right_logical3A_131 = vector.broadcast %shift_right_logical3A_130 : i32 to vector<16xi32>
    %shift_right_logical3A_132 = arith.shrui %get3A_122, %shift_right_logical3A_131 : vector<16xi32>
    %swap3A_133 = arith.constant 96 : index
    %swap3A_134 = tpu.vector_load %arg12[%swap3A_133] {strides = array<i32>} : memref<128xi32, #tpu.memory_space<vmem>>, vector<16xi32>,
    %swap3A_135 = vector.shape_cast %swap3A_134 : vector<16xi32> to vector<16xi32>
    %swap3A_136 = vector.shape_cast %shift_right_logical3A_132 : vector<16xi32> to vector<16xi32>
    tpu.vector_store %arg12[%swap3A_133], %swap3A_136 {strides = array<i32>} : memref<128xi32, #tpu.memory_space<vmem>>, vector<16xi32>,
    %get3A_137 = arith.constant 112 : index
    %get3A_138 = tpu.vector_load %arg6[%get3A_137] {strides = array<i32>} : memref<128xi32, #tpu.memory_space<vmem>>, vector<16xi32>,
    %get3A_139 = vector.shape_cast %get3A_138 : vector<16xi32> to vector<16xi32>
    %and3A_140 = arith.constant 65535 : i32
    %and3A_141 = vector.broadcast %and3A_140 : i32 to vector<16xi32>
    %and3A_142 = arith.andi %get3A_139, %and3A_141 : vector<16xi32>
    %swap3A_143 = arith.constant 112 : index
    %swap3A_144 = tpu.vector_load %arg9[%swap3A_143] {strides = array<i32>} : memref<128xi32, #tpu.memory_space<vmem>>, vector<16xi32>,
    %swap3A_145 = vector.shape_cast %swap3A_144 : vector<16xi32> to vector<16xi32>
    %swap3A_146 = vector.shape_cast %and3A_142 : vector<16xi32> to vector<16xi32>
    tpu.vector_store %arg9[%swap3A_143], %swap3A_146 {strides = array<i32>} : memref<128xi32, #tpu.memory_space<vmem>>, vector<16xi32>,
    %shift_right_logical3A_147 = arith.constant 16 : i32
    %shift_right_logical3A_148 = vector.broadcast %shift_right_logical3A_147 : i32 to vector<16xi32>
    %shift_right_logical3A_149 = arith.shrui %get3A_139, %shift_right_logical3A_148 : vector<16xi32>
    %swap3A_150 = arith.constant 112 : index
    %swap3A_151 = tpu.vector_load %arg12[%swap3A_150] {strides = array<i32>} : memref<128xi32, #tpu.memory_space<vmem>>, vector<16xi32>,
    %swap3A_152 = vector.shape_cast %swap3A_151 : vector<16xi32> to vector<16xi32>
    %swap3A_153 = vector.shape_cast %shift_right_logical3A_149 : vector<16xi32> to vector<16xi32>
    tpu.vector_store %arg12[%swap3A_150], %swap3A_153 {strides = array<i32>} : memref<128xi32, #tpu.memory_space<vmem>>, vector<16xi32>,
    %dma_start3A_154 = arith.constant 0 : i32
    %dma_start3A_155 = arith.constant 0 : i32
    %dma_start3A_156 = tpu.memref_slice %arg2[%dma_start3A_154, %dma_start3A_155] : memref<10000x128xf32, #tpu.memory_space<hbm>> -> memref<10000x128xf32, #tpu.memory_space<hbm>>
    tpu.enqueue_indirect_dma source(%dma_start3A_156 : memref<10000x128xf32, #tpu.memory_space<hbm>>) target(%arg15 : memref<128x128xf32, #tpu.memory_space<vmem>>) offsets(%arg9 : memref<128xi32, #tpu.memory_space<vmem>>) semaphore(%arg22 : memref<!tpu.dma_semaphore, #tpu.memory_space<semaphore_mem>>)
    %dma_wait3A_157 = arith.constant 0 : i32
    %dma_wait3A_158 = tpu.memref_slice %arg18[%mul3A_0, %dma_wait3A_157] : memref<10000x128xf32, #tpu.memory_space<vmem_shared>> -> memref<640x128xf32, #tpu.memory_space<vmem_shared>>
    tpu.wait_dma2 semaphore(%arg28 : memref<!tpu.dma_semaphore, #tpu.memory_space<semaphore_mem>>) src(%arg4 : memref<640x128xf32, #tpu.memory_space<hbm>>) dst(%dma_wait3A_158 : memref<640x128xf32, #tpu.memory_space<vmem_shared>>)
    %barrier3A = arith.constant 0 : index
    tpu.barrier barrier_id(%barrier3A)
    %while3A = arith.constant 0 : i32
    %while3A_159 = arith.constant 0 : i32
    %while3A_160 = arith.subi %select_n3A_6, %while3A_159 : i32
    %while3A_161 = arith.addi %while3A_159, %while3A_160 : i32
    %while3A_162 = arith.constant 1 : i32
    %while3A_163 = arith.divsi %while3A_160, %while3A_162 : i32
    %while3A_164 = arith.muli %while3A_163, %while3A_162 : i32
    %while3A_165 = arith.addi %while3A_159, %while3A_164 : i32
    %while3A_166 = arith.constant 1 : i32
    scf.for %while3A_191 = %while3A_159 to %while3A_165 step %while3A_166  : i32 {
      %jit3A = arith.constant 3 : i32
      %eq3A = arith.constant 0 : i32
      %eq3A_192 = arith.cmpi eq, %jit3A, %eq3A : i32
      %jit3A_193 = arith.constant 1 : i32
      %select_n3A_194 = arith.select %eq3A_192, %jit3A_193, %jit3A : i32
      %rem3A = arith.remsi %while3A_191, %select_n3A_194 : i32
      %ne3A = arith.constant 0 : i32
      %ne3A_195 = arith.cmpi ne, %rem3A, %ne3A : i32
      %lt3A_196 = arith.constant 0 : i32
      %lt3A_197 = arith.cmpi slt, %rem3A, %lt3A_196 : i32
      %lt3A_198 = arith.constant 0 : i32
      %lt3A_199 = arith.cmpi slt, %select_n3A_194, %lt3A_198 : i32
      %ne3A_200 = arith.xori %lt3A_197, %lt3A_199 : i1
      %and3A_201 = arith.andi %ne3A_200, %ne3A_195 : i1
      %add3A_202 = arith.addi %rem3A, %select_n3A_194 : i32
      %select_n3A_203 = arith.select %and3A_201, %add3A_202, %rem3A : i32
      %eq3A_204 = arith.constant 0 : i32
      %eq3A_205 = arith.cmpi eq, %select_n3A_203, %eq3A_204 : i32
      %convert_element_type3A = arith.extui %eq3A_205 : i1 to i32
      %cond3A = arith.constant 0 : i32
      %cond3A_206 = arith.cmpi ne, %convert_element_type3A, %cond3A : i32
      scf.if %cond3A_206 {
        %dma_wait3A_249 = arith.constant 0 : i32
        %dma_wait3A_250 = arith.constant 0 : i32
        %dma_wait3A_251 = tpu.memref_slice %arg2[%dma_wait3A_249, %dma_wait3A_250] : memref<10000x128xf32, #tpu.memory_space<hbm>> -> memref<128x128xf32, #tpu.memory_space<hbm>>
        %dma_wait3A_252 = arith.constant 0 : i32
        %dma_wait3A_253 = arith.constant 0 : i32
        %dma_wait3A_254 = tpu.memref_slice %arg2[%dma_wait3A_252, %dma_wait3A_253] : memref<10000x128xf32, #tpu.memory_space<hbm>> -> memref<128x128xf32, #tpu.memory_space<hbm>>
        tpu.wait_dma2 semaphore(%arg22 : memref<!tpu.dma_semaphore, #tpu.memory_space<semaphore_mem>>) src(%dma_wait3A_254 : memref<128x128xf32, #tpu.memory_space<hbm>>) dst(%arg15 : memref<128x128xf32, #tpu.memory_space<vmem>>)
        %dma_start3A_255 = arith.constant 0 : i32
        %dma_start3A_256 = arith.constant 0 : i32
        %dma_start3A_257 = tpu.memref_slice %arg18[%dma_start3A_255, %dma_start3A_256] : memref<10000x128xf32, #tpu.memory_space<vmem_shared>> -> memref<10000x128xf32, #tpu.memory_space<vmem_shared>>
        tpu.enqueue_indirect_dma source(%arg15 : memref<128x128xf32, #tpu.memory_space<vmem>>) target(%dma_start3A_257 : memref<10000x128xf32, #tpu.memory_space<vmem_shared>>) offsets(%arg12 : memref<128xi32, #tpu.memory_space<vmem>>) semaphore(%arg25 : memref<!tpu.dma_semaphore, #tpu.memory_space<semaphore_mem>>) {add = true}
        %add3A_258 = arith.constant 1 : i32
        %add3A_259 = arith.addi %while3A_191, %add3A_258 : i32
        %lt3A_260 = arith.cmpi slt, %add3A_259, %select_n3A_6 : i32
        %convert_element_type3A_261 = arith.extui %lt3A_260 : i1 to i32
        %cond3A_262 = arith.constant 0 : i32
        %cond3A_263 = arith.cmpi ne, %convert_element_type3A_261, %cond3A_262 : i32
        scf.if %cond3A_263 {
          %ge3A = arith.constant 2 : i32
          %ge3A_264 = arith.cmpi sge, %while3A_191, %ge3A : i32
          %convert_element_type3A_265 = arith.extui %ge3A_264 : i1 to i32
          %cond3A_266 = arith.constant 0 : i32
          %cond3A_267 = arith.cmpi ne, %convert_element_type3A_265, %cond3A_266 : i32
          scf.if %cond3A_267 {
            %dma_wait3A_417 = arith.constant 0 : i32
            %dma_wait3A_418 = arith.constant 0 : i32
            %dma_wait3A_419 = tpu.memref_slice %arg2[%dma_wait3A_417, %dma_wait3A_418] : memref<10000x128xf32, #tpu.memory_space<hbm>> -> memref<128x128xf32, #tpu.memory_space<hbm>>
            %dma_wait3A_420 = arith.constant 0 : i32
            %dma_wait3A_421 = arith.constant 0 : i32
            %dma_wait3A_422 = tpu.memref_slice %arg2[%dma_wait3A_420, %dma_wait3A_421] : memref<10000x128xf32, #tpu.memory_space<hbm>> -> memref<128x128xf32, #tpu.memory_space<hbm>>
            tpu.wait_dma2 semaphore(%arg26 : memref<!tpu.dma_semaphore, #tpu.memory_space<semaphore_mem>>) src(%dma_wait3A_422 : memref<128x128xf32, #tpu.memory_space<hbm>>) dst(%arg16 : memref<128x128xf32, #tpu.memory_space<vmem>>)
          } else {
          }
          %dma_wait3A_268 = arith.constant 0 : i32
          %dma_wait3A_269 = tpu.memref_slice %arg3[%dma_wait3A_268] : memref<320000xi32, #tpu.memory_space<hbm>> -> memref<128xi32, #tpu.memory_space<hbm>>
          %dma_wait3A_270 = arith.constant 0 : i32
          %dma_wait3A_271 = tpu.memref_slice %arg3[%dma_wait3A_270] : memref<320000xi32, #tpu.memory_space<hbm>> -> memref<128xi32, #tpu.memory_space<hbm>>
          tpu.wait_dma2 semaphore(%arg20 : memref<!tpu.dma_semaphore, #tpu.memory_space<semaphore_mem>>) src(%dma_wait3A_271 : memref<128xi32, #tpu.memory_space<hbm>>) dst(%arg7 : memref<128xi32, #tpu.memory_space<vmem>>)
          %get3A_272 = arith.constant 0 : index
          %get3A_273 = tpu.vector_load %arg7[%get3A_272] {strides = array<i32>} : memref<128xi32, #tpu.memory_space<vmem>>, vector<16xi32>,
          %get3A_274 = vector.shape_cast %get3A_273 : vector<16xi32> to vector<16xi32>
          %and3A_275 = arith.constant 65535 : i32
          %and3A_276 = vector.broadcast %and3A_275 : i32 to vector<16xi32>
          %and3A_277 = arith.andi %get3A_274, %and3A_276 : vector<16xi32>
          %swap3A_278 = arith.constant 0 : index
          %swap3A_279 = tpu.vector_load %arg10[%swap3A_278] {strides = array<i32>} : memref<128xi32, #tpu.memory_space<vmem>>, vector<16xi32>,
          %swap3A_280 = vector.shape_cast %swap3A_279 : vector<16xi32> to vector<16xi32>
          %swap3A_281 = vector.shape_cast %and3A_277 : vector<16xi32> to vector<16xi32>
          tpu.vector_store %arg10[%swap3A_278], %swap3A_281 {strides = array<i32>} : memref<128xi32, #tpu.memory_space<vmem>>, vector<16xi32>,
          %shift_right_logical3A_282 = arith.constant 16 : i32
          %shift_right_logical3A_283 = vector.broadcast %shift_right_logical3A_282 : i32 to vector<16xi32>
          %shift_right_logical3A_284 = arith.shrui %get3A_274, %shift_right_logical3A_283 : vector<16xi32>
          %swap3A_285 = arith.constant 0 : index
          %swap3A_286 = tpu.vector_load %arg13[%swap3A_285] {strides = array<i32>} : memref<128xi32, #tpu.memory_space<vmem>>, vector<16xi32>,
          %swap3A_287 = vector.shape_cast %swap3A_286 : vector<16xi32> to vector<16xi32>
          %swap3A_288 = vector.shape_cast %shift_right_logical3A_284 : vector<16xi32> to vector<16xi32>
          tpu.vector_store %arg13[%swap3A_285], %swap3A_288 {strides = array<i32>} : memref<128xi32, #tpu.memory_space<vmem>>, vector<16xi32>,
          %get3A_289 = arith.constant 16 : index
          %get3A_290 = tpu.vector_load %arg7[%get3A_289] {strides = array<i32>} : memref<128xi32, #tpu.memory_space<vmem>>, vector<16xi32>,
          %get3A_291 = vector.shape_cast %get3A_290 : vector<16xi32> to vector<16xi32>
          %and3A_292 = arith.constant 65535 : i32
          %and3A_293 = vector.broadcast %and3A_292 : i32 to vector<16xi32>
          %and3A_294 = arith.andi %get3A_291, %and3A_293 : vector<16xi32>
          %swap3A_295 = arith.constant 16 : index
          %swap3A_296 = tpu.vector_load %arg10[%swap3A_295] {strides = array<i32>} : memref<128xi32, #tpu.memory_space<vmem>>, vector<16xi32>,
          %swap3A_297 = vector.shape_cast %swap3A_296 : vector<16xi32> to vector<16xi32>
          %swap3A_298 = vector.shape_cast %and3A_294 : vector<16xi32> to vector<16xi32>
          tpu.vector_store %arg10[%swap3A_295], %swap3A_298 {strides = array<i32>} : memref<128xi32, #tpu.memory_space<vmem>>, vector<16xi32>,
          %shift_right_logical3A_299 = arith.constant 16 : i32
          %shift_right_logical3A_300 = vector.broadcast %shift_right_logical3A_299 : i32 to vector<16xi32>
          %shift_right_logical3A_301 = arith.shrui %get3A_291, %shift_right_logical3A_300 : vector<16xi32>
          %swap3A_302 = arith.constant 16 : index
          %swap3A_303 = tpu.vector_load %arg13[%swap3A_302] {strides = array<i32>} : memref<128xi32, #tpu.memory_space<vmem>>, vector<16xi32>,
          %swap3A_304 = vector.shape_cast %swap3A_303 : vector<16xi32> to vector<16xi32>
          %swap3A_305 = vector.shape_cast %shift_right_logical3A_301 : vector<16xi32> to vector<16xi32>
          tpu.vector_store %arg13[%swap3A_302], %swap3A_305 {strides = array<i32>} : memref<128xi32, #tpu.memory_space<vmem>>, vector<16xi32>,
          %get3A_306 = arith.constant 32 : index
          %get3A_307 = tpu.vector_load %arg7[%get3A_306] {strides = array<i32>} : memref<128xi32, #tpu.memory_space<vmem>>, vector<16xi32>,
          %get3A_308 = vector.shape_cast %get3A_307 : vector<16xi32> to vector<16xi32>
          %and3A_309 = arith.constant 65535 : i32
          %and3A_310 = vector.broadcast %and3A_309 : i32 to vector<16xi32>
          %and3A_311 = arith.andi %get3A_308, %and3A_310 : vector<16xi32>
          %swap3A_312 = arith.constant 32 : index
          %swap3A_313 = tpu.vector_load %arg10[%swap3A_312] {strides = array<i32>} : memref<128xi32, #tpu.memory_space<vmem>>, vector<16xi32>,
          %swap3A_314 = vector.shape_cast %swap3A_313 : vector<16xi32> to vector<16xi32>
          %swap3A_315 = vector.shape_cast %and3A_311 : vector<16xi32> to vector<16xi32>
          tpu.vector_store %arg10[%swap3A_312], %swap3A_315 {strides = array<i32>} : memref<128xi32, #tpu.memory_space<vmem>>, vector<16xi32>,
          %shift_right_logical3A_316 = arith.constant 16 : i32
          %shift_right_logical3A_317 = vector.broadcast %shift_right_logical3A_316 : i32 to vector<16xi32>
          %shift_right_logical3A_318 = arith.shrui %get3A_308, %shift_right_logical3A_317 : vector<16xi32>
          %swap3A_319 = arith.constant 32 : index
          %swap3A_320 = tpu.vector_load %arg13[%swap3A_319] {strides = array<i32>} : memref<128xi32, #tpu.memory_space<vmem>>, vector<16xi32>,
          %swap3A_321 = vector.shape_cast %swap3A_320 : vector<16xi32> to vector<16xi32>
          %swap3A_322 = vector.shape_cast %shift_right_logical3A_318 : vector<16xi32> to vector<16xi32>
          tpu.vector_store %arg13[%swap3A_319], %swap3A_322 {strides = array<i32>} : memref<128xi32, #tpu.memory_space<vmem>>, vector<16xi32>,
          %get3A_323 = arith.constant 48 : index
          %get3A_324 = tpu.vector_load %arg7[%get3A_323] {strides = array<i32>} : memref<128xi32, #tpu.memory_space<vmem>>, vector<16xi32>,
          %get3A_325 = vector.shape_cast %get3A_324 : vector<16xi32> to vector<16xi32>
          %and3A_326 = arith.constant 65535 : i32
          %and3A_327 = vector.broadcast %and3A_326 : i32 to vector<16xi32>
          %and3A_328 = arith.andi %get3A_325, %and3A_327 : vector<16xi32>
          %swap3A_329 = arith.constant 48 : index
          %swap3A_330 = tpu.vector_load %arg10[%swap3A_329] {strides = array<i32>} : memref<128xi32, #tpu.memory_space<vmem>>, vector<16xi32>,
          %swap3A_331 = vector.shape_cast %swap3A_330 : vector<16xi32> to vector<16xi32>
          %swap3A_332 = vector.shape_cast %and3A_328 : vector<16xi32> to vector<16xi32>
          tpu.vector_store %arg10[%swap3A_329], %swap3A_332 {strides = array<i32>} : memref<128xi32, #tpu.memory_space<vmem>>, vector<16xi32>,
          %shift_right_logical3A_333 = arith.constant 16 : i32
          %shift_right_logical3A_334 = vector.broadcast %shift_right_logical3A_333 : i32 to vector<16xi32>
          %shift_right_logical3A_335 = arith.shrui %get3A_325, %shift_right_logical3A_334 : vector<16xi32>
          %swap3A_336 = arith.constant 48 : index
          %swap3A_337 = tpu.vector_load %arg13[%swap3A_336] {strides = array<i32>} : memref<128xi32, #tpu.memory_space<vmem>>, vector<16xi32>,
          %swap3A_338 = vector.shape_cast %swap3A_337 : vector<16xi32> to vector<16xi32>
          %swap3A_339 = vector.shape_cast %shift_right_logical3A_335 : vector<16xi32> to vector<16xi32>
          tpu.vector_store %arg13[%swap3A_336], %swap3A_339 {strides = array<i32>} : memref<128xi32, #tpu.memory_space<vmem>>, vector<16xi32>,
          %get3A_340 = arith.constant 64 : index
          %get3A_341 = tpu.vector_load %arg7[%get3A_340] {strides = array<i32>} : memref<128xi32, #tpu.memory_space<vmem>>, vector<16xi32>,
          %get3A_342 = vector.shape_cast %get3A_341 : vector<16xi32> to vector<16xi32>
          %and3A_343 = arith.constant 65535 : i32
          %and3A_344 = vector.broadcast %and3A_343 : i32 to vector<16xi32>
          %and3A_345 = arith.andi %get3A_342, %and3A_344 : vector<16xi32>
          %swap3A_346 = arith.constant 64 : index
          %swap3A_347 = tpu.vector_load %arg10[%swap3A_346] {strides = array<i32>} : memref<128xi32, #tpu.memory_space<vmem>>, vector<16xi32>,
          %swap3A_348 = vector.shape_cast %swap3A_347 : vector<16xi32> to vector<16xi32>
          %swap3A_349 = vector.shape_cast %and3A_345 : vector<16xi32> to vector<16xi32>
          tpu.vector_store %arg10[%swap3A_346], %swap3A_349 {strides = array<i32>} : memref<128xi32, #tpu.memory_space<vmem>>, vector<16xi32>,
          %shift_right_logical3A_350 = arith.constant 16 : i32
          %shift_right_logical3A_351 = vector.broadcast %shift_right_logical3A_350 : i32 to vector<16xi32>
          %shift_right_logical3A_352 = arith.shrui %get3A_342, %shift_right_logical3A_351 : vector<16xi32>
          %swap3A_353 = arith.constant 64 : index
          %swap3A_354 = tpu.vector_load %arg13[%swap3A_353] {strides = array<i32>} : memref<128xi32, #tpu.memory_space<vmem>>, vector<16xi32>,
          %swap3A_355 = vector.shape_cast %swap3A_354 : vector<16xi32> to vector<16xi32>
          %swap3A_356 = vector.shape_cast %shift_right_logical3A_352 : vector<16xi32> to vector<16xi32>
          tpu.vector_store %arg13[%swap3A_353], %swap3A_356 {strides = array<i32>} : memref<128xi32, #tpu.memory_space<vmem>>, vector<16xi32>,
          %get3A_357 = arith.constant 80 : index
          %get3A_358 = tpu.vector_load %arg7[%get3A_357] {strides = array<i32>} : memref<128xi32, #tpu.memory_space<vmem>>, vector<16xi32>,
          %get3A_359 = vector.shape_cast %get3A_358 : vector<16xi32> to vector<16xi32>
          %and3A_360 = arith.constant 65535 : i32
          %and3A_361 = vector.broadcast %and3A_360 : i32 to vector<16xi32>
          %and3A_362 = arith.andi %get3A_359, %and3A_361 : vector<16xi32>
          %swap3A_363 = arith.constant 80 : index
          %swap3A_364 = tpu.vector_load %arg10[%swap3A_363] {strides = array<i32>} : memref<128xi32, #tpu.memory_space<vmem>>, vector<16xi32>,
          %swap3A_365 = vector.shape_cast %swap3A_364 : vector<16xi32> to vector<16xi32>
          %swap3A_366 = vector.shape_cast %and3A_362 : vector<16xi32> to vector<16xi32>
          tpu.vector_store %arg10[%swap3A_363], %swap3A_366 {strides = array<i32>} : memref<128xi32, #tpu.memory_space<vmem>>, vector<16xi32>,
          %shift_right_logical3A_367 = arith.constant 16 : i32
          %shift_right_logical3A_368 = vector.broadcast %shift_right_logical3A_367 : i32 to vector<16xi32>
          %shift_right_logical3A_369 = arith.shrui %get3A_359, %shift_right_logical3A_368 : vector<16xi32>
          %swap3A_370 = arith.constant 80 : index
          %swap3A_371 = tpu.vector_load %arg13[%swap3A_370] {strides = array<i32>} : memref<128xi32, #tpu.memory_space<vmem>>, vector<16xi32>,
          %swap3A_372 = vector.shape_cast %swap3A_371 : vector<16xi32> to vector<16xi32>
          %swap3A_373 = vector.shape_cast %shift_right_logical3A_369 : vector<16xi32> to vector<16xi32>
          tpu.vector_store %arg13[%swap3A_370], %swap3A_373 {strides = array<i32>} : memref<128xi32, #tpu.memory_space<vmem>>, vector<16xi32>,
          %get3A_374 = arith.constant 96 : index
          %get3A_375 = tpu.vector_load %arg7[%get3A_374] {strides = array<i32>} : memref<128xi32, #tpu.memory_space<vmem>>, vector<16xi32>,
          %get3A_376 = vector.shape_cast %get3A_375 : vector<16xi32> to vector<16xi32>
          %and3A_377 = arith.constant 65535 : i32
          %and3A_378 = vector.broadcast %and3A_377 : i32 to vector<16xi32>
          %and3A_379 = arith.andi %get3A_376, %and3A_378 : vector<16xi32>
          %swap3A_380 = arith.constant 96 : index
          %swap3A_381 = tpu.vector_load %arg10[%swap3A_380] {strides = array<i32>} : memref<128xi32, #tpu.memory_space<vmem>>, vector<16xi32>,
          %swap3A_382 = vector.shape_cast %swap3A_381 : vector<16xi32> to vector<16xi32>
          %swap3A_383 = vector.shape_cast %and3A_379 : vector<16xi32> to vector<16xi32>
          tpu.vector_store %arg10[%swap3A_380], %swap3A_383 {strides = array<i32>} : memref<128xi32, #tpu.memory_space<vmem>>, vector<16xi32>,
          %shift_right_logical3A_384 = arith.constant 16 : i32
          %shift_right_logical3A_385 = vector.broadcast %shift_right_logical3A_384 : i32 to vector<16xi32>
          %shift_right_logical3A_386 = arith.shrui %get3A_376, %shift_right_logical3A_385 : vector<16xi32>
          %swap3A_387 = arith.constant 96 : index
          %swap3A_388 = tpu.vector_load %arg13[%swap3A_387] {strides = array<i32>} : memref<128xi32, #tpu.memory_space<vmem>>, vector<16xi32>,
          %swap3A_389 = vector.shape_cast %swap3A_388 : vector<16xi32> to vector<16xi32>
          %swap3A_390 = vector.shape_cast %shift_right_logical3A_386 : vector<16xi32> to vector<16xi32>
          tpu.vector_store %arg13[%swap3A_387], %swap3A_390 {strides = array<i32>} : memref<128xi32, #tpu.memory_space<vmem>>, vector<16xi32>,
          %get3A_391 = arith.constant 112 : index
          %get3A_392 = tpu.vector_load %arg7[%get3A_391] {strides = array<i32>} : memref<128xi32, #tpu.memory_space<vmem>>, vector<16xi32>,
          %get3A_393 = vector.shape_cast %get3A_392 : vector<16xi32> to vector<16xi32>
          %and3A_394 = arith.constant 65535 : i32
          %and3A_395 = vector.broadcast %and3A_394 : i32 to vector<16xi32>
          %and3A_396 = arith.andi %get3A_393, %and3A_395 : vector<16xi32>
          %swap3A_397 = arith.constant 112 : index
          %swap3A_398 = tpu.vector_load %arg10[%swap3A_397] {strides = array<i32>} : memref<128xi32, #tpu.memory_space<vmem>>, vector<16xi32>,
          %swap3A_399 = vector.shape_cast %swap3A_398 : vector<16xi32> to vector<16xi32>
          %swap3A_400 = vector.shape_cast %and3A_396 : vector<16xi32> to vector<16xi32>
          tpu.vector_store %arg10[%swap3A_397], %swap3A_400 {strides = array<i32>} : memref<128xi32, #tpu.memory_space<vmem>>, vector<16xi32>,
          %shift_right_logical3A_401 = arith.constant 16 : i32
          %shift_right_logical3A_402 = vector.broadcast %shift_right_logical3A_401 : i32 to vector<16xi32>
          %shift_right_logical3A_403 = arith.shrui %get3A_393, %shift_right_logical3A_402 : vector<16xi32>
          %swap3A_404 = arith.constant 112 : index
          %swap3A_405 = tpu.vector_load %arg13[%swap3A_404] {strides = array<i32>} : memref<128xi32, #tpu.memory_space<vmem>>, vector<16xi32>,
          %swap3A_406 = vector.shape_cast %swap3A_405 : vector<16xi32> to vector<16xi32>
          %swap3A_407 = vector.shape_cast %shift_right_logical3A_403 : vector<16xi32> to vector<16xi32>
          tpu.vector_store %arg13[%swap3A_404], %swap3A_407 {strides = array<i32>} : memref<128xi32, #tpu.memory_space<vmem>>, vector<16xi32>,
          %dma_start3A_408 = arith.constant 0 : i32
          %dma_start3A_409 = arith.constant 0 : i32
          %dma_start3A_410 = tpu.memref_slice %arg2[%dma_start3A_408, %dma_start3A_409] : memref<10000x128xf32, #tpu.memory_space<hbm>> -> memref<10000x128xf32, #tpu.memory_space<hbm>>
          tpu.enqueue_indirect_dma source(%dma_start3A_410 : memref<10000x128xf32, #tpu.memory_space<hbm>>) target(%arg16 : memref<128x128xf32, #tpu.memory_space<vmem>>) offsets(%arg10 : memref<128xi32, #tpu.memory_space<vmem>>) semaphore(%arg23 : memref<!tpu.dma_semaphore, #tpu.memory_space<semaphore_mem>>)
          %add3A_411 = arith.constant 2 : i32
          %add3A_412 = arith.addi %while3A_191, %add3A_411 : i32
          %lt3A_413 = arith.cmpi slt, %add3A_412, %select_n3A_6 : i32
          %convert_element_type3A_414 = arith.extui %lt3A_413 : i1 to i32
          %cond3A_415 = arith.constant 0 : i32
          %cond3A_416 = arith.cmpi ne, %convert_element_type3A_414, %cond3A_415 : i32
          scf.if %cond3A_416 {
            %add3A_417 = arith.constant 2 : i32
            %add3A_418 = arith.addi %while3A_191, %add3A_417 : i32
            %mul3A_419 = arith.constant 32 : i32
            %mul3A_420 = arith.muli %add3A_418, %mul3A_419 : i32
            %add3A_421 = arith.addi %mul3A_420, %add3A : i32
            %mul3A_422 = arith.constant 128 : i32
            %mul3A_423 = arith.muli %add3A_421, %mul3A_422 : i32
            %dma_start3A_424 = tpu.memref_slice %arg3[%mul3A_423] : memref<320000xi32, #tpu.memory_space<hbm>> -> memref<128xi32, #tpu.memory_space<hbm>>
            %dma_start3A_425 = tpu.memref_slice %arg3[%mul3A_423] : memref<320000xi32, #tpu.memory_space<hbm>> -> memref<128xi32, #tpu.memory_space<hbm>>
            tpu.enqueue_dma source(%dma_start3A_425 : memref<128xi32, #tpu.memory_space<hbm>>) target(%arg8 : memref<128xi32, #tpu.memory_space<vmem>>) target_semaphore(%arg21 : memref<!tpu.dma_semaphore, #tpu.memory_space<semaphore_mem>>)
          } else {
          }
        } else {
        }
      } else {
      }
      %jit3A_207 = arith.constant 3 : i32
      %eq3A_208 = arith.constant 0 : i32
      %eq3A_209 = arith.cmpi eq, %jit3A_207, %eq3A_208 : i32
      %jit3A_210 = arith.constant 1 : i32
      %select_n3A_211 = arith.select %eq3A_209, %jit3A_210, %jit3A_207 : i32
      %rem3A_212 = arith.remsi %while3A_191, %select_n3A_211 : i32
      %ne3A_213 = arith.constant 0 : i32
      %ne3A_214 = arith.cmpi ne, %rem3A_212, %ne3A_213 : i32
      %lt3A_215 = arith.constant 0 : i32
      %lt3A_216 = arith.cmpi slt, %rem3A_212, %lt3A_215 : i32
      %lt3A_217 = arith.constant 0 : i32
      %lt3A_218 = arith.cmpi slt, %select_n3A_211, %lt3A_217 : i32
      %ne3A_219 = arith.xori %lt3A_216, %lt3A_218 : i1
      %and3A_220 = arith.andi %ne3A_219, %ne3A_214 : i1
      %add3A_221 = arith.addi %rem3A_212, %select_n3A_211 : i32
      %select_n3A_222 = arith.select %and3A_220, %add3A_221, %rem3A_212 : i32
      %eq3A_223 = arith.constant 1 : i32
      %eq3A_224 = arith.cmpi eq, %select_n3A_222, %eq3A_223 : i32
      %convert_element_type3A_225 = arith.extui %eq3A_224 : i1 to i32
      %cond3A_226 = arith.constant 0 : i32
      %cond3A_227 = arith.cmpi ne, %convert_element_type3A_225, %cond3A_226 : i32
      scf.if %cond3A_227 {
        %dma_wait3A_249 = arith.constant 0 : i32
        %dma_wait3A_250 = arith.constant 0 : i32
        %dma_wait3A_251 = tpu.memref_slice %arg2[%dma_wait3A_249, %dma_wait3A_250] : memref<10000x128xf32, #tpu.memory_space<hbm>> -> memref<128x128xf32, #tpu.memory_space<hbm>>
        %dma_wait3A_252 = arith.constant 0 : i32
        %dma_wait3A_253 = arith.constant 0 : i32
        %dma_wait3A_254 = tpu.memref_slice %arg2[%dma_wait3A_252, %dma_wait3A_253] : memref<10000x128xf32, #tpu.memory_space<hbm>> -> memref<128x128xf32, #tpu.memory_space<hbm>>
        tpu.wait_dma2 semaphore(%arg23 : memref<!tpu.dma_semaphore, #tpu.memory_space<semaphore_mem>>) src(%dma_wait3A_254 : memref<128x128xf32, #tpu.memory_space<hbm>>) dst(%arg16 : memref<128x128xf32, #tpu.memory_space<vmem>>)
        %dma_start3A_255 = arith.constant 0 : i32
        %dma_start3A_256 = arith.constant 0 : i32
        %dma_start3A_257 = tpu.memref_slice %arg18[%dma_start3A_255, %dma_start3A_256] : memref<10000x128xf32, #tpu.memory_space<vmem_shared>> -> memref<10000x128xf32, #tpu.memory_space<vmem_shared>>
        tpu.enqueue_indirect_dma source(%arg16 : memref<128x128xf32, #tpu.memory_space<vmem>>) target(%dma_start3A_257 : memref<10000x128xf32, #tpu.memory_space<vmem_shared>>) offsets(%arg13 : memref<128xi32, #tpu.memory_space<vmem>>) semaphore(%arg26 : memref<!tpu.dma_semaphore, #tpu.memory_space<semaphore_mem>>) {add = true}
        %add3A_258 = arith.constant 1 : i32
        %add3A_259 = arith.addi %while3A_191, %add3A_258 : i32
        %lt3A_260 = arith.cmpi slt, %add3A_259, %select_n3A_6 : i32
        %convert_element_type3A_261 = arith.extui %lt3A_260 : i1 to i32
        %cond3A_262 = arith.constant 0 : i32
        %cond3A_263 = arith.cmpi ne, %convert_element_type3A_261, %cond3A_262 : i32
        scf.if %cond3A_263 {
          %ge3A = arith.constant 2 : i32
          %ge3A_264 = arith.cmpi sge, %while3A_191, %ge3A : i32
          %convert_element_type3A_265 = arith.extui %ge3A_264 : i1 to i32
          %cond3A_266 = arith.constant 0 : i32
          %cond3A_267 = arith.cmpi ne, %convert_element_type3A_265, %cond3A_266 : i32
          scf.if %cond3A_267 {
            %dma_wait3A_417 = arith.constant 0 : i32
            %dma_wait3A_418 = arith.constant 0 : i32
            %dma_wait3A_419 = tpu.memref_slice %arg2[%dma_wait3A_417, %dma_wait3A_418] : memref<10000x128xf32, #tpu.memory_space<hbm>> -> memref<128x128xf32, #tpu.memory_space<hbm>>
            %dma_wait3A_420 = arith.constant 0 : i32
            %dma_wait3A_421 = arith.constant 0 : i32
            %dma_wait3A_422 = tpu.memref_slice %arg2[%dma_wait3A_420, %dma_wait3A_421] : memref<10000x128xf32, #tpu.memory_space<hbm>> -> memref<128x128xf32, #tpu.memory_space<hbm>>
            tpu.wait_dma2 semaphore(%arg27 : memref<!tpu.dma_semaphore, #tpu.memory_space<semaphore_mem>>) src(%dma_wait3A_422 : memref<128x128xf32, #tpu.memory_space<hbm>>) dst(%arg17 : memref<128x128xf32, #tpu.memory_space<vmem>>)
          } else {
          }
          %dma_wait3A_268 = arith.constant 0 : i32
          %dma_wait3A_269 = tpu.memref_slice %arg3[%dma_wait3A_268] : memref<320000xi32, #tpu.memory_space<hbm>> -> memref<128xi32, #tpu.memory_space<hbm>>
          %dma_wait3A_270 = arith.constant 0 : i32
          %dma_wait3A_271 = tpu.memref_slice %arg3[%dma_wait3A_270] : memref<320000xi32, #tpu.memory_space<hbm>> -> memref<128xi32, #tpu.memory_space<hbm>>
          tpu.wait_dma2 semaphore(%arg21 : memref<!tpu.dma_semaphore, #tpu.memory_space<semaphore_mem>>) src(%dma_wait3A_271 : memref<128xi32, #tpu.memory_space<hbm>>) dst(%arg8 : memref<128xi32, #tpu.memory_space<vmem>>)
          %get3A_272 = arith.constant 0 : index
          %get3A_273 = tpu.vector_load %arg8[%get3A_272] {strides = array<i32>} : memref<128xi32, #tpu.memory_space<vmem>>, vector<16xi32>,
          %get3A_274 = vector.shape_cast %get3A_273 : vector<16xi32> to vector<16xi32>
          %and3A_275 = arith.constant 65535 : i32
          %and3A_276 = vector.broadcast %and3A_275 : i32 to vector<16xi32>
          %and3A_277 = arith.andi %get3A_274, %and3A_276 : vector<16xi32>
          %swap3A_278 = arith.constant 0 : index
          %swap3A_279 = tpu.vector_load %arg11[%swap3A_278] {strides = array<i32>} : memref<128xi32, #tpu.memory_space<vmem>>, vector<16xi32>,
          %swap3A_280 = vector.shape_cast %swap3A_279 : vector<16xi32> to vector<16xi32>
          %swap3A_281 = vector.shape_cast %and3A_277 : vector<16xi32> to vector<16xi32>
          tpu.vector_store %arg11[%swap3A_278], %swap3A_281 {strides = array<i32>} : memref<128xi32, #tpu.memory_space<vmem>>, vector<16xi32>,
          %shift_right_logical3A_282 = arith.constant 16 : i32
          %shift_right_logical3A_283 = vector.broadcast %shift_right_logical3A_282 : i32 to vector<16xi32>
          %shift_right_logical3A_284 = arith.shrui %get3A_274, %shift_right_logical3A_283 : vector<16xi32>
          %swap3A_285 = arith.constant 0 : index
          %swap3A_286 = tpu.vector_load %arg14[%swap3A_285] {strides = array<i32>} : memref<128xi32, #tpu.memory_space<vmem>>, vector<16xi32>,
          %swap3A_287 = vector.shape_cast %swap3A_286 : vector<16xi32> to vector<16xi32>
          %swap3A_288 = vector.shape_cast %shift_right_logical3A_284 : vector<16xi32> to vector<16xi32>
          tpu.vector_store %arg14[%swap3A_285], %swap3A_288 {strides = array<i32>} : memref<128xi32, #tpu.memory_space<vmem>>, vector<16xi32>,
          %get3A_289 = arith.constant 16 : index
          %get3A_290 = tpu.vector_load %arg8[%get3A_289] {strides = array<i32>} : memref<128xi32, #tpu.memory_space<vmem>>, vector<16xi32>,
          %get3A_291 = vector.shape_cast %get3A_290 : vector<16xi32> to vector<16xi32>
          %and3A_292 = arith.constant 65535 : i32
          %and3A_293 = vector.broadcast %and3A_292 : i32 to vector<16xi32>
          %and3A_294 = arith.andi %get3A_291, %and3A_293 : vector<16xi32>
          %swap3A_295 = arith.constant 16 : index
          %swap3A_296 = tpu.vector_load %arg11[%swap3A_295] {strides = array<i32>} : memref<128xi32, #tpu.memory_space<vmem>>, vector<16xi32>,
          %swap3A_297 = vector.shape_cast %swap3A_296 : vector<16xi32> to vector<16xi32>
          %swap3A_298 = vector.shape_cast %and3A_294 : vector<16xi32> to vector<16xi32>
          tpu.vector_store %arg11[%swap3A_295], %swap3A_298 {strides = array<i32>} : memref<128xi32, #tpu.memory_space<vmem>>, vector<16xi32>,
          %shift_right_logical3A_299 = arith.constant 16 : i32
          %shift_right_logical3A_300 = vector.broadcast %shift_right_logical3A_299 : i32 to vector<16xi32>
          %shift_right_logical3A_301 = arith.shrui %get3A_291, %shift_right_logical3A_300 : vector<16xi32>
          %swap3A_302 = arith.constant 16 : index
          %swap3A_303 = tpu.vector_load %arg14[%swap3A_302] {strides = array<i32>} : memref<128xi32, #tpu.memory_space<vmem>>, vector<16xi32>,
          %swap3A_304 = vector.shape_cast %swap3A_303 : vector<16xi32> to vector<16xi32>
          %swap3A_305 = vector.shape_cast %shift_right_logical3A_301 : vector<16xi32> to vector<16xi32>
          tpu.vector_store %arg14[%swap3A_302], %swap3A_305 {strides = array<i32>} : memref<128xi32, #tpu.memory_space<vmem>>, vector<16xi32>,
          %get3A_306 = arith.constant 32 : index
          %get3A_307 = tpu.vector_load %arg8[%get3A_306] {strides = array<i32>} : memref<128xi32, #tpu.memory_space<vmem>>, vector<16xi32>,
          %get3A_308 = vector.shape_cast %get3A_307 : vector<16xi32> to vector<16xi32>
          %and3A_309 = arith.constant 65535 : i32
          %and3A_310 = vector.broadcast %and3A_309 : i32 to vector<16xi32>
          %and3A_311 = arith.andi %get3A_308, %and3A_310 : vector<16xi32>
          %swap3A_312 = arith.constant 32 : index
          %swap3A_313 = tpu.vector_load %arg11[%swap3A_312] {strides = array<i32>} : memref<128xi32, #tpu.memory_space<vmem>>, vector<16xi32>,
          %swap3A_314 = vector.shape_cast %swap3A_313 : vector<16xi32> to vector<16xi32>
          %swap3A_315 = vector.shape_cast %and3A_311 : vector<16xi32> to vector<16xi32>
          tpu.vector_store %arg11[%swap3A_312], %swap3A_315 {strides = array<i32>} : memref<128xi32, #tpu.memory_space<vmem>>, vector<16xi32>,
          %shift_right_logical3A_316 = arith.constant 16 : i32
          %shift_right_logical3A_317 = vector.broadcast %shift_right_logical3A_316 : i32 to vector<16xi32>
          %shift_right_logical3A_318 = arith.shrui %get3A_308, %shift_right_logical3A_317 : vector<16xi32>
          %swap3A_319 = arith.constant 32 : index
          %swap3A_320 = tpu.vector_load %arg14[%swap3A_319] {strides = array<i32>} : memref<128xi32, #tpu.memory_space<vmem>>, vector<16xi32>,
          %swap3A_321 = vector.shape_cast %swap3A_320 : vector<16xi32> to vector<16xi32>
          %swap3A_322 = vector.shape_cast %shift_right_logical3A_318 : vector<16xi32> to vector<16xi32>
          tpu.vector_store %arg14[%swap3A_319], %swap3A_322 {strides = array<i32>} : memref<128xi32, #tpu.memory_space<vmem>>, vector<16xi32>,
          %get3A_323 = arith.constant 48 : index
          %get3A_324 = tpu.vector_load %arg8[%get3A_323] {strides = array<i32>} : memref<128xi32, #tpu.memory_space<vmem>>, vector<16xi32>,
          %get3A_325 = vector.shape_cast %get3A_324 : vector<16xi32> to vector<16xi32>
          %and3A_326 = arith.constant 65535 : i32
          %and3A_327 = vector.broadcast %and3A_326 : i32 to vector<16xi32>
          %and3A_328 = arith.andi %get3A_325, %and3A_327 : vector<16xi32>
          %swap3A_329 = arith.constant 48 : index
          %swap3A_330 = tpu.vector_load %arg11[%swap3A_329] {strides = array<i32>} : memref<128xi32, #tpu.memory_space<vmem>>, vector<16xi32>,
          %swap3A_331 = vector.shape_cast %swap3A_330 : vector<16xi32> to vector<16xi32>
          %swap3A_332 = vector.shape_cast %and3A_328 : vector<16xi32> to vector<16xi32>
          tpu.vector_store %arg11[%swap3A_329], %swap3A_332 {strides = array<i32>} : memref<128xi32, #tpu.memory_space<vmem>>, vector<16xi32>,
          %shift_right_logical3A_333 = arith.constant 16 : i32
          %shift_right_logical3A_334 = vector.broadcast %shift_right_logical3A_333 : i32 to vector<16xi32>
          %shift_right_logical3A_335 = arith.shrui %get3A_325, %shift_right_logical3A_334 : vector<16xi32>
          %swap3A_336 = arith.constant 48 : index
          %swap3A_337 = tpu.vector_load %arg14[%swap3A_336] {strides = array<i32>} : memref<128xi32, #tpu.memory_space<vmem>>, vector<16xi32>,
          %swap3A_338 = vector.shape_cast %swap3A_337 : vector<16xi32> to vector<16xi32>
          %swap3A_339 = vector.shape_cast %shift_right_logical3A_335 : vector<16xi32> to vector<16xi32>
          tpu.vector_store %arg14[%swap3A_336], %swap3A_339 {strides = array<i32>} : memref<128xi32, #tpu.memory_space<vmem>>, vector<16xi32>,
          %get3A_340 = arith.constant 64 : index
          %get3A_341 = tpu.vector_load %arg8[%get3A_340] {strides = array<i32>} : memref<128xi32, #tpu.memory_space<vmem>>, vector<16xi32>,
          %get3A_342 = vector.shape_cast %get3A_341 : vector<16xi32> to vector<16xi32>
          %and3A_343 = arith.constant 65535 : i32
          %and3A_344 = vector.broadcast %and3A_343 : i32 to vector<16xi32>
          %and3A_345 = arith.andi %get3A_342, %and3A_344 : vector<16xi32>
          %swap3A_346 = arith.constant 64 : index
          %swap3A_347 = tpu.vector_load %arg11[%swap3A_346] {strides = array<i32>} : memref<128xi32, #tpu.memory_space<vmem>>, vector<16xi32>,
          %swap3A_348 = vector.shape_cast %swap3A_347 : vector<16xi32> to vector<16xi32>
          %swap3A_349 = vector.shape_cast %and3A_345 : vector<16xi32> to vector<16xi32>
          tpu.vector_store %arg11[%swap3A_346], %swap3A_349 {strides = array<i32>} : memref<128xi32, #tpu.memory_space<vmem>>, vector<16xi32>,
          %shift_right_logical3A_350 = arith.constant 16 : i32
          %shift_right_logical3A_351 = vector.broadcast %shift_right_logical3A_350 : i32 to vector<16xi32>
          %shift_right_logical3A_352 = arith.shrui %get3A_342, %shift_right_logical3A_351 : vector<16xi32>
          %swap3A_353 = arith.constant 64 : index
          %swap3A_354 = tpu.vector_load %arg14[%swap3A_353] {strides = array<i32>} : memref<128xi32, #tpu.memory_space<vmem>>, vector<16xi32>,
          %swap3A_355 = vector.shape_cast %swap3A_354 : vector<16xi32> to vector<16xi32>
          %swap3A_356 = vector.shape_cast %shift_right_logical3A_352 : vector<16xi32> to vector<16xi32>
          tpu.vector_store %arg14[%swap3A_353], %swap3A_356 {strides = array<i32>} : memref<128xi32, #tpu.memory_space<vmem>>, vector<16xi32>,
          %get3A_357 = arith.constant 80 : index
          %get3A_358 = tpu.vector_load %arg8[%get3A_357] {strides = array<i32>} : memref<128xi32, #tpu.memory_space<vmem>>, vector<16xi32>,
          %get3A_359 = vector.shape_cast %get3A_358 : vector<16xi32> to vector<16xi32>
          %and3A_360 = arith.constant 65535 : i32
          %and3A_361 = vector.broadcast %and3A_360 : i32 to vector<16xi32>
          %and3A_362 = arith.andi %get3A_359, %and3A_361 : vector<16xi32>
          %swap3A_363 = arith.constant 80 : index
          %swap3A_364 = tpu.vector_load %arg11[%swap3A_363] {strides = array<i32>} : memref<128xi32, #tpu.memory_space<vmem>>, vector<16xi32>,
          %swap3A_365 = vector.shape_cast %swap3A_364 : vector<16xi32> to vector<16xi32>
          %swap3A_366 = vector.shape_cast %and3A_362 : vector<16xi32> to vector<16xi32>
          tpu.vector_store %arg11[%swap3A_363], %swap3A_366 {strides = array<i32>} : memref<128xi32, #tpu.memory_space<vmem>>, vector<16xi32>,
          %shift_right_logical3A_367 = arith.constant 16 : i32
          %shift_right_logical3A_368 = vector.broadcast %shift_right_logical3A_367 : i32 to vector<16xi32>
          %shift_right_logical3A_369 = arith.shrui %get3A_359, %shift_right_logical3A_368 : vector<16xi32>
          %swap3A_370 = arith.constant 80 : index
          %swap3A_371 = tpu.vector_load %arg14[%swap3A_370] {strides = array<i32>} : memref<128xi32, #tpu.memory_space<vmem>>, vector<16xi32>,
          %swap3A_372 = vector.shape_cast %swap3A_371 : vector<16xi32> to vector<16xi32>
          %swap3A_373 = vector.shape_cast %shift_right_logical3A_369 : vector<16xi32> to vector<16xi32>
          tpu.vector_store %arg14[%swap3A_370], %swap3A_373 {strides = array<i32>} : memref<128xi32, #tpu.memory_space<vmem>>, vector<16xi32>,
          %get3A_374 = arith.constant 96 : index
          %get3A_375 = tpu.vector_load %arg8[%get3A_374] {strides = array<i32>} : memref<128xi32, #tpu.memory_space<vmem>>, vector<16xi32>,
          %get3A_376 = vector.shape_cast %get3A_375 : vector<16xi32> to vector<16xi32>
          %and3A_377 = arith.constant 65535 : i32
          %and3A_378 = vector.broadcast %and3A_377 : i32 to vector<16xi32>
          %and3A_379 = arith.andi %get3A_376, %and3A_378 : vector<16xi32>
          %swap3A_380 = arith.constant 96 : index
          %swap3A_381 = tpu.vector_load %arg11[%swap3A_380] {strides = array<i32>} : memref<128xi32, #tpu.memory_space<vmem>>, vector<16xi32>,
          %swap3A_382 = vector.shape_cast %swap3A_381 : vector<16xi32> to vector<16xi32>
          %swap3A_383 = vector.shape_cast %and3A_379 : vector<16xi32> to vector<16xi32>
          tpu.vector_store %arg11[%swap3A_380], %swap3A_383 {strides = array<i32>} : memref<128xi32, #tpu.memory_space<vmem>>, vector<16xi32>,
          %shift_right_logical3A_384 = arith.constant 16 : i32
          %shift_right_logical3A_385 = vector.broadcast %shift_right_logical3A_384 : i32 to vector<16xi32>
          %shift_right_logical3A_386 = arith.shrui %get3A_376, %shift_right_logical3A_385 : vector<16xi32>
          %swap3A_387 = arith.constant 96 : index
          %swap3A_388 = tpu.vector_load %arg14[%swap3A_387] {strides = array<i32>} : memref<128xi32, #tpu.memory_space<vmem>>, vector<16xi32>,
          %swap3A_389 = vector.shape_cast %swap3A_388 : vector<16xi32> to vector<16xi32>
          %swap3A_390 = vector.shape_cast %shift_right_logical3A_386 : vector<16xi32> to vector<16xi32>
          tpu.vector_store %arg14[%swap3A_387], %swap3A_390 {strides = array<i32>} : memref<128xi32, #tpu.memory_space<vmem>>, vector<16xi32>,
          %get3A_391 = arith.constant 112 : index
          %get3A_392 = tpu.vector_load %arg8[%get3A_391] {strides = array<i32>} : memref<128xi32, #tpu.memory_space<vmem>>, vector<16xi32>,
          %get3A_393 = vector.shape_cast %get3A_392 : vector<16xi32> to vector<16xi32>
          %and3A_394 = arith.constant 65535 : i32
          %and3A_395 = vector.broadcast %and3A_394 : i32 to vector<16xi32>
          %and3A_396 = arith.andi %get3A_393, %and3A_395 : vector<16xi32>
          %swap3A_397 = arith.constant 112 : index
          %swap3A_398 = tpu.vector_load %arg11[%swap3A_397] {strides = array<i32>} : memref<128xi32, #tpu.memory_space<vmem>>, vector<16xi32>,
          %swap3A_399 = vector.shape_cast %swap3A_398 : vector<16xi32> to vector<16xi32>
          %swap3A_400 = vector.shape_cast %and3A_396 : vector<16xi32> to vector<16xi32>
          tpu.vector_store %arg11[%swap3A_397], %swap3A_400 {strides = array<i32>} : memref<128xi32, #tpu.memory_space<vmem>>, vector<16xi32>,
          %shift_right_logical3A_401 = arith.constant 16 : i32
          %shift_right_logical3A_402 = vector.broadcast %shift_right_logical3A_401 : i32 to vector<16xi32>
          %shift_right_logical3A_403 = arith.shrui %get3A_393, %shift_right_logical3A_402 : vector<16xi32>
          %swap3A_404 = arith.constant 112 : index
          %swap3A_405 = tpu.vector_load %arg14[%swap3A_404] {strides = array<i32>} : memref<128xi32, #tpu.memory_space<vmem>>, vector<16xi32>,
          %swap3A_406 = vector.shape_cast %swap3A_405 : vector<16xi32> to vector<16xi32>
          %swap3A_407 = vector.shape_cast %shift_right_logical3A_403 : vector<16xi32> to vector<16xi32>
          tpu.vector_store %arg14[%swap3A_404], %swap3A_407 {strides = array<i32>} : memref<128xi32, #tpu.memory_space<vmem>>, vector<16xi32>,
          %dma_start3A_408 = arith.constant 0 : i32
          %dma_start3A_409 = arith.constant 0 : i32
          %dma_start3A_410 = tpu.memref_slice %arg2[%dma_start3A_408, %dma_start3A_409] : memref<10000x128xf32, #tpu.memory_space<hbm>> -> memref<10000x128xf32, #tpu.memory_space<hbm>>
          tpu.enqueue_indirect_dma source(%dma_start3A_410 : memref<10000x128xf32, #tpu.memory_space<hbm>>) target(%arg17 : memref<128x128xf32, #tpu.memory_space<vmem>>) offsets(%arg11 : memref<128xi32, #tpu.memory_space<vmem>>) semaphore(%arg24 : memref<!tpu.dma_semaphore, #tpu.memory_space<semaphore_mem>>)
          %add3A_411 = arith.constant 2 : i32
          %add3A_412 = arith.addi %while3A_191, %add3A_411 : i32
          %lt3A_413 = arith.cmpi slt, %add3A_412, %select_n3A_6 : i32
          %convert_element_type3A_414 = arith.extui %lt3A_413 : i1 to i32
          %cond3A_415 = arith.constant 0 : i32
          %cond3A_416 = arith.cmpi ne, %convert_element_type3A_414, %cond3A_415 : i32
          scf.if %cond3A_416 {
            %add3A_417 = arith.constant 2 : i32
            %add3A_418 = arith.addi %while3A_191, %add3A_417 : i32
            %mul3A_419 = arith.constant 32 : i32
            %mul3A_420 = arith.muli %add3A_418, %mul3A_419 : i32
            %add3A_421 = arith.addi %mul3A_420, %add3A : i32
            %mul3A_422 = arith.constant 128 : i32
            %mul3A_423 = arith.muli %add3A_421, %mul3A_422 : i32
            %dma_start3A_424 = tpu.memref_slice %arg3[%mul3A_423] : memref<320000xi32, #tpu.memory_space<hbm>> -> memref<128xi32, #tpu.memory_space<hbm>>
            %dma_start3A_425 = tpu.memref_slice %arg3[%mul3A_423] : memref<320000xi32, #tpu.memory_space<hbm>> -> memref<128xi32, #tpu.memory_space<hbm>>
            tpu.enqueue_dma source(%dma_start3A_425 : memref<128xi32, #tpu.memory_space<hbm>>) target(%arg6 : memref<128xi32, #tpu.memory_space<vmem>>) target_semaphore(%arg19 : memref<!tpu.dma_semaphore, #tpu.memory_space<semaphore_mem>>)
          } else {
          }
        } else {
        }
      } else {
      }
      %jit3A_228 = arith.constant 3 : i32
      %eq3A_229 = arith.constant 0 : i32
      %eq3A_230 = arith.cmpi eq, %jit3A_228, %eq3A_229 : i32
      %jit3A_231 = arith.constant 1 : i32
      %select_n3A_232 = arith.select %eq3A_230, %jit3A_231, %jit3A_228 : i32
      %rem3A_233 = arith.remsi %while3A_191, %select_n3A_232 : i32
      %ne3A_234 = arith.constant 0 : i32
      %ne3A_235 = arith.cmpi ne, %rem3A_233, %ne3A_234 : i32
      %lt3A_236 = arith.constant 0 : i32
      %lt3A_237 = arith.cmpi slt, %rem3A_233, %lt3A_236 : i32
      %lt3A_238 = arith.constant 0 : i32
      %lt3A_239 = arith.cmpi slt, %select_n3A_232, %lt3A_238 : i32
      %ne3A_240 = arith.xori %lt3A_237, %lt3A_239 : i1
      %and3A_241 = arith.andi %ne3A_240, %ne3A_235 : i1
      %add3A_242 = arith.addi %rem3A_233, %select_n3A_232 : i32
      %select_n3A_243 = arith.select %and3A_241, %add3A_242, %rem3A_233 : i32
      %eq3A_244 = arith.constant 2 : i32
      %eq3A_245 = arith.cmpi eq, %select_n3A_243, %eq3A_244 : i32
      %convert_element_type3A_246 = arith.extui %eq3A_245 : i1 to i32
      %cond3A_247 = arith.constant 0 : i32
      %cond3A_248 = arith.cmpi ne, %convert_element_type3A_246, %cond3A_247 : i32
      scf.if %cond3A_248 {
        %dma_wait3A_249 = arith.constant 0 : i32
        %dma_wait3A_250 = arith.constant 0 : i32
        %dma_wait3A_251 = tpu.memref_slice %arg2[%dma_wait3A_249, %dma_wait3A_250] : memref<10000x128xf32, #tpu.memory_space<hbm>> -> memref<128x128xf32, #tpu.memory_space<hbm>>
        %dma_wait3A_252 = arith.constant 0 : i32
        %dma_wait3A_253 = arith.constant 0 : i32
        %dma_wait3A_254 = tpu.memref_slice %arg2[%dma_wait3A_252, %dma_wait3A_253] : memref<10000x128xf32, #tpu.memory_space<hbm>> -> memref<128x128xf32, #tpu.memory_space<hbm>>
        tpu.wait_dma2 semaphore(%arg24 : memref<!tpu.dma_semaphore, #tpu.memory_space<semaphore_mem>>) src(%dma_wait3A_254 : memref<128x128xf32, #tpu.memory_space<hbm>>) dst(%arg17 : memref<128x128xf32, #tpu.memory_space<vmem>>)
        %dma_start3A_255 = arith.constant 0 : i32
        %dma_start3A_256 = arith.constant 0 : i32
        %dma_start3A_257 = tpu.memref_slice %arg18[%dma_start3A_255, %dma_start3A_256] : memref<10000x128xf32, #tpu.memory_space<vmem_shared>> -> memref<10000x128xf32, #tpu.memory_space<vmem_shared>>
        tpu.enqueue_indirect_dma source(%arg17 : memref<128x128xf32, #tpu.memory_space<vmem>>) target(%dma_start3A_257 : memref<10000x128xf32, #tpu.memory_space<vmem_shared>>) offsets(%arg14 : memref<128xi32, #tpu.memory_space<vmem>>) semaphore(%arg27 : memref<!tpu.dma_semaphore, #tpu.memory_space<semaphore_mem>>) {add = true}
        %add3A_258 = arith.constant 1 : i32
        %add3A_259 = arith.addi %while3A_191, %add3A_258 : i32
        %lt3A_260 = arith.cmpi slt, %add3A_259, %select_n3A_6 : i32
        %convert_element_type3A_261 = arith.extui %lt3A_260 : i1 to i32
        %cond3A_262 = arith.constant 0 : i32
        %cond3A_263 = arith.cmpi ne, %convert_element_type3A_261, %cond3A_262 : i32
        scf.if %cond3A_263 {
          %ge3A = arith.constant 2 : i32
          %ge3A_264 = arith.cmpi sge, %while3A_191, %ge3A : i32
          %convert_element_type3A_265 = arith.extui %ge3A_264 : i1 to i32
          %cond3A_266 = arith.constant 0 : i32
          %cond3A_267 = arith.cmpi ne, %convert_element_type3A_265, %cond3A_266 : i32
          scf.if %cond3A_267 {
            %dma_wait3A_417 = arith.constant 0 : i32
            %dma_wait3A_418 = arith.constant 0 : i32
            %dma_wait3A_419 = tpu.memref_slice %arg2[%dma_wait3A_417, %dma_wait3A_418] : memref<10000x128xf32, #tpu.memory_space<hbm>> -> memref<128x128xf32, #tpu.memory_space<hbm>>
            %dma_wait3A_420 = arith.constant 0 : i32
            %dma_wait3A_421 = arith.constant 0 : i32
            %dma_wait3A_422 = tpu.memref_slice %arg2[%dma_wait3A_420, %dma_wait3A_421] : memref<10000x128xf32, #tpu.memory_space<hbm>> -> memref<128x128xf32, #tpu.memory_space<hbm>>
            tpu.wait_dma2 semaphore(%arg25 : memref<!tpu.dma_semaphore, #tpu.memory_space<semaphore_mem>>) src(%dma_wait3A_422 : memref<128x128xf32, #tpu.memory_space<hbm>>) dst(%arg15 : memref<128x128xf32, #tpu.memory_space<vmem>>)
          } else {
          }
          %dma_wait3A_268 = arith.constant 0 : i32
          %dma_wait3A_269 = tpu.memref_slice %arg3[%dma_wait3A_268] : memref<320000xi32, #tpu.memory_space<hbm>> -> memref<128xi32, #tpu.memory_space<hbm>>
          %dma_wait3A_270 = arith.constant 0 : i32
          %dma_wait3A_271 = tpu.memref_slice %arg3[%dma_wait3A_270] : memref<320000xi32, #tpu.memory_space<hbm>> -> memref<128xi32, #tpu.memory_space<hbm>>
          tpu.wait_dma2 semaphore(%arg19 : memref<!tpu.dma_semaphore, #tpu.memory_space<semaphore_mem>>) src(%dma_wait3A_271 : memref<128xi32, #tpu.memory_space<hbm>>) dst(%arg6 : memref<128xi32, #tpu.memory_space<vmem>>)
          %get3A_272 = arith.constant 0 : index
          %get3A_273 = tpu.vector_load %arg6[%get3A_272] {strides = array<i32>} : memref<128xi32, #tpu.memory_space<vmem>>, vector<16xi32>,
          %get3A_274 = vector.shape_cast %get3A_273 : vector<16xi32> to vector<16xi32>
          %and3A_275 = arith.constant 65535 : i32
          %and3A_276 = vector.broadcast %and3A_275 : i32 to vector<16xi32>
          %and3A_277 = arith.andi %get3A_274, %and3A_276 : vector<16xi32>
          %swap3A_278 = arith.constant 0 : index
          %swap3A_279 = tpu.vector_load %arg9[%swap3A_278] {strides = array<i32>} : memref<128xi32, #tpu.memory_space<vmem>>, vector<16xi32>,
          %swap3A_280 = vector.shape_cast %swap3A_279 : vector<16xi32> to vector<16xi32>
          %swap3A_281 = vector.shape_cast %and3A_277 : vector<16xi32> to vector<16xi32>
          tpu.vector_store %arg9[%swap3A_278], %swap3A_281 {strides = array<i32>} : memref<128xi32, #tpu.memory_space<vmem>>, vector<16xi32>,
          %shift_right_logical3A_282 = arith.constant 16 : i32
          %shift_right_logical3A_283 = vector.broadcast %shift_right_logical3A_282 : i32 to vector<16xi32>
          %shift_right_logical3A_284 = arith.shrui %get3A_274, %shift_right_logical3A_283 : vector<16xi32>
          %swap3A_285 = arith.constant 0 : index
          %swap3A_286 = tpu.vector_load %arg12[%swap3A_285] {strides = array<i32>} : memref<128xi32, #tpu.memory_space<vmem>>, vector<16xi32>,
          %swap3A_287 = vector.shape_cast %swap3A_286 : vector<16xi32> to vector<16xi32>
          %swap3A_288 = vector.shape_cast %shift_right_logical3A_284 : vector<16xi32> to vector<16xi32>
          tpu.vector_store %arg12[%swap3A_285], %swap3A_288 {strides = array<i32>} : memref<128xi32, #tpu.memory_space<vmem>>, vector<16xi32>,
          %get3A_289 = arith.constant 16 : index
          %get3A_290 = tpu.vector_load %arg6[%get3A_289] {strides = array<i32>} : memref<128xi32, #tpu.memory_space<vmem>>, vector<16xi32>,
          %get3A_291 = vector.shape_cast %get3A_290 : vector<16xi32> to vector<16xi32>
          %and3A_292 = arith.constant 65535 : i32
          %and3A_293 = vector.broadcast %and3A_292 : i32 to vector<16xi32>
          %and3A_294 = arith.andi %get3A_291, %and3A_293 : vector<16xi32>
          %swap3A_295 = arith.constant 16 : index
          %swap3A_296 = tpu.vector_load %arg9[%swap3A_295] {strides = array<i32>} : memref<128xi32, #tpu.memory_space<vmem>>, vector<16xi32>,
          %swap3A_297 = vector.shape_cast %swap3A_296 : vector<16xi32> to vector<16xi32>
          %swap3A_298 = vector.shape_cast %and3A_294 : vector<16xi32> to vector<16xi32>
          tpu.vector_store %arg9[%swap3A_295], %swap3A_298 {strides = array<i32>} : memref<128xi32, #tpu.memory_space<vmem>>, vector<16xi32>,
          %shift_right_logical3A_299 = arith.constant 16 : i32
          %shift_right_logical3A_300 = vector.broadcast %shift_right_logical3A_299 : i32 to vector<16xi32>
          %shift_right_logical3A_301 = arith.shrui %get3A_291, %shift_right_logical3A_300 : vector<16xi32>
          %swap3A_302 = arith.constant 16 : index
          %swap3A_303 = tpu.vector_load %arg12[%swap3A_302] {strides = array<i32>} : memref<128xi32, #tpu.memory_space<vmem>>, vector<16xi32>,
          %swap3A_304 = vector.shape_cast %swap3A_303 : vector<16xi32> to vector<16xi32>
          %swap3A_305 = vector.shape_cast %shift_right_logical3A_301 : vector<16xi32> to vector<16xi32>
          tpu.vector_store %arg12[%swap3A_302], %swap3A_305 {strides = array<i32>} : memref<128xi32, #tpu.memory_space<vmem>>, vector<16xi32>,
          %get3A_306 = arith.constant 32 : index
          %get3A_307 = tpu.vector_load %arg6[%get3A_306] {strides = array<i32>} : memref<128xi32, #tpu.memory_space<vmem>>, vector<16xi32>,
          %get3A_308 = vector.shape_cast %get3A_307 : vector<16xi32> to vector<16xi32>
          %and3A_309 = arith.constant 65535 : i32
          %and3A_310 = vector.broadcast %and3A_309 : i32 to vector<16xi32>
          %and3A_311 = arith.andi %get3A_308, %and3A_310 : vector<16xi32>
          %swap3A_312 = arith.constant 32 : index
          %swap3A_313 = tpu.vector_load %arg9[%swap3A_312] {strides = array<i32>} : memref<128xi32, #tpu.memory_space<vmem>>, vector<16xi32>,
          %swap3A_314 = vector.shape_cast %swap3A_313 : vector<16xi32> to vector<16xi32>
          %swap3A_315 = vector.shape_cast %and3A_311 : vector<16xi32> to vector<16xi32>
          tpu.vector_store %arg9[%swap3A_312], %swap3A_315 {strides = array<i32>} : memref<128xi32, #tpu.memory_space<vmem>>, vector<16xi32>,
          %shift_right_logical3A_316 = arith.constant 16 : i32
          %shift_right_logical3A_317 = vector.broadcast %shift_right_logical3A_316 : i32 to vector<16xi32>
          %shift_right_logical3A_318 = arith.shrui %get3A_308, %shift_right_logical3A_317 : vector<16xi32>
          %swap3A_319 = arith.constant 32 : index
          %swap3A_320 = tpu.vector_load %arg12[%swap3A_319] {strides = array<i32>} : memref<128xi32, #tpu.memory_space<vmem>>, vector<16xi32>,
          %swap3A_321 = vector.shape_cast %swap3A_320 : vector<16xi32> to vector<16xi32>
          %swap3A_322 = vector.shape_cast %shift_right_logical3A_318 : vector<16xi32> to vector<16xi32>
          tpu.vector_store %arg12[%swap3A_319], %swap3A_322 {strides = array<i32>} : memref<128xi32, #tpu.memory_space<vmem>>, vector<16xi32>,
          %get3A_323 = arith.constant 48 : index
          %get3A_324 = tpu.vector_load %arg6[%get3A_323] {strides = array<i32>} : memref<128xi32, #tpu.memory_space<vmem>>, vector<16xi32>,
          %get3A_325 = vector.shape_cast %get3A_324 : vector<16xi32> to vector<16xi32>
          %and3A_326 = arith.constant 65535 : i32
          %and3A_327 = vector.broadcast %and3A_326 : i32 to vector<16xi32>
          %and3A_328 = arith.andi %get3A_325, %and3A_327 : vector<16xi32>
          %swap3A_329 = arith.constant 48 : index
          %swap3A_330 = tpu.vector_load %arg9[%swap3A_329] {strides = array<i32>} : memref<128xi32, #tpu.memory_space<vmem>>, vector<16xi32>,
          %swap3A_331 = vector.shape_cast %swap3A_330 : vector<16xi32> to vector<16xi32>
          %swap3A_332 = vector.shape_cast %and3A_328 : vector<16xi32> to vector<16xi32>
          tpu.vector_store %arg9[%swap3A_329], %swap3A_332 {strides = array<i32>} : memref<128xi32, #tpu.memory_space<vmem>>, vector<16xi32>,
          %shift_right_logical3A_333 = arith.constant 16 : i32
          %shift_right_logical3A_334 = vector.broadcast %shift_right_logical3A_333 : i32 to vector<16xi32>
          %shift_right_logical3A_335 = arith.shrui %get3A_325, %shift_right_logical3A_334 : vector<16xi32>
          %swap3A_336 = arith.constant 48 : index
          %swap3A_337 = tpu.vector_load %arg12[%swap3A_336] {strides = array<i32>} : memref<128xi32, #tpu.memory_space<vmem>>, vector<16xi32>,
          %swap3A_338 = vector.shape_cast %swap3A_337 : vector<16xi32> to vector<16xi32>
          %swap3A_339 = vector.shape_cast %shift_right_logical3A_335 : vector<16xi32> to vector<16xi32>
          tpu.vector_store %arg12[%swap3A_336], %swap3A_339 {strides = array<i32>} : memref<128xi32, #tpu.memory_space<vmem>>, vector<16xi32>,
          %get3A_340 = arith.constant 64 : index
          %get3A_341 = tpu.vector_load %arg6[%get3A_340] {strides = array<i32>} : memref<128xi32, #tpu.memory_space<vmem>>, vector<16xi32>,
          %get3A_342 = vector.shape_cast %get3A_341 : vector<16xi32> to vector<16xi32>
          %and3A_343 = arith.constant 65535 : i32
          %and3A_344 = vector.broadcast %and3A_343 : i32 to vector<16xi32>
          %and3A_345 = arith.andi %get3A_342, %and3A_344 : vector<16xi32>
          %swap3A_346 = arith.constant 64 : index
          %swap3A_347 = tpu.vector_load %arg9[%swap3A_346] {strides = array<i32>} : memref<128xi32, #tpu.memory_space<vmem>>, vector<16xi32>,
          %swap3A_348 = vector.shape_cast %swap3A_347 : vector<16xi32> to vector<16xi32>
          %swap3A_349 = vector.shape_cast %and3A_345 : vector<16xi32> to vector<16xi32>
          tpu.vector_store %arg9[%swap3A_346], %swap3A_349 {strides = array<i32>} : memref<128xi32, #tpu.memory_space<vmem>>, vector<16xi32>,
          %shift_right_logical3A_350 = arith.constant 16 : i32
          %shift_right_logical3A_351 = vector.broadcast %shift_right_logical3A_350 : i32 to vector<16xi32>
          %shift_right_logical3A_352 = arith.shrui %get3A_342, %shift_right_logical3A_351 : vector<16xi32>
          %swap3A_353 = arith.constant 64 : index
          %swap3A_354 = tpu.vector_load %arg12[%swap3A_353] {strides = array<i32>} : memref<128xi32, #tpu.memory_space<vmem>>, vector<16xi32>,
          %swap3A_355 = vector.shape_cast %swap3A_354 : vector<16xi32> to vector<16xi32>
          %swap3A_356 = vector.shape_cast %shift_right_logical3A_352 : vector<16xi32> to vector<16xi32>
          tpu.vector_store %arg12[%swap3A_353], %swap3A_356 {strides = array<i32>} : memref<128xi32, #tpu.memory_space<vmem>>, vector<16xi32>,
          %get3A_357 = arith.constant 80 : index
          %get3A_358 = tpu.vector_load %arg6[%get3A_357] {strides = array<i32>} : memref<128xi32, #tpu.memory_space<vmem>>, vector<16xi32>,
          %get3A_359 = vector.shape_cast %get3A_358 : vector<16xi32> to vector<16xi32>
          %and3A_360 = arith.constant 65535 : i32
          %and3A_361 = vector.broadcast %and3A_360 : i32 to vector<16xi32>
          %and3A_362 = arith.andi %get3A_359, %and3A_361 : vector<16xi32>
          %swap3A_363 = arith.constant 80 : index
          %swap3A_364 = tpu.vector_load %arg9[%swap3A_363] {strides = array<i32>} : memref<128xi32, #tpu.memory_space<vmem>>, vector<16xi32>,
          %swap3A_365 = vector.shape_cast %swap3A_364 : vector<16xi32> to vector<16xi32>
          %swap3A_366 = vector.shape_cast %and3A_362 : vector<16xi32> to vector<16xi32>
          tpu.vector_store %arg9[%swap3A_363], %swap3A_366 {strides = array<i32>} : memref<128xi32, #tpu.memory_space<vmem>>, vector<16xi32>,
          %shift_right_logical3A_367 = arith.constant 16 : i32
          %shift_right_logical3A_368 = vector.broadcast %shift_right_logical3A_367 : i32 to vector<16xi32>
          %shift_right_logical3A_369 = arith.shrui %get3A_359, %shift_right_logical3A_368 : vector<16xi32>
          %swap3A_370 = arith.constant 80 : index
          %swap3A_371 = tpu.vector_load %arg12[%swap3A_370] {strides = array<i32>} : memref<128xi32, #tpu.memory_space<vmem>>, vector<16xi32>,
          %swap3A_372 = vector.shape_cast %swap3A_371 : vector<16xi32> to vector<16xi32>
          %swap3A_373 = vector.shape_cast %shift_right_logical3A_369 : vector<16xi32> to vector<16xi32>
          tpu.vector_store %arg12[%swap3A_370], %swap3A_373 {strides = array<i32>} : memref<128xi32, #tpu.memory_space<vmem>>, vector<16xi32>,
          %get3A_374 = arith.constant 96 : index
          %get3A_375 = tpu.vector_load %arg6[%get3A_374] {strides = array<i32>} : memref<128xi32, #tpu.memory_space<vmem>>, vector<16xi32>,
          %get3A_376 = vector.shape_cast %get3A_375 : vector<16xi32> to vector<16xi32>
          %and3A_377 = arith.constant 65535 : i32
          %and3A_378 = vector.broadcast %and3A_377 : i32 to vector<16xi32>
          %and3A_379 = arith.andi %get3A_376, %and3A_378 : vector<16xi32>
          %swap3A_380 = arith.constant 96 : index
          %swap3A_381 = tpu.vector_load %arg9[%swap3A_380] {strides = array<i32>} : memref<128xi32, #tpu.memory_space<vmem>>, vector<16xi32>,
          %swap3A_382 = vector.shape_cast %swap3A_381 : vector<16xi32> to vector<16xi32>
          %swap3A_383 = vector.shape_cast %and3A_379 : vector<16xi32> to vector<16xi32>
          tpu.vector_store %arg9[%swap3A_380], %swap3A_383 {strides = array<i32>} : memref<128xi32, #tpu.memory_space<vmem>>, vector<16xi32>,
          %shift_right_logical3A_384 = arith.constant 16 : i32
          %shift_right_logical3A_385 = vector.broadcast %shift_right_logical3A_384 : i32 to vector<16xi32>
          %shift_right_logical3A_386 = arith.shrui %get3A_376, %shift_right_logical3A_385 : vector<16xi32>
          %swap3A_387 = arith.constant 96 : index
          %swap3A_388 = tpu.vector_load %arg12[%swap3A_387] {strides = array<i32>} : memref<128xi32, #tpu.memory_space<vmem>>, vector<16xi32>,
          %swap3A_389 = vector.shape_cast %swap3A_388 : vector<16xi32> to vector<16xi32>
          %swap3A_390 = vector.shape_cast %shift_right_logical3A_386 : vector<16xi32> to vector<16xi32>
          tpu.vector_store %arg12[%swap3A_387], %swap3A_390 {strides = array<i32>} : memref<128xi32, #tpu.memory_space<vmem>>, vector<16xi32>,
          %get3A_391 = arith.constant 112 : index
          %get3A_392 = tpu.vector_load %arg6[%get3A_391] {strides = array<i32>} : memref<128xi32, #tpu.memory_space<vmem>>, vector<16xi32>,
          %get3A_393 = vector.shape_cast %get3A_392 : vector<16xi32> to vector<16xi32>
          %and3A_394 = arith.constant 65535 : i32
          %and3A_395 = vector.broadcast %and3A_394 : i32 to vector<16xi32>
          %and3A_396 = arith.andi %get3A_393, %and3A_395 : vector<16xi32>
          %swap3A_397 = arith.constant 112 : index
          %swap3A_398 = tpu.vector_load %arg9[%swap3A_397] {strides = array<i32>} : memref<128xi32, #tpu.memory_space<vmem>>, vector<16xi32>,
          %swap3A_399 = vector.shape_cast %swap3A_398 : vector<16xi32> to vector<16xi32>
          %swap3A_400 = vector.shape_cast %and3A_396 : vector<16xi32> to vector<16xi32>
          tpu.vector_store %arg9[%swap3A_397], %swap3A_400 {strides = array<i32>} : memref<128xi32, #tpu.memory_space<vmem>>, vector<16xi32>,
          %shift_right_logical3A_401 = arith.constant 16 : i32
          %shift_right_logical3A_402 = vector.broadcast %shift_right_logical3A_401 : i32 to vector<16xi32>
          %shift_right_logical3A_403 = arith.shrui %get3A_393, %shift_right_logical3A_402 : vector<16xi32>
          %swap3A_404 = arith.constant 112 : index
          %swap3A_405 = tpu.vector_load %arg12[%swap3A_404] {strides = array<i32>} : memref<128xi32, #tpu.memory_space<vmem>>, vector<16xi32>,
          %swap3A_406 = vector.shape_cast %swap3A_405 : vector<16xi32> to vector<16xi32>
          %swap3A_407 = vector.shape_cast %shift_right_logical3A_403 : vector<16xi32> to vector<16xi32>
          tpu.vector_store %arg12[%swap3A_404], %swap3A_407 {strides = array<i32>} : memref<128xi32, #tpu.memory_space<vmem>>, vector<16xi32>,
          %dma_start3A_408 = arith.constant 0 : i32
          %dma_start3A_409 = arith.constant 0 : i32
          %dma_start3A_410 = tpu.memref_slice %arg2[%dma_start3A_408, %dma_start3A_409] : memref<10000x128xf32, #tpu.memory_space<hbm>> -> memref<10000x128xf32, #tpu.memory_space<hbm>>
          tpu.enqueue_indirect_dma source(%dma_start3A_410 : memref<10000x128xf32, #tpu.memory_space<hbm>>) target(%arg15 : memref<128x128xf32, #tpu.memory_space<vmem>>) offsets(%arg9 : memref<128xi32, #tpu.memory_space<vmem>>) semaphore(%arg22 : memref<!tpu.dma_semaphore, #tpu.memory_space<semaphore_mem>>)
          %add3A_411 = arith.constant 2 : i32
          %add3A_412 = arith.addi %while3A_191, %add3A_411 : i32
          %lt3A_413 = arith.cmpi slt, %add3A_412, %select_n3A_6 : i32
          %convert_element_type3A_414 = arith.extui %lt3A_413 : i1 to i32
          %cond3A_415 = arith.constant 0 : i32
          %cond3A_416 = arith.cmpi ne, %convert_element_type3A_414, %cond3A_415 : i32
          scf.if %cond3A_416 {
            %add3A_417 = arith.constant 2 : i32
            %add3A_418 = arith.addi %while3A_191, %add3A_417 : i32
            %mul3A_419 = arith.constant 32 : i32
            %mul3A_420 = arith.muli %add3A_418, %mul3A_419 : i32
            %add3A_421 = arith.addi %mul3A_420, %add3A : i32
            %mul3A_422 = arith.constant 128 : i32
            %mul3A_423 = arith.muli %add3A_421, %mul3A_422 : i32
            %dma_start3A_424 = tpu.memref_slice %arg3[%mul3A_423] : memref<320000xi32, #tpu.memory_space<hbm>> -> memref<128xi32, #tpu.memory_space<hbm>>
            %dma_start3A_425 = tpu.memref_slice %arg3[%mul3A_423] : memref<320000xi32, #tpu.memory_space<hbm>> -> memref<128xi32, #tpu.memory_space<hbm>>
            tpu.enqueue_dma source(%dma_start3A_425 : memref<128xi32, #tpu.memory_space<hbm>>) target(%arg7 : memref<128xi32, #tpu.memory_space<vmem>>) target_semaphore(%arg20 : memref<!tpu.dma_semaphore, #tpu.memory_space<semaphore_mem>>)
          } else {
          }
        } else {
        }
      } else {
      }
    }
    %while3A_167 = arith.constant 1 : i32
    scf.for %while3A_191 = %while3A_165 to %while3A_161 step %while3A_167  : i32 {
      %jit3A = arith.constant 3 : i32
      %eq3A = arith.constant 0 : i32
      %eq3A_192 = arith.cmpi eq, %jit3A, %eq3A : i32
      %jit3A_193 = arith.constant 1 : i32
      %select_n3A_194 = arith.select %eq3A_192, %jit3A_193, %jit3A : i32
      %rem3A = arith.remsi %while3A_191, %select_n3A_194 : i32
      %ne3A = arith.constant 0 : i32
      %ne3A_195 = arith.cmpi ne, %rem3A, %ne3A : i32
      %lt3A_196 = arith.constant 0 : i32
      %lt3A_197 = arith.cmpi slt, %rem3A, %lt3A_196 : i32
      %lt3A_198 = arith.constant 0 : i32
      %lt3A_199 = arith.cmpi slt, %select_n3A_194, %lt3A_198 : i32
      %ne3A_200 = arith.xori %lt3A_197, %lt3A_199 : i1
      %and3A_201 = arith.andi %ne3A_200, %ne3A_195 : i1
      %add3A_202 = arith.addi %rem3A, %select_n3A_194 : i32
      %select_n3A_203 = arith.select %and3A_201, %add3A_202, %rem3A : i32
      %eq3A_204 = arith.constant 0 : i32
      %eq3A_205 = arith.cmpi eq, %select_n3A_203, %eq3A_204 : i32
      %convert_element_type3A = arith.extui %eq3A_205 : i1 to i32
      %cond3A = arith.constant 0 : i32
      %cond3A_206 = arith.cmpi ne, %convert_element_type3A, %cond3A : i32
      scf.if %cond3A_206 {
        %dma_wait3A_249 = arith.constant 0 : i32
        %dma_wait3A_250 = arith.constant 0 : i32
        %dma_wait3A_251 = tpu.memref_slice %arg2[%dma_wait3A_249, %dma_wait3A_250] : memref<10000x128xf32, #tpu.memory_space<hbm>> -> memref<128x128xf32, #tpu.memory_space<hbm>>
        %dma_wait3A_252 = arith.constant 0 : i32
        %dma_wait3A_253 = arith.constant 0 : i32
        %dma_wait3A_254 = tpu.memref_slice %arg2[%dma_wait3A_252, %dma_wait3A_253] : memref<10000x128xf32, #tpu.memory_space<hbm>> -> memref<128x128xf32, #tpu.memory_space<hbm>>
        tpu.wait_dma2 semaphore(%arg22 : memref<!tpu.dma_semaphore, #tpu.memory_space<semaphore_mem>>) src(%dma_wait3A_254 : memref<128x128xf32, #tpu.memory_space<hbm>>) dst(%arg15 : memref<128x128xf32, #tpu.memory_space<vmem>>)
        %dma_start3A_255 = arith.constant 0 : i32
        %dma_start3A_256 = arith.constant 0 : i32
        %dma_start3A_257 = tpu.memref_slice %arg18[%dma_start3A_255, %dma_start3A_256] : memref<10000x128xf32, #tpu.memory_space<vmem_shared>> -> memref<10000x128xf32, #tpu.memory_space<vmem_shared>>
        tpu.enqueue_indirect_dma source(%arg15 : memref<128x128xf32, #tpu.memory_space<vmem>>) target(%dma_start3A_257 : memref<10000x128xf32, #tpu.memory_space<vmem_shared>>) offsets(%arg12 : memref<128xi32, #tpu.memory_space<vmem>>) semaphore(%arg25 : memref<!tpu.dma_semaphore, #tpu.memory_space<semaphore_mem>>) {add = true}
        %add3A_258 = arith.constant 1 : i32
        %add3A_259 = arith.addi %while3A_191, %add3A_258 : i32
        %lt3A_260 = arith.cmpi slt, %add3A_259, %select_n3A_6 : i32
        %convert_element_type3A_261 = arith.extui %lt3A_260 : i1 to i32
        %cond3A_262 = arith.constant 0 : i32
        %cond3A_263 = arith.cmpi ne, %convert_element_type3A_261, %cond3A_262 : i32
        scf.if %cond3A_263 {
          %ge3A = arith.constant 2 : i32
          %ge3A_264 = arith.cmpi sge, %while3A_191, %ge3A : i32
          %convert_element_type3A_265 = arith.extui %ge3A_264 : i1 to i32
          %cond3A_266 = arith.constant 0 : i32
          %cond3A_267 = arith.cmpi ne, %convert_element_type3A_265, %cond3A_266 : i32
          scf.if %cond3A_267 {
            %dma_wait3A_417 = arith.constant 0 : i32
            %dma_wait3A_418 = arith.constant 0 : i32
            %dma_wait3A_419 = tpu.memref_slice %arg2[%dma_wait3A_417, %dma_wait3A_418] : memref<10000x128xf32, #tpu.memory_space<hbm>> -> memref<128x128xf32, #tpu.memory_space<hbm>>
            %dma_wait3A_420 = arith.constant 0 : i32
            %dma_wait3A_421 = arith.constant 0 : i32
            %dma_wait3A_422 = tpu.memref_slice %arg2[%dma_wait3A_420, %dma_wait3A_421] : memref<10000x128xf32, #tpu.memory_space<hbm>> -> memref<128x128xf32, #tpu.memory_space<hbm>>
            tpu.wait_dma2 semaphore(%arg26 : memref<!tpu.dma_semaphore, #tpu.memory_space<semaphore_mem>>) src(%dma_wait3A_422 : memref<128x128xf32, #tpu.memory_space<hbm>>) dst(%arg16 : memref<128x128xf32, #tpu.memory_space<vmem>>)
          } else {
          }
          %dma_wait3A_268 = arith.constant 0 : i32
          %dma_wait3A_269 = tpu.memref_slice %arg3[%dma_wait3A_268] : memref<320000xi32, #tpu.memory_space<hbm>> -> memref<128xi32, #tpu.memory_space<hbm>>
          %dma_wait3A_270 = arith.constant 0 : i32
          %dma_wait3A_271 = tpu.memref_slice %arg3[%dma_wait3A_270] : memref<320000xi32, #tpu.memory_space<hbm>> -> memref<128xi32, #tpu.memory_space<hbm>>
          tpu.wait_dma2 semaphore(%arg20 : memref<!tpu.dma_semaphore, #tpu.memory_space<semaphore_mem>>) src(%dma_wait3A_271 : memref<128xi32, #tpu.memory_space<hbm>>) dst(%arg7 : memref<128xi32, #tpu.memory_space<vmem>>)
          %get3A_272 = arith.constant 0 : index
          %get3A_273 = tpu.vector_load %arg7[%get3A_272] {strides = array<i32>} : memref<128xi32, #tpu.memory_space<vmem>>, vector<16xi32>,
          %get3A_274 = vector.shape_cast %get3A_273 : vector<16xi32> to vector<16xi32>
          %and3A_275 = arith.constant 65535 : i32
          %and3A_276 = vector.broadcast %and3A_275 : i32 to vector<16xi32>
          %and3A_277 = arith.andi %get3A_274, %and3A_276 : vector<16xi32>
          %swap3A_278 = arith.constant 0 : index
          %swap3A_279 = tpu.vector_load %arg10[%swap3A_278] {strides = array<i32>} : memref<128xi32, #tpu.memory_space<vmem>>, vector<16xi32>,
          %swap3A_280 = vector.shape_cast %swap3A_279 : vector<16xi32> to vector<16xi32>
          %swap3A_281 = vector.shape_cast %and3A_277 : vector<16xi32> to vector<16xi32>
          tpu.vector_store %arg10[%swap3A_278], %swap3A_281 {strides = array<i32>} : memref<128xi32, #tpu.memory_space<vmem>>, vector<16xi32>,
          %shift_right_logical3A_282 = arith.constant 16 : i32
          %shift_right_logical3A_283 = vector.broadcast %shift_right_logical3A_282 : i32 to vector<16xi32>
          %shift_right_logical3A_284 = arith.shrui %get3A_274, %shift_right_logical3A_283 : vector<16xi32>
          %swap3A_285 = arith.constant 0 : index
          %swap3A_286 = tpu.vector_load %arg13[%swap3A_285] {strides = array<i32>} : memref<128xi32, #tpu.memory_space<vmem>>, vector<16xi32>,
          %swap3A_287 = vector.shape_cast %swap3A_286 : vector<16xi32> to vector<16xi32>
          %swap3A_288 = vector.shape_cast %shift_right_logical3A_284 : vector<16xi32> to vector<16xi32>
          tpu.vector_store %arg13[%swap3A_285], %swap3A_288 {strides = array<i32>} : memref<128xi32, #tpu.memory_space<vmem>>, vector<16xi32>,
          %get3A_289 = arith.constant 16 : index
          %get3A_290 = tpu.vector_load %arg7[%get3A_289] {strides = array<i32>} : memref<128xi32, #tpu.memory_space<vmem>>, vector<16xi32>,
          %get3A_291 = vector.shape_cast %get3A_290 : vector<16xi32> to vector<16xi32>
          %and3A_292 = arith.constant 65535 : i32
          %and3A_293 = vector.broadcast %and3A_292 : i32 to vector<16xi32>
          %and3A_294 = arith.andi %get3A_291, %and3A_293 : vector<16xi32>
          %swap3A_295 = arith.constant 16 : index
          %swap3A_296 = tpu.vector_load %arg10[%swap3A_295] {strides = array<i32>} : memref<128xi32, #tpu.memory_space<vmem>>, vector<16xi32>,
          %swap3A_297 = vector.shape_cast %swap3A_296 : vector<16xi32> to vector<16xi32>
          %swap3A_298 = vector.shape_cast %and3A_294 : vector<16xi32> to vector<16xi32>
          tpu.vector_store %arg10[%swap3A_295], %swap3A_298 {strides = array<i32>} : memref<128xi32, #tpu.memory_space<vmem>>, vector<16xi32>,
          %shift_right_logical3A_299 = arith.constant 16 : i32
          %shift_right_logical3A_300 = vector.broadcast %shift_right_logical3A_299 : i32 to vector<16xi32>
          %shift_right_logical3A_301 = arith.shrui %get3A_291, %shift_right_logical3A_300 : vector<16xi32>
          %swap3A_302 = arith.constant 16 : index
          %swap3A_303 = tpu.vector_load %arg13[%swap3A_302] {strides = array<i32>} : memref<128xi32, #tpu.memory_space<vmem>>, vector<16xi32>,
          %swap3A_304 = vector.shape_cast %swap3A_303 : vector<16xi32> to vector<16xi32>
          %swap3A_305 = vector.shape_cast %shift_right_logical3A_301 : vector<16xi32> to vector<16xi32>
          tpu.vector_store %arg13[%swap3A_302], %swap3A_305 {strides = array<i32>} : memref<128xi32, #tpu.memory_space<vmem>>, vector<16xi32>,
          %get3A_306 = arith.constant 32 : index
          %get3A_307 = tpu.vector_load %arg7[%get3A_306] {strides = array<i32>} : memref<128xi32, #tpu.memory_space<vmem>>, vector<16xi32>,
          %get3A_308 = vector.shape_cast %get3A_307 : vector<16xi32> to vector<16xi32>
          %and3A_309 = arith.constant 65535 : i32
          %and3A_310 = vector.broadcast %and3A_309 : i32 to vector<16xi32>
          %and3A_311 = arith.andi %get3A_308, %and3A_310 : vector<16xi32>
          %swap3A_312 = arith.constant 32 : index
          %swap3A_313 = tpu.vector_load %arg10[%swap3A_312] {strides = array<i32>} : memref<128xi32, #tpu.memory_space<vmem>>, vector<16xi32>,
          %swap3A_314 = vector.shape_cast %swap3A_313 : vector<16xi32> to vector<16xi32>
          %swap3A_315 = vector.shape_cast %and3A_311 : vector<16xi32> to vector<16xi32>
          tpu.vector_store %arg10[%swap3A_312], %swap3A_315 {strides = array<i32>} : memref<128xi32, #tpu.memory_space<vmem>>, vector<16xi32>,
          %shift_right_logical3A_316 = arith.constant 16 : i32
          %shift_right_logical3A_317 = vector.broadcast %shift_right_logical3A_316 : i32 to vector<16xi32>
          %shift_right_logical3A_318 = arith.shrui %get3A_308, %shift_right_logical3A_317 : vector<16xi32>
          %swap3A_319 = arith.constant 32 : index
          %swap3A_320 = tpu.vector_load %arg13[%swap3A_319] {strides = array<i32>} : memref<128xi32, #tpu.memory_space<vmem>>, vector<16xi32>,
          %swap3A_321 = vector.shape_cast %swap3A_320 : vector<16xi32> to vector<16xi32>
          %swap3A_322 = vector.shape_cast %shift_right_logical3A_318 : vector<16xi32> to vector<16xi32>
          tpu.vector_store %arg13[%swap3A_319], %swap3A_322 {strides = array<i32>} : memref<128xi32, #tpu.memory_space<vmem>>, vector<16xi32>,
          %get3A_323 = arith.constant 48 : index
          %get3A_324 = tpu.vector_load %arg7[%get3A_323] {strides = array<i32>} : memref<128xi32, #tpu.memory_space<vmem>>, vector<16xi32>,
          %get3A_325 = vector.shape_cast %get3A_324 : vector<16xi32> to vector<16xi32>
          %and3A_326 = arith.constant 65535 : i32
          %and3A_327 = vector.broadcast %and3A_326 : i32 to vector<16xi32>
          %and3A_328 = arith.andi %get3A_325, %and3A_327 : vector<16xi32>
          %swap3A_329 = arith.constant 48 : index
          %swap3A_330 = tpu.vector_load %arg10[%swap3A_329] {strides = array<i32>} : memref<128xi32, #tpu.memory_space<vmem>>, vector<16xi32>,
          %swap3A_331 = vector.shape_cast %swap3A_330 : vector<16xi32> to vector<16xi32>
          %swap3A_332 = vector.shape_cast %and3A_328 : vector<16xi32> to vector<16xi32>
          tpu.vector_store %arg10[%swap3A_329], %swap3A_332 {strides = array<i32>} : memref<128xi32, #tpu.memory_space<vmem>>, vector<16xi32>,
          %shift_right_logical3A_333 = arith.constant 16 : i32
          %shift_right_logical3A_334 = vector.broadcast %shift_right_logical3A_333 : i32 to vector<16xi32>
          %shift_right_logical3A_335 = arith.shrui %get3A_325, %shift_right_logical3A_334 : vector<16xi32>
          %swap3A_336 = arith.constant 48 : index
          %swap3A_337 = tpu.vector_load %arg13[%swap3A_336] {strides = array<i32>} : memref<128xi32, #tpu.memory_space<vmem>>, vector<16xi32>,
          %swap3A_338 = vector.shape_cast %swap3A_337 : vector<16xi32> to vector<16xi32>
          %swap3A_339 = vector.shape_cast %shift_right_logical3A_335 : vector<16xi32> to vector<16xi32>
          tpu.vector_store %arg13[%swap3A_336], %swap3A_339 {strides = array<i32>} : memref<128xi32, #tpu.memory_space<vmem>>, vector<16xi32>,
          %get3A_340 = arith.constant 64 : index
          %get3A_341 = tpu.vector_load %arg7[%get3A_340] {strides = array<i32>} : memref<128xi32, #tpu.memory_space<vmem>>, vector<16xi32>,
          %get3A_342 = vector.shape_cast %get3A_341 : vector<16xi32> to vector<16xi32>
          %and3A_343 = arith.constant 65535 : i32
          %and3A_344 = vector.broadcast %and3A_343 : i32 to vector<16xi32>
          %and3A_345 = arith.andi %get3A_342, %and3A_344 : vector<16xi32>
          %swap3A_346 = arith.constant 64 : index
          %swap3A_347 = tpu.vector_load %arg10[%swap3A_346] {strides = array<i32>} : memref<128xi32, #tpu.memory_space<vmem>>, vector<16xi32>,
          %swap3A_348 = vector.shape_cast %swap3A_347 : vector<16xi32> to vector<16xi32>
          %swap3A_349 = vector.shape_cast %and3A_345 : vector<16xi32> to vector<16xi32>
          tpu.vector_store %arg10[%swap3A_346], %swap3A_349 {strides = array<i32>} : memref<128xi32, #tpu.memory_space<vmem>>, vector<16xi32>,
          %shift_right_logical3A_350 = arith.constant 16 : i32
          %shift_right_logical3A_351 = vector.broadcast %shift_right_logical3A_350 : i32 to vector<16xi32>
          %shift_right_logical3A_352 = arith.shrui %get3A_342, %shift_right_logical3A_351 : vector<16xi32>
          %swap3A_353 = arith.constant 64 : index
          %swap3A_354 = tpu.vector_load %arg13[%swap3A_353] {strides = array<i32>} : memref<128xi32, #tpu.memory_space<vmem>>, vector<16xi32>,
          %swap3A_355 = vector.shape_cast %swap3A_354 : vector<16xi32> to vector<16xi32>
          %swap3A_356 = vector.shape_cast %shift_right_logical3A_352 : vector<16xi32> to vector<16xi32>
          tpu.vector_store %arg13[%swap3A_353], %swap3A_356 {strides = array<i32>} : memref<128xi32, #tpu.memory_space<vmem>>, vector<16xi32>,
          %get3A_357 = arith.constant 80 : index
          %get3A_358 = tpu.vector_load %arg7[%get3A_357] {strides = array<i32>} : memref<128xi32, #tpu.memory_space<vmem>>, vector<16xi32>,
          %get3A_359 = vector.shape_cast %get3A_358 : vector<16xi32> to vector<16xi32>
          %and3A_360 = arith.constant 65535 : i32
          %and3A_361 = vector.broadcast %and3A_360 : i32 to vector<16xi32>
          %and3A_362 = arith.andi %get3A_359, %and3A_361 : vector<16xi32>
          %swap3A_363 = arith.constant 80 : index
          %swap3A_364 = tpu.vector_load %arg10[%swap3A_363] {strides = array<i32>} : memref<128xi32, #tpu.memory_space<vmem>>, vector<16xi32>,
          %swap3A_365 = vector.shape_cast %swap3A_364 : vector<16xi32> to vector<16xi32>
          %swap3A_366 = vector.shape_cast %and3A_362 : vector<16xi32> to vector<16xi32>
          tpu.vector_store %arg10[%swap3A_363], %swap3A_366 {strides = array<i32>} : memref<128xi32, #tpu.memory_space<vmem>>, vector<16xi32>,
          %shift_right_logical3A_367 = arith.constant 16 : i32
          %shift_right_logical3A_368 = vector.broadcast %shift_right_logical3A_367 : i32 to vector<16xi32>
          %shift_right_logical3A_369 = arith.shrui %get3A_359, %shift_right_logical3A_368 : vector<16xi32>
          %swap3A_370 = arith.constant 80 : index
          %swap3A_371 = tpu.vector_load %arg13[%swap3A_370] {strides = array<i32>} : memref<128xi32, #tpu.memory_space<vmem>>, vector<16xi32>,
          %swap3A_372 = vector.shape_cast %swap3A_371 : vector<16xi32> to vector<16xi32>
          %swap3A_373 = vector.shape_cast %shift_right_logical3A_369 : vector<16xi32> to vector<16xi32>
          tpu.vector_store %arg13[%swap3A_370], %swap3A_373 {strides = array<i32>} : memref<128xi32, #tpu.memory_space<vmem>>, vector<16xi32>,
          %get3A_374 = arith.constant 96 : index
          %get3A_375 = tpu.vector_load %arg7[%get3A_374] {strides = array<i32>} : memref<128xi32, #tpu.memory_space<vmem>>, vector<16xi32>,
          %get3A_376 = vector.shape_cast %get3A_375 : vector<16xi32> to vector<16xi32>
          %and3A_377 = arith.constant 65535 : i32
          %and3A_378 = vector.broadcast %and3A_377 : i32 to vector<16xi32>
          %and3A_379 = arith.andi %get3A_376, %and3A_378 : vector<16xi32>
          %swap3A_380 = arith.constant 96 : index
          %swap3A_381 = tpu.vector_load %arg10[%swap3A_380] {strides = array<i32>} : memref<128xi32, #tpu.memory_space<vmem>>, vector<16xi32>,
          %swap3A_382 = vector.shape_cast %swap3A_381 : vector<16xi32> to vector<16xi32>
          %swap3A_383 = vector.shape_cast %and3A_379 : vector<16xi32> to vector<16xi32>
          tpu.vector_store %arg10[%swap3A_380], %swap3A_383 {strides = array<i32>} : memref<128xi32, #tpu.memory_space<vmem>>, vector<16xi32>,
          %shift_right_logical3A_384 = arith.constant 16 : i32
          %shift_right_logical3A_385 = vector.broadcast %shift_right_logical3A_384 : i32 to vector<16xi32>
          %shift_right_logical3A_386 = arith.shrui %get3A_376, %shift_right_logical3A_385 : vector<16xi32>
          %swap3A_387 = arith.constant 96 : index
          %swap3A_388 = tpu.vector_load %arg13[%swap3A_387] {strides = array<i32>} : memref<128xi32, #tpu.memory_space<vmem>>, vector<16xi32>,
          %swap3A_389 = vector.shape_cast %swap3A_388 : vector<16xi32> to vector<16xi32>
          %swap3A_390 = vector.shape_cast %shift_right_logical3A_386 : vector<16xi32> to vector<16xi32>
          tpu.vector_store %arg13[%swap3A_387], %swap3A_390 {strides = array<i32>} : memref<128xi32, #tpu.memory_space<vmem>>, vector<16xi32>,
          %get3A_391 = arith.constant 112 : index
          %get3A_392 = tpu.vector_load %arg7[%get3A_391] {strides = array<i32>} : memref<128xi32, #tpu.memory_space<vmem>>, vector<16xi32>,
          %get3A_393 = vector.shape_cast %get3A_392 : vector<16xi32> to vector<16xi32>
          %and3A_394 = arith.constant 65535 : i32
          %and3A_395 = vector.broadcast %and3A_394 : i32 to vector<16xi32>
          %and3A_396 = arith.andi %get3A_393, %and3A_395 : vector<16xi32>
          %swap3A_397 = arith.constant 112 : index
          %swap3A_398 = tpu.vector_load %arg10[%swap3A_397] {strides = array<i32>} : memref<128xi32, #tpu.memory_space<vmem>>, vector<16xi32>,
          %swap3A_399 = vector.shape_cast %swap3A_398 : vector<16xi32> to vector<16xi32>
          %swap3A_400 = vector.shape_cast %and3A_396 : vector<16xi32> to vector<16xi32>
          tpu.vector_store %arg10[%swap3A_397], %swap3A_400 {strides = array<i32>} : memref<128xi32, #tpu.memory_space<vmem>>, vector<16xi32>,
          %shift_right_logical3A_401 = arith.constant 16 : i32
          %shift_right_logical3A_402 = vector.broadcast %shift_right_logical3A_401 : i32 to vector<16xi32>
          %shift_right_logical3A_403 = arith.shrui %get3A_393, %shift_right_logical3A_402 : vector<16xi32>
          %swap3A_404 = arith.constant 112 : index
          %swap3A_405 = tpu.vector_load %arg13[%swap3A_404] {strides = array<i32>} : memref<128xi32, #tpu.memory_space<vmem>>, vector<16xi32>,
          %swap3A_406 = vector.shape_cast %swap3A_405 : vector<16xi32> to vector<16xi32>
          %swap3A_407 = vector.shape_cast %shift_right_logical3A_403 : vector<16xi32> to vector<16xi32>
          tpu.vector_store %arg13[%swap3A_404], %swap3A_407 {strides = array<i32>} : memref<128xi32, #tpu.memory_space<vmem>>, vector<16xi32>,
          %dma_start3A_408 = arith.constant 0 : i32
          %dma_start3A_409 = arith.constant 0 : i32
          %dma_start3A_410 = tpu.memref_slice %arg2[%dma_start3A_408, %dma_start3A_409] : memref<10000x128xf32, #tpu.memory_space<hbm>> -> memref<10000x128xf32, #tpu.memory_space<hbm>>
          tpu.enqueue_indirect_dma source(%dma_start3A_410 : memref<10000x128xf32, #tpu.memory_space<hbm>>) target(%arg16 : memref<128x128xf32, #tpu.memory_space<vmem>>) offsets(%arg10 : memref<128xi32, #tpu.memory_space<vmem>>) semaphore(%arg23 : memref<!tpu.dma_semaphore, #tpu.memory_space<semaphore_mem>>)
          %add3A_411 = arith.constant 2 : i32
          %add3A_412 = arith.addi %while3A_191, %add3A_411 : i32
          %lt3A_413 = arith.cmpi slt, %add3A_412, %select_n3A_6 : i32
          %convert_element_type3A_414 = arith.extui %lt3A_413 : i1 to i32
          %cond3A_415 = arith.constant 0 : i32
          %cond3A_416 = arith.cmpi ne, %convert_element_type3A_414, %cond3A_415 : i32
          scf.if %cond3A_416 {
            %add3A_417 = arith.constant 2 : i32
            %add3A_418 = arith.addi %while3A_191, %add3A_417 : i32
            %mul3A_419 = arith.constant 32 : i32
            %mul3A_420 = arith.muli %add3A_418, %mul3A_419 : i32
            %add3A_421 = arith.addi %mul3A_420, %add3A : i32
            %mul3A_422 = arith.constant 128 : i32
            %mul3A_423 = arith.muli %add3A_421, %mul3A_422 : i32
            %dma_start3A_424 = tpu.memref_slice %arg3[%mul3A_423] : memref<320000xi32, #tpu.memory_space<hbm>> -> memref<128xi32, #tpu.memory_space<hbm>>
            %dma_start3A_425 = tpu.memref_slice %arg3[%mul3A_423] : memref<320000xi32, #tpu.memory_space<hbm>> -> memref<128xi32, #tpu.memory_space<hbm>>
            tpu.enqueue_dma source(%dma_start3A_425 : memref<128xi32, #tpu.memory_space<hbm>>) target(%arg8 : memref<128xi32, #tpu.memory_space<vmem>>) target_semaphore(%arg21 : memref<!tpu.dma_semaphore, #tpu.memory_space<semaphore_mem>>)
          } else {
          }
        } else {
        }
      } else {
      }
      %jit3A_207 = arith.constant 3 : i32
      %eq3A_208 = arith.constant 0 : i32
      %eq3A_209 = arith.cmpi eq, %jit3A_207, %eq3A_208 : i32
      %jit3A_210 = arith.constant 1 : i32
      %select_n3A_211 = arith.select %eq3A_209, %jit3A_210, %jit3A_207 : i32
      %rem3A_212 = arith.remsi %while3A_191, %select_n3A_211 : i32
      %ne3A_213 = arith.constant 0 : i32
      %ne3A_214 = arith.cmpi ne, %rem3A_212, %ne3A_213 : i32
      %lt3A_215 = arith.constant 0 : i32
      %lt3A_216 = arith.cmpi slt, %rem3A_212, %lt3A_215 : i32
      %lt3A_217 = arith.constant 0 : i32
      %lt3A_218 = arith.cmpi slt, %select_n3A_211, %lt3A_217 : i32
      %ne3A_219 = arith.xori %lt3A_216, %lt3A_218 : i1
      %and3A_220 = arith.andi %ne3A_219, %ne3A_214 : i1
      %add3A_221 = arith.addi %rem3A_212, %select_n3A_211 : i32
      %select_n3A_222 = arith.select %and3A_220, %add3A_221, %rem3A_212 : i32
      %eq3A_223 = arith.constant 1 : i32
      %eq3A_224 = arith.cmpi eq, %select_n3A_222, %eq3A_223 : i32
      %convert_element_type3A_225 = arith.extui %eq3A_224 : i1 to i32
      %cond3A_226 = arith.constant 0 : i32
      %cond3A_227 = arith.cmpi ne, %convert_element_type3A_225, %cond3A_226 : i32
      scf.if %cond3A_227 {
        %dma_wait3A_249 = arith.constant 0 : i32
        %dma_wait3A_250 = arith.constant 0 : i32
        %dma_wait3A_251 = tpu.memref_slice %arg2[%dma_wait3A_249, %dma_wait3A_250] : memref<10000x128xf32, #tpu.memory_space<hbm>> -> memref<128x128xf32, #tpu.memory_space<hbm>>
        %dma_wait3A_252 = arith.constant 0 : i32
        %dma_wait3A_253 = arith.constant 0 : i32
        %dma_wait3A_254 = tpu.memref_slice %arg2[%dma_wait3A_252, %dma_wait3A_253] : memref<10000x128xf32, #tpu.memory_space<hbm>> -> memref<128x128xf32, #tpu.memory_space<hbm>>
        tpu.wait_dma2 semaphore(%arg23 : memref<!tpu.dma_semaphore, #tpu.memory_space<semaphore_mem>>) src(%dma_wait3A_254 : memref<128x128xf32, #tpu.memory_space<hbm>>) dst(%arg16 : memref<128x128xf32, #tpu.memory_space<vmem>>)
        %dma_start3A_255 = arith.constant 0 : i32
        %dma_start3A_256 = arith.constant 0 : i32
        %dma_start3A_257 = tpu.memref_slice %arg18[%dma_start3A_255, %dma_start3A_256] : memref<10000x128xf32, #tpu.memory_space<vmem_shared>> -> memref<10000x128xf32, #tpu.memory_space<vmem_shared>>
        tpu.enqueue_indirect_dma source(%arg16 : memref<128x128xf32, #tpu.memory_space<vmem>>) target(%dma_start3A_257 : memref<10000x128xf32, #tpu.memory_space<vmem_shared>>) offsets(%arg13 : memref<128xi32, #tpu.memory_space<vmem>>) semaphore(%arg26 : memref<!tpu.dma_semaphore, #tpu.memory_space<semaphore_mem>>) {add = true}
        %add3A_258 = arith.constant 1 : i32
        %add3A_259 = arith.addi %while3A_191, %add3A_258 : i32
        %lt3A_260 = arith.cmpi slt, %add3A_259, %select_n3A_6 : i32
        %convert_element_type3A_261 = arith.extui %lt3A_260 : i1 to i32
        %cond3A_262 = arith.constant 0 : i32
        %cond3A_263 = arith.cmpi ne, %convert_element_type3A_261, %cond3A_262 : i32
        scf.if %cond3A_263 {
          %ge3A = arith.constant 2 : i32
          %ge3A_264 = arith.cmpi sge, %while3A_191, %ge3A : i32
          %convert_element_type3A_265 = arith.extui %ge3A_264 : i1 to i32
          %cond3A_266 = arith.constant 0 : i32
          %cond3A_267 = arith.cmpi ne, %convert_element_type3A_265, %cond3A_266 : i32
          scf.if %cond3A_267 {
            %dma_wait3A_417 = arith.constant 0 : i32
            %dma_wait3A_418 = arith.constant 0 : i32
            %dma_wait3A_419 = tpu.memref_slice %arg2[%dma_wait3A_417, %dma_wait3A_418] : memref<10000x128xf32, #tpu.memory_space<hbm>> -> memref<128x128xf32, #tpu.memory_space<hbm>>
            %dma_wait3A_420 = arith.constant 0 : i32
            %dma_wait3A_421 = arith.constant 0 : i32
            %dma_wait3A_422 = tpu.memref_slice %arg2[%dma_wait3A_420, %dma_wait3A_421] : memref<10000x128xf32, #tpu.memory_space<hbm>> -> memref<128x128xf32, #tpu.memory_space<hbm>>
            tpu.wait_dma2 semaphore(%arg27 : memref<!tpu.dma_semaphore, #tpu.memory_space<semaphore_mem>>) src(%dma_wait3A_422 : memref<128x128xf32, #tpu.memory_space<hbm>>) dst(%arg17 : memref<128x128xf32, #tpu.memory_space<vmem>>)
          } else {
          }
          %dma_wait3A_268 = arith.constant 0 : i32
          %dma_wait3A_269 = tpu.memref_slice %arg3[%dma_wait3A_268] : memref<320000xi32, #tpu.memory_space<hbm>> -> memref<128xi32, #tpu.memory_space<hbm>>
          %dma_wait3A_270 = arith.constant 0 : i32
          %dma_wait3A_271 = tpu.memref_slice %arg3[%dma_wait3A_270] : memref<320000xi32, #tpu.memory_space<hbm>> -> memref<128xi32, #tpu.memory_space<hbm>>
          tpu.wait_dma2 semaphore(%arg21 : memref<!tpu.dma_semaphore, #tpu.memory_space<semaphore_mem>>) src(%dma_wait3A_271 : memref<128xi32, #tpu.memory_space<hbm>>) dst(%arg8 : memref<128xi32, #tpu.memory_space<vmem>>)
          %get3A_272 = arith.constant 0 : index
          %get3A_273 = tpu.vector_load %arg8[%get3A_272] {strides = array<i32>} : memref<128xi32, #tpu.memory_space<vmem>>, vector<16xi32>,
          %get3A_274 = vector.shape_cast %get3A_273 : vector<16xi32> to vector<16xi32>
          %and3A_275 = arith.constant 65535 : i32
          %and3A_276 = vector.broadcast %and3A_275 : i32 to vector<16xi32>
          %and3A_277 = arith.andi %get3A_274, %and3A_276 : vector<16xi32>
          %swap3A_278 = arith.constant 0 : index
          %swap3A_279 = tpu.vector_load %arg11[%swap3A_278] {strides = array<i32>} : memref<128xi32, #tpu.memory_space<vmem>>, vector<16xi32>,
          %swap3A_280 = vector.shape_cast %swap3A_279 : vector<16xi32> to vector<16xi32>
          %swap3A_281 = vector.shape_cast %and3A_277 : vector<16xi32> to vector<16xi32>
          tpu.vector_store %arg11[%swap3A_278], %swap3A_281 {strides = array<i32>} : memref<128xi32, #tpu.memory_space<vmem>>, vector<16xi32>,
          %shift_right_logical3A_282 = arith.constant 16 : i32
          %shift_right_logical3A_283 = vector.broadcast %shift_right_logical3A_282 : i32 to vector<16xi32>
          %shift_right_logical3A_284 = arith.shrui %get3A_274, %shift_right_logical3A_283 : vector<16xi32>
          %swap3A_285 = arith.constant 0 : index
          %swap3A_286 = tpu.vector_load %arg14[%swap3A_285] {strides = array<i32>} : memref<128xi32, #tpu.memory_space<vmem>>, vector<16xi32>,
          %swap3A_287 = vector.shape_cast %swap3A_286 : vector<16xi32> to vector<16xi32>
          %swap3A_288 = vector.shape_cast %shift_right_logical3A_284 : vector<16xi32> to vector<16xi32>
          tpu.vector_store %arg14[%swap3A_285], %swap3A_288 {strides = array<i32>} : memref<128xi32, #tpu.memory_space<vmem>>, vector<16xi32>,
          %get3A_289 = arith.constant 16 : index
          %get3A_290 = tpu.vector_load %arg8[%get3A_289] {strides = array<i32>} : memref<128xi32, #tpu.memory_space<vmem>>, vector<16xi32>,
          %get3A_291 = vector.shape_cast %get3A_290 : vector<16xi32> to vector<16xi32>
          %and3A_292 = arith.constant 65535 : i32
          %and3A_293 = vector.broadcast %and3A_292 : i32 to vector<16xi32>
          %and3A_294 = arith.andi %get3A_291, %and3A_293 : vector<16xi32>
          %swap3A_295 = arith.constant 16 : index
          %swap3A_296 = tpu.vector_load %arg11[%swap3A_295] {strides = array<i32>} : memref<128xi32, #tpu.memory_space<vmem>>, vector<16xi32>,
          %swap3A_297 = vector.shape_cast %swap3A_296 : vector<16xi32> to vector<16xi32>
          %swap3A_298 = vector.shape_cast %and3A_294 : vector<16xi32> to vector<16xi32>
          tpu.vector_store %arg11[%swap3A_295], %swap3A_298 {strides = array<i32>} : memref<128xi32, #tpu.memory_space<vmem>>, vector<16xi32>,
          %shift_right_logical3A_299 = arith.constant 16 : i32
          %shift_right_logical3A_300 = vector.broadcast %shift_right_logical3A_299 : i32 to vector<16xi32>
          %shift_right_logical3A_301 = arith.shrui %get3A_291, %shift_right_logical3A_300 : vector<16xi32>
          %swap3A_302 = arith.constant 16 : index
          %swap3A_303 = tpu.vector_load %arg14[%swap3A_302] {strides = array<i32>} : memref<128xi32, #tpu.memory_space<vmem>>, vector<16xi32>,
          %swap3A_304 = vector.shape_cast %swap3A_303 : vector<16xi32> to vector<16xi32>
          %swap3A_305 = vector.shape_cast %shift_right_logical3A_301 : vector<16xi32> to vector<16xi32>
          tpu.vector_store %arg14[%swap3A_302], %swap3A_305 {strides = array<i32>} : memref<128xi32, #tpu.memory_space<vmem>>, vector<16xi32>,
          %get3A_306 = arith.constant 32 : index
          %get3A_307 = tpu.vector_load %arg8[%get3A_306] {strides = array<i32>} : memref<128xi32, #tpu.memory_space<vmem>>, vector<16xi32>,
          %get3A_308 = vector.shape_cast %get3A_307 : vector<16xi32> to vector<16xi32>
          %and3A_309 = arith.constant 65535 : i32
          %and3A_310 = vector.broadcast %and3A_309 : i32 to vector<16xi32>
          %and3A_311 = arith.andi %get3A_308, %and3A_310 : vector<16xi32>
          %swap3A_312 = arith.constant 32 : index
          %swap3A_313 = tpu.vector_load %arg11[%swap3A_312] {strides = array<i32>} : memref<128xi32, #tpu.memory_space<vmem>>, vector<16xi32>,
          %swap3A_314 = vector.shape_cast %swap3A_313 : vector<16xi32> to vector<16xi32>
          %swap3A_315 = vector.shape_cast %and3A_311 : vector<16xi32> to vector<16xi32>
          tpu.vector_store %arg11[%swap3A_312], %swap3A_315 {strides = array<i32>} : memref<128xi32, #tpu.memory_space<vmem>>, vector<16xi32>,
          %shift_right_logical3A_316 = arith.constant 16 : i32
          %shift_right_logical3A_317 = vector.broadcast %shift_right_logical3A_316 : i32 to vector<16xi32>
          %shift_right_logical3A_318 = arith.shrui %get3A_308, %shift_right_logical3A_317 : vector<16xi32>
          %swap3A_319 = arith.constant 32 : index
          %swap3A_320 = tpu.vector_load %arg14[%swap3A_319] {strides = array<i32>} : memref<128xi32, #tpu.memory_space<vmem>>, vector<16xi32>,
          %swap3A_321 = vector.shape_cast %swap3A_320 : vector<16xi32> to vector<16xi32>
          %swap3A_322 = vector.shape_cast %shift_right_logical3A_318 : vector<16xi32> to vector<16xi32>
          tpu.vector_store %arg14[%swap3A_319], %swap3A_322 {strides = array<i32>} : memref<128xi32, #tpu.memory_space<vmem>>, vector<16xi32>,
          %get3A_323 = arith.constant 48 : index
          %get3A_324 = tpu.vector_load %arg8[%get3A_323] {strides = array<i32>} : memref<128xi32, #tpu.memory_space<vmem>>, vector<16xi32>,
          %get3A_325 = vector.shape_cast %get3A_324 : vector<16xi32> to vector<16xi32>
          %and3A_326 = arith.constant 65535 : i32
          %and3A_327 = vector.broadcast %and3A_326 : i32 to vector<16xi32>
          %and3A_328 = arith.andi %get3A_325, %and3A_327 : vector<16xi32>
          %swap3A_329 = arith.constant 48 : index
          %swap3A_330 = tpu.vector_load %arg11[%swap3A_329] {strides = array<i32>} : memref<128xi32, #tpu.memory_space<vmem>>, vector<16xi32>,
          %swap3A_331 = vector.shape_cast %swap3A_330 : vector<16xi32> to vector<16xi32>
          %swap3A_332 = vector.shape_cast %and3A_328 : vector<16xi32> to vector<16xi32>
          tpu.vector_store %arg11[%swap3A_329], %swap3A_332 {strides = array<i32>} : memref<128xi32, #tpu.memory_space<vmem>>, vector<16xi32>,
          %shift_right_logical3A_333 = arith.constant 16 : i32
          %shift_right_logical3A_334 = vector.broadcast %shift_right_logical3A_333 : i32 to vector<16xi32>
          %shift_right_logical3A_335 = arith.shrui %get3A_325, %shift_right_logical3A_334 : vector<16xi32>
          %swap3A_336 = arith.constant 48 : index
          %swap3A_337 = tpu.vector_load %arg14[%swap3A_336] {strides = array<i32>} : memref<128xi32, #tpu.memory_space<vmem>>, vector<16xi32>,
          %swap3A_338 = vector.shape_cast %swap3A_337 : vector<16xi32> to vector<16xi32>
          %swap3A_339 = vector.shape_cast %shift_right_logical3A_335 : vector<16xi32> to vector<16xi32>
          tpu.vector_store %arg14[%swap3A_336], %swap3A_339 {strides = array<i32>} : memref<128xi32, #tpu.memory_space<vmem>>, vector<16xi32>,
          %get3A_340 = arith.constant 64 : index
          %get3A_341 = tpu.vector_load %arg8[%get3A_340] {strides = array<i32>} : memref<128xi32, #tpu.memory_space<vmem>>, vector<16xi32>,
          %get3A_342 = vector.shape_cast %get3A_341 : vector<16xi32> to vector<16xi32>
          %and3A_343 = arith.constant 65535 : i32
          %and3A_344 = vector.broadcast %and3A_343 : i32 to vector<16xi32>
          %and3A_345 = arith.andi %get3A_342, %and3A_344 : vector<16xi32>
          %swap3A_346 = arith.constant 64 : index
          %swap3A_347 = tpu.vector_load %arg11[%swap3A_346] {strides = array<i32>} : memref<128xi32, #tpu.memory_space<vmem>>, vector<16xi32>,
          %swap3A_348 = vector.shape_cast %swap3A_347 : vector<16xi32> to vector<16xi32>
          %swap3A_349 = vector.shape_cast %and3A_345 : vector<16xi32> to vector<16xi32>
          tpu.vector_store %arg11[%swap3A_346], %swap3A_349 {strides = array<i32>} : memref<128xi32, #tpu.memory_space<vmem>>, vector<16xi32>,
          %shift_right_logical3A_350 = arith.constant 16 : i32
          %shift_right_logical3A_351 = vector.broadcast %shift_right_logical3A_350 : i32 to vector<16xi32>
          %shift_right_logical3A_352 = arith.shrui %get3A_342, %shift_right_logical3A_351 : vector<16xi32>
          %swap3A_353 = arith.constant 64 : index
          %swap3A_354 = tpu.vector_load %arg14[%swap3A_353] {strides = array<i32>} : memref<128xi32, #tpu.memory_space<vmem>>, vector<16xi32>,
          %swap3A_355 = vector.shape_cast %swap3A_354 : vector<16xi32> to vector<16xi32>
          %swap3A_356 = vector.shape_cast %shift_right_logical3A_352 : vector<16xi32> to vector<16xi32>
          tpu.vector_store %arg14[%swap3A_353], %swap3A_356 {strides = array<i32>} : memref<128xi32, #tpu.memory_space<vmem>>, vector<16xi32>,
          %get3A_357 = arith.constant 80 : index
          %get3A_358 = tpu.vector_load %arg8[%get3A_357] {strides = array<i32>} : memref<128xi32, #tpu.memory_space<vmem>>, vector<16xi32>,
          %get3A_359 = vector.shape_cast %get3A_358 : vector<16xi32> to vector<16xi32>
          %and3A_360 = arith.constant 65535 : i32
          %and3A_361 = vector.broadcast %and3A_360 : i32 to vector<16xi32>
          %and3A_362 = arith.andi %get3A_359, %and3A_361 : vector<16xi32>
          %swap3A_363 = arith.constant 80 : index
          %swap3A_364 = tpu.vector_load %arg11[%swap3A_363] {strides = array<i32>} : memref<128xi32, #tpu.memory_space<vmem>>, vector<16xi32>,
          %swap3A_365 = vector.shape_cast %swap3A_364 : vector<16xi32> to vector<16xi32>
          %swap3A_366 = vector.shape_cast %and3A_362 : vector<16xi32> to vector<16xi32>
          tpu.vector_store %arg11[%swap3A_363], %swap3A_366 {strides = array<i32>} : memref<128xi32, #tpu.memory_space<vmem>>, vector<16xi32>,
          %shift_right_logical3A_367 = arith.constant 16 : i32
          %shift_right_logical3A_368 = vector.broadcast %shift_right_logical3A_367 : i32 to vector<16xi32>
          %shift_right_logical3A_369 = arith.shrui %get3A_359, %shift_right_logical3A_368 : vector<16xi32>
          %swap3A_370 = arith.constant 80 : index
          %swap3A_371 = tpu.vector_load %arg14[%swap3A_370] {strides = array<i32>} : memref<128xi32, #tpu.memory_space<vmem>>, vector<16xi32>,
          %swap3A_372 = vector.shape_cast %swap3A_371 : vector<16xi32> to vector<16xi32>
          %swap3A_373 = vector.shape_cast %shift_right_logical3A_369 : vector<16xi32> to vector<16xi32>
          tpu.vector_store %arg14[%swap3A_370], %swap3A_373 {strides = array<i32>} : memref<128xi32, #tpu.memory_space<vmem>>, vector<16xi32>,
          %get3A_374 = arith.constant 96 : index
          %get3A_375 = tpu.vector_load %arg8[%get3A_374] {strides = array<i32>} : memref<128xi32, #tpu.memory_space<vmem>>, vector<16xi32>,
          %get3A_376 = vector.shape_cast %get3A_375 : vector<16xi32> to vector<16xi32>
          %and3A_377 = arith.constant 65535 : i32
          %and3A_378 = vector.broadcast %and3A_377 : i32 to vector<16xi32>
          %and3A_379 = arith.andi %get3A_376, %and3A_378 : vector<16xi32>
          %swap3A_380 = arith.constant 96 : index
          %swap3A_381 = tpu.vector_load %arg11[%swap3A_380] {strides = array<i32>} : memref<128xi32, #tpu.memory_space<vmem>>, vector<16xi32>,
          %swap3A_382 = vector.shape_cast %swap3A_381 : vector<16xi32> to vector<16xi32>
          %swap3A_383 = vector.shape_cast %and3A_379 : vector<16xi32> to vector<16xi32>
          tpu.vector_store %arg11[%swap3A_380], %swap3A_383 {strides = array<i32>} : memref<128xi32, #tpu.memory_space<vmem>>, vector<16xi32>,
          %shift_right_logical3A_384 = arith.constant 16 : i32
          %shift_right_logical3A_385 = vector.broadcast %shift_right_logical3A_384 : i32 to vector<16xi32>
          %shift_right_logical3A_386 = arith.shrui %get3A_376, %shift_right_logical3A_385 : vector<16xi32>
          %swap3A_387 = arith.constant 96 : index
          %swap3A_388 = tpu.vector_load %arg14[%swap3A_387] {strides = array<i32>} : memref<128xi32, #tpu.memory_space<vmem>>, vector<16xi32>,
          %swap3A_389 = vector.shape_cast %swap3A_388 : vector<16xi32> to vector<16xi32>
          %swap3A_390 = vector.shape_cast %shift_right_logical3A_386 : vector<16xi32> to vector<16xi32>
          tpu.vector_store %arg14[%swap3A_387], %swap3A_390 {strides = array<i32>} : memref<128xi32, #tpu.memory_space<vmem>>, vector<16xi32>,
          %get3A_391 = arith.constant 112 : index
          %get3A_392 = tpu.vector_load %arg8[%get3A_391] {strides = array<i32>} : memref<128xi32, #tpu.memory_space<vmem>>, vector<16xi32>,
          %get3A_393 = vector.shape_cast %get3A_392 : vector<16xi32> to vector<16xi32>
          %and3A_394 = arith.constant 65535 : i32
          %and3A_395 = vector.broadcast %and3A_394 : i32 to vector<16xi32>
          %and3A_396 = arith.andi %get3A_393, %and3A_395 : vector<16xi32>
          %swap3A_397 = arith.constant 112 : index
          %swap3A_398 = tpu.vector_load %arg11[%swap3A_397] {strides = array<i32>} : memref<128xi32, #tpu.memory_space<vmem>>, vector<16xi32>,
          %swap3A_399 = vector.shape_cast %swap3A_398 : vector<16xi32> to vector<16xi32>
          %swap3A_400 = vector.shape_cast %and3A_396 : vector<16xi32> to vector<16xi32>
          tpu.vector_store %arg11[%swap3A_397], %swap3A_400 {strides = array<i32>} : memref<128xi32, #tpu.memory_space<vmem>>, vector<16xi32>,
          %shift_right_logical3A_401 = arith.constant 16 : i32
          %shift_right_logical3A_402 = vector.broadcast %shift_right_logical3A_401 : i32 to vector<16xi32>
          %shift_right_logical3A_403 = arith.shrui %get3A_393, %shift_right_logical3A_402 : vector<16xi32>
          %swap3A_404 = arith.constant 112 : index
          %swap3A_405 = tpu.vector_load %arg14[%swap3A_404] {strides = array<i32>} : memref<128xi32, #tpu.memory_space<vmem>>, vector<16xi32>,
          %swap3A_406 = vector.shape_cast %swap3A_405 : vector<16xi32> to vector<16xi32>
          %swap3A_407 = vector.shape_cast %shift_right_logical3A_403 : vector<16xi32> to vector<16xi32>
          tpu.vector_store %arg14[%swap3A_404], %swap3A_407 {strides = array<i32>} : memref<128xi32, #tpu.memory_space<vmem>>, vector<16xi32>,
          %dma_start3A_408 = arith.constant 0 : i32
          %dma_start3A_409 = arith.constant 0 : i32
          %dma_start3A_410 = tpu.memref_slice %arg2[%dma_start3A_408, %dma_start3A_409] : memref<10000x128xf32, #tpu.memory_space<hbm>> -> memref<10000x128xf32, #tpu.memory_space<hbm>>
          tpu.enqueue_indirect_dma source(%dma_start3A_410 : memref<10000x128xf32, #tpu.memory_space<hbm>>) target(%arg17 : memref<128x128xf32, #tpu.memory_space<vmem>>) offsets(%arg11 : memref<128xi32, #tpu.memory_space<vmem>>) semaphore(%arg24 : memref<!tpu.dma_semaphore, #tpu.memory_space<semaphore_mem>>)
          %add3A_411 = arith.constant 2 : i32
          %add3A_412 = arith.addi %while3A_191, %add3A_411 : i32
          %lt3A_413 = arith.cmpi slt, %add3A_412, %select_n3A_6 : i32
          %convert_element_type3A_414 = arith.extui %lt3A_413 : i1 to i32
          %cond3A_415 = arith.constant 0 : i32
          %cond3A_416 = arith.cmpi ne, %convert_element_type3A_414, %cond3A_415 : i32
          scf.if %cond3A_416 {
            %add3A_417 = arith.constant 2 : i32
            %add3A_418 = arith.addi %while3A_191, %add3A_417 : i32
            %mul3A_419 = arith.constant 32 : i32
            %mul3A_420 = arith.muli %add3A_418, %mul3A_419 : i32
            %add3A_421 = arith.addi %mul3A_420, %add3A : i32
            %mul3A_422 = arith.constant 128 : i32
            %mul3A_423 = arith.muli %add3A_421, %mul3A_422 : i32
            %dma_start3A_424 = tpu.memref_slice %arg3[%mul3A_423] : memref<320000xi32, #tpu.memory_space<hbm>> -> memref<128xi32, #tpu.memory_space<hbm>>
            %dma_start3A_425 = tpu.memref_slice %arg3[%mul3A_423] : memref<320000xi32, #tpu.memory_space<hbm>> -> memref<128xi32, #tpu.memory_space<hbm>>
            tpu.enqueue_dma source(%dma_start3A_425 : memref<128xi32, #tpu.memory_space<hbm>>) target(%arg6 : memref<128xi32, #tpu.memory_space<vmem>>) target_semaphore(%arg19 : memref<!tpu.dma_semaphore, #tpu.memory_space<semaphore_mem>>)
          } else {
          }
        } else {
        }
      } else {
      }
      %jit3A_228 = arith.constant 3 : i32
      %eq3A_229 = arith.constant 0 : i32
      %eq3A_230 = arith.cmpi eq, %jit3A_228, %eq3A_229 : i32
      %jit3A_231 = arith.constant 1 : i32
      %select_n3A_232 = arith.select %eq3A_230, %jit3A_231, %jit3A_228 : i32
      %rem3A_233 = arith.remsi %while3A_191, %select_n3A_232 : i32
      %ne3A_234 = arith.constant 0 : i32
      %ne3A_235 = arith.cmpi ne, %rem3A_233, %ne3A_234 : i32
      %lt3A_236 = arith.constant 0 : i32
      %lt3A_237 = arith.cmpi slt, %rem3A_233, %lt3A_236 : i32
      %lt3A_238 = arith.constant 0 : i32
      %lt3A_239 = arith.cmpi slt, %select_n3A_232, %lt3A_238 : i32
      %ne3A_240 = arith.xori %lt3A_237, %lt3A_239 : i1
      %and3A_241 = arith.andi %ne3A_240, %ne3A_235 : i1
      %add3A_242 = arith.addi %rem3A_233, %select_n3A_232 : i32
      %select_n3A_243 = arith.select %and3A_241, %add3A_242, %rem3A_233 : i32
      %eq3A_244 = arith.constant 2 : i32
      %eq3A_245 = arith.cmpi eq, %select_n3A_243, %eq3A_244 : i32
      %convert_element_type3A_246 = arith.extui %eq3A_245 : i1 to i32
      %cond3A_247 = arith.constant 0 : i32
      %cond3A_248 = arith.cmpi ne, %convert_element_type3A_246, %cond3A_247 : i32
      scf.if %cond3A_248 {
        %dma_wait3A_249 = arith.constant 0 : i32
        %dma_wait3A_250 = arith.constant 0 : i32
        %dma_wait3A_251 = tpu.memref_slice %arg2[%dma_wait3A_249, %dma_wait3A_250] : memref<10000x128xf32, #tpu.memory_space<hbm>> -> memref<128x128xf32, #tpu.memory_space<hbm>>
        %dma_wait3A_252 = arith.constant 0 : i32
        %dma_wait3A_253 = arith.constant 0 : i32
        %dma_wait3A_254 = tpu.memref_slice %arg2[%dma_wait3A_252, %dma_wait3A_253] : memref<10000x128xf32, #tpu.memory_space<hbm>> -> memref<128x128xf32, #tpu.memory_space<hbm>>
        tpu.wait_dma2 semaphore(%arg24 : memref<!tpu.dma_semaphore, #tpu.memory_space<semaphore_mem>>) src(%dma_wait3A_254 : memref<128x128xf32, #tpu.memory_space<hbm>>) dst(%arg17 : memref<128x128xf32, #tpu.memory_space<vmem>>)
        %dma_start3A_255 = arith.constant 0 : i32
        %dma_start3A_256 = arith.constant 0 : i32
        %dma_start3A_257 = tpu.memref_slice %arg18[%dma_start3A_255, %dma_start3A_256] : memref<10000x128xf32, #tpu.memory_space<vmem_shared>> -> memref<10000x128xf32, #tpu.memory_space<vmem_shared>>
        tpu.enqueue_indirect_dma source(%arg17 : memref<128x128xf32, #tpu.memory_space<vmem>>) target(%dma_start3A_257 : memref<10000x128xf32, #tpu.memory_space<vmem_shared>>) offsets(%arg14 : memref<128xi32, #tpu.memory_space<vmem>>) semaphore(%arg27 : memref<!tpu.dma_semaphore, #tpu.memory_space<semaphore_mem>>) {add = true}
        %add3A_258 = arith.constant 1 : i32
        %add3A_259 = arith.addi %while3A_191, %add3A_258 : i32
        %lt3A_260 = arith.cmpi slt, %add3A_259, %select_n3A_6 : i32
        %convert_element_type3A_261 = arith.extui %lt3A_260 : i1 to i32
        %cond3A_262 = arith.constant 0 : i32
        %cond3A_263 = arith.cmpi ne, %convert_element_type3A_261, %cond3A_262 : i32
        scf.if %cond3A_263 {
          %ge3A = arith.constant 2 : i32
          %ge3A_264 = arith.cmpi sge, %while3A_191, %ge3A : i32
          %convert_element_type3A_265 = arith.extui %ge3A_264 : i1 to i32
          %cond3A_266 = arith.constant 0 : i32
          %cond3A_267 = arith.cmpi ne, %convert_element_type3A_265, %cond3A_266 : i32
          scf.if %cond3A_267 {
            %dma_wait3A_417 = arith.constant 0 : i32
            %dma_wait3A_418 = arith.constant 0 : i32
            %dma_wait3A_419 = tpu.memref_slice %arg2[%dma_wait3A_417, %dma_wait3A_418] : memref<10000x128xf32, #tpu.memory_space<hbm>> -> memref<128x128xf32, #tpu.memory_space<hbm>>
            %dma_wait3A_420 = arith.constant 0 : i32
            %dma_wait3A_421 = arith.constant 0 : i32
            %dma_wait3A_422 = tpu.memref_slice %arg2[%dma_wait3A_420, %dma_wait3A_421] : memref<10000x128xf32, #tpu.memory_space<hbm>> -> memref<128x128xf32, #tpu.memory_space<hbm>>
            tpu.wait_dma2 semaphore(%arg25 : memref<!tpu.dma_semaphore, #tpu.memory_space<semaphore_mem>>) src(%dma_wait3A_422 : memref<128x128xf32, #tpu.memory_space<hbm>>) dst(%arg15 : memref<128x128xf32, #tpu.memory_space<vmem>>)
          } else {
          }
          %dma_wait3A_268 = arith.constant 0 : i32
          %dma_wait3A_269 = tpu.memref_slice %arg3[%dma_wait3A_268] : memref<320000xi32, #tpu.memory_space<hbm>> -> memref<128xi32, #tpu.memory_space<hbm>>
          %dma_wait3A_270 = arith.constant 0 : i32
          %dma_wait3A_271 = tpu.memref_slice %arg3[%dma_wait3A_270] : memref<320000xi32, #tpu.memory_space<hbm>> -> memref<128xi32, #tpu.memory_space<hbm>>
          tpu.wait_dma2 semaphore(%arg19 : memref<!tpu.dma_semaphore, #tpu.memory_space<semaphore_mem>>) src(%dma_wait3A_271 : memref<128xi32, #tpu.memory_space<hbm>>) dst(%arg6 : memref<128xi32, #tpu.memory_space<vmem>>)
          %get3A_272 = arith.constant 0 : index
          %get3A_273 = tpu.vector_load %arg6[%get3A_272] {strides = array<i32>} : memref<128xi32, #tpu.memory_space<vmem>>, vector<16xi32>,
          %get3A_274 = vector.shape_cast %get3A_273 : vector<16xi32> to vector<16xi32>
          %and3A_275 = arith.constant 65535 : i32
          %and3A_276 = vector.broadcast %and3A_275 : i32 to vector<16xi32>
          %and3A_277 = arith.andi %get3A_274, %and3A_276 : vector<16xi32>
          %swap3A_278 = arith.constant 0 : index
          %swap3A_279 = tpu.vector_load %arg9[%swap3A_278] {strides = array<i32>} : memref<128xi32, #tpu.memory_space<vmem>>, vector<16xi32>,
          %swap3A_280 = vector.shape_cast %swap3A_279 : vector<16xi32> to vector<16xi32>
          %swap3A_281 = vector.shape_cast %and3A_277 : vector<16xi32> to vector<16xi32>
          tpu.vector_store %arg9[%swap3A_278], %swap3A_281 {strides = array<i32>} : memref<128xi32, #tpu.memory_space<vmem>>, vector<16xi32>,
          %shift_right_logical3A_282 = arith.constant 16 : i32
          %shift_right_logical3A_283 = vector.broadcast %shift_right_logical3A_282 : i32 to vector<16xi32>
          %shift_right_logical3A_284 = arith.shrui %get3A_274, %shift_right_logical3A_283 : vector<16xi32>
          %swap3A_285 = arith.constant 0 : index
          %swap3A_286 = tpu.vector_load %arg12[%swap3A_285] {strides = array<i32>} : memref<128xi32, #tpu.memory_space<vmem>>, vector<16xi32>,
          %swap3A_287 = vector.shape_cast %swap3A_286 : vector<16xi32> to vector<16xi32>
          %swap3A_288 = vector.shape_cast %shift_right_logical3A_284 : vector<16xi32> to vector<16xi32>
          tpu.vector_store %arg12[%swap3A_285], %swap3A_288 {strides = array<i32>} : memref<128xi32, #tpu.memory_space<vmem>>, vector<16xi32>,
          %get3A_289 = arith.constant 16 : index
          %get3A_290 = tpu.vector_load %arg6[%get3A_289] {strides = array<i32>} : memref<128xi32, #tpu.memory_space<vmem>>, vector<16xi32>,
          %get3A_291 = vector.shape_cast %get3A_290 : vector<16xi32> to vector<16xi32>
          %and3A_292 = arith.constant 65535 : i32
          %and3A_293 = vector.broadcast %and3A_292 : i32 to vector<16xi32>
          %and3A_294 = arith.andi %get3A_291, %and3A_293 : vector<16xi32>
          %swap3A_295 = arith.constant 16 : index
          %swap3A_296 = tpu.vector_load %arg9[%swap3A_295] {strides = array<i32>} : memref<128xi32, #tpu.memory_space<vmem>>, vector<16xi32>,
          %swap3A_297 = vector.shape_cast %swap3A_296 : vector<16xi32> to vector<16xi32>
          %swap3A_298 = vector.shape_cast %and3A_294 : vector<16xi32> to vector<16xi32>
          tpu.vector_store %arg9[%swap3A_295], %swap3A_298 {strides = array<i32>} : memref<128xi32, #tpu.memory_space<vmem>>, vector<16xi32>,
          %shift_right_logical3A_299 = arith.constant 16 : i32
          %shift_right_logical3A_300 = vector.broadcast %shift_right_logical3A_299 : i32 to vector<16xi32>
          %shift_right_logical3A_301 = arith.shrui %get3A_291, %shift_right_logical3A_300 : vector<16xi32>
          %swap3A_302 = arith.constant 16 : index
          %swap3A_303 = tpu.vector_load %arg12[%swap3A_302] {strides = array<i32>} : memref<128xi32, #tpu.memory_space<vmem>>, vector<16xi32>,
          %swap3A_304 = vector.shape_cast %swap3A_303 : vector<16xi32> to vector<16xi32>
          %swap3A_305 = vector.shape_cast %shift_right_logical3A_301 : vector<16xi32> to vector<16xi32>
          tpu.vector_store %arg12[%swap3A_302], %swap3A_305 {strides = array<i32>} : memref<128xi32, #tpu.memory_space<vmem>>, vector<16xi32>,
          %get3A_306 = arith.constant 32 : index
          %get3A_307 = tpu.vector_load %arg6[%get3A_306] {strides = array<i32>} : memref<128xi32, #tpu.memory_space<vmem>>, vector<16xi32>,
          %get3A_308 = vector.shape_cast %get3A_307 : vector<16xi32> to vector<16xi32>
          %and3A_309 = arith.constant 65535 : i32
          %and3A_310 = vector.broadcast %and3A_309 : i32 to vector<16xi32>
          %and3A_311 = arith.andi %get3A_308, %and3A_310 : vector<16xi32>
          %swap3A_312 = arith.constant 32 : index
          %swap3A_313 = tpu.vector_load %arg9[%swap3A_312] {strides = array<i32>} : memref<128xi32, #tpu.memory_space<vmem>>, vector<16xi32>,
          %swap3A_314 = vector.shape_cast %swap3A_313 : vector<16xi32> to vector<16xi32>
          %swap3A_315 = vector.shape_cast %and3A_311 : vector<16xi32> to vector<16xi32>
          tpu.vector_store %arg9[%swap3A_312], %swap3A_315 {strides = array<i32>} : memref<128xi32, #tpu.memory_space<vmem>>, vector<16xi32>,
          %shift_right_logical3A_316 = arith.constant 16 : i32
          %shift_right_logical3A_317 = vector.broadcast %shift_right_logical3A_316 : i32 to vector<16xi32>
          %shift_right_logical3A_318 = arith.shrui %get3A_308, %shift_right_logical3A_317 : vector<16xi32>
          %swap3A_319 = arith.constant 32 : index
          %swap3A_320 = tpu.vector_load %arg12[%swap3A_319] {strides = array<i32>} : memref<128xi32, #tpu.memory_space<vmem>>, vector<16xi32>,
          %swap3A_321 = vector.shape_cast %swap3A_320 : vector<16xi32> to vector<16xi32>
          %swap3A_322 = vector.shape_cast %shift_right_logical3A_318 : vector<16xi32> to vector<16xi32>
          tpu.vector_store %arg12[%swap3A_319], %swap3A_322 {strides = array<i32>} : memref<128xi32, #tpu.memory_space<vmem>>, vector<16xi32>,
          %get3A_323 = arith.constant 48 : index
          %get3A_324 = tpu.vector_load %arg6[%get3A_323] {strides = array<i32>} : memref<128xi32, #tpu.memory_space<vmem>>, vector<16xi32>,
          %get3A_325 = vector.shape_cast %get3A_324 : vector<16xi32> to vector<16xi32>
          %and3A_326 = arith.constant 65535 : i32
          %and3A_327 = vector.broadcast %and3A_326 : i32 to vector<16xi32>
          %and3A_328 = arith.andi %get3A_325, %and3A_327 : vector<16xi32>
          %swap3A_329 = arith.constant 48 : index
          %swap3A_330 = tpu.vector_load %arg9[%swap3A_329] {strides = array<i32>} : memref<128xi32, #tpu.memory_space<vmem>>, vector<16xi32>,
          %swap3A_331 = vector.shape_cast %swap3A_330 : vector<16xi32> to vector<16xi32>
          %swap3A_332 = vector.shape_cast %and3A_328 : vector<16xi32> to vector<16xi32>
          tpu.vector_store %arg9[%swap3A_329], %swap3A_332 {strides = array<i32>} : memref<128xi32, #tpu.memory_space<vmem>>, vector<16xi32>,
          %shift_right_logical3A_333 = arith.constant 16 : i32
          %shift_right_logical3A_334 = vector.broadcast %shift_right_logical3A_333 : i32 to vector<16xi32>
          %shift_right_logical3A_335 = arith.shrui %get3A_325, %shift_right_logical3A_334 : vector<16xi32>
          %swap3A_336 = arith.constant 48 : index
          %swap3A_337 = tpu.vector_load %arg12[%swap3A_336] {strides = array<i32>} : memref<128xi32, #tpu.memory_space<vmem>>, vector<16xi32>,
          %swap3A_338 = vector.shape_cast %swap3A_337 : vector<16xi32> to vector<16xi32>
          %swap3A_339 = vector.shape_cast %shift_right_logical3A_335 : vector<16xi32> to vector<16xi32>
          tpu.vector_store %arg12[%swap3A_336], %swap3A_339 {strides = array<i32>} : memref<128xi32, #tpu.memory_space<vmem>>, vector<16xi32>,
          %get3A_340 = arith.constant 64 : index
          %get3A_341 = tpu.vector_load %arg6[%get3A_340] {strides = array<i32>} : memref<128xi32, #tpu.memory_space<vmem>>, vector<16xi32>,
          %get3A_342 = vector.shape_cast %get3A_341 : vector<16xi32> to vector<16xi32>
          %and3A_343 = arith.constant 65535 : i32
          %and3A_344 = vector.broadcast %and3A_343 : i32 to vector<16xi32>
          %and3A_345 = arith.andi %get3A_342, %and3A_344 : vector<16xi32>
          %swap3A_346 = arith.constant 64 : index
          %swap3A_347 = tpu.vector_load %arg9[%swap3A_346] {strides = array<i32>} : memref<128xi32, #tpu.memory_space<vmem>>, vector<16xi32>,
          %swap3A_348 = vector.shape_cast %swap3A_347 : vector<16xi32> to vector<16xi32>
          %swap3A_349 = vector.shape_cast %and3A_345 : vector<16xi32> to vector<16xi32>
          tpu.vector_store %arg9[%swap3A_346], %swap3A_349 {strides = array<i32>} : memref<128xi32, #tpu.memory_space<vmem>>, vector<16xi32>,
          %shift_right_logical3A_350 = arith.constant 16 : i32
          %shift_right_logical3A_351 = vector.broadcast %shift_right_logical3A_350 : i32 to vector<16xi32>
          %shift_right_logical3A_352 = arith.shrui %get3A_342, %shift_right_logical3A_351 : vector<16xi32>
          %swap3A_353 = arith.constant 64 : index
          %swap3A_354 = tpu.vector_load %arg12[%swap3A_353] {strides = array<i32>} : memref<128xi32, #tpu.memory_space<vmem>>, vector<16xi32>,
          %swap3A_355 = vector.shape_cast %swap3A_354 : vector<16xi32> to vector<16xi32>
          %swap3A_356 = vector.shape_cast %shift_right_logical3A_352 : vector<16xi32> to vector<16xi32>
          tpu.vector_store %arg12[%swap3A_353], %swap3A_356 {strides = array<i32>} : memref<128xi32, #tpu.memory_space<vmem>>, vector<16xi32>,
          %get3A_357 = arith.constant 80 : index
          %get3A_358 = tpu.vector_load %arg6[%get3A_357] {strides = array<i32>} : memref<128xi32, #tpu.memory_space<vmem>>, vector<16xi32>,
          %get3A_359 = vector.shape_cast %get3A_358 : vector<16xi32> to vector<16xi32>
          %and3A_360 = arith.constant 65535 : i32
          %and3A_361 = vector.broadcast %and3A_360 : i32 to vector<16xi32>
          %and3A_362 = arith.andi %get3A_359, %and3A_361 : vector<16xi32>
          %swap3A_363 = arith.constant 80 : index
          %swap3A_364 = tpu.vector_load %arg9[%swap3A_363] {strides = array<i32>} : memref<128xi32, #tpu.memory_space<vmem>>, vector<16xi32>,
          %swap3A_365 = vector.shape_cast %swap3A_364 : vector<16xi32> to vector<16xi32>
          %swap3A_366 = vector.shape_cast %and3A_362 : vector<16xi32> to vector<16xi32>
          tpu.vector_store %arg9[%swap3A_363], %swap3A_366 {strides = array<i32>} : memref<128xi32, #tpu.memory_space<vmem>>, vector<16xi32>,
          %shift_right_logical3A_367 = arith.constant 16 : i32
          %shift_right_logical3A_368 = vector.broadcast %shift_right_logical3A_367 : i32 to vector<16xi32>
          %shift_right_logical3A_369 = arith.shrui %get3A_359, %shift_right_logical3A_368 : vector<16xi32>
          %swap3A_370 = arith.constant 80 : index
          %swap3A_371 = tpu.vector_load %arg12[%swap3A_370] {strides = array<i32>} : memref<128xi32, #tpu.memory_space<vmem>>, vector<16xi32>,
          %swap3A_372 = vector.shape_cast %swap3A_371 : vector<16xi32> to vector<16xi32>
          %swap3A_373 = vector.shape_cast %shift_right_logical3A_369 : vector<16xi32> to vector<16xi32>
          tpu.vector_store %arg12[%swap3A_370], %swap3A_373 {strides = array<i32>} : memref<128xi32, #tpu.memory_space<vmem>>, vector<16xi32>,
          %get3A_374 = arith.constant 96 : index
          %get3A_375 = tpu.vector_load %arg6[%get3A_374] {strides = array<i32>} : memref<128xi32, #tpu.memory_space<vmem>>, vector<16xi32>,
          %get3A_376 = vector.shape_cast %get3A_375 : vector<16xi32> to vector<16xi32>
          %and3A_377 = arith.constant 65535 : i32
          %and3A_378 = vector.broadcast %and3A_377 : i32 to vector<16xi32>
          %and3A_379 = arith.andi %get3A_376, %and3A_378 : vector<16xi32>
          %swap3A_380 = arith.constant 96 : index
          %swap3A_381 = tpu.vector_load %arg9[%swap3A_380] {strides = array<i32>} : memref<128xi32, #tpu.memory_space<vmem>>, vector<16xi32>,
          %swap3A_382 = vector.shape_cast %swap3A_381 : vector<16xi32> to vector<16xi32>
          %swap3A_383 = vector.shape_cast %and3A_379 : vector<16xi32> to vector<16xi32>
          tpu.vector_store %arg9[%swap3A_380], %swap3A_383 {strides = array<i32>} : memref<128xi32, #tpu.memory_space<vmem>>, vector<16xi32>,
          %shift_right_logical3A_384 = arith.constant 16 : i32
          %shift_right_logical3A_385 = vector.broadcast %shift_right_logical3A_384 : i32 to vector<16xi32>
          %shift_right_logical3A_386 = arith.shrui %get3A_376, %shift_right_logical3A_385 : vector<16xi32>
          %swap3A_387 = arith.constant 96 : index
          %swap3A_388 = tpu.vector_load %arg12[%swap3A_387] {strides = array<i32>} : memref<128xi32, #tpu.memory_space<vmem>>, vector<16xi32>,
          %swap3A_389 = vector.shape_cast %swap3A_388 : vector<16xi32> to vector<16xi32>
          %swap3A_390 = vector.shape_cast %shift_right_logical3A_386 : vector<16xi32> to vector<16xi32>
          tpu.vector_store %arg12[%swap3A_387], %swap3A_390 {strides = array<i32>} : memref<128xi32, #tpu.memory_space<vmem>>, vector<16xi32>,
          %get3A_391 = arith.constant 112 : index
          %get3A_392 = tpu.vector_load %arg6[%get3A_391] {strides = array<i32>} : memref<128xi32, #tpu.memory_space<vmem>>, vector<16xi32>,
          %get3A_393 = vector.shape_cast %get3A_392 : vector<16xi32> to vector<16xi32>
          %and3A_394 = arith.constant 65535 : i32
          %and3A_395 = vector.broadcast %and3A_394 : i32 to vector<16xi32>
          %and3A_396 = arith.andi %get3A_393, %and3A_395 : vector<16xi32>
          %swap3A_397 = arith.constant 112 : index
          %swap3A_398 = tpu.vector_load %arg9[%swap3A_397] {strides = array<i32>} : memref<128xi32, #tpu.memory_space<vmem>>, vector<16xi32>,
          %swap3A_399 = vector.shape_cast %swap3A_398 : vector<16xi32> to vector<16xi32>
          %swap3A_400 = vector.shape_cast %and3A_396 : vector<16xi32> to vector<16xi32>
          tpu.vector_store %arg9[%swap3A_397], %swap3A_400 {strides = array<i32>} : memref<128xi32, #tpu.memory_space<vmem>>, vector<16xi32>,
          %shift_right_logical3A_401 = arith.constant 16 : i32
          %shift_right_logical3A_402 = vector.broadcast %shift_right_logical3A_401 : i32 to vector<16xi32>
          %shift_right_logical3A_403 = arith.shrui %get3A_393, %shift_right_logical3A_402 : vector<16xi32>
          %swap3A_404 = arith.constant 112 : index
          %swap3A_405 = tpu.vector_load %arg12[%swap3A_404] {strides = array<i32>} : memref<128xi32, #tpu.memory_space<vmem>>, vector<16xi32>,
          %swap3A_406 = vector.shape_cast %swap3A_405 : vector<16xi32> to vector<16xi32>
          %swap3A_407 = vector.shape_cast %shift_right_logical3A_403 : vector<16xi32> to vector<16xi32>
          tpu.vector_store %arg12[%swap3A_404], %swap3A_407 {strides = array<i32>} : memref<128xi32, #tpu.memory_space<vmem>>, vector<16xi32>,
          %dma_start3A_408 = arith.constant 0 : i32
          %dma_start3A_409 = arith.constant 0 : i32
          %dma_start3A_410 = tpu.memref_slice %arg2[%dma_start3A_408, %dma_start3A_409] : memref<10000x128xf32, #tpu.memory_space<hbm>> -> memref<10000x128xf32, #tpu.memory_space<hbm>>
          tpu.enqueue_indirect_dma source(%dma_start3A_410 : memref<10000x128xf32, #tpu.memory_space<hbm>>) target(%arg15 : memref<128x128xf32, #tpu.memory_space<vmem>>) offsets(%arg9 : memref<128xi32, #tpu.memory_space<vmem>>) semaphore(%arg22 : memref<!tpu.dma_semaphore, #tpu.memory_space<semaphore_mem>>)
          %add3A_411 = arith.constant 2 : i32
          %add3A_412 = arith.addi %while3A_191, %add3A_411 : i32
          %lt3A_413 = arith.cmpi slt, %add3A_412, %select_n3A_6 : i32
          %convert_element_type3A_414 = arith.extui %lt3A_413 : i1 to i32
          %cond3A_415 = arith.constant 0 : i32
          %cond3A_416 = arith.cmpi ne, %convert_element_type3A_414, %cond3A_415 : i32
          scf.if %cond3A_416 {
            %add3A_417 = arith.constant 2 : i32
            %add3A_418 = arith.addi %while3A_191, %add3A_417 : i32
            %mul3A_419 = arith.constant 32 : i32
            %mul3A_420 = arith.muli %add3A_418, %mul3A_419 : i32
            %add3A_421 = arith.addi %mul3A_420, %add3A : i32
            %mul3A_422 = arith.constant 128 : i32
            %mul3A_423 = arith.muli %add3A_421, %mul3A_422 : i32
            %dma_start3A_424 = tpu.memref_slice %arg3[%mul3A_423] : memref<320000xi32, #tpu.memory_space<hbm>> -> memref<128xi32, #tpu.memory_space<hbm>>
            %dma_start3A_425 = tpu.memref_slice %arg3[%mul3A_423] : memref<320000xi32, #tpu.memory_space<hbm>> -> memref<128xi32, #tpu.memory_space<hbm>>
            tpu.enqueue_dma source(%dma_start3A_425 : memref<128xi32, #tpu.memory_space<hbm>>) target(%arg7 : memref<128xi32, #tpu.memory_space<vmem>>) target_semaphore(%arg20 : memref<!tpu.dma_semaphore, #tpu.memory_space<semaphore_mem>>)
          } else {
          }
        } else {
        }
      } else {
      }
    }
    %dma_wait3A_168 = arith.constant 0 : i32
    %dma_wait3A_169 = arith.constant 0 : i32
    %dma_wait3A_170 = tpu.memref_slice %arg2[%dma_wait3A_168, %dma_wait3A_169] : memref<10000x128xf32, #tpu.memory_space<hbm>> -> memref<128x128xf32, #tpu.memory_space<hbm>>
    %dma_wait3A_171 = arith.constant 0 : i32
    %dma_wait3A_172 = arith.constant 0 : i32
    %dma_wait3A_173 = tpu.memref_slice %arg2[%dma_wait3A_171, %dma_wait3A_172] : memref<10000x128xf32, #tpu.memory_space<hbm>> -> memref<128x128xf32, #tpu.memory_space<hbm>>
    tpu.wait_dma2 semaphore(%arg25 : memref<!tpu.dma_semaphore, #tpu.memory_space<semaphore_mem>>) src(%dma_wait3A_173 : memref<128x128xf32, #tpu.memory_space<hbm>>) dst(%arg15 : memref<128x128xf32, #tpu.memory_space<vmem>>)
    %dma_wait3A_174 = arith.constant 0 : i32
    %dma_wait3A_175 = arith.constant 0 : i32
    %dma_wait3A_176 = tpu.memref_slice %arg2[%dma_wait3A_174, %dma_wait3A_175] : memref<10000x128xf32, #tpu.memory_space<hbm>> -> memref<128x128xf32, #tpu.memory_space<hbm>>
    %dma_wait3A_177 = arith.constant 0 : i32
    %dma_wait3A_178 = arith.constant 0 : i32
    %dma_wait3A_179 = tpu.memref_slice %arg2[%dma_wait3A_177, %dma_wait3A_178] : memref<10000x128xf32, #tpu.memory_space<hbm>> -> memref<128x128xf32, #tpu.memory_space<hbm>>
    tpu.wait_dma2 semaphore(%arg26 : memref<!tpu.dma_semaphore, #tpu.memory_space<semaphore_mem>>) src(%dma_wait3A_179 : memref<128x128xf32, #tpu.memory_space<hbm>>) dst(%arg16 : memref<128x128xf32, #tpu.memory_space<vmem>>)
    %dma_wait3A_180 = arith.constant 0 : i32
    %dma_wait3A_181 = arith.constant 0 : i32
    %dma_wait3A_182 = tpu.memref_slice %arg2[%dma_wait3A_180, %dma_wait3A_181] : memref<10000x128xf32, #tpu.memory_space<hbm>> -> memref<128x128xf32, #tpu.memory_space<hbm>>
    %dma_wait3A_183 = arith.constant 0 : i32
    %dma_wait3A_184 = arith.constant 0 : i32
    %dma_wait3A_185 = tpu.memref_slice %arg2[%dma_wait3A_183, %dma_wait3A_184] : memref<10000x128xf32, #tpu.memory_space<hbm>> -> memref<128x128xf32, #tpu.memory_space<hbm>>
    tpu.wait_dma2 semaphore(%arg27 : memref<!tpu.dma_semaphore, #tpu.memory_space<semaphore_mem>>) src(%dma_wait3A_185 : memref<128x128xf32, #tpu.memory_space<hbm>>) dst(%arg17 : memref<128x128xf32, #tpu.memory_space<vmem>>)
    %barrier3A_186 = arith.constant 0 : index
    tpu.barrier barrier_id(%barrier3A_186)
    %mul3A_187 = arith.constant 624 : i32
    %mul3A_188 = arith.muli %arg1, %mul3A_187 : i32
    %mul3A_189 = arith.constant 624 : i32
    %mul3A_190 = arith.muli %arg1, %mul3A_189 : i32
    "tpu.region"() ({
      %run_scoped3A = tpu.sem_alloc : memref<!tpu.dma_semaphore, #tpu.memory_space<semaphore_mem>>
      %dma_start3A_191 = arith.constant 0 : i32
      %dma_start3A_192 = tpu.memref_slice %arg5[%arg0, %mul3A_190, %dma_start3A_191] : memref<2x10000x128xf32, #tpu.memory_space<hbm>> -> memref<1x640x128xf32, #tpu.memory_space<hbm>>
      %dma_start3A_193 = tpu.memref_squeeze %dma_start3A_192 : memref<1x640x128xf32, #tpu.memory_space<hbm>> -> memref<640x128xf32, #tpu.memory_space<hbm>>
      %dma_start3A_194 = arith.constant 0 : i32
      %dma_start3A_195 = tpu.memref_slice %arg18[%mul3A_188, %dma_start3A_194] : memref<10000x128xf32, #tpu.memory_space<vmem_shared>> -> memref<640x128xf32, #tpu.memory_space<vmem_shared>>
      tpu.enqueue_dma source(%dma_start3A_195 : memref<640x128xf32, #tpu.memory_space<vmem_shared>>) target(%dma_start3A_193 : memref<640x128xf32, #tpu.memory_space<hbm>>) target_semaphore(%run_scoped3A : memref<!tpu.dma_semaphore, #tpu.memory_space<semaphore_mem>>)
      %dma_wait3A_196 = arith.constant 0 : i32
      %dma_wait3A_197 = tpu.memref_slice %arg5[%arg0, %mul3A_190, %dma_wait3A_196] : memref<2x10000x128xf32, #tpu.memory_space<hbm>> -> memref<1x640x128xf32, #tpu.memory_space<hbm>>
      %dma_wait3A_198 = tpu.memref_squeeze %dma_wait3A_197 : memref<1x640x128xf32, #tpu.memory_space<hbm>> -> memref<640x128xf32, #tpu.memory_space<hbm>>
      %dma_wait3A_199 = arith.constant 0 : i32
      %dma_wait3A_200 = tpu.memref_slice %arg18[%mul3A_188, %dma_wait3A_199] : memref<10000x128xf32, #tpu.memory_space<vmem_shared>> -> memref<640x128xf32, #tpu.memory_space<vmem_shared>>
      tpu.wait_dma2 semaphore(%run_scoped3A : memref<!tpu.dma_semaphore, #tpu.memory_space<semaphore_mem>>) src(%dma_wait3A_200 : memref<640x128xf32, #tpu.memory_space<vmem_shared>>) dst(%dma_wait3A_198 : memref<640x128xf32, #tpu.memory_space<hbm>>)
      tpu.yield
    }) : () -> ()
    return
  }
}

#map = affine_map<(d0, d1) -> (0, 0)>
#map1 = affine_map<(d0, d1) -> (0)>
#map2 = affine_map<(d0, d1) -> (0, 0, 0)>
module attributes {stable_mosaic.version = 14 : i64} {
  func.func @mp(%arg0: i32, %arg1: i32, %arg2: memref<10000x128xf32, #tpu.memory_space<hbm>>, %arg3: memref<320000xi32, #tpu.memory_space<hbm>>, %arg4: memref<640x128xf32, #tpu.memory_space<hbm>>, %arg5: memref<2x10000x128xf32, #tpu.memory_space<hbm>>, %arg6: memref<128xi32, #tpu.memory_space<vmem>>, %arg7: memref<128xi32, #tpu.memory_space<vmem>>, %arg8: memref<128xi32, #tpu.memory_space<vmem>>, %arg9: memref<128xi32, #tpu.memory_space<vmem>>, %arg10: memref<128xi32, #tpu.memory_space<vmem>>, %arg11: memref<128xi32, #tpu.memory_space<vmem>>, %arg12: memref<128xi32, #tpu.memory_space<vmem>>, %arg13: memref<128xi32, #tpu.memory_space<vmem>>, %arg14: memref<128xi32, #tpu.memory_space<vmem>>, %arg15: memref<128x128xf32, #tpu.memory_space<vmem>>, %arg16: memref<128x128xf32, #tpu.memory_space<vmem>>, %arg17: memref<128x128xf32, #tpu.memory_space<vmem>>, %arg18: memref<10000x128xf32, #tpu.memory_space<vmem_shared>>, %arg19: memref<!tpu.dma_semaphore, #tpu.memory_space<semaphore_mem>>, %arg20: memref<!tpu.dma_semaphore, #tpu.memory_space<semaphore_mem>>, %arg21: memref<!tpu.dma_semaphore, #tpu.memory_space<semaphore_mem>>, %arg22: memref<!tpu.dma_semaphore, #tpu.memory_space<semaphore_mem>>, %arg23: memref<!tpu.dma_semaphore, #tpu.memory_space<semaphore_mem>>, %arg24: memref<!tpu.dma_semaphore, #tpu.memory_space<semaphore_mem>>, %arg25: memref<!tpu.dma_semaphore, #tpu.memory_space<semaphore_mem>>, %arg26: memref<!tpu.dma_semaphore, #tpu.memory_space<semaphore_mem>>, %arg27: memref<!tpu.dma_semaphore, #tpu.memory_space<semaphore_mem>>, %arg28: memref<!tpu.dma_semaphore, #tpu.memory_space<semaphore_mem>>) attributes {dimension_semantics = [#tpu.dimension_semantics<core_parallel>, #tpu.dimension_semantics<subcore_parallel>], iteration_bounds = array<i64: 2, 16>, scalar_prefetch = 0 : i64, scratch_operands = 23 : i64, tpu.core_type = #tpu.core_type<sc_vector_subcore>, window_params = [{transform_indices = #map}, {transform_indices = #map1}, {transform_indices = #map}, {transform_indices = #map2}]} {
    %mul3A = arith.constant 624 : i32
    %mul3A_0 = arith.muli %arg1, %mul3A : i32
    %dma_start3A = arith.constant 0 : i32
    %dma_start3A_1 = tpu.memref_slice %arg18[%mul3A_0, %dma_start3A] : memref<10000x128xf32, #tpu.memory_space<vmem_shared>> -> memref<640x128xf32, #tpu.memory_space<vmem_shared>>
    tpu.enqueue_dma source(%arg4 : memref<640x128xf32, #tpu.memory_space<hbm>>) target(%dma_start3A_1 : memref<640x128xf32, #tpu.memory_space<vmem_shared>>) target_semaphore(%arg28 : memref<!tpu.dma_semaphore, #tpu.memory_space<semaphore_mem>>)
    %mul3A_2 = arith.constant 2 : i32
    %mul3A_3 = arith.muli %arg1, %mul3A_2 : i32
    %add3A = arith.addi %mul3A_3, %arg0 : i32
    %lt3A = arith.constant 4 : i32
    %lt3A_4 = arith.cmpi slt, %add3A, %lt3A : i32
    %select_n3A = arith.constant 78 : i32
    %select_n3A_5 = arith.constant 79 : i32
    %select_n3A_6 = arith.select %lt3A_4, %select_n3A_5, %select_n3A : i32
    %add3A_7 = arith.constant 0 : i32
    %add3A_8 = arith.addi %add3A_7, %add3A : i32
    %mul3A_9 = arith.constant 128 : i32
    %mul3A_10 = arith.muli %add3A_8, %mul3A_9 : i32
    %dma_start3A_11 = tpu.memref_slice %arg3[%mul3A_10] : memref<320000xi32, #tpu.memory_space<hbm>> -> memref<128xi32, #tpu.memory_space<hbm>>
    %dma_start3A_12 = tpu.memref_slice %arg3[%mul3A_10] : memref<320000xi32, #tpu.memory_space<hbm>> -> memref<128xi32, #tpu.memory_space<hbm>>
    tpu.enqueue_dma source(%dma_start3A_12 : memref<128xi32, #tpu.memory_space<hbm>>) target(%arg6 : memref<128xi32, #tpu.memory_space<vmem>>) target_semaphore(%arg19 : memref<!tpu.dma_semaphore, #tpu.memory_space<semaphore_mem>>)
    %add3A_13 = arith.constant 32 : i32
    %add3A_14 = arith.addi %add3A_13, %add3A : i32
    %mul3A_15 = arith.constant 128 : i32
    %mul3A_16 = arith.muli %add3A_14, %mul3A_15 : i32
    %dma_start3A_17 = tpu.memref_slice %arg3[%mul3A_16] : memref<320000xi32, #tpu.memory_space<hbm>> -> memref<128xi32, #tpu.memory_space<hbm>>
    %dma_start3A_18 = tpu.memref_slice %arg3[%mul3A_16] : memref<320000xi32, #tpu.memory_space<hbm>> -> memref<128xi32, #tpu.memory_space<hbm>>
    tpu.enqueue_dma source(%dma_start3A_18 : memref<128xi32, #tpu.memory_space<hbm>>) target(%arg7 : memref<128xi32, #tpu.memory_space<vmem>>) target_semaphore(%arg20 : memref<!tpu.dma_semaphore, #tpu.memory_space<semaphore_mem>>)
    %dma_wait3A = arith.constant 0 : i32
    %dma_wait3A_19 = tpu.memref_slice %arg3[%dma_wait3A] : memref<320000xi32, #tpu.memory_space<hbm>> -> memref<128xi32, #tpu.memory_space<hbm>>
    %dma_wait3A_20 = arith.constant 0 : i32
    %dma_wait3A_21 = tpu.memref_slice %arg3[%dma_wait3A_20] : memref<320000xi32, #tpu.memory_space<hbm>> -> memref<128xi32, #tpu.memory_space<hbm>>
    tpu.wait_dma2 semaphore(%arg19 : memref<!tpu.dma_semaphore, #tpu.memory_space<semaphore_mem>>) src(%dma_wait3A_21 : memref<128xi32, #tpu.memory_space<hbm>>) dst(%arg6 : memref<128xi32, #tpu.memory_space<vmem>>)
    %get3A = arith.constant 0 : index
    %get3A_22 = tpu.vector_load %arg6[%get3A] {strides = array<i32>} : memref<128xi32, #tpu.memory_space<vmem>>, vector<16xi32>,
    %get3A_23 = vector.shape_cast %get3A_22 : vector<16xi32> to vector<16xi32>
    %and3A = arith.constant 65535 : i32
    %and3A_24 = vector.broadcast %and3A : i32 to vector<16xi32>
    %and3A_25 = arith.andi %get3A_23, %and3A_24 : vector<16xi32>
    %swap3A = arith.constant 0 : index
    %swap3A_26 = tpu.vector_load %arg9[%swap3A] {strides = array<i32>} : memref<128xi32, #tpu.memory_space<vmem>>, vector<16xi32>,
    %swap3A_27 = vector.shape_cast %swap3A_26 : vector<16xi32> to vector<16xi32>
    %swap3A_28 = vector.shape_cast %and3A_25 : vector<16xi32> to vector<16xi32>
    tpu.vector_store %arg9[%swap3A], %swap3A_28 {strides = array<i32>} : memref<128xi32, #tpu.memory_space<vmem>>, vector<16xi32>,
    %shift_right_logical3A = arith.constant 16 : i32
    %shift_right_logical3A_29 = vector.broadcast %shift_right_logical3A : i32 to vector<16xi32>
    %shift_right_logical3A_30 = arith.shrui %get3A_23, %shift_right_logical3A_29 : vector<16xi32>
    %swap3A_31 = arith.constant 0 : index
    %swap3A_32 = tpu.vector_load %arg12[%swap3A_31] {strides = array<i32>} : memref<128xi32, #tpu.memory_space<vmem>>, vector<16xi32>,
    %swap3A_33 = vector.shape_cast %swap3A_32 : vector<16xi32> to vector<16xi32>
    %swap3A_34 = vector.shape_cast %shift_right_logical3A_30 : vector<16xi32> to vector<16xi32>
    tpu.vector_store %arg12[%swap3A_31], %swap3A_34 {strides = array<i32>} : memref<128xi32, #tpu.memory_space<vmem>>, vector<16xi32>,
    %get3A_35 = arith.constant 16 : index
    %get3A_36 = tpu.vector_load %arg6[%get3A_35] {strides = array<i32>} : memref<128xi32, #tpu.memory_space<vmem>>, vector<16xi32>,
    %get3A_37 = vector.shape_cast %get3A_36 : vector<16xi32> to vector<16xi32>
    %and3A_38 = arith.constant 65535 : i32
    %and3A_39 = vector.broadcast %and3A_38 : i32 to vector<16xi32>
    %and3A_40 = arith.andi %get3A_37, %and3A_39 : vector<16xi32>
    %swap3A_41 = arith.constant 16 : index
    %swap3A_42 = tpu.vector_load %arg9[%swap3A_41] {strides = array<i32>} : memref<128xi32, #tpu.memory_space<vmem>>, vector<16xi32>,
    %swap3A_43 = vector.shape_cast %swap3A_42 : vector<16xi32> to vector<16xi32>
    %swap3A_44 = vector.shape_cast %and3A_40 : vector<16xi32> to vector<16xi32>
    tpu.vector_store %arg9[%swap3A_41], %swap3A_44 {strides = array<i32>} : memref<128xi32, #tpu.memory_space<vmem>>, vector<16xi32>,
    %shift_right_logical3A_45 = arith.constant 16 : i32
    %shift_right_logical3A_46 = vector.broadcast %shift_right_logical3A_45 : i32 to vector<16xi32>
    %shift_right_logical3A_47 = arith.shrui %get3A_37, %shift_right_logical3A_46 : vector<16xi32>
    %swap3A_48 = arith.constant 16 : index
    %swap3A_49 = tpu.vector_load %arg12[%swap3A_48] {strides = array<i32>} : memref<128xi32, #tpu.memory_space<vmem>>, vector<16xi32>,
    %swap3A_50 = vector.shape_cast %swap3A_49 : vector<16xi32> to vector<16xi32>
    %swap3A_51 = vector.shape_cast %shift_right_logical3A_47 : vector<16xi32> to vector<16xi32>
    tpu.vector_store %arg12[%swap3A_48], %swap3A_51 {strides = array<i32>} : memref<128xi32, #tpu.memory_space<vmem>>, vector<16xi32>,
    %get3A_52 = arith.constant 32 : index
    %get3A_53 = tpu.vector_load %arg6[%get3A_52] {strides = array<i32>} : memref<128xi32, #tpu.memory_space<vmem>>, vector<16xi32>,
    %get3A_54 = vector.shape_cast %get3A_53 : vector<16xi32> to vector<16xi32>
    %and3A_55 = arith.constant 65535 : i32
    %and3A_56 = vector.broadcast %and3A_55 : i32 to vector<16xi32>
    %and3A_57 = arith.andi %get3A_54, %and3A_56 : vector<16xi32>
    %swap3A_58 = arith.constant 32 : index
    %swap3A_59 = tpu.vector_load %arg9[%swap3A_58] {strides = array<i32>} : memref<128xi32, #tpu.memory_space<vmem>>, vector<16xi32>,
    %swap3A_60 = vector.shape_cast %swap3A_59 : vector<16xi32> to vector<16xi32>
    %swap3A_61 = vector.shape_cast %and3A_57 : vector<16xi32> to vector<16xi32>
    tpu.vector_store %arg9[%swap3A_58], %swap3A_61 {strides = array<i32>} : memref<128xi32, #tpu.memory_space<vmem>>, vector<16xi32>,
    %shift_right_logical3A_62 = arith.constant 16 : i32
    %shift_right_logical3A_63 = vector.broadcast %shift_right_logical3A_62 : i32 to vector<16xi32>
    %shift_right_logical3A_64 = arith.shrui %get3A_54, %shift_right_logical3A_63 : vector<16xi32>
    %swap3A_65 = arith.constant 32 : index
    %swap3A_66 = tpu.vector_load %arg12[%swap3A_65] {strides = array<i32>} : memref<128xi32, #tpu.memory_space<vmem>>, vector<16xi32>,
    %swap3A_67 = vector.shape_cast %swap3A_66 : vector<16xi32> to vector<16xi32>
    %swap3A_68 = vector.shape_cast %shift_right_logical3A_64 : vector<16xi32> to vector<16xi32>
    tpu.vector_store %arg12[%swap3A_65], %swap3A_68 {strides = array<i32>} : memref<128xi32, #tpu.memory_space<vmem>>, vector<16xi32>,
    %get3A_69 = arith.constant 48 : index
    %get3A_70 = tpu.vector_load %arg6[%get3A_69] {strides = array<i32>} : memref<128xi32, #tpu.memory_space<vmem>>, vector<16xi32>,
    %get3A_71 = vector.shape_cast %get3A_70 : vector<16xi32> to vector<16xi32>
    %and3A_72 = arith.constant 65535 : i32
    %and3A_73 = vector.broadcast %and3A_72 : i32 to vector<16xi32>
    %and3A_74 = arith.andi %get3A_71, %and3A_73 : vector<16xi32>
    %swap3A_75 = arith.constant 48 : index
    %swap3A_76 = tpu.vector_load %arg9[%swap3A_75] {strides = array<i32>} : memref<128xi32, #tpu.memory_space<vmem>>, vector<16xi32>,
    %swap3A_77 = vector.shape_cast %swap3A_76 : vector<16xi32> to vector<16xi32>
    %swap3A_78 = vector.shape_cast %and3A_74 : vector<16xi32> to vector<16xi32>
    tpu.vector_store %arg9[%swap3A_75], %swap3A_78 {strides = array<i32>} : memref<128xi32, #tpu.memory_space<vmem>>, vector<16xi32>,
    %shift_right_logical3A_79 = arith.constant 16 : i32
    %shift_right_logical3A_80 = vector.broadcast %shift_right_logical3A_79 : i32 to vector<16xi32>
    %shift_right_logical3A_81 = arith.shrui %get3A_71, %shift_right_logical3A_80 : vector<16xi32>
    %swap3A_82 = arith.constant 48 : index
    %swap3A_83 = tpu.vector_load %arg12[%swap3A_82] {strides = array<i32>} : memref<128xi32, #tpu.memory_space<vmem>>, vector<16xi32>,
    %swap3A_84 = vector.shape_cast %swap3A_83 : vector<16xi32> to vector<16xi32>
    %swap3A_85 = vector.shape_cast %shift_right_logical3A_81 : vector<16xi32> to vector<16xi32>
    tpu.vector_store %arg12[%swap3A_82], %swap3A_85 {strides = array<i32>} : memref<128xi32, #tpu.memory_space<vmem>>, vector<16xi32>,
    %get3A_86 = arith.constant 64 : index
    %get3A_87 = tpu.vector_load %arg6[%get3A_86] {strides = array<i32>} : memref<128xi32, #tpu.memory_space<vmem>>, vector<16xi32>,
    %get3A_88 = vector.shape_cast %get3A_87 : vector<16xi32> to vector<16xi32>
    %and3A_89 = arith.constant 65535 : i32
    %and3A_90 = vector.broadcast %and3A_89 : i32 to vector<16xi32>
    %and3A_91 = arith.andi %get3A_88, %and3A_90 : vector<16xi32>
    %swap3A_92 = arith.constant 64 : index
    %swap3A_93 = tpu.vector_load %arg9[%swap3A_92] {strides = array<i32>} : memref<128xi32, #tpu.memory_space<vmem>>, vector<16xi32>,
    %swap3A_94 = vector.shape_cast %swap3A_93 : vector<16xi32> to vector<16xi32>
    %swap3A_95 = vector.shape_cast %and3A_91 : vector<16xi32> to vector<16xi32>
    tpu.vector_store %arg9[%swap3A_92], %swap3A_95 {strides = array<i32>} : memref<128xi32, #tpu.memory_space<vmem>>, vector<16xi32>,
    %shift_right_logical3A_96 = arith.constant 16 : i32
    %shift_right_logical3A_97 = vector.broadcast %shift_right_logical3A_96 : i32 to vector<16xi32>
    %shift_right_logical3A_98 = arith.shrui %get3A_88, %shift_right_logical3A_97 : vector<16xi32>
    %swap3A_99 = arith.constant 64 : index
    %swap3A_100 = tpu.vector_load %arg12[%swap3A_99] {strides = array<i32>} : memref<128xi32, #tpu.memory_space<vmem>>, vector<16xi32>,
    %swap3A_101 = vector.shape_cast %swap3A_100 : vector<16xi32> to vector<16xi32>
    %swap3A_102 = vector.shape_cast %shift_right_logical3A_98 : vector<16xi32> to vector<16xi32>
    tpu.vector_store %arg12[%swap3A_99], %swap3A_102 {strides = array<i32>} : memref<128xi32, #tpu.memory_space<vmem>>, vector<16xi32>,
    %get3A_103 = arith.constant 80 : index
    %get3A_104 = tpu.vector_load %arg6[%get3A_103] {strides = array<i32>} : memref<128xi32, #tpu.memory_space<vmem>>, vector<16xi32>,
    %get3A_105 = vector.shape_cast %get3A_104 : vector<16xi32> to vector<16xi32>
    %and3A_106 = arith.constant 65535 : i32
    %and3A_107 = vector.broadcast %and3A_106 : i32 to vector<16xi32>
    %and3A_108 = arith.andi %get3A_105, %and3A_107 : vector<16xi32>
    %swap3A_109 = arith.constant 80 : index
    %swap3A_110 = tpu.vector_load %arg9[%swap3A_109] {strides = array<i32>} : memref<128xi32, #tpu.memory_space<vmem>>, vector<16xi32>,
    %swap3A_111 = vector.shape_cast %swap3A_110 : vector<16xi32> to vector<16xi32>
    %swap3A_112 = vector.shape_cast %and3A_108 : vector<16xi32> to vector<16xi32>
    tpu.vector_store %arg9[%swap3A_109], %swap3A_112 {strides = array<i32>} : memref<128xi32, #tpu.memory_space<vmem>>, vector<16xi32>,
    %shift_right_logical3A_113 = arith.constant 16 : i32
    %shift_right_logical3A_114 = vector.broadcast %shift_right_logical3A_113 : i32 to vector<16xi32>
    %shift_right_logical3A_115 = arith.shrui %get3A_105, %shift_right_logical3A_114 : vector<16xi32>
    %swap3A_116 = arith.constant 80 : index
    %swap3A_117 = tpu.vector_load %arg12[%swap3A_116] {strides = array<i32>} : memref<128xi32, #tpu.memory_space<vmem>>, vector<16xi32>,
    %swap3A_118 = vector.shape_cast %swap3A_117 : vector<16xi32> to vector<16xi32>
    %swap3A_119 = vector.shape_cast %shift_right_logical3A_115 : vector<16xi32> to vector<16xi32>
    tpu.vector_store %arg12[%swap3A_116], %swap3A_119 {strides = array<i32>} : memref<128xi32, #tpu.memory_space<vmem>>, vector<16xi32>,
    %get3A_120 = arith.constant 96 : index
    %get3A_121 = tpu.vector_load %arg6[%get3A_120] {strides = array<i32>} : memref<128xi32, #tpu.memory_space<vmem>>, vector<16xi32>,
    %get3A_122 = vector.shape_cast %get3A_121 : vector<16xi32> to vector<16xi32>
    %and3A_123 = arith.constant 65535 : i32
    %and3A_124 = vector.broadcast %and3A_123 : i32 to vector<16xi32>
    %and3A_125 = arith.andi %get3A_122, %and3A_124 : vector<16xi32>
    %swap3A_126 = arith.constant 96 : index
    %swap3A_127 = tpu.vector_load %arg9[%swap3A_126] {strides = array<i32>} : memref<128xi32, #tpu.memory_space<vmem>>, vector<16xi32>,
    %swap3A_128 = vector.shape_cast %swap3A_127 : vector<16xi32> to vector<16xi32>
    %swap3A_129 = vector.shape_cast %and3A_125 : vector<16xi32> to vector<16xi32>
    tpu.vector_store %arg9[%swap3A_126], %swap3A_129 {strides = array<i32>} : memref<128xi32, #tpu.memory_space<vmem>>, vector<16xi32>,
    %shift_right_logical3A_130 = arith.constant 16 : i32
    %shift_right_logical3A_131 = vector.broadcast %shift_right_logical3A_130 : i32 to vector<16xi32>
    %shift_right_logical3A_132 = arith.shrui %get3A_122, %shift_right_logical3A_131 : vector<16xi32>
    %swap3A_133 = arith.constant 96 : index
    %swap3A_134 = tpu.vector_load %arg12[%swap3A_133] {strides = array<i32>} : memref<128xi32, #tpu.memory_space<vmem>>, vector<16xi32>,
    %swap3A_135 = vector.shape_cast %swap3A_134 : vector<16xi32> to vector<16xi32>
    %swap3A_136 = vector.shape_cast %shift_right_logical3A_132 : vector<16xi32> to vector<16xi32>
    tpu.vector_store %arg12[%swap3A_133], %swap3A_136 {strides = array<i32>} : memref<128xi32, #tpu.memory_space<vmem>>, vector<16xi32>,
    %get3A_137 = arith.constant 112 : index
    %get3A_138 = tpu.vector_load %arg6[%get3A_137] {strides = array<i32>} : memref<128xi32, #tpu.memory_space<vmem>>, vector<16xi32>,
    %get3A_139 = vector.shape_cast %get3A_138 : vector<16xi32> to vector<16xi32>
    %and3A_140 = arith.constant 65535 : i32
    %and3A_141 = vector.broadcast %and3A_140 : i32 to vector<16xi32>
    %and3A_142 = arith.andi %get3A_139, %and3A_141 : vector<16xi32>
    %swap3A_143 = arith.constant 112 : index
    %swap3A_144 = tpu.vector_load %arg9[%swap3A_143] {strides = array<i32>} : memref<128xi32, #tpu.memory_space<vmem>>, vector<16xi32>,
    %swap3A_145 = vector.shape_cast %swap3A_144 : vector<16xi32> to vector<16xi32>
    %swap3A_146 = vector.shape_cast %and3A_142 : vector<16xi32> to vector<16xi32>
    tpu.vector_store %arg9[%swap3A_143], %swap3A_146 {strides = array<i32>} : memref<128xi32, #tpu.memory_space<vmem>>, vector<16xi32>,
    %shift_right_logical3A_147 = arith.constant 16 : i32
    %shift_right_logical3A_148 = vector.broadcast %shift_right_logical3A_147 : i32 to vector<16xi32>
    %shift_right_logical3A_149 = arith.shrui %get3A_139, %shift_right_logical3A_148 : vector<16xi32>
    %swap3A_150 = arith.constant 112 : index
    %swap3A_151 = tpu.vector_load %arg12[%swap3A_150] {strides = array<i32>} : memref<128xi32, #tpu.memory_space<vmem>>, vector<16xi32>,
    %swap3A_152 = vector.shape_cast %swap3A_151 : vector<16xi32> to vector<16xi32>
    %swap3A_153 = vector.shape_cast %shift_right_logical3A_149 : vector<16xi32> to vector<16xi32>
    tpu.vector_store %arg12[%swap3A_150], %swap3A_153 {strides = array<i32>} : memref<128xi32, #tpu.memory_space<vmem>>, vector<16xi32>,
    %dma_start3A_154 = arith.constant 0 : i32
    %dma_start3A_155 = arith.constant 0 : i32
    %dma_start3A_156 = tpu.memref_slice %arg2[%dma_start3A_154, %dma_start3A_155] : memref<10000x128xf32, #tpu.memory_space<hbm>> -> memref<10000x128xf32, #tpu.memory_space<hbm>>
    tpu.enqueue_indirect_dma source(%dma_start3A_156 : memref<10000x128xf32, #tpu.memory_space<hbm>>) target(%arg15 : memref<128x128xf32, #tpu.memory_space<vmem>>) offsets(%arg9 : memref<128xi32, #tpu.memory_space<vmem>>) semaphore(%arg22 : memref<!tpu.dma_semaphore, #tpu.memory_space<semaphore_mem>>)
    %dma_wait3A_157 = arith.constant 0 : i32
    %dma_wait3A_158 = tpu.memref_slice %arg18[%mul3A_0, %dma_wait3A_157] : memref<10000x128xf32, #tpu.memory_space<vmem_shared>> -> memref<640x128xf32, #tpu.memory_space<vmem_shared>>
    tpu.wait_dma2 semaphore(%arg28 : memref<!tpu.dma_semaphore, #tpu.memory_space<semaphore_mem>>) src(%arg4 : memref<640x128xf32, #tpu.memory_space<hbm>>) dst(%dma_wait3A_158 : memref<640x128xf32, #tpu.memory_space<vmem_shared>>)
    %barrier3A = arith.constant 0 : index
    tpu.barrier barrier_id(%barrier3A)
    %while3A = arith.constant 0 : i32
    %while3A_159 = arith.constant 0 : i32
    %while3A_160 = arith.subi %select_n3A_6, %while3A_159 : i32
    %while3A_161 = arith.addi %while3A_159, %while3A_160 : i32
    %while3A_162 = arith.constant 1 : i32
    %while3A_163 = arith.divsi %while3A_160, %while3A_162 : i32
    %while3A_164 = arith.muli %while3A_163, %while3A_162 : i32
    %while3A_165 = arith.addi %while3A_159, %while3A_164 : i32
    %while3A_166 = arith.constant 1 : i32
    scf.for %while3A_191 = %while3A_159 to %while3A_165 step %while3A_166  : i32 {
      %jit3A = arith.constant 3 : i32
      %eq3A = arith.constant 0 : i32
      %eq3A_192 = arith.cmpi eq, %jit3A, %eq3A : i32
      %jit3A_193 = arith.constant 1 : i32
      %select_n3A_194 = arith.select %eq3A_192, %jit3A_193, %jit3A : i32
      %rem3A = arith.remsi %while3A_191, %select_n3A_194 : i32
      %ne3A = arith.constant 0 : i32
      %ne3A_195 = arith.cmpi ne, %rem3A, %ne3A : i32
      %lt3A_196 = arith.constant 0 : i32
      %lt3A_197 = arith.cmpi slt, %rem3A, %lt3A_196 : i32
      %lt3A_198 = arith.constant 0 : i32
      %lt3A_199 = arith.cmpi slt, %select_n3A_194, %lt3A_198 : i32
      %ne3A_200 = arith.xori %lt3A_197, %lt3A_199 : i1
      %and3A_201 = arith.andi %ne3A_200, %ne3A_195 : i1
      %add3A_202 = arith.addi %rem3A, %select_n3A_194 : i32
      %select_n3A_203 = arith.select %and3A_201, %add3A_202, %rem3A : i32
      %eq3A_204 = arith.constant 0 : i32
      %eq3A_205 = arith.cmpi eq, %select_n3A_203, %eq3A_204 : i32
      %convert_element_type3A = arith.extui %eq3A_205 : i1 to i32
      %cond3A = arith.constant 0 : i32
      %cond3A_206 = arith.cmpi ne, %convert_element_type3A, %cond3A : i32
      scf.if %cond3A_206 {
        %dma_wait3A_249 = arith.constant 0 : i32
        %dma_wait3A_250 = arith.constant 0 : i32
        %dma_wait3A_251 = tpu.memref_slice %arg2[%dma_wait3A_249, %dma_wait3A_250] : memref<10000x128xf32, #tpu.memory_space<hbm>> -> memref<128x128xf32, #tpu.memory_space<hbm>>
        %dma_wait3A_252 = arith.constant 0 : i32
        %dma_wait3A_253 = arith.constant 0 : i32
        %dma_wait3A_254 = tpu.memref_slice %arg2[%dma_wait3A_252, %dma_wait3A_253] : memref<10000x128xf32, #tpu.memory_space<hbm>> -> memref<128x128xf32, #tpu.memory_space<hbm>>
        tpu.wait_dma2 semaphore(%arg22 : memref<!tpu.dma_semaphore, #tpu.memory_space<semaphore_mem>>) src(%dma_wait3A_254 : memref<128x128xf32, #tpu.memory_space<hbm>>) dst(%arg15 : memref<128x128xf32, #tpu.memory_space<vmem>>)
        %dma_start3A_255 = arith.constant 0 : i32
        %dma_start3A_256 = arith.constant 0 : i32
        %dma_start3A_257 = tpu.memref_slice %arg18[%dma_start3A_255, %dma_start3A_256] : memref<10000x128xf32, #tpu.memory_space<vmem_shared>> -> memref<10000x128xf32, #tpu.memory_space<vmem_shared>>
        tpu.enqueue_indirect_dma source(%arg15 : memref<128x128xf32, #tpu.memory_space<vmem>>) target(%dma_start3A_257 : memref<10000x128xf32, #tpu.memory_space<vmem_shared>>) offsets(%arg12 : memref<128xi32, #tpu.memory_space<vmem>>) semaphore(%arg25 : memref<!tpu.dma_semaphore, #tpu.memory_space<semaphore_mem>>) {add = true}
        %add3A_258 = arith.constant 1 : i32
        %add3A_259 = arith.addi %while3A_191, %add3A_258 : i32
        %lt3A_260 = arith.cmpi slt, %add3A_259, %select_n3A_6 : i32
        %convert_element_type3A_261 = arith.extui %lt3A_260 : i1 to i32
        %cond3A_262 = arith.constant 0 : i32
        %cond3A_263 = arith.cmpi ne, %convert_element_type3A_261, %cond3A_262 : i32
        scf.if %cond3A_263 {
          %ge3A = arith.constant 2 : i32
          %ge3A_264 = arith.cmpi sge, %while3A_191, %ge3A : i32
          %convert_element_type3A_265 = arith.extui %ge3A_264 : i1 to i32
          %cond3A_266 = arith.constant 0 : i32
          %cond3A_267 = arith.cmpi ne, %convert_element_type3A_265, %cond3A_266 : i32
          scf.if %cond3A_267 {
            %dma_wait3A_417 = arith.constant 0 : i32
            %dma_wait3A_418 = arith.constant 0 : i32
            %dma_wait3A_419 = tpu.memref_slice %arg2[%dma_wait3A_417, %dma_wait3A_418] : memref<10000x128xf32, #tpu.memory_space<hbm>> -> memref<128x128xf32, #tpu.memory_space<hbm>>
            %dma_wait3A_420 = arith.constant 0 : i32
            %dma_wait3A_421 = arith.constant 0 : i32
            %dma_wait3A_422 = tpu.memref_slice %arg2[%dma_wait3A_420, %dma_wait3A_421] : memref<10000x128xf32, #tpu.memory_space<hbm>> -> memref<128x128xf32, #tpu.memory_space<hbm>>
            tpu.wait_dma2 semaphore(%arg26 : memref<!tpu.dma_semaphore, #tpu.memory_space<semaphore_mem>>) src(%dma_wait3A_422 : memref<128x128xf32, #tpu.memory_space<hbm>>) dst(%arg16 : memref<128x128xf32, #tpu.memory_space<vmem>>)
          } else {
          }
          %dma_wait3A_268 = arith.constant 0 : i32
          %dma_wait3A_269 = tpu.memref_slice %arg3[%dma_wait3A_268] : memref<320000xi32, #tpu.memory_space<hbm>> -> memref<128xi32, #tpu.memory_space<hbm>>
          %dma_wait3A_270 = arith.constant 0 : i32
          %dma_wait3A_271 = tpu.memref_slice %arg3[%dma_wait3A_270] : memref<320000xi32, #tpu.memory_space<hbm>> -> memref<128xi32, #tpu.memory_space<hbm>>
          tpu.wait_dma2 semaphore(%arg20 : memref<!tpu.dma_semaphore, #tpu.memory_space<semaphore_mem>>) src(%dma_wait3A_271 : memref<128xi32, #tpu.memory_space<hbm>>) dst(%arg7 : memref<128xi32, #tpu.memory_space<vmem>>)
          %get3A_272 = arith.constant 0 : index
          %get3A_273 = tpu.vector_load %arg7[%get3A_272] {strides = array<i32>} : memref<128xi32, #tpu.memory_space<vmem>>, vector<16xi32>,
          %get3A_274 = vector.shape_cast %get3A_273 : vector<16xi32> to vector<16xi32>
          %and3A_275 = arith.constant 65535 : i32
          %and3A_276 = vector.broadcast %and3A_275 : i32 to vector<16xi32>
          %and3A_277 = arith.andi %get3A_274, %and3A_276 : vector<16xi32>
          %swap3A_278 = arith.constant 0 : index
          %swap3A_279 = tpu.vector_load %arg10[%swap3A_278] {strides = array<i32>} : memref<128xi32, #tpu.memory_space<vmem>>, vector<16xi32>,
          %swap3A_280 = vector.shape_cast %swap3A_279 : vector<16xi32> to vector<16xi32>
          %swap3A_281 = vector.shape_cast %and3A_277 : vector<16xi32> to vector<16xi32>
          tpu.vector_store %arg10[%swap3A_278], %swap3A_281 {strides = array<i32>} : memref<128xi32, #tpu.memory_space<vmem>>, vector<16xi32>,
          %shift_right_logical3A_282 = arith.constant 16 : i32
          %shift_right_logical3A_283 = vector.broadcast %shift_right_logical3A_282 : i32 to vector<16xi32>
          %shift_right_logical3A_284 = arith.shrui %get3A_274, %shift_right_logical3A_283 : vector<16xi32>
          %swap3A_285 = arith.constant 0 : index
          %swap3A_286 = tpu.vector_load %arg13[%swap3A_285] {strides = array<i32>} : memref<128xi32, #tpu.memory_space<vmem>>, vector<16xi32>,
          %swap3A_287 = vector.shape_cast %swap3A_286 : vector<16xi32> to vector<16xi32>
          %swap3A_288 = vector.shape_cast %shift_right_logical3A_284 : vector<16xi32> to vector<16xi32>
          tpu.vector_store %arg13[%swap3A_285], %swap3A_288 {strides = array<i32>} : memref<128xi32, #tpu.memory_space<vmem>>, vector<16xi32>,
          %get3A_289 = arith.constant 16 : index
          %get3A_290 = tpu.vector_load %arg7[%get3A_289] {strides = array<i32>} : memref<128xi32, #tpu.memory_space<vmem>>, vector<16xi32>,
          %get3A_291 = vector.shape_cast %get3A_290 : vector<16xi32> to vector<16xi32>
          %and3A_292 = arith.constant 65535 : i32
          %and3A_293 = vector.broadcast %and3A_292 : i32 to vector<16xi32>
          %and3A_294 = arith.andi %get3A_291, %and3A_293 : vector<16xi32>
          %swap3A_295 = arith.constant 16 : index
          %swap3A_296 = tpu.vector_load %arg10[%swap3A_295] {strides = array<i32>} : memref<128xi32, #tpu.memory_space<vmem>>, vector<16xi32>,
          %swap3A_297 = vector.shape_cast %swap3A_296 : vector<16xi32> to vector<16xi32>
          %swap3A_298 = vector.shape_cast %and3A_294 : vector<16xi32> to vector<16xi32>
          tpu.vector_store %arg10[%swap3A_295], %swap3A_298 {strides = array<i32>} : memref<128xi32, #tpu.memory_space<vmem>>, vector<16xi32>,
          %shift_right_logical3A_299 = arith.constant 16 : i32
          %shift_right_logical3A_300 = vector.broadcast %shift_right_logical3A_299 : i32 to vector<16xi32>
          %shift_right_logical3A_301 = arith.shrui %get3A_291, %shift_right_logical3A_300 : vector<16xi32>
          %swap3A_302 = arith.constant 16 : index
          %swap3A_303 = tpu.vector_load %arg13[%swap3A_302] {strides = array<i32>} : memref<128xi32, #tpu.memory_space<vmem>>, vector<16xi32>,
          %swap3A_304 = vector.shape_cast %swap3A_303 : vector<16xi32> to vector<16xi32>
          %swap3A_305 = vector.shape_cast %shift_right_logical3A_301 : vector<16xi32> to vector<16xi32>
          tpu.vector_store %arg13[%swap3A_302], %swap3A_305 {strides = array<i32>} : memref<128xi32, #tpu.memory_space<vmem>>, vector<16xi32>,
          %get3A_306 = arith.constant 32 : index
          %get3A_307 = tpu.vector_load %arg7[%get3A_306] {strides = array<i32>} : memref<128xi32, #tpu.memory_space<vmem>>, vector<16xi32>,
          %get3A_308 = vector.shape_cast %get3A_307 : vector<16xi32> to vector<16xi32>
          %and3A_309 = arith.constant 65535 : i32
          %and3A_310 = vector.broadcast %and3A_309 : i32 to vector<16xi32>
          %and3A_311 = arith.andi %get3A_308, %and3A_310 : vector<16xi32>
          %swap3A_312 = arith.constant 32 : index
          %swap3A_313 = tpu.vector_load %arg10[%swap3A_312] {strides = array<i32>} : memref<128xi32, #tpu.memory_space<vmem>>, vector<16xi32>,
          %swap3A_314 = vector.shape_cast %swap3A_313 : vector<16xi32> to vector<16xi32>
          %swap3A_315 = vector.shape_cast %and3A_311 : vector<16xi32> to vector<16xi32>
          tpu.vector_store %arg10[%swap3A_312], %swap3A_315 {strides = array<i32>} : memref<128xi32, #tpu.memory_space<vmem>>, vector<16xi32>,
          %shift_right_logical3A_316 = arith.constant 16 : i32
          %shift_right_logical3A_317 = vector.broadcast %shift_right_logical3A_316 : i32 to vector<16xi32>
          %shift_right_logical3A_318 = arith.shrui %get3A_308, %shift_right_logical3A_317 : vector<16xi32>
          %swap3A_319 = arith.constant 32 : index
          %swap3A_320 = tpu.vector_load %arg13[%swap3A_319] {strides = array<i32>} : memref<128xi32, #tpu.memory_space<vmem>>, vector<16xi32>,
          %swap3A_321 = vector.shape_cast %swap3A_320 : vector<16xi32> to vector<16xi32>
          %swap3A_322 = vector.shape_cast %shift_right_logical3A_318 : vector<16xi32> to vector<16xi32>
          tpu.vector_store %arg13[%swap3A_319], %swap3A_322 {strides = array<i32>} : memref<128xi32, #tpu.memory_space<vmem>>, vector<16xi32>,
          %get3A_323 = arith.constant 48 : index
          %get3A_324 = tpu.vector_load %arg7[%get3A_323] {strides = array<i32>} : memref<128xi32, #tpu.memory_space<vmem>>, vector<16xi32>,
          %get3A_325 = vector.shape_cast %get3A_324 : vector<16xi32> to vector<16xi32>
          %and3A_326 = arith.constant 65535 : i32
          %and3A_327 = vector.broadcast %and3A_326 : i32 to vector<16xi32>
          %and3A_328 = arith.andi %get3A_325, %and3A_327 : vector<16xi32>
          %swap3A_329 = arith.constant 48 : index
          %swap3A_330 = tpu.vector_load %arg10[%swap3A_329] {strides = array<i32>} : memref<128xi32, #tpu.memory_space<vmem>>, vector<16xi32>,
          %swap3A_331 = vector.shape_cast %swap3A_330 : vector<16xi32> to vector<16xi32>
          %swap3A_332 = vector.shape_cast %and3A_328 : vector<16xi32> to vector<16xi32>
          tpu.vector_store %arg10[%swap3A_329], %swap3A_332 {strides = array<i32>} : memref<128xi32, #tpu.memory_space<vmem>>, vector<16xi32>,
          %shift_right_logical3A_333 = arith.constant 16 : i32
          %shift_right_logical3A_334 = vector.broadcast %shift_right_logical3A_333 : i32 to vector<16xi32>
          %shift_right_logical3A_335 = arith.shrui %get3A_325, %shift_right_logical3A_334 : vector<16xi32>
          %swap3A_336 = arith.constant 48 : index
          %swap3A_337 = tpu.vector_load %arg13[%swap3A_336] {strides = array<i32>} : memref<128xi32, #tpu.memory_space<vmem>>, vector<16xi32>,
          %swap3A_338 = vector.shape_cast %swap3A_337 : vector<16xi32> to vector<16xi32>
          %swap3A_339 = vector.shape_cast %shift_right_logical3A_335 : vector<16xi32> to vector<16xi32>
          tpu.vector_store %arg13[%swap3A_336], %swap3A_339 {strides = array<i32>} : memref<128xi32, #tpu.memory_space<vmem>>, vector<16xi32>,
          %get3A_340 = arith.constant 64 : index
          %get3A_341 = tpu.vector_load %arg7[%get3A_340] {strides = array<i32>} : memref<128xi32, #tpu.memory_space<vmem>>, vector<16xi32>,
          %get3A_342 = vector.shape_cast %get3A_341 : vector<16xi32> to vector<16xi32>
          %and3A_343 = arith.constant 65535 : i32
          %and3A_344 = vector.broadcast %and3A_343 : i32 to vector<16xi32>
          %and3A_345 = arith.andi %get3A_342, %and3A_344 : vector<16xi32>
          %swap3A_346 = arith.constant 64 : index
          %swap3A_347 = tpu.vector_load %arg10[%swap3A_346] {strides = array<i32>} : memref<128xi32, #tpu.memory_space<vmem>>, vector<16xi32>,
          %swap3A_348 = vector.shape_cast %swap3A_347 : vector<16xi32> to vector<16xi32>
          %swap3A_349 = vector.shape_cast %and3A_345 : vector<16xi32> to vector<16xi32>
          tpu.vector_store %arg10[%swap3A_346], %swap3A_349 {strides = array<i32>} : memref<128xi32, #tpu.memory_space<vmem>>, vector<16xi32>,
          %shift_right_logical3A_350 = arith.constant 16 : i32
          %shift_right_logical3A_351 = vector.broadcast %shift_right_logical3A_350 : i32 to vector<16xi32>
          %shift_right_logical3A_352 = arith.shrui %get3A_342, %shift_right_logical3A_351 : vector<16xi32>
          %swap3A_353 = arith.constant 64 : index
          %swap3A_354 = tpu.vector_load %arg13[%swap3A_353] {strides = array<i32>} : memref<128xi32, #tpu.memory_space<vmem>>, vector<16xi32>,
          %swap3A_355 = vector.shape_cast %swap3A_354 : vector<16xi32> to vector<16xi32>
          %swap3A_356 = vector.shape_cast %shift_right_logical3A_352 : vector<16xi32> to vector<16xi32>
          tpu.vector_store %arg13[%swap3A_353], %swap3A_356 {strides = array<i32>} : memref<128xi32, #tpu.memory_space<vmem>>, vector<16xi32>,
          %get3A_357 = arith.constant 80 : index
          %get3A_358 = tpu.vector_load %arg7[%get3A_357] {strides = array<i32>} : memref<128xi32, #tpu.memory_space<vmem>>, vector<16xi32>,
          %get3A_359 = vector.shape_cast %get3A_358 : vector<16xi32> to vector<16xi32>
          %and3A_360 = arith.constant 65535 : i32
          %and3A_361 = vector.broadcast %and3A_360 : i32 to vector<16xi32>
          %and3A_362 = arith.andi %get3A_359, %and3A_361 : vector<16xi32>
          %swap3A_363 = arith.constant 80 : index
          %swap3A_364 = tpu.vector_load %arg10[%swap3A_363] {strides = array<i32>} : memref<128xi32, #tpu.memory_space<vmem>>, vector<16xi32>,
          %swap3A_365 = vector.shape_cast %swap3A_364 : vector<16xi32> to vector<16xi32>
          %swap3A_366 = vector.shape_cast %and3A_362 : vector<16xi32> to vector<16xi32>
          tpu.vector_store %arg10[%swap3A_363], %swap3A_366 {strides = array<i32>} : memref<128xi32, #tpu.memory_space<vmem>>, vector<16xi32>,
          %shift_right_logical3A_367 = arith.constant 16 : i32
          %shift_right_logical3A_368 = vector.broadcast %shift_right_logical3A_367 : i32 to vector<16xi32>
          %shift_right_logical3A_369 = arith.shrui %get3A_359, %shift_right_logical3A_368 : vector<16xi32>
          %swap3A_370 = arith.constant 80 : index
          %swap3A_371 = tpu.vector_load %arg13[%swap3A_370] {strides = array<i32>} : memref<128xi32, #tpu.memory_space<vmem>>, vector<16xi32>,
          %swap3A_372 = vector.shape_cast %swap3A_371 : vector<16xi32> to vector<16xi32>
          %swap3A_373 = vector.shape_cast %shift_right_logical3A_369 : vector<16xi32> to vector<16xi32>
          tpu.vector_store %arg13[%swap3A_370], %swap3A_373 {strides = array<i32>} : memref<128xi32, #tpu.memory_space<vmem>>, vector<16xi32>,
          %get3A_374 = arith.constant 96 : index
          %get3A_375 = tpu.vector_load %arg7[%get3A_374] {strides = array<i32>} : memref<128xi32, #tpu.memory_space<vmem>>, vector<16xi32>,
          %get3A_376 = vector.shape_cast %get3A_375 : vector<16xi32> to vector<16xi32>
          %and3A_377 = arith.constant 65535 : i32
          %and3A_378 = vector.broadcast %and3A_377 : i32 to vector<16xi32>
          %and3A_379 = arith.andi %get3A_376, %and3A_378 : vector<16xi32>
          %swap3A_380 = arith.constant 96 : index
          %swap3A_381 = tpu.vector_load %arg10[%swap3A_380] {strides = array<i32>} : memref<128xi32, #tpu.memory_space<vmem>>, vector<16xi32>,
          %swap3A_382 = vector.shape_cast %swap3A_381 : vector<16xi32> to vector<16xi32>
          %swap3A_383 = vector.shape_cast %and3A_379 : vector<16xi32> to vector<16xi32>
          tpu.vector_store %arg10[%swap3A_380], %swap3A_383 {strides = array<i32>} : memref<128xi32, #tpu.memory_space<vmem>>, vector<16xi32>,
          %shift_right_logical3A_384 = arith.constant 16 : i32
          %shift_right_logical3A_385 = vector.broadcast %shift_right_logical3A_384 : i32 to vector<16xi32>
          %shift_right_logical3A_386 = arith.shrui %get3A_376, %shift_right_logical3A_385 : vector<16xi32>
          %swap3A_387 = arith.constant 96 : index
          %swap3A_388 = tpu.vector_load %arg13[%swap3A_387] {strides = array<i32>} : memref<128xi32, #tpu.memory_space<vmem>>, vector<16xi32>,
          %swap3A_389 = vector.shape_cast %swap3A_388 : vector<16xi32> to vector<16xi32>
          %swap3A_390 = vector.shape_cast %shift_right_logical3A_386 : vector<16xi32> to vector<16xi32>
          tpu.vector_store %arg13[%swap3A_387], %swap3A_390 {strides = array<i32>} : memref<128xi32, #tpu.memory_space<vmem>>, vector<16xi32>,
          %get3A_391 = arith.constant 112 : index
          %get3A_392 = tpu.vector_load %arg7[%get3A_391] {strides = array<i32>} : memref<128xi32, #tpu.memory_space<vmem>>, vector<16xi32>,
          %get3A_393 = vector.shape_cast %get3A_392 : vector<16xi32> to vector<16xi32>
          %and3A_394 = arith.constant 65535 : i32
          %and3A_395 = vector.broadcast %and3A_394 : i32 to vector<16xi32>
          %and3A_396 = arith.andi %get3A_393, %and3A_395 : vector<16xi32>
          %swap3A_397 = arith.constant 112 : index
          %swap3A_398 = tpu.vector_load %arg10[%swap3A_397] {strides = array<i32>} : memref<128xi32, #tpu.memory_space<vmem>>, vector<16xi32>,
          %swap3A_399 = vector.shape_cast %swap3A_398 : vector<16xi32> to vector<16xi32>
          %swap3A_400 = vector.shape_cast %and3A_396 : vector<16xi32> to vector<16xi32>
          tpu.vector_store %arg10[%swap3A_397], %swap3A_400 {strides = array<i32>} : memref<128xi32, #tpu.memory_space<vmem>>, vector<16xi32>,
          %shift_right_logical3A_401 = arith.constant 16 : i32
          %shift_right_logical3A_402 = vector.broadcast %shift_right_logical3A_401 : i32 to vector<16xi32>
          %shift_right_logical3A_403 = arith.shrui %get3A_393, %shift_right_logical3A_402 : vector<16xi32>
          %swap3A_404 = arith.constant 112 : index
          %swap3A_405 = tpu.vector_load %arg13[%swap3A_404] {strides = array<i32>} : memref<128xi32, #tpu.memory_space<vmem>>, vector<16xi32>,
          %swap3A_406 = vector.shape_cast %swap3A_405 : vector<16xi32> to vector<16xi32>
          %swap3A_407 = vector.shape_cast %shift_right_logical3A_403 : vector<16xi32> to vector<16xi32>
          tpu.vector_store %arg13[%swap3A_404], %swap3A_407 {strides = array<i32>} : memref<128xi32, #tpu.memory_space<vmem>>, vector<16xi32>,
          %dma_start3A_408 = arith.constant 0 : i32
          %dma_start3A_409 = arith.constant 0 : i32
          %dma_start3A_410 = tpu.memref_slice %arg2[%dma_start3A_408, %dma_start3A_409] : memref<10000x128xf32, #tpu.memory_space<hbm>> -> memref<10000x128xf32, #tpu.memory_space<hbm>>
          tpu.enqueue_indirect_dma source(%dma_start3A_410 : memref<10000x128xf32, #tpu.memory_space<hbm>>) target(%arg16 : memref<128x128xf32, #tpu.memory_space<vmem>>) offsets(%arg10 : memref<128xi32, #tpu.memory_space<vmem>>) semaphore(%arg23 : memref<!tpu.dma_semaphore, #tpu.memory_space<semaphore_mem>>)
          %add3A_411 = arith.constant 2 : i32
          %add3A_412 = arith.addi %while3A_191, %add3A_411 : i32
          %lt3A_413 = arith.cmpi slt, %add3A_412, %select_n3A_6 : i32
          %convert_element_type3A_414 = arith.extui %lt3A_413 : i1 to i32
          %cond3A_415 = arith.constant 0 : i32
          %cond3A_416 = arith.cmpi ne, %convert_element_type3A_414, %cond3A_415 : i32
          scf.if %cond3A_416 {
            %add3A_417 = arith.constant 2 : i32
            %add3A_418 = arith.addi %while3A_191, %add3A_417 : i32
            %mul3A_419 = arith.constant 32 : i32
            %mul3A_420 = arith.muli %add3A_418, %mul3A_419 : i32
            %add3A_421 = arith.addi %mul3A_420, %add3A : i32
            %mul3A_422 = arith.constant 128 : i32
            %mul3A_423 = arith.muli %add3A_421, %mul3A_422 : i32
            %dma_start3A_424 = tpu.memref_slice %arg3[%mul3A_423] : memref<320000xi32, #tpu.memory_space<hbm>> -> memref<128xi32, #tpu.memory_space<hbm>>
            %dma_start3A_425 = tpu.memref_slice %arg3[%mul3A_423] : memref<320000xi32, #tpu.memory_space<hbm>> -> memref<128xi32, #tpu.memory_space<hbm>>
            tpu.enqueue_dma source(%dma_start3A_425 : memref<128xi32, #tpu.memory_space<hbm>>) target(%arg8 : memref<128xi32, #tpu.memory_space<vmem>>) target_semaphore(%arg21 : memref<!tpu.dma_semaphore, #tpu.memory_space<semaphore_mem>>)
          } else {
          }
        } else {
        }
      } else {
      }
      %jit3A_207 = arith.constant 3 : i32
      %eq3A_208 = arith.constant 0 : i32
      %eq3A_209 = arith.cmpi eq, %jit3A_207, %eq3A_208 : i32
      %jit3A_210 = arith.constant 1 : i32
      %select_n3A_211 = arith.select %eq3A_209, %jit3A_210, %jit3A_207 : i32
      %rem3A_212 = arith.remsi %while3A_191, %select_n3A_211 : i32
      %ne3A_213 = arith.constant 0 : i32
      %ne3A_214 = arith.cmpi ne, %rem3A_212, %ne3A_213 : i32
      %lt3A_215 = arith.constant 0 : i32
      %lt3A_216 = arith.cmpi slt, %rem3A_212, %lt3A_215 : i32
      %lt3A_217 = arith.constant 0 : i32
      %lt3A_218 = arith.cmpi slt, %select_n3A_211, %lt3A_217 : i32
      %ne3A_219 = arith.xori %lt3A_216, %lt3A_218 : i1
      %and3A_220 = arith.andi %ne3A_219, %ne3A_214 : i1
      %add3A_221 = arith.addi %rem3A_212, %select_n3A_211 : i32
      %select_n3A_222 = arith.select %and3A_220, %add3A_221, %rem3A_212 : i32
      %eq3A_223 = arith.constant 1 : i32
      %eq3A_224 = arith.cmpi eq, %select_n3A_222, %eq3A_223 : i32
      %convert_element_type3A_225 = arith.extui %eq3A_224 : i1 to i32
      %cond3A_226 = arith.constant 0 : i32
      %cond3A_227 = arith.cmpi ne, %convert_element_type3A_225, %cond3A_226 : i32
      scf.if %cond3A_227 {
        %dma_wait3A_249 = arith.constant 0 : i32
        %dma_wait3A_250 = arith.constant 0 : i32
        %dma_wait3A_251 = tpu.memref_slice %arg2[%dma_wait3A_249, %dma_wait3A_250] : memref<10000x128xf32, #tpu.memory_space<hbm>> -> memref<128x128xf32, #tpu.memory_space<hbm>>
        %dma_wait3A_252 = arith.constant 0 : i32
        %dma_wait3A_253 = arith.constant 0 : i32
        %dma_wait3A_254 = tpu.memref_slice %arg2[%dma_wait3A_252, %dma_wait3A_253] : memref<10000x128xf32, #tpu.memory_space<hbm>> -> memref<128x128xf32, #tpu.memory_space<hbm>>
        tpu.wait_dma2 semaphore(%arg23 : memref<!tpu.dma_semaphore, #tpu.memory_space<semaphore_mem>>) src(%dma_wait3A_254 : memref<128x128xf32, #tpu.memory_space<hbm>>) dst(%arg16 : memref<128x128xf32, #tpu.memory_space<vmem>>)
        %dma_start3A_255 = arith.constant 0 : i32
        %dma_start3A_256 = arith.constant 0 : i32
        %dma_start3A_257 = tpu.memref_slice %arg18[%dma_start3A_255, %dma_start3A_256] : memref<10000x128xf32, #tpu.memory_space<vmem_shared>> -> memref<10000x128xf32, #tpu.memory_space<vmem_shared>>
        tpu.enqueue_indirect_dma source(%arg16 : memref<128x128xf32, #tpu.memory_space<vmem>>) target(%dma_start3A_257 : memref<10000x128xf32, #tpu.memory_space<vmem_shared>>) offsets(%arg13 : memref<128xi32, #tpu.memory_space<vmem>>) semaphore(%arg26 : memref<!tpu.dma_semaphore, #tpu.memory_space<semaphore_mem>>) {add = true}
        %add3A_258 = arith.constant 1 : i32
        %add3A_259 = arith.addi %while3A_191, %add3A_258 : i32
        %lt3A_260 = arith.cmpi slt, %add3A_259, %select_n3A_6 : i32
        %convert_element_type3A_261 = arith.extui %lt3A_260 : i1 to i32
        %cond3A_262 = arith.constant 0 : i32
        %cond3A_263 = arith.cmpi ne, %convert_element_type3A_261, %cond3A_262 : i32
        scf.if %cond3A_263 {
          %ge3A = arith.constant 2 : i32
          %ge3A_264 = arith.cmpi sge, %while3A_191, %ge3A : i32
          %convert_element_type3A_265 = arith.extui %ge3A_264 : i1 to i32
          %cond3A_266 = arith.constant 0 : i32
          %cond3A_267 = arith.cmpi ne, %convert_element_type3A_265, %cond3A_266 : i32
          scf.if %cond3A_267 {
            %dma_wait3A_417 = arith.constant 0 : i32
            %dma_wait3A_418 = arith.constant 0 : i32
            %dma_wait3A_419 = tpu.memref_slice %arg2[%dma_wait3A_417, %dma_wait3A_418] : memref<10000x128xf32, #tpu.memory_space<hbm>> -> memref<128x128xf32, #tpu.memory_space<hbm>>
            %dma_wait3A_420 = arith.constant 0 : i32
            %dma_wait3A_421 = arith.constant 0 : i32
            %dma_wait3A_422 = tpu.memref_slice %arg2[%dma_wait3A_420, %dma_wait3A_421] : memref<10000x128xf32, #tpu.memory_space<hbm>> -> memref<128x128xf32, #tpu.memory_space<hbm>>
            tpu.wait_dma2 semaphore(%arg27 : memref<!tpu.dma_semaphore, #tpu.memory_space<semaphore_mem>>) src(%dma_wait3A_422 : memref<128x128xf32, #tpu.memory_space<hbm>>) dst(%arg17 : memref<128x128xf32, #tpu.memory_space<vmem>>)
          } else {
          }
          %dma_wait3A_268 = arith.constant 0 : i32
          %dma_wait3A_269 = tpu.memref_slice %arg3[%dma_wait3A_268] : memref<320000xi32, #tpu.memory_space<hbm>> -> memref<128xi32, #tpu.memory_space<hbm>>
          %dma_wait3A_270 = arith.constant 0 : i32
          %dma_wait3A_271 = tpu.memref_slice %arg3[%dma_wait3A_270] : memref<320000xi32, #tpu.memory_space<hbm>> -> memref<128xi32, #tpu.memory_space<hbm>>
          tpu.wait_dma2 semaphore(%arg21 : memref<!tpu.dma_semaphore, #tpu.memory_space<semaphore_mem>>) src(%dma_wait3A_271 : memref<128xi32, #tpu.memory_space<hbm>>) dst(%arg8 : memref<128xi32, #tpu.memory_space<vmem>>)
          %get3A_272 = arith.constant 0 : index
          %get3A_273 = tpu.vector_load %arg8[%get3A_272] {strides = array<i32>} : memref<128xi32, #tpu.memory_space<vmem>>, vector<16xi32>,
          %get3A_274 = vector.shape_cast %get3A_273 : vector<16xi32> to vector<16xi32>
          %and3A_275 = arith.constant 65535 : i32
          %and3A_276 = vector.broadcast %and3A_275 : i32 to vector<16xi32>
          %and3A_277 = arith.andi %get3A_274, %and3A_276 : vector<16xi32>
          %swap3A_278 = arith.constant 0 : index
          %swap3A_279 = tpu.vector_load %arg11[%swap3A_278] {strides = array<i32>} : memref<128xi32, #tpu.memory_space<vmem>>, vector<16xi32>,
          %swap3A_280 = vector.shape_cast %swap3A_279 : vector<16xi32> to vector<16xi32>
          %swap3A_281 = vector.shape_cast %and3A_277 : vector<16xi32> to vector<16xi32>
          tpu.vector_store %arg11[%swap3A_278], %swap3A_281 {strides = array<i32>} : memref<128xi32, #tpu.memory_space<vmem>>, vector<16xi32>,
          %shift_right_logical3A_282 = arith.constant 16 : i32
          %shift_right_logical3A_283 = vector.broadcast %shift_right_logical3A_282 : i32 to vector<16xi32>
          %shift_right_logical3A_284 = arith.shrui %get3A_274, %shift_right_logical3A_283 : vector<16xi32>
          %swap3A_285 = arith.constant 0 : index
          %swap3A_286 = tpu.vector_load %arg14[%swap3A_285] {strides = array<i32>} : memref<128xi32, #tpu.memory_space<vmem>>, vector<16xi32>,
          %swap3A_287 = vector.shape_cast %swap3A_286 : vector<16xi32> to vector<16xi32>
          %swap3A_288 = vector.shape_cast %shift_right_logical3A_284 : vector<16xi32> to vector<16xi32>
          tpu.vector_store %arg14[%swap3A_285], %swap3A_288 {strides = array<i32>} : memref<128xi32, #tpu.memory_space<vmem>>, vector<16xi32>,
          %get3A_289 = arith.constant 16 : index
          %get3A_290 = tpu.vector_load %arg8[%get3A_289] {strides = array<i32>} : memref<128xi32, #tpu.memory_space<vmem>>, vector<16xi32>,
          %get3A_291 = vector.shape_cast %get3A_290 : vector<16xi32> to vector<16xi32>
          %and3A_292 = arith.constant 65535 : i32
          %and3A_293 = vector.broadcast %and3A_292 : i32 to vector<16xi32>
          %and3A_294 = arith.andi %get3A_291, %and3A_293 : vector<16xi32>
          %swap3A_295 = arith.constant 16 : index
          %swap3A_296 = tpu.vector_load %arg11[%swap3A_295] {strides = array<i32>} : memref<128xi32, #tpu.memory_space<vmem>>, vector<16xi32>,
          %swap3A_297 = vector.shape_cast %swap3A_296 : vector<16xi32> to vector<16xi32>
          %swap3A_298 = vector.shape_cast %and3A_294 : vector<16xi32> to vector<16xi32>
          tpu.vector_store %arg11[%swap3A_295], %swap3A_298 {strides = array<i32>} : memref<128xi32, #tpu.memory_space<vmem>>, vector<16xi32>,
          %shift_right_logical3A_299 = arith.constant 16 : i32
          %shift_right_logical3A_300 = vector.broadcast %shift_right_logical3A_299 : i32 to vector<16xi32>
          %shift_right_logical3A_301 = arith.shrui %get3A_291, %shift_right_logical3A_300 : vector<16xi32>
          %swap3A_302 = arith.constant 16 : index
          %swap3A_303 = tpu.vector_load %arg14[%swap3A_302] {strides = array<i32>} : memref<128xi32, #tpu.memory_space<vmem>>, vector<16xi32>,
          %swap3A_304 = vector.shape_cast %swap3A_303 : vector<16xi32> to vector<16xi32>
          %swap3A_305 = vector.shape_cast %shift_right_logical3A_301 : vector<16xi32> to vector<16xi32>
          tpu.vector_store %arg14[%swap3A_302], %swap3A_305 {strides = array<i32>} : memref<128xi32, #tpu.memory_space<vmem>>, vector<16xi32>,
          %get3A_306 = arith.constant 32 : index
          %get3A_307 = tpu.vector_load %arg8[%get3A_306] {strides = array<i32>} : memref<128xi32, #tpu.memory_space<vmem>>, vector<16xi32>,
          %get3A_308 = vector.shape_cast %get3A_307 : vector<16xi32> to vector<16xi32>
          %and3A_309 = arith.constant 65535 : i32
          %and3A_310 = vector.broadcast %and3A_309 : i32 to vector<16xi32>
          %and3A_311 = arith.andi %get3A_308, %and3A_310 : vector<16xi32>
          %swap3A_312 = arith.constant 32 : index
          %swap3A_313 = tpu.vector_load %arg11[%swap3A_312] {strides = array<i32>} : memref<128xi32, #tpu.memory_space<vmem>>, vector<16xi32>,
          %swap3A_314 = vector.shape_cast %swap3A_313 : vector<16xi32> to vector<16xi32>
          %swap3A_315 = vector.shape_cast %and3A_311 : vector<16xi32> to vector<16xi32>
          tpu.vector_store %arg11[%swap3A_312], %swap3A_315 {strides = array<i32>} : memref<128xi32, #tpu.memory_space<vmem>>, vector<16xi32>,
          %shift_right_logical3A_316 = arith.constant 16 : i32
          %shift_right_logical3A_317 = vector.broadcast %shift_right_logical3A_316 : i32 to vector<16xi32>
          %shift_right_logical3A_318 = arith.shrui %get3A_308, %shift_right_logical3A_317 : vector<16xi32>
          %swap3A_319 = arith.constant 32 : index
          %swap3A_320 = tpu.vector_load %arg14[%swap3A_319] {strides = array<i32>} : memref<128xi32, #tpu.memory_space<vmem>>, vector<16xi32>,
          %swap3A_321 = vector.shape_cast %swap3A_320 : vector<16xi32> to vector<16xi32>
          %swap3A_322 = vector.shape_cast %shift_right_logical3A_318 : vector<16xi32> to vector<16xi32>
          tpu.vector_store %arg14[%swap3A_319], %swap3A_322 {strides = array<i32>} : memref<128xi32, #tpu.memory_space<vmem>>, vector<16xi32>,
          %get3A_323 = arith.constant 48 : index
          %get3A_324 = tpu.vector_load %arg8[%get3A_323] {strides = array<i32>} : memref<128xi32, #tpu.memory_space<vmem>>, vector<16xi32>,
          %get3A_325 = vector.shape_cast %get3A_324 : vector<16xi32> to vector<16xi32>
          %and3A_326 = arith.constant 65535 : i32
          %and3A_327 = vector.broadcast %and3A_326 : i32 to vector<16xi32>
          %and3A_328 = arith.andi %get3A_325, %and3A_327 : vector<16xi32>
          %swap3A_329 = arith.constant 48 : index
          %swap3A_330 = tpu.vector_load %arg11[%swap3A_329] {strides = array<i32>} : memref<128xi32, #tpu.memory_space<vmem>>, vector<16xi32>,
          %swap3A_331 = vector.shape_cast %swap3A_330 : vector<16xi32> to vector<16xi32>
          %swap3A_332 = vector.shape_cast %and3A_328 : vector<16xi32> to vector<16xi32>
          tpu.vector_store %arg11[%swap3A_329], %swap3A_332 {strides = array<i32>} : memref<128xi32, #tpu.memory_space<vmem>>, vector<16xi32>,
          %shift_right_logical3A_333 = arith.constant 16 : i32
          %shift_right_logical3A_334 = vector.broadcast %shift_right_logical3A_333 : i32 to vector<16xi32>
          %shift_right_logical3A_335 = arith.shrui %get3A_325, %shift_right_logical3A_334 : vector<16xi32>
          %swap3A_336 = arith.constant 48 : index
          %swap3A_337 = tpu.vector_load %arg14[%swap3A_336] {strides = array<i32>} : memref<128xi32, #tpu.memory_space<vmem>>, vector<16xi32>,
          %swap3A_338 = vector.shape_cast %swap3A_337 : vector<16xi32> to vector<16xi32>
          %swap3A_339 = vector.shape_cast %shift_right_logical3A_335 : vector<16xi32> to vector<16xi32>
          tpu.vector_store %arg14[%swap3A_336], %swap3A_339 {strides = array<i32>} : memref<128xi32, #tpu.memory_space<vmem>>, vector<16xi32>,
          %get3A_340 = arith.constant 64 : index
          %get3A_341 = tpu.vector_load %arg8[%get3A_340] {strides = array<i32>} : memref<128xi32, #tpu.memory_space<vmem>>, vector<16xi32>,
          %get3A_342 = vector.shape_cast %get3A_341 : vector<16xi32> to vector<16xi32>
          %and3A_343 = arith.constant 65535 : i32
          %and3A_344 = vector.broadcast %and3A_343 : i32 to vector<16xi32>
          %and3A_345 = arith.andi %get3A_342, %and3A_344 : vector<16xi32>
          %swap3A_346 = arith.constant 64 : index
          %swap3A_347 = tpu.vector_load %arg11[%swap3A_346] {strides = array<i32>} : memref<128xi32, #tpu.memory_space<vmem>>, vector<16xi32>,
          %swap3A_348 = vector.shape_cast %swap3A_347 : vector<16xi32> to vector<16xi32>
          %swap3A_349 = vector.shape_cast %and3A_345 : vector<16xi32> to vector<16xi32>
          tpu.vector_store %arg11[%swap3A_346], %swap3A_349 {strides = array<i32>} : memref<128xi32, #tpu.memory_space<vmem>>, vector<16xi32>,
          %shift_right_logical3A_350 = arith.constant 16 : i32
          %shift_right_logical3A_351 = vector.broadcast %shift_right_logical3A_350 : i32 to vector<16xi32>
          %shift_right_logical3A_352 = arith.shrui %get3A_342, %shift_right_logical3A_351 : vector<16xi32>
          %swap3A_353 = arith.constant 64 : index
          %swap3A_354 = tpu.vector_load %arg14[%swap3A_353] {strides = array<i32>} : memref<128xi32, #tpu.memory_space<vmem>>, vector<16xi32>,
          %swap3A_355 = vector.shape_cast %swap3A_354 : vector<16xi32> to vector<16xi32>
          %swap3A_356 = vector.shape_cast %shift_right_logical3A_352 : vector<16xi32> to vector<16xi32>
          tpu.vector_store %arg14[%swap3A_353], %swap3A_356 {strides = array<i32>} : memref<128xi32, #tpu.memory_space<vmem>>, vector<16xi32>,
          %get3A_357 = arith.constant 80 : index
          %get3A_358 = tpu.vector_load %arg8[%get3A_357] {strides = array<i32>} : memref<128xi32, #tpu.memory_space<vmem>>, vector<16xi32>,
          %get3A_359 = vector.shape_cast %get3A_358 : vector<16xi32> to vector<16xi32>
          %and3A_360 = arith.constant 65535 : i32
          %and3A_361 = vector.broadcast %and3A_360 : i32 to vector<16xi32>
          %and3A_362 = arith.andi %get3A_359, %and3A_361 : vector<16xi32>
          %swap3A_363 = arith.constant 80 : index
          %swap3A_364 = tpu.vector_load %arg11[%swap3A_363] {strides = array<i32>} : memref<128xi32, #tpu.memory_space<vmem>>, vector<16xi32>,
          %swap3A_365 = vector.shape_cast %swap3A_364 : vector<16xi32> to vector<16xi32>
          %swap3A_366 = vector.shape_cast %and3A_362 : vector<16xi32> to vector<16xi32>
          tpu.vector_store %arg11[%swap3A_363], %swap3A_366 {strides = array<i32>} : memref<128xi32, #tpu.memory_space<vmem>>, vector<16xi32>,
          %shift_right_logical3A_367 = arith.constant 16 : i32
          %shift_right_logical3A_368 = vector.broadcast %shift_right_logical3A_367 : i32 to vector<16xi32>
          %shift_right_logical3A_369 = arith.shrui %get3A_359, %shift_right_logical3A_368 : vector<16xi32>
          %swap3A_370 = arith.constant 80 : index
          %swap3A_371 = tpu.vector_load %arg14[%swap3A_370] {strides = array<i32>} : memref<128xi32, #tpu.memory_space<vmem>>, vector<16xi32>,
          %swap3A_372 = vector.shape_cast %swap3A_371 : vector<16xi32> to vector<16xi32>
          %swap3A_373 = vector.shape_cast %shift_right_logical3A_369 : vector<16xi32> to vector<16xi32>
          tpu.vector_store %arg14[%swap3A_370], %swap3A_373 {strides = array<i32>} : memref<128xi32, #tpu.memory_space<vmem>>, vector<16xi32>,
          %get3A_374 = arith.constant 96 : index
          %get3A_375 = tpu.vector_load %arg8[%get3A_374] {strides = array<i32>} : memref<128xi32, #tpu.memory_space<vmem>>, vector<16xi32>,
          %get3A_376 = vector.shape_cast %get3A_375 : vector<16xi32> to vector<16xi32>
          %and3A_377 = arith.constant 65535 : i32
          %and3A_378 = vector.broadcast %and3A_377 : i32 to vector<16xi32>
          %and3A_379 = arith.andi %get3A_376, %and3A_378 : vector<16xi32>
          %swap3A_380 = arith.constant 96 : index
          %swap3A_381 = tpu.vector_load %arg11[%swap3A_380] {strides = array<i32>} : memref<128xi32, #tpu.memory_space<vmem>>, vector<16xi32>,
          %swap3A_382 = vector.shape_cast %swap3A_381 : vector<16xi32> to vector<16xi32>
          %swap3A_383 = vector.shape_cast %and3A_379 : vector<16xi32> to vector<16xi32>
          tpu.vector_store %arg11[%swap3A_380], %swap3A_383 {strides = array<i32>} : memref<128xi32, #tpu.memory_space<vmem>>, vector<16xi32>,
          %shift_right_logical3A_384 = arith.constant 16 : i32
          %shift_right_logical3A_385 = vector.broadcast %shift_right_logical3A_384 : i32 to vector<16xi32>
          %shift_right_logical3A_386 = arith.shrui %get3A_376, %shift_right_logical3A_385 : vector<16xi32>
          %swap3A_387 = arith.constant 96 : index
          %swap3A_388 = tpu.vector_load %arg14[%swap3A_387] {strides = array<i32>} : memref<128xi32, #tpu.memory_space<vmem>>, vector<16xi32>,
          %swap3A_389 = vector.shape_cast %swap3A_388 : vector<16xi32> to vector<16xi32>
          %swap3A_390 = vector.shape_cast %shift_right_logical3A_386 : vector<16xi32> to vector<16xi32>
          tpu.vector_store %arg14[%swap3A_387], %swap3A_390 {strides = array<i32>} : memref<128xi32, #tpu.memory_space<vmem>>, vector<16xi32>,
          %get3A_391 = arith.constant 112 : index
          %get3A_392 = tpu.vector_load %arg8[%get3A_391] {strides = array<i32>} : memref<128xi32, #tpu.memory_space<vmem>>, vector<16xi32>,
          %get3A_393 = vector.shape_cast %get3A_392 : vector<16xi32> to vector<16xi32>
          %and3A_394 = arith.constant 65535 : i32
          %and3A_395 = vector.broadcast %and3A_394 : i32 to vector<16xi32>
          %and3A_396 = arith.andi %get3A_393, %and3A_395 : vector<16xi32>
          %swap3A_397 = arith.constant 112 : index
          %swap3A_398 = tpu.vector_load %arg11[%swap3A_397] {strides = array<i32>} : memref<128xi32, #tpu.memory_space<vmem>>, vector<16xi32>,
          %swap3A_399 = vector.shape_cast %swap3A_398 : vector<16xi32> to vector<16xi32>
          %swap3A_400 = vector.shape_cast %and3A_396 : vector<16xi32> to vector<16xi32>
          tpu.vector_store %arg11[%swap3A_397], %swap3A_400 {strides = array<i32>} : memref<128xi32, #tpu.memory_space<vmem>>, vector<16xi32>,
          %shift_right_logical3A_401 = arith.constant 16 : i32
          %shift_right_logical3A_402 = vector.broadcast %shift_right_logical3A_401 : i32 to vector<16xi32>
          %shift_right_logical3A_403 = arith.shrui %get3A_393, %shift_right_logical3A_402 : vector<16xi32>
          %swap3A_404 = arith.constant 112 : index
          %swap3A_405 = tpu.vector_load %arg14[%swap3A_404] {strides = array<i32>} : memref<128xi32, #tpu.memory_space<vmem>>, vector<16xi32>,
          %swap3A_406 = vector.shape_cast %swap3A_405 : vector<16xi32> to vector<16xi32>
          %swap3A_407 = vector.shape_cast %shift_right_logical3A_403 : vector<16xi32> to vector<16xi32>
          tpu.vector_store %arg14[%swap3A_404], %swap3A_407 {strides = array<i32>} : memref<128xi32, #tpu.memory_space<vmem>>, vector<16xi32>,
          %dma_start3A_408 = arith.constant 0 : i32
          %dma_start3A_409 = arith.constant 0 : i32
          %dma_start3A_410 = tpu.memref_slice %arg2[%dma_start3A_408, %dma_start3A_409] : memref<10000x128xf32, #tpu.memory_space<hbm>> -> memref<10000x128xf32, #tpu.memory_space<hbm>>
          tpu.enqueue_indirect_dma source(%dma_start3A_410 : memref<10000x128xf32, #tpu.memory_space<hbm>>) target(%arg17 : memref<128x128xf32, #tpu.memory_space<vmem>>) offsets(%arg11 : memref<128xi32, #tpu.memory_space<vmem>>) semaphore(%arg24 : memref<!tpu.dma_semaphore, #tpu.memory_space<semaphore_mem>>)
          %add3A_411 = arith.constant 2 : i32
          %add3A_412 = arith.addi %while3A_191, %add3A_411 : i32
          %lt3A_413 = arith.cmpi slt, %add3A_412, %select_n3A_6 : i32
          %convert_element_type3A_414 = arith.extui %lt3A_413 : i1 to i32
          %cond3A_415 = arith.constant 0 : i32
          %cond3A_416 = arith.cmpi ne, %convert_element_type3A_414, %cond3A_415 : i32
          scf.if %cond3A_416 {
            %add3A_417 = arith.constant 2 : i32
            %add3A_418 = arith.addi %while3A_191, %add3A_417 : i32
            %mul3A_419 = arith.constant 32 : i32
            %mul3A_420 = arith.muli %add3A_418, %mul3A_419 : i32
            %add3A_421 = arith.addi %mul3A_420, %add3A : i32
            %mul3A_422 = arith.constant 128 : i32
            %mul3A_423 = arith.muli %add3A_421, %mul3A_422 : i32
            %dma_start3A_424 = tpu.memref_slice %arg3[%mul3A_423] : memref<320000xi32, #tpu.memory_space<hbm>> -> memref<128xi32, #tpu.memory_space<hbm>>
            %dma_start3A_425 = tpu.memref_slice %arg3[%mul3A_423] : memref<320000xi32, #tpu.memory_space<hbm>> -> memref<128xi32, #tpu.memory_space<hbm>>
            tpu.enqueue_dma source(%dma_start3A_425 : memref<128xi32, #tpu.memory_space<hbm>>) target(%arg6 : memref<128xi32, #tpu.memory_space<vmem>>) target_semaphore(%arg19 : memref<!tpu.dma_semaphore, #tpu.memory_space<semaphore_mem>>)
          } else {
          }
        } else {
        }
      } else {
      }
      %jit3A_228 = arith.constant 3 : i32
      %eq3A_229 = arith.constant 0 : i32
      %eq3A_230 = arith.cmpi eq, %jit3A_228, %eq3A_229 : i32
      %jit3A_231 = arith.constant 1 : i32
      %select_n3A_232 = arith.select %eq3A_230, %jit3A_231, %jit3A_228 : i32
      %rem3A_233 = arith.remsi %while3A_191, %select_n3A_232 : i32
      %ne3A_234 = arith.constant 0 : i32
      %ne3A_235 = arith.cmpi ne, %rem3A_233, %ne3A_234 : i32
      %lt3A_236 = arith.constant 0 : i32
      %lt3A_237 = arith.cmpi slt, %rem3A_233, %lt3A_236 : i32
      %lt3A_238 = arith.constant 0 : i32
      %lt3A_239 = arith.cmpi slt, %select_n3A_232, %lt3A_238 : i32
      %ne3A_240 = arith.xori %lt3A_237, %lt3A_239 : i1
      %and3A_241 = arith.andi %ne3A_240, %ne3A_235 : i1
      %add3A_242 = arith.addi %rem3A_233, %select_n3A_232 : i32
      %select_n3A_243 = arith.select %and3A_241, %add3A_242, %rem3A_233 : i32
      %eq3A_244 = arith.constant 2 : i32
      %eq3A_245 = arith.cmpi eq, %select_n3A_243, %eq3A_244 : i32
      %convert_element_type3A_246 = arith.extui %eq3A_245 : i1 to i32
      %cond3A_247 = arith.constant 0 : i32
      %cond3A_248 = arith.cmpi ne, %convert_element_type3A_246, %cond3A_247 : i32
      scf.if %cond3A_248 {
        %dma_wait3A_249 = arith.constant 0 : i32
        %dma_wait3A_250 = arith.constant 0 : i32
        %dma_wait3A_251 = tpu.memref_slice %arg2[%dma_wait3A_249, %dma_wait3A_250] : memref<10000x128xf32, #tpu.memory_space<hbm>> -> memref<128x128xf32, #tpu.memory_space<hbm>>
        %dma_wait3A_252 = arith.constant 0 : i32
        %dma_wait3A_253 = arith.constant 0 : i32
        %dma_wait3A_254 = tpu.memref_slice %arg2[%dma_wait3A_252, %dma_wait3A_253] : memref<10000x128xf32, #tpu.memory_space<hbm>> -> memref<128x128xf32, #tpu.memory_space<hbm>>
        tpu.wait_dma2 semaphore(%arg24 : memref<!tpu.dma_semaphore, #tpu.memory_space<semaphore_mem>>) src(%dma_wait3A_254 : memref<128x128xf32, #tpu.memory_space<hbm>>) dst(%arg17 : memref<128x128xf32, #tpu.memory_space<vmem>>)
        %dma_start3A_255 = arith.constant 0 : i32
        %dma_start3A_256 = arith.constant 0 : i32
        %dma_start3A_257 = tpu.memref_slice %arg18[%dma_start3A_255, %dma_start3A_256] : memref<10000x128xf32, #tpu.memory_space<vmem_shared>> -> memref<10000x128xf32, #tpu.memory_space<vmem_shared>>
        tpu.enqueue_indirect_dma source(%arg17 : memref<128x128xf32, #tpu.memory_space<vmem>>) target(%dma_start3A_257 : memref<10000x128xf32, #tpu.memory_space<vmem_shared>>) offsets(%arg14 : memref<128xi32, #tpu.memory_space<vmem>>) semaphore(%arg27 : memref<!tpu.dma_semaphore, #tpu.memory_space<semaphore_mem>>) {add = true}
        %add3A_258 = arith.constant 1 : i32
        %add3A_259 = arith.addi %while3A_191, %add3A_258 : i32
        %lt3A_260 = arith.cmpi slt, %add3A_259, %select_n3A_6 : i32
        %convert_element_type3A_261 = arith.extui %lt3A_260 : i1 to i32
        %cond3A_262 = arith.constant 0 : i32
        %cond3A_263 = arith.cmpi ne, %convert_element_type3A_261, %cond3A_262 : i32
        scf.if %cond3A_263 {
          %ge3A = arith.constant 2 : i32
          %ge3A_264 = arith.cmpi sge, %while3A_191, %ge3A : i32
          %convert_element_type3A_265 = arith.extui %ge3A_264 : i1 to i32
          %cond3A_266 = arith.constant 0 : i32
          %cond3A_267 = arith.cmpi ne, %convert_element_type3A_265, %cond3A_266 : i32
          scf.if %cond3A_267 {
            %dma_wait3A_417 = arith.constant 0 : i32
            %dma_wait3A_418 = arith.constant 0 : i32
            %dma_wait3A_419 = tpu.memref_slice %arg2[%dma_wait3A_417, %dma_wait3A_418] : memref<10000x128xf32, #tpu.memory_space<hbm>> -> memref<128x128xf32, #tpu.memory_space<hbm>>
            %dma_wait3A_420 = arith.constant 0 : i32
            %dma_wait3A_421 = arith.constant 0 : i32
            %dma_wait3A_422 = tpu.memref_slice %arg2[%dma_wait3A_420, %dma_wait3A_421] : memref<10000x128xf32, #tpu.memory_space<hbm>> -> memref<128x128xf32, #tpu.memory_space<hbm>>
            tpu.wait_dma2 semaphore(%arg25 : memref<!tpu.dma_semaphore, #tpu.memory_space<semaphore_mem>>) src(%dma_wait3A_422 : memref<128x128xf32, #tpu.memory_space<hbm>>) dst(%arg15 : memref<128x128xf32, #tpu.memory_space<vmem>>)
          } else {
          }
          %dma_wait3A_268 = arith.constant 0 : i32
          %dma_wait3A_269 = tpu.memref_slice %arg3[%dma_wait3A_268] : memref<320000xi32, #tpu.memory_space<hbm>> -> memref<128xi32, #tpu.memory_space<hbm>>
          %dma_wait3A_270 = arith.constant 0 : i32
          %dma_wait3A_271 = tpu.memref_slice %arg3[%dma_wait3A_270] : memref<320000xi32, #tpu.memory_space<hbm>> -> memref<128xi32, #tpu.memory_space<hbm>>
          tpu.wait_dma2 semaphore(%arg19 : memref<!tpu.dma_semaphore, #tpu.memory_space<semaphore_mem>>) src(%dma_wait3A_271 : memref<128xi32, #tpu.memory_space<hbm>>) dst(%arg6 : memref<128xi32, #tpu.memory_space<vmem>>)
          %get3A_272 = arith.constant 0 : index
          %get3A_273 = tpu.vector_load %arg6[%get3A_272] {strides = array<i32>} : memref<128xi32, #tpu.memory_space<vmem>>, vector<16xi32>,
          %get3A_274 = vector.shape_cast %get3A_273 : vector<16xi32> to vector<16xi32>
          %and3A_275 = arith.constant 65535 : i32
          %and3A_276 = vector.broadcast %and3A_275 : i32 to vector<16xi32>
          %and3A_277 = arith.andi %get3A_274, %and3A_276 : vector<16xi32>
          %swap3A_278 = arith.constant 0 : index
          %swap3A_279 = tpu.vector_load %arg9[%swap3A_278] {strides = array<i32>} : memref<128xi32, #tpu.memory_space<vmem>>, vector<16xi32>,
          %swap3A_280 = vector.shape_cast %swap3A_279 : vector<16xi32> to vector<16xi32>
          %swap3A_281 = vector.shape_cast %and3A_277 : vector<16xi32> to vector<16xi32>
          tpu.vector_store %arg9[%swap3A_278], %swap3A_281 {strides = array<i32>} : memref<128xi32, #tpu.memory_space<vmem>>, vector<16xi32>,
          %shift_right_logical3A_282 = arith.constant 16 : i32
          %shift_right_logical3A_283 = vector.broadcast %shift_right_logical3A_282 : i32 to vector<16xi32>
          %shift_right_logical3A_284 = arith.shrui %get3A_274, %shift_right_logical3A_283 : vector<16xi32>
          %swap3A_285 = arith.constant 0 : index
          %swap3A_286 = tpu.vector_load %arg12[%swap3A_285] {strides = array<i32>} : memref<128xi32, #tpu.memory_space<vmem>>, vector<16xi32>,
          %swap3A_287 = vector.shape_cast %swap3A_286 : vector<16xi32> to vector<16xi32>
          %swap3A_288 = vector.shape_cast %shift_right_logical3A_284 : vector<16xi32> to vector<16xi32>
          tpu.vector_store %arg12[%swap3A_285], %swap3A_288 {strides = array<i32>} : memref<128xi32, #tpu.memory_space<vmem>>, vector<16xi32>,
          %get3A_289 = arith.constant 16 : index
          %get3A_290 = tpu.vector_load %arg6[%get3A_289] {strides = array<i32>} : memref<128xi32, #tpu.memory_space<vmem>>, vector<16xi32>,
          %get3A_291 = vector.shape_cast %get3A_290 : vector<16xi32> to vector<16xi32>
          %and3A_292 = arith.constant 65535 : i32
          %and3A_293 = vector.broadcast %and3A_292 : i32 to vector<16xi32>
          %and3A_294 = arith.andi %get3A_291, %and3A_293 : vector<16xi32>
          %swap3A_295 = arith.constant 16 : index
          %swap3A_296 = tpu.vector_load %arg9[%swap3A_295] {strides = array<i32>} : memref<128xi32, #tpu.memory_space<vmem>>, vector<16xi32>,
          %swap3A_297 = vector.shape_cast %swap3A_296 : vector<16xi32> to vector<16xi32>
          %swap3A_298 = vector.shape_cast %and3A_294 : vector<16xi32> to vector<16xi32>
          tpu.vector_store %arg9[%swap3A_295], %swap3A_298 {strides = array<i32>} : memref<128xi32, #tpu.memory_space<vmem>>, vector<16xi32>,
          %shift_right_logical3A_299 = arith.constant 16 : i32
          %shift_right_logical3A_300 = vector.broadcast %shift_right_logical3A_299 : i32 to vector<16xi32>
          %shift_right_logical3A_301 = arith.shrui %get3A_291, %shift_right_logical3A_300 : vector<16xi32>
          %swap3A_302 = arith.constant 16 : index
          %swap3A_303 = tpu.vector_load %arg12[%swap3A_302] {strides = array<i32>} : memref<128xi32, #tpu.memory_space<vmem>>, vector<16xi32>,
          %swap3A_304 = vector.shape_cast %swap3A_303 : vector<16xi32> to vector<16xi32>
          %swap3A_305 = vector.shape_cast %shift_right_logical3A_301 : vector<16xi32> to vector<16xi32>
          tpu.vector_store %arg12[%swap3A_302], %swap3A_305 {strides = array<i32>} : memref<128xi32, #tpu.memory_space<vmem>>, vector<16xi32>,
          %get3A_306 = arith.constant 32 : index
          %get3A_307 = tpu.vector_load %arg6[%get3A_306] {strides = array<i32>} : memref<128xi32, #tpu.memory_space<vmem>>, vector<16xi32>,
          %get3A_308 = vector.shape_cast %get3A_307 : vector<16xi32> to vector<16xi32>
          %and3A_309 = arith.constant 65535 : i32
          %and3A_310 = vector.broadcast %and3A_309 : i32 to vector<16xi32>
          %and3A_311 = arith.andi %get3A_308, %and3A_310 : vector<16xi32>
          %swap3A_312 = arith.constant 32 : index
          %swap3A_313 = tpu.vector_load %arg9[%swap3A_312] {strides = array<i32>} : memref<128xi32, #tpu.memory_space<vmem>>, vector<16xi32>,
          %swap3A_314 = vector.shape_cast %swap3A_313 : vector<16xi32> to vector<16xi32>
          %swap3A_315 = vector.shape_cast %and3A_311 : vector<16xi32> to vector<16xi32>
          tpu.vector_store %arg9[%swap3A_312], %swap3A_315 {strides = array<i32>} : memref<128xi32, #tpu.memory_space<vmem>>, vector<16xi32>,
          %shift_right_logical3A_316 = arith.constant 16 : i32
          %shift_right_logical3A_317 = vector.broadcast %shift_right_logical3A_316 : i32 to vector<16xi32>
          %shift_right_logical3A_318 = arith.shrui %get3A_308, %shift_right_logical3A_317 : vector<16xi32>
          %swap3A_319 = arith.constant 32 : index
          %swap3A_320 = tpu.vector_load %arg12[%swap3A_319] {strides = array<i32>} : memref<128xi32, #tpu.memory_space<vmem>>, vector<16xi32>,
          %swap3A_321 = vector.shape_cast %swap3A_320 : vector<16xi32> to vector<16xi32>
          %swap3A_322 = vector.shape_cast %shift_right_logical3A_318 : vector<16xi32> to vector<16xi32>
          tpu.vector_store %arg12[%swap3A_319], %swap3A_322 {strides = array<i32>} : memref<128xi32, #tpu.memory_space<vmem>>, vector<16xi32>,
          %get3A_323 = arith.constant 48 : index
          %get3A_324 = tpu.vector_load %arg6[%get3A_323] {strides = array<i32>} : memref<128xi32, #tpu.memory_space<vmem>>, vector<16xi32>,
          %get3A_325 = vector.shape_cast %get3A_324 : vector<16xi32> to vector<16xi32>
          %and3A_326 = arith.constant 65535 : i32
          %and3A_327 = vector.broadcast %and3A_326 : i32 to vector<16xi32>
          %and3A_328 = arith.andi %get3A_325, %and3A_327 : vector<16xi32>
          %swap3A_329 = arith.constant 48 : index
          %swap3A_330 = tpu.vector_load %arg9[%swap3A_329] {strides = array<i32>} : memref<128xi32, #tpu.memory_space<vmem>>, vector<16xi32>,
          %swap3A_331 = vector.shape_cast %swap3A_330 : vector<16xi32> to vector<16xi32>
          %swap3A_332 = vector.shape_cast %and3A_328 : vector<16xi32> to vector<16xi32>
          tpu.vector_store %arg9[%swap3A_329], %swap3A_332 {strides = array<i32>} : memref<128xi32, #tpu.memory_space<vmem>>, vector<16xi32>,
          %shift_right_logical3A_333 = arith.constant 16 : i32
          %shift_right_logical3A_334 = vector.broadcast %shift_right_logical3A_333 : i32 to vector<16xi32>
          %shift_right_logical3A_335 = arith.shrui %get3A_325, %shift_right_logical3A_334 : vector<16xi32>
          %swap3A_336 = arith.constant 48 : index
          %swap3A_337 = tpu.vector_load %arg12[%swap3A_336] {strides = array<i32>} : memref<128xi32, #tpu.memory_space<vmem>>, vector<16xi32>,
          %swap3A_338 = vector.shape_cast %swap3A_337 : vector<16xi32> to vector<16xi32>
          %swap3A_339 = vector.shape_cast %shift_right_logical3A_335 : vector<16xi32> to vector<16xi32>
          tpu.vector_store %arg12[%swap3A_336], %swap3A_339 {strides = array<i32>} : memref<128xi32, #tpu.memory_space<vmem>>, vector<16xi32>,
          %get3A_340 = arith.constant 64 : index
          %get3A_341 = tpu.vector_load %arg6[%get3A_340] {strides = array<i32>} : memref<128xi32, #tpu.memory_space<vmem>>, vector<16xi32>,
          %get3A_342 = vector.shape_cast %get3A_341 : vector<16xi32> to vector<16xi32>
          %and3A_343 = arith.constant 65535 : i32
          %and3A_344 = vector.broadcast %and3A_343 : i32 to vector<16xi32>
          %and3A_345 = arith.andi %get3A_342, %and3A_344 : vector<16xi32>
          %swap3A_346 = arith.constant 64 : index
          %swap3A_347 = tpu.vector_load %arg9[%swap3A_346] {strides = array<i32>} : memref<128xi32, #tpu.memory_space<vmem>>, vector<16xi32>,
          %swap3A_348 = vector.shape_cast %swap3A_347 : vector<16xi32> to vector<16xi32>
          %swap3A_349 = vector.shape_cast %and3A_345 : vector<16xi32> to vector<16xi32>
          tpu.vector_store %arg9[%swap3A_346], %swap3A_349 {strides = array<i32>} : memref<128xi32, #tpu.memory_space<vmem>>, vector<16xi32>,
          %shift_right_logical3A_350 = arith.constant 16 : i32
          %shift_right_logical3A_351 = vector.broadcast %shift_right_logical3A_350 : i32 to vector<16xi32>
          %shift_right_logical3A_352 = arith.shrui %get3A_342, %shift_right_logical3A_351 : vector<16xi32>
          %swap3A_353 = arith.constant 64 : index
          %swap3A_354 = tpu.vector_load %arg12[%swap3A_353] {strides = array<i32>} : memref<128xi32, #tpu.memory_space<vmem>>, vector<16xi32>,
          %swap3A_355 = vector.shape_cast %swap3A_354 : vector<16xi32> to vector<16xi32>
          %swap3A_356 = vector.shape_cast %shift_right_logical3A_352 : vector<16xi32> to vector<16xi32>
          tpu.vector_store %arg12[%swap3A_353], %swap3A_356 {strides = array<i32>} : memref<128xi32, #tpu.memory_space<vmem>>, vector<16xi32>,
          %get3A_357 = arith.constant 80 : index
          %get3A_358 = tpu.vector_load %arg6[%get3A_357] {strides = array<i32>} : memref<128xi32, #tpu.memory_space<vmem>>, vector<16xi32>,
          %get3A_359 = vector.shape_cast %get3A_358 : vector<16xi32> to vector<16xi32>
          %and3A_360 = arith.constant 65535 : i32
          %and3A_361 = vector.broadcast %and3A_360 : i32 to vector<16xi32>
          %and3A_362 = arith.andi %get3A_359, %and3A_361 : vector<16xi32>
          %swap3A_363 = arith.constant 80 : index
          %swap3A_364 = tpu.vector_load %arg9[%swap3A_363] {strides = array<i32>} : memref<128xi32, #tpu.memory_space<vmem>>, vector<16xi32>,
          %swap3A_365 = vector.shape_cast %swap3A_364 : vector<16xi32> to vector<16xi32>
          %swap3A_366 = vector.shape_cast %and3A_362 : vector<16xi32> to vector<16xi32>
          tpu.vector_store %arg9[%swap3A_363], %swap3A_366 {strides = array<i32>} : memref<128xi32, #tpu.memory_space<vmem>>, vector<16xi32>,
          %shift_right_logical3A_367 = arith.constant 16 : i32
          %shift_right_logical3A_368 = vector.broadcast %shift_right_logical3A_367 : i32 to vector<16xi32>
          %shift_right_logical3A_369 = arith.shrui %get3A_359, %shift_right_logical3A_368 : vector<16xi32>
          %swap3A_370 = arith.constant 80 : index
          %swap3A_371 = tpu.vector_load %arg12[%swap3A_370] {strides = array<i32>} : memref<128xi32, #tpu.memory_space<vmem>>, vector<16xi32>,
          %swap3A_372 = vector.shape_cast %swap3A_371 : vector<16xi32> to vector<16xi32>
          %swap3A_373 = vector.shape_cast %shift_right_logical3A_369 : vector<16xi32> to vector<16xi32>
          tpu.vector_store %arg12[%swap3A_370], %swap3A_373 {strides = array<i32>} : memref<128xi32, #tpu.memory_space<vmem>>, vector<16xi32>,
          %get3A_374 = arith.constant 96 : index
          %get3A_375 = tpu.vector_load %arg6[%get3A_374] {strides = array<i32>} : memref<128xi32, #tpu.memory_space<vmem>>, vector<16xi32>,
          %get3A_376 = vector.shape_cast %get3A_375 : vector<16xi32> to vector<16xi32>
          %and3A_377 = arith.constant 65535 : i32
          %and3A_378 = vector.broadcast %and3A_377 : i32 to vector<16xi32>
          %and3A_379 = arith.andi %get3A_376, %and3A_378 : vector<16xi32>
          %swap3A_380 = arith.constant 96 : index
          %swap3A_381 = tpu.vector_load %arg9[%swap3A_380] {strides = array<i32>} : memref<128xi32, #tpu.memory_space<vmem>>, vector<16xi32>,
          %swap3A_382 = vector.shape_cast %swap3A_381 : vector<16xi32> to vector<16xi32>
          %swap3A_383 = vector.shape_cast %and3A_379 : vector<16xi32> to vector<16xi32>
          tpu.vector_store %arg9[%swap3A_380], %swap3A_383 {strides = array<i32>} : memref<128xi32, #tpu.memory_space<vmem>>, vector<16xi32>,
          %shift_right_logical3A_384 = arith.constant 16 : i32
          %shift_right_logical3A_385 = vector.broadcast %shift_right_logical3A_384 : i32 to vector<16xi32>
          %shift_right_logical3A_386 = arith.shrui %get3A_376, %shift_right_logical3A_385 : vector<16xi32>
          %swap3A_387 = arith.constant 96 : index
          %swap3A_388 = tpu.vector_load %arg12[%swap3A_387] {strides = array<i32>} : memref<128xi32, #tpu.memory_space<vmem>>, vector<16xi32>,
          %swap3A_389 = vector.shape_cast %swap3A_388 : vector<16xi32> to vector<16xi32>
          %swap3A_390 = vector.shape_cast %shift_right_logical3A_386 : vector<16xi32> to vector<16xi32>
          tpu.vector_store %arg12[%swap3A_387], %swap3A_390 {strides = array<i32>} : memref<128xi32, #tpu.memory_space<vmem>>, vector<16xi32>,
          %get3A_391 = arith.constant 112 : index
          %get3A_392 = tpu.vector_load %arg6[%get3A_391] {strides = array<i32>} : memref<128xi32, #tpu.memory_space<vmem>>, vector<16xi32>,
          %get3A_393 = vector.shape_cast %get3A_392 : vector<16xi32> to vector<16xi32>
          %and3A_394 = arith.constant 65535 : i32
          %and3A_395 = vector.broadcast %and3A_394 : i32 to vector<16xi32>
          %and3A_396 = arith.andi %get3A_393, %and3A_395 : vector<16xi32>
          %swap3A_397 = arith.constant 112 : index
          %swap3A_398 = tpu.vector_load %arg9[%swap3A_397] {strides = array<i32>} : memref<128xi32, #tpu.memory_space<vmem>>, vector<16xi32>,
          %swap3A_399 = vector.shape_cast %swap3A_398 : vector<16xi32> to vector<16xi32>
          %swap3A_400 = vector.shape_cast %and3A_396 : vector<16xi32> to vector<16xi32>
          tpu.vector_store %arg9[%swap3A_397], %swap3A_400 {strides = array<i32>} : memref<128xi32, #tpu.memory_space<vmem>>, vector<16xi32>,
          %shift_right_logical3A_401 = arith.constant 16 : i32
          %shift_right_logical3A_402 = vector.broadcast %shift_right_logical3A_401 : i32 to vector<16xi32>
          %shift_right_logical3A_403 = arith.shrui %get3A_393, %shift_right_logical3A_402 : vector<16xi32>
          %swap3A_404 = arith.constant 112 : index
          %swap3A_405 = tpu.vector_load %arg12[%swap3A_404] {strides = array<i32>} : memref<128xi32, #tpu.memory_space<vmem>>, vector<16xi32>,
          %swap3A_406 = vector.shape_cast %swap3A_405 : vector<16xi32> to vector<16xi32>
          %swap3A_407 = vector.shape_cast %shift_right_logical3A_403 : vector<16xi32> to vector<16xi32>
          tpu.vector_store %arg12[%swap3A_404], %swap3A_407 {strides = array<i32>} : memref<128xi32, #tpu.memory_space<vmem>>, vector<16xi32>,
          %dma_start3A_408 = arith.constant 0 : i32
          %dma_start3A_409 = arith.constant 0 : i32
          %dma_start3A_410 = tpu.memref_slice %arg2[%dma_start3A_408, %dma_start3A_409] : memref<10000x128xf32, #tpu.memory_space<hbm>> -> memref<10000x128xf32, #tpu.memory_space<hbm>>
          tpu.enqueue_indirect_dma source(%dma_start3A_410 : memref<10000x128xf32, #tpu.memory_space<hbm>>) target(%arg15 : memref<128x128xf32, #tpu.memory_space<vmem>>) offsets(%arg9 : memref<128xi32, #tpu.memory_space<vmem>>) semaphore(%arg22 : memref<!tpu.dma_semaphore, #tpu.memory_space<semaphore_mem>>)
          %add3A_411 = arith.constant 2 : i32
          %add3A_412 = arith.addi %while3A_191, %add3A_411 : i32
          %lt3A_413 = arith.cmpi slt, %add3A_412, %select_n3A_6 : i32
          %convert_element_type3A_414 = arith.extui %lt3A_413 : i1 to i32
          %cond3A_415 = arith.constant 0 : i32
          %cond3A_416 = arith.cmpi ne, %convert_element_type3A_414, %cond3A_415 : i32
          scf.if %cond3A_416 {
            %add3A_417 = arith.constant 2 : i32
            %add3A_418 = arith.addi %while3A_191, %add3A_417 : i32
            %mul3A_419 = arith.constant 32 : i32
            %mul3A_420 = arith.muli %add3A_418, %mul3A_419 : i32
            %add3A_421 = arith.addi %mul3A_420, %add3A : i32
            %mul3A_422 = arith.constant 128 : i32
            %mul3A_423 = arith.muli %add3A_421, %mul3A_422 : i32
            %dma_start3A_424 = tpu.memref_slice %arg3[%mul3A_423] : memref<320000xi32, #tpu.memory_space<hbm>> -> memref<128xi32, #tpu.memory_space<hbm>>
            %dma_start3A_425 = tpu.memref_slice %arg3[%mul3A_423] : memref<320000xi32, #tpu.memory_space<hbm>> -> memref<128xi32, #tpu.memory_space<hbm>>
            tpu.enqueue_dma source(%dma_start3A_425 : memref<128xi32, #tpu.memory_space<hbm>>) target(%arg7 : memref<128xi32, #tpu.memory_space<vmem>>) target_semaphore(%arg20 : memref<!tpu.dma_semaphore, #tpu.memory_space<semaphore_mem>>)
          } else {
          }
        } else {
        }
      } else {
      }
    }
    %while3A_167 = arith.constant 1 : i32
    scf.for %while3A_191 = %while3A_165 to %while3A_161 step %while3A_167  : i32 {
      %jit3A = arith.constant 3 : i32
      %eq3A = arith.constant 0 : i32
      %eq3A_192 = arith.cmpi eq, %jit3A, %eq3A : i32
      %jit3A_193 = arith.constant 1 : i32
      %select_n3A_194 = arith.select %eq3A_192, %jit3A_193, %jit3A : i32
      %rem3A = arith.remsi %while3A_191, %select_n3A_194 : i32
      %ne3A = arith.constant 0 : i32
      %ne3A_195 = arith.cmpi ne, %rem3A, %ne3A : i32
      %lt3A_196 = arith.constant 0 : i32
      %lt3A_197 = arith.cmpi slt, %rem3A, %lt3A_196 : i32
      %lt3A_198 = arith.constant 0 : i32
      %lt3A_199 = arith.cmpi slt, %select_n3A_194, %lt3A_198 : i32
      %ne3A_200 = arith.xori %lt3A_197, %lt3A_199 : i1
      %and3A_201 = arith.andi %ne3A_200, %ne3A_195 : i1
      %add3A_202 = arith.addi %rem3A, %select_n3A_194 : i32
      %select_n3A_203 = arith.select %and3A_201, %add3A_202, %rem3A : i32
      %eq3A_204 = arith.constant 0 : i32
      %eq3A_205 = arith.cmpi eq, %select_n3A_203, %eq3A_204 : i32
      %convert_element_type3A = arith.extui %eq3A_205 : i1 to i32
      %cond3A = arith.constant 0 : i32
      %cond3A_206 = arith.cmpi ne, %convert_element_type3A, %cond3A : i32
      scf.if %cond3A_206 {
        %dma_wait3A_249 = arith.constant 0 : i32
        %dma_wait3A_250 = arith.constant 0 : i32
        %dma_wait3A_251 = tpu.memref_slice %arg2[%dma_wait3A_249, %dma_wait3A_250] : memref<10000x128xf32, #tpu.memory_space<hbm>> -> memref<128x128xf32, #tpu.memory_space<hbm>>
        %dma_wait3A_252 = arith.constant 0 : i32
        %dma_wait3A_253 = arith.constant 0 : i32
        %dma_wait3A_254 = tpu.memref_slice %arg2[%dma_wait3A_252, %dma_wait3A_253] : memref<10000x128xf32, #tpu.memory_space<hbm>> -> memref<128x128xf32, #tpu.memory_space<hbm>>
        tpu.wait_dma2 semaphore(%arg22 : memref<!tpu.dma_semaphore, #tpu.memory_space<semaphore_mem>>) src(%dma_wait3A_254 : memref<128x128xf32, #tpu.memory_space<hbm>>) dst(%arg15 : memref<128x128xf32, #tpu.memory_space<vmem>>)
        %dma_start3A_255 = arith.constant 0 : i32
        %dma_start3A_256 = arith.constant 0 : i32
        %dma_start3A_257 = tpu.memref_slice %arg18[%dma_start3A_255, %dma_start3A_256] : memref<10000x128xf32, #tpu.memory_space<vmem_shared>> -> memref<10000x128xf32, #tpu.memory_space<vmem_shared>>
        tpu.enqueue_indirect_dma source(%arg15 : memref<128x128xf32, #tpu.memory_space<vmem>>) target(%dma_start3A_257 : memref<10000x128xf32, #tpu.memory_space<vmem_shared>>) offsets(%arg12 : memref<128xi32, #tpu.memory_space<vmem>>) semaphore(%arg25 : memref<!tpu.dma_semaphore, #tpu.memory_space<semaphore_mem>>) {add = true}
        %add3A_258 = arith.constant 1 : i32
        %add3A_259 = arith.addi %while3A_191, %add3A_258 : i32
        %lt3A_260 = arith.cmpi slt, %add3A_259, %select_n3A_6 : i32
        %convert_element_type3A_261 = arith.extui %lt3A_260 : i1 to i32
        %cond3A_262 = arith.constant 0 : i32
        %cond3A_263 = arith.cmpi ne, %convert_element_type3A_261, %cond3A_262 : i32
        scf.if %cond3A_263 {
          %ge3A = arith.constant 2 : i32
          %ge3A_264 = arith.cmpi sge, %while3A_191, %ge3A : i32
          %convert_element_type3A_265 = arith.extui %ge3A_264 : i1 to i32
          %cond3A_266 = arith.constant 0 : i32
          %cond3A_267 = arith.cmpi ne, %convert_element_type3A_265, %cond3A_266 : i32
          scf.if %cond3A_267 {
            %dma_wait3A_417 = arith.constant 0 : i32
            %dma_wait3A_418 = arith.constant 0 : i32
            %dma_wait3A_419 = tpu.memref_slice %arg2[%dma_wait3A_417, %dma_wait3A_418] : memref<10000x128xf32, #tpu.memory_space<hbm>> -> memref<128x128xf32, #tpu.memory_space<hbm>>
            %dma_wait3A_420 = arith.constant 0 : i32
            %dma_wait3A_421 = arith.constant 0 : i32
            %dma_wait3A_422 = tpu.memref_slice %arg2[%dma_wait3A_420, %dma_wait3A_421] : memref<10000x128xf32, #tpu.memory_space<hbm>> -> memref<128x128xf32, #tpu.memory_space<hbm>>
            tpu.wait_dma2 semaphore(%arg26 : memref<!tpu.dma_semaphore, #tpu.memory_space<semaphore_mem>>) src(%dma_wait3A_422 : memref<128x128xf32, #tpu.memory_space<hbm>>) dst(%arg16 : memref<128x128xf32, #tpu.memory_space<vmem>>)
          } else {
          }
          %dma_wait3A_268 = arith.constant 0 : i32
          %dma_wait3A_269 = tpu.memref_slice %arg3[%dma_wait3A_268] : memref<320000xi32, #tpu.memory_space<hbm>> -> memref<128xi32, #tpu.memory_space<hbm>>
          %dma_wait3A_270 = arith.constant 0 : i32
          %dma_wait3A_271 = tpu.memref_slice %arg3[%dma_wait3A_270] : memref<320000xi32, #tpu.memory_space<hbm>> -> memref<128xi32, #tpu.memory_space<hbm>>
          tpu.wait_dma2 semaphore(%arg20 : memref<!tpu.dma_semaphore, #tpu.memory_space<semaphore_mem>>) src(%dma_wait3A_271 : memref<128xi32, #tpu.memory_space<hbm>>) dst(%arg7 : memref<128xi32, #tpu.memory_space<vmem>>)
          %get3A_272 = arith.constant 0 : index
          %get3A_273 = tpu.vector_load %arg7[%get3A_272] {strides = array<i32>} : memref<128xi32, #tpu.memory_space<vmem>>, vector<16xi32>,
          %get3A_274 = vector.shape_cast %get3A_273 : vector<16xi32> to vector<16xi32>
          %and3A_275 = arith.constant 65535 : i32
          %and3A_276 = vector.broadcast %and3A_275 : i32 to vector<16xi32>
          %and3A_277 = arith.andi %get3A_274, %and3A_276 : vector<16xi32>
          %swap3A_278 = arith.constant 0 : index
          %swap3A_279 = tpu.vector_load %arg10[%swap3A_278] {strides = array<i32>} : memref<128xi32, #tpu.memory_space<vmem>>, vector<16xi32>,
          %swap3A_280 = vector.shape_cast %swap3A_279 : vector<16xi32> to vector<16xi32>
          %swap3A_281 = vector.shape_cast %and3A_277 : vector<16xi32> to vector<16xi32>
          tpu.vector_store %arg10[%swap3A_278], %swap3A_281 {strides = array<i32>} : memref<128xi32, #tpu.memory_space<vmem>>, vector<16xi32>,
          %shift_right_logical3A_282 = arith.constant 16 : i32
          %shift_right_logical3A_283 = vector.broadcast %shift_right_logical3A_282 : i32 to vector<16xi32>
          %shift_right_logical3A_284 = arith.shrui %get3A_274, %shift_right_logical3A_283 : vector<16xi32>
          %swap3A_285 = arith.constant 0 : index
          %swap3A_286 = tpu.vector_load %arg13[%swap3A_285] {strides = array<i32>} : memref<128xi32, #tpu.memory_space<vmem>>, vector<16xi32>,
          %swap3A_287 = vector.shape_cast %swap3A_286 : vector<16xi32> to vector<16xi32>
          %swap3A_288 = vector.shape_cast %shift_right_logical3A_284 : vector<16xi32> to vector<16xi32>
          tpu.vector_store %arg13[%swap3A_285], %swap3A_288 {strides = array<i32>} : memref<128xi32, #tpu.memory_space<vmem>>, vector<16xi32>,
          %get3A_289 = arith.constant 16 : index
          %get3A_290 = tpu.vector_load %arg7[%get3A_289] {strides = array<i32>} : memref<128xi32, #tpu.memory_space<vmem>>, vector<16xi32>,
          %get3A_291 = vector.shape_cast %get3A_290 : vector<16xi32> to vector<16xi32>
          %and3A_292 = arith.constant 65535 : i32
          %and3A_293 = vector.broadcast %and3A_292 : i32 to vector<16xi32>
          %and3A_294 = arith.andi %get3A_291, %and3A_293 : vector<16xi32>
          %swap3A_295 = arith.constant 16 : index
          %swap3A_296 = tpu.vector_load %arg10[%swap3A_295] {strides = array<i32>} : memref<128xi32, #tpu.memory_space<vmem>>, vector<16xi32>,
          %swap3A_297 = vector.shape_cast %swap3A_296 : vector<16xi32> to vector<16xi32>
          %swap3A_298 = vector.shape_cast %and3A_294 : vector<16xi32> to vector<16xi32>
          tpu.vector_store %arg10[%swap3A_295], %swap3A_298 {strides = array<i32>} : memref<128xi32, #tpu.memory_space<vmem>>, vector<16xi32>,
          %shift_right_logical3A_299 = arith.constant 16 : i32
          %shift_right_logical3A_300 = vector.broadcast %shift_right_logical3A_299 : i32 to vector<16xi32>
          %shift_right_logical3A_301 = arith.shrui %get3A_291, %shift_right_logical3A_300 : vector<16xi32>
          %swap3A_302 = arith.constant 16 : index
          %swap3A_303 = tpu.vector_load %arg13[%swap3A_302] {strides = array<i32>} : memref<128xi32, #tpu.memory_space<vmem>>, vector<16xi32>,
          %swap3A_304 = vector.shape_cast %swap3A_303 : vector<16xi32> to vector<16xi32>
          %swap3A_305 = vector.shape_cast %shift_right_logical3A_301 : vector<16xi32> to vector<16xi32>
          tpu.vector_store %arg13[%swap3A_302], %swap3A_305 {strides = array<i32>} : memref<128xi32, #tpu.memory_space<vmem>>, vector<16xi32>,
          %get3A_306 = arith.constant 32 : index
          %get3A_307 = tpu.vector_load %arg7[%get3A_306] {strides = array<i32>} : memref<128xi32, #tpu.memory_space<vmem>>, vector<16xi32>,
          %get3A_308 = vector.shape_cast %get3A_307 : vector<16xi32> to vector<16xi32>
          %and3A_309 = arith.constant 65535 : i32
          %and3A_310 = vector.broadcast %and3A_309 : i32 to vector<16xi32>
          %and3A_311 = arith.andi %get3A_308, %and3A_310 : vector<16xi32>
          %swap3A_312 = arith.constant 32 : index
          %swap3A_313 = tpu.vector_load %arg10[%swap3A_312] {strides = array<i32>} : memref<128xi32, #tpu.memory_space<vmem>>, vector<16xi32>,
          %swap3A_314 = vector.shape_cast %swap3A_313 : vector<16xi32> to vector<16xi32>
          %swap3A_315 = vector.shape_cast %and3A_311 : vector<16xi32> to vector<16xi32>
          tpu.vector_store %arg10[%swap3A_312], %swap3A_315 {strides = array<i32>} : memref<128xi32, #tpu.memory_space<vmem>>, vector<16xi32>,
          %shift_right_logical3A_316 = arith.constant 16 : i32
          %shift_right_logical3A_317 = vector.broadcast %shift_right_logical3A_316 : i32 to vector<16xi32>
          %shift_right_logical3A_318 = arith.shrui %get3A_308, %shift_right_logical3A_317 : vector<16xi32>
          %swap3A_319 = arith.constant 32 : index
          %swap3A_320 = tpu.vector_load %arg13[%swap3A_319] {strides = array<i32>} : memref<128xi32, #tpu.memory_space<vmem>>, vector<16xi32>,
          %swap3A_321 = vector.shape_cast %swap3A_320 : vector<16xi32> to vector<16xi32>
          %swap3A_322 = vector.shape_cast %shift_right_logical3A_318 : vector<16xi32> to vector<16xi32>
          tpu.vector_store %arg13[%swap3A_319], %swap3A_322 {strides = array<i32>} : memref<128xi32, #tpu.memory_space<vmem>>, vector<16xi32>,
          %get3A_323 = arith.constant 48 : index
          %get3A_324 = tpu.vector_load %arg7[%get3A_323] {strides = array<i32>} : memref<128xi32, #tpu.memory_space<vmem>>, vector<16xi32>,
          %get3A_325 = vector.shape_cast %get3A_324 : vector<16xi32> to vector<16xi32>
          %and3A_326 = arith.constant 65535 : i32
          %and3A_327 = vector.broadcast %and3A_326 : i32 to vector<16xi32>
          %and3A_328 = arith.andi %get3A_325, %and3A_327 : vector<16xi32>
          %swap3A_329 = arith.constant 48 : index
          %swap3A_330 = tpu.vector_load %arg10[%swap3A_329] {strides = array<i32>} : memref<128xi32, #tpu.memory_space<vmem>>, vector<16xi32>,
          %swap3A_331 = vector.shape_cast %swap3A_330 : vector<16xi32> to vector<16xi32>
          %swap3A_332 = vector.shape_cast %and3A_328 : vector<16xi32> to vector<16xi32>
          tpu.vector_store %arg10[%swap3A_329], %swap3A_332 {strides = array<i32>} : memref<128xi32, #tpu.memory_space<vmem>>, vector<16xi32>,
          %shift_right_logical3A_333 = arith.constant 16 : i32
          %shift_right_logical3A_334 = vector.broadcast %shift_right_logical3A_333 : i32 to vector<16xi32>
          %shift_right_logical3A_335 = arith.shrui %get3A_325, %shift_right_logical3A_334 : vector<16xi32>
          %swap3A_336 = arith.constant 48 : index
          %swap3A_337 = tpu.vector_load %arg13[%swap3A_336] {strides = array<i32>} : memref<128xi32, #tpu.memory_space<vmem>>, vector<16xi32>,
          %swap3A_338 = vector.shape_cast %swap3A_337 : vector<16xi32> to vector<16xi32>
          %swap3A_339 = vector.shape_cast %shift_right_logical3A_335 : vector<16xi32> to vector<16xi32>
          tpu.vector_store %arg13[%swap3A_336], %swap3A_339 {strides = array<i32>} : memref<128xi32, #tpu.memory_space<vmem>>, vector<16xi32>,
          %get3A_340 = arith.constant 64 : index
          %get3A_341 = tpu.vector_load %arg7[%get3A_340] {strides = array<i32>} : memref<128xi32, #tpu.memory_space<vmem>>, vector<16xi32>,
          %get3A_342 = vector.shape_cast %get3A_341 : vector<16xi32> to vector<16xi32>
          %and3A_343 = arith.constant 65535 : i32
          %and3A_344 = vector.broadcast %and3A_343 : i32 to vector<16xi32>
          %and3A_345 = arith.andi %get3A_342, %and3A_344 : vector<16xi32>
          %swap3A_346 = arith.constant 64 : index
          %swap3A_347 = tpu.vector_load %arg10[%swap3A_346] {strides = array<i32>} : memref<128xi32, #tpu.memory_space<vmem>>, vector<16xi32>,
          %swap3A_348 = vector.shape_cast %swap3A_347 : vector<16xi32> to vector<16xi32>
          %swap3A_349 = vector.shape_cast %and3A_345 : vector<16xi32> to vector<16xi32>
          tpu.vector_store %arg10[%swap3A_346], %swap3A_349 {strides = array<i32>} : memref<128xi32, #tpu.memory_space<vmem>>, vector<16xi32>,
          %shift_right_logical3A_350 = arith.constant 16 : i32
          %shift_right_logical3A_351 = vector.broadcast %shift_right_logical3A_350 : i32 to vector<16xi32>
          %shift_right_logical3A_352 = arith.shrui %get3A_342, %shift_right_logical3A_351 : vector<16xi32>
          %swap3A_353 = arith.constant 64 : index
          %swap3A_354 = tpu.vector_load %arg13[%swap3A_353] {strides = array<i32>} : memref<128xi32, #tpu.memory_space<vmem>>, vector<16xi32>,
          %swap3A_355 = vector.shape_cast %swap3A_354 : vector<16xi32> to vector<16xi32>
          %swap3A_356 = vector.shape_cast %shift_right_logical3A_352 : vector<16xi32> to vector<16xi32>
          tpu.vector_store %arg13[%swap3A_353], %swap3A_356 {strides = array<i32>} : memref<128xi32, #tpu.memory_space<vmem>>, vector<16xi32>,
          %get3A_357 = arith.constant 80 : index
          %get3A_358 = tpu.vector_load %arg7[%get3A_357] {strides = array<i32>} : memref<128xi32, #tpu.memory_space<vmem>>, vector<16xi32>,
          %get3A_359 = vector.shape_cast %get3A_358 : vector<16xi32> to vector<16xi32>
          %and3A_360 = arith.constant 65535 : i32
          %and3A_361 = vector.broadcast %and3A_360 : i32 to vector<16xi32>
          %and3A_362 = arith.andi %get3A_359, %and3A_361 : vector<16xi32>
          %swap3A_363 = arith.constant 80 : index
          %swap3A_364 = tpu.vector_load %arg10[%swap3A_363] {strides = array<i32>} : memref<128xi32, #tpu.memory_space<vmem>>, vector<16xi32>,
          %swap3A_365 = vector.shape_cast %swap3A_364 : vector<16xi32> to vector<16xi32>
          %swap3A_366 = vector.shape_cast %and3A_362 : vector<16xi32> to vector<16xi32>
          tpu.vector_store %arg10[%swap3A_363], %swap3A_366 {strides = array<i32>} : memref<128xi32, #tpu.memory_space<vmem>>, vector<16xi32>,
          %shift_right_logical3A_367 = arith.constant 16 : i32
          %shift_right_logical3A_368 = vector.broadcast %shift_right_logical3A_367 : i32 to vector<16xi32>
          %shift_right_logical3A_369 = arith.shrui %get3A_359, %shift_right_logical3A_368 : vector<16xi32>
          %swap3A_370 = arith.constant 80 : index
          %swap3A_371 = tpu.vector_load %arg13[%swap3A_370] {strides = array<i32>} : memref<128xi32, #tpu.memory_space<vmem>>, vector<16xi32>,
          %swap3A_372 = vector.shape_cast %swap3A_371 : vector<16xi32> to vector<16xi32>
          %swap3A_373 = vector.shape_cast %shift_right_logical3A_369 : vector<16xi32> to vector<16xi32>
          tpu.vector_store %arg13[%swap3A_370], %swap3A_373 {strides = array<i32>} : memref<128xi32, #tpu.memory_space<vmem>>, vector<16xi32>,
          %get3A_374 = arith.constant 96 : index
          %get3A_375 = tpu.vector_load %arg7[%get3A_374] {strides = array<i32>} : memref<128xi32, #tpu.memory_space<vmem>>, vector<16xi32>,
          %get3A_376 = vector.shape_cast %get3A_375 : vector<16xi32> to vector<16xi32>
          %and3A_377 = arith.constant 65535 : i32
          %and3A_378 = vector.broadcast %and3A_377 : i32 to vector<16xi32>
          %and3A_379 = arith.andi %get3A_376, %and3A_378 : vector<16xi32>
          %swap3A_380 = arith.constant 96 : index
          %swap3A_381 = tpu.vector_load %arg10[%swap3A_380] {strides = array<i32>} : memref<128xi32, #tpu.memory_space<vmem>>, vector<16xi32>,
          %swap3A_382 = vector.shape_cast %swap3A_381 : vector<16xi32> to vector<16xi32>
          %swap3A_383 = vector.shape_cast %and3A_379 : vector<16xi32> to vector<16xi32>
          tpu.vector_store %arg10[%swap3A_380], %swap3A_383 {strides = array<i32>} : memref<128xi32, #tpu.memory_space<vmem>>, vector<16xi32>,
          %shift_right_logical3A_384 = arith.constant 16 : i32
          %shift_right_logical3A_385 = vector.broadcast %shift_right_logical3A_384 : i32 to vector<16xi32>
          %shift_right_logical3A_386 = arith.shrui %get3A_376, %shift_right_logical3A_385 : vector<16xi32>
          %swap3A_387 = arith.constant 96 : index
          %swap3A_388 = tpu.vector_load %arg13[%swap3A_387] {strides = array<i32>} : memref<128xi32, #tpu.memory_space<vmem>>, vector<16xi32>,
          %swap3A_389 = vector.shape_cast %swap3A_388 : vector<16xi32> to vector<16xi32>
          %swap3A_390 = vector.shape_cast %shift_right_logical3A_386 : vector<16xi32> to vector<16xi32>
          tpu.vector_store %arg13[%swap3A_387], %swap3A_390 {strides = array<i32>} : memref<128xi32, #tpu.memory_space<vmem>>, vector<16xi32>,
          %get3A_391 = arith.constant 112 : index
          %get3A_392 = tpu.vector_load %arg7[%get3A_391] {strides = array<i32>} : memref<128xi32, #tpu.memory_space<vmem>>, vector<16xi32>,
          %get3A_393 = vector.shape_cast %get3A_392 : vector<16xi32> to vector<16xi32>
          %and3A_394 = arith.constant 65535 : i32
          %and3A_395 = vector.broadcast %and3A_394 : i32 to vector<16xi32>
          %and3A_396 = arith.andi %get3A_393, %and3A_395 : vector<16xi32>
          %swap3A_397 = arith.constant 112 : index
          %swap3A_398 = tpu.vector_load %arg10[%swap3A_397] {strides = array<i32>} : memref<128xi32, #tpu.memory_space<vmem>>, vector<16xi32>,
          %swap3A_399 = vector.shape_cast %swap3A_398 : vector<16xi32> to vector<16xi32>
          %swap3A_400 = vector.shape_cast %and3A_396 : vector<16xi32> to vector<16xi32>
          tpu.vector_store %arg10[%swap3A_397], %swap3A_400 {strides = array<i32>} : memref<128xi32, #tpu.memory_space<vmem>>, vector<16xi32>,
          %shift_right_logical3A_401 = arith.constant 16 : i32
          %shift_right_logical3A_402 = vector.broadcast %shift_right_logical3A_401 : i32 to vector<16xi32>
          %shift_right_logical3A_403 = arith.shrui %get3A_393, %shift_right_logical3A_402 : vector<16xi32>
          %swap3A_404 = arith.constant 112 : index
          %swap3A_405 = tpu.vector_load %arg13[%swap3A_404] {strides = array<i32>} : memref<128xi32, #tpu.memory_space<vmem>>, vector<16xi32>,
          %swap3A_406 = vector.shape_cast %swap3A_405 : vector<16xi32> to vector<16xi32>
          %swap3A_407 = vector.shape_cast %shift_right_logical3A_403 : vector<16xi32> to vector<16xi32>
          tpu.vector_store %arg13[%swap3A_404], %swap3A_407 {strides = array<i32>} : memref<128xi32, #tpu.memory_space<vmem>>, vector<16xi32>,
          %dma_start3A_408 = arith.constant 0 : i32
          %dma_start3A_409 = arith.constant 0 : i32
          %dma_start3A_410 = tpu.memref_slice %arg2[%dma_start3A_408, %dma_start3A_409] : memref<10000x128xf32, #tpu.memory_space<hbm>> -> memref<10000x128xf32, #tpu.memory_space<hbm>>
          tpu.enqueue_indirect_dma source(%dma_start3A_410 : memref<10000x128xf32, #tpu.memory_space<hbm>>) target(%arg16 : memref<128x128xf32, #tpu.memory_space<vmem>>) offsets(%arg10 : memref<128xi32, #tpu.memory_space<vmem>>) semaphore(%arg23 : memref<!tpu.dma_semaphore, #tpu.memory_space<semaphore_mem>>)
          %add3A_411 = arith.constant 2 : i32
          %add3A_412 = arith.addi %while3A_191, %add3A_411 : i32
          %lt3A_413 = arith.cmpi slt, %add3A_412, %select_n3A_6 : i32
          %convert_element_type3A_414 = arith.extui %lt3A_413 : i1 to i32
          %cond3A_415 = arith.constant 0 : i32
          %cond3A_416 = arith.cmpi ne, %convert_element_type3A_414, %cond3A_415 : i32
          scf.if %cond3A_416 {
            %add3A_417 = arith.constant 2 : i32
            %add3A_418 = arith.addi %while3A_191, %add3A_417 : i32
            %mul3A_419 = arith.constant 32 : i32
            %mul3A_420 = arith.muli %add3A_418, %mul3A_419 : i32
            %add3A_421 = arith.addi %mul3A_420, %add3A : i32
            %mul3A_422 = arith.constant 128 : i32
            %mul3A_423 = arith.muli %add3A_421, %mul3A_422 : i32
            %dma_start3A_424 = tpu.memref_slice %arg3[%mul3A_423] : memref<320000xi32, #tpu.memory_space<hbm>> -> memref<128xi32, #tpu.memory_space<hbm>>
            %dma_start3A_425 = tpu.memref_slice %arg3[%mul3A_423] : memref<320000xi32, #tpu.memory_space<hbm>> -> memref<128xi32, #tpu.memory_space<hbm>>
            tpu.enqueue_dma source(%dma_start3A_425 : memref<128xi32, #tpu.memory_space<hbm>>) target(%arg8 : memref<128xi32, #tpu.memory_space<vmem>>) target_semaphore(%arg21 : memref<!tpu.dma_semaphore, #tpu.memory_space<semaphore_mem>>)
          } else {
          }
        } else {
        }
      } else {
      }
      %jit3A_207 = arith.constant 3 : i32
      %eq3A_208 = arith.constant 0 : i32
      %eq3A_209 = arith.cmpi eq, %jit3A_207, %eq3A_208 : i32
      %jit3A_210 = arith.constant 1 : i32
      %select_n3A_211 = arith.select %eq3A_209, %jit3A_210, %jit3A_207 : i32
      %rem3A_212 = arith.remsi %while3A_191, %select_n3A_211 : i32
      %ne3A_213 = arith.constant 0 : i32
      %ne3A_214 = arith.cmpi ne, %rem3A_212, %ne3A_213 : i32
      %lt3A_215 = arith.constant 0 : i32
      %lt3A_216 = arith.cmpi slt, %rem3A_212, %lt3A_215 : i32
      %lt3A_217 = arith.constant 0 : i32
      %lt3A_218 = arith.cmpi slt, %select_n3A_211, %lt3A_217 : i32
      %ne3A_219 = arith.xori %lt3A_216, %lt3A_218 : i1
      %and3A_220 = arith.andi %ne3A_219, %ne3A_214 : i1
      %add3A_221 = arith.addi %rem3A_212, %select_n3A_211 : i32
      %select_n3A_222 = arith.select %and3A_220, %add3A_221, %rem3A_212 : i32
      %eq3A_223 = arith.constant 1 : i32
      %eq3A_224 = arith.cmpi eq, %select_n3A_222, %eq3A_223 : i32
      %convert_element_type3A_225 = arith.extui %eq3A_224 : i1 to i32
      %cond3A_226 = arith.constant 0 : i32
      %cond3A_227 = arith.cmpi ne, %convert_element_type3A_225, %cond3A_226 : i32
      scf.if %cond3A_227 {
        %dma_wait3A_249 = arith.constant 0 : i32
        %dma_wait3A_250 = arith.constant 0 : i32
        %dma_wait3A_251 = tpu.memref_slice %arg2[%dma_wait3A_249, %dma_wait3A_250] : memref<10000x128xf32, #tpu.memory_space<hbm>> -> memref<128x128xf32, #tpu.memory_space<hbm>>
        %dma_wait3A_252 = arith.constant 0 : i32
        %dma_wait3A_253 = arith.constant 0 : i32
        %dma_wait3A_254 = tpu.memref_slice %arg2[%dma_wait3A_252, %dma_wait3A_253] : memref<10000x128xf32, #tpu.memory_space<hbm>> -> memref<128x128xf32, #tpu.memory_space<hbm>>
        tpu.wait_dma2 semaphore(%arg23 : memref<!tpu.dma_semaphore, #tpu.memory_space<semaphore_mem>>) src(%dma_wait3A_254 : memref<128x128xf32, #tpu.memory_space<hbm>>) dst(%arg16 : memref<128x128xf32, #tpu.memory_space<vmem>>)
        %dma_start3A_255 = arith.constant 0 : i32
        %dma_start3A_256 = arith.constant 0 : i32
        %dma_start3A_257 = tpu.memref_slice %arg18[%dma_start3A_255, %dma_start3A_256] : memref<10000x128xf32, #tpu.memory_space<vmem_shared>> -> memref<10000x128xf32, #tpu.memory_space<vmem_shared>>
        tpu.enqueue_indirect_dma source(%arg16 : memref<128x128xf32, #tpu.memory_space<vmem>>) target(%dma_start3A_257 : memref<10000x128xf32, #tpu.memory_space<vmem_shared>>) offsets(%arg13 : memref<128xi32, #tpu.memory_space<vmem>>) semaphore(%arg26 : memref<!tpu.dma_semaphore, #tpu.memory_space<semaphore_mem>>) {add = true}
        %add3A_258 = arith.constant 1 : i32
        %add3A_259 = arith.addi %while3A_191, %add3A_258 : i32
        %lt3A_260 = arith.cmpi slt, %add3A_259, %select_n3A_6 : i32
        %convert_element_type3A_261 = arith.extui %lt3A_260 : i1 to i32
        %cond3A_262 = arith.constant 0 : i32
        %cond3A_263 = arith.cmpi ne, %convert_element_type3A_261, %cond3A_262 : i32
        scf.if %cond3A_263 {
          %ge3A = arith.constant 2 : i32
          %ge3A_264 = arith.cmpi sge, %while3A_191, %ge3A : i32
          %convert_element_type3A_265 = arith.extui %ge3A_264 : i1 to i32
          %cond3A_266 = arith.constant 0 : i32
          %cond3A_267 = arith.cmpi ne, %convert_element_type3A_265, %cond3A_266 : i32
          scf.if %cond3A_267 {
            %dma_wait3A_417 = arith.constant 0 : i32
            %dma_wait3A_418 = arith.constant 0 : i32
            %dma_wait3A_419 = tpu.memref_slice %arg2[%dma_wait3A_417, %dma_wait3A_418] : memref<10000x128xf32, #tpu.memory_space<hbm>> -> memref<128x128xf32, #tpu.memory_space<hbm>>
            %dma_wait3A_420 = arith.constant 0 : i32
            %dma_wait3A_421 = arith.constant 0 : i32
            %dma_wait3A_422 = tpu.memref_slice %arg2[%dma_wait3A_420, %dma_wait3A_421] : memref<10000x128xf32, #tpu.memory_space<hbm>> -> memref<128x128xf32, #tpu.memory_space<hbm>>
            tpu.wait_dma2 semaphore(%arg27 : memref<!tpu.dma_semaphore, #tpu.memory_space<semaphore_mem>>) src(%dma_wait3A_422 : memref<128x128xf32, #tpu.memory_space<hbm>>) dst(%arg17 : memref<128x128xf32, #tpu.memory_space<vmem>>)
          } else {
          }
          %dma_wait3A_268 = arith.constant 0 : i32
          %dma_wait3A_269 = tpu.memref_slice %arg3[%dma_wait3A_268] : memref<320000xi32, #tpu.memory_space<hbm>> -> memref<128xi32, #tpu.memory_space<hbm>>
          %dma_wait3A_270 = arith.constant 0 : i32
          %dma_wait3A_271 = tpu.memref_slice %arg3[%dma_wait3A_270] : memref<320000xi32, #tpu.memory_space<hbm>> -> memref<128xi32, #tpu.memory_space<hbm>>
          tpu.wait_dma2 semaphore(%arg21 : memref<!tpu.dma_semaphore, #tpu.memory_space<semaphore_mem>>) src(%dma_wait3A_271 : memref<128xi32, #tpu.memory_space<hbm>>) dst(%arg8 : memref<128xi32, #tpu.memory_space<vmem>>)
          %get3A_272 = arith.constant 0 : index
          %get3A_273 = tpu.vector_load %arg8[%get3A_272] {strides = array<i32>} : memref<128xi32, #tpu.memory_space<vmem>>, vector<16xi32>,
          %get3A_274 = vector.shape_cast %get3A_273 : vector<16xi32> to vector<16xi32>
          %and3A_275 = arith.constant 65535 : i32
          %and3A_276 = vector.broadcast %and3A_275 : i32 to vector<16xi32>
          %and3A_277 = arith.andi %get3A_274, %and3A_276 : vector<16xi32>
          %swap3A_278 = arith.constant 0 : index
          %swap3A_279 = tpu.vector_load %arg11[%swap3A_278] {strides = array<i32>} : memref<128xi32, #tpu.memory_space<vmem>>, vector<16xi32>,
          %swap3A_280 = vector.shape_cast %swap3A_279 : vector<16xi32> to vector<16xi32>
          %swap3A_281 = vector.shape_cast %and3A_277 : vector<16xi32> to vector<16xi32>
          tpu.vector_store %arg11[%swap3A_278], %swap3A_281 {strides = array<i32>} : memref<128xi32, #tpu.memory_space<vmem>>, vector<16xi32>,
          %shift_right_logical3A_282 = arith.constant 16 : i32
          %shift_right_logical3A_283 = vector.broadcast %shift_right_logical3A_282 : i32 to vector<16xi32>
          %shift_right_logical3A_284 = arith.shrui %get3A_274, %shift_right_logical3A_283 : vector<16xi32>
          %swap3A_285 = arith.constant 0 : index
          %swap3A_286 = tpu.vector_load %arg14[%swap3A_285] {strides = array<i32>} : memref<128xi32, #tpu.memory_space<vmem>>, vector<16xi32>,
          %swap3A_287 = vector.shape_cast %swap3A_286 : vector<16xi32> to vector<16xi32>
          %swap3A_288 = vector.shape_cast %shift_right_logical3A_284 : vector<16xi32> to vector<16xi32>
          tpu.vector_store %arg14[%swap3A_285], %swap3A_288 {strides = array<i32>} : memref<128xi32, #tpu.memory_space<vmem>>, vector<16xi32>,
          %get3A_289 = arith.constant 16 : index
          %get3A_290 = tpu.vector_load %arg8[%get3A_289] {strides = array<i32>} : memref<128xi32, #tpu.memory_space<vmem>>, vector<16xi32>,
          %get3A_291 = vector.shape_cast %get3A_290 : vector<16xi32> to vector<16xi32>
          %and3A_292 = arith.constant 65535 : i32
          %and3A_293 = vector.broadcast %and3A_292 : i32 to vector<16xi32>
          %and3A_294 = arith.andi %get3A_291, %and3A_293 : vector<16xi32>
          %swap3A_295 = arith.constant 16 : index
          %swap3A_296 = tpu.vector_load %arg11[%swap3A_295] {strides = array<i32>} : memref<128xi32, #tpu.memory_space<vmem>>, vector<16xi32>,
          %swap3A_297 = vector.shape_cast %swap3A_296 : vector<16xi32> to vector<16xi32>
          %swap3A_298 = vector.shape_cast %and3A_294 : vector<16xi32> to vector<16xi32>
          tpu.vector_store %arg11[%swap3A_295], %swap3A_298 {strides = array<i32>} : memref<128xi32, #tpu.memory_space<vmem>>, vector<16xi32>,
          %shift_right_logical3A_299 = arith.constant 16 : i32
          %shift_right_logical3A_300 = vector.broadcast %shift_right_logical3A_299 : i32 to vector<16xi32>
          %shift_right_logical3A_301 = arith.shrui %get3A_291, %shift_right_logical3A_300 : vector<16xi32>
          %swap3A_302 = arith.constant 16 : index
          %swap3A_303 = tpu.vector_load %arg14[%swap3A_302] {strides = array<i32>} : memref<128xi32, #tpu.memory_space<vmem>>, vector<16xi32>,
          %swap3A_304 = vector.shape_cast %swap3A_303 : vector<16xi32> to vector<16xi32>
          %swap3A_305 = vector.shape_cast %shift_right_logical3A_301 : vector<16xi32> to vector<16xi32>
          tpu.vector_store %arg14[%swap3A_302], %swap3A_305 {strides = array<i32>} : memref<128xi32, #tpu.memory_space<vmem>>, vector<16xi32>,
          %get3A_306 = arith.constant 32 : index
          %get3A_307 = tpu.vector_load %arg8[%get3A_306] {strides = array<i32>} : memref<128xi32, #tpu.memory_space<vmem>>, vector<16xi32>,
          %get3A_308 = vector.shape_cast %get3A_307 : vector<16xi32> to vector<16xi32>
          %and3A_309 = arith.constant 65535 : i32
          %and3A_310 = vector.broadcast %and3A_309 : i32 to vector<16xi32>
          %and3A_311 = arith.andi %get3A_308, %and3A_310 : vector<16xi32>
          %swap3A_312 = arith.constant 32 : index
          %swap3A_313 = tpu.vector_load %arg11[%swap3A_312] {strides = array<i32>} : memref<128xi32, #tpu.memory_space<vmem>>, vector<16xi32>,
          %swap3A_314 = vector.shape_cast %swap3A_313 : vector<16xi32> to vector<16xi32>
          %swap3A_315 = vector.shape_cast %and3A_311 : vector<16xi32> to vector<16xi32>
          tpu.vector_store %arg11[%swap3A_312], %swap3A_315 {strides = array<i32>} : memref<128xi32, #tpu.memory_space<vmem>>, vector<16xi32>,
          %shift_right_logical3A_316 = arith.constant 16 : i32
          %shift_right_logical3A_317 = vector.broadcast %shift_right_logical3A_316 : i32 to vector<16xi32>
          %shift_right_logical3A_318 = arith.shrui %get3A_308, %shift_right_logical3A_317 : vector<16xi32>
          %swap3A_319 = arith.constant 32 : index
          %swap3A_320 = tpu.vector_load %arg14[%swap3A_319] {strides = array<i32>} : memref<128xi32, #tpu.memory_space<vmem>>, vector<16xi32>,
          %swap3A_321 = vector.shape_cast %swap3A_320 : vector<16xi32> to vector<16xi32>
          %swap3A_322 = vector.shape_cast %shift_right_logical3A_318 : vector<16xi32> to vector<16xi32>
          tpu.vector_store %arg14[%swap3A_319], %swap3A_322 {strides = array<i32>} : memref<128xi32, #tpu.memory_space<vmem>>, vector<16xi32>,
          %get3A_323 = arith.constant 48 : index
          %get3A_324 = tpu.vector_load %arg8[%get3A_323] {strides = array<i32>} : memref<128xi32, #tpu.memory_space<vmem>>, vector<16xi32>,
          %get3A_325 = vector.shape_cast %get3A_324 : vector<16xi32> to vector<16xi32>
          %and3A_326 = arith.constant 65535 : i32
          %and3A_327 = vector.broadcast %and3A_326 : i32 to vector<16xi32>
          %and3A_328 = arith.andi %get3A_325, %and3A_327 : vector<16xi32>
          %swap3A_329 = arith.constant 48 : index
          %swap3A_330 = tpu.vector_load %arg11[%swap3A_329] {strides = array<i32>} : memref<128xi32, #tpu.memory_space<vmem>>, vector<16xi32>,
          %swap3A_331 = vector.shape_cast %swap3A_330 : vector<16xi32> to vector<16xi32>
          %swap3A_332 = vector.shape_cast %and3A_328 : vector<16xi32> to vector<16xi32>
          tpu.vector_store %arg11[%swap3A_329], %swap3A_332 {strides = array<i32>} : memref<128xi32, #tpu.memory_space<vmem>>, vector<16xi32>,
          %shift_right_logical3A_333 = arith.constant 16 : i32
          %shift_right_logical3A_334 = vector.broadcast %shift_right_logical3A_333 : i32 to vector<16xi32>
          %shift_right_logical3A_335 = arith.shrui %get3A_325, %shift_right_logical3A_334 : vector<16xi32>
          %swap3A_336 = arith.constant 48 : index
          %swap3A_337 = tpu.vector_load %arg14[%swap3A_336] {strides = array<i32>} : memref<128xi32, #tpu.memory_space<vmem>>, vector<16xi32>,
          %swap3A_338 = vector.shape_cast %swap3A_337 : vector<16xi32> to vector<16xi32>
          %swap3A_339 = vector.shape_cast %shift_right_logical3A_335 : vector<16xi32> to vector<16xi32>
          tpu.vector_store %arg14[%swap3A_336], %swap3A_339 {strides = array<i32>} : memref<128xi32, #tpu.memory_space<vmem>>, vector<16xi32>,
          %get3A_340 = arith.constant 64 : index
          %get3A_341 = tpu.vector_load %arg8[%get3A_340] {strides = array<i32>} : memref<128xi32, #tpu.memory_space<vmem>>, vector<16xi32>,
          %get3A_342 = vector.shape_cast %get3A_341 : vector<16xi32> to vector<16xi32>
          %and3A_343 = arith.constant 65535 : i32
          %and3A_344 = vector.broadcast %and3A_343 : i32 to vector<16xi32>
          %and3A_345 = arith.andi %get3A_342, %and3A_344 : vector<16xi32>
          %swap3A_346 = arith.constant 64 : index
          %swap3A_347 = tpu.vector_load %arg11[%swap3A_346] {strides = array<i32>} : memref<128xi32, #tpu.memory_space<vmem>>, vector<16xi32>,
          %swap3A_348 = vector.shape_cast %swap3A_347 : vector<16xi32> to vector<16xi32>
          %swap3A_349 = vector.shape_cast %and3A_345 : vector<16xi32> to vector<16xi32>
          tpu.vector_store %arg11[%swap3A_346], %swap3A_349 {strides = array<i32>} : memref<128xi32, #tpu.memory_space<vmem>>, vector<16xi32>,
          %shift_right_logical3A_350 = arith.constant 16 : i32
          %shift_right_logical3A_351 = vector.broadcast %shift_right_logical3A_350 : i32 to vector<16xi32>
          %shift_right_logical3A_352 = arith.shrui %get3A_342, %shift_right_logical3A_351 : vector<16xi32>
          %swap3A_353 = arith.constant 64 : index
          %swap3A_354 = tpu.vector_load %arg14[%swap3A_353] {strides = array<i32>} : memref<128xi32, #tpu.memory_space<vmem>>, vector<16xi32>,
          %swap3A_355 = vector.shape_cast %swap3A_354 : vector<16xi32> to vector<16xi32>
          %swap3A_356 = vector.shape_cast %shift_right_logical3A_352 : vector<16xi32> to vector<16xi32>
          tpu.vector_store %arg14[%swap3A_353], %swap3A_356 {strides = array<i32>} : memref<128xi32, #tpu.memory_space<vmem>>, vector<16xi32>,
          %get3A_357 = arith.constant 80 : index
          %get3A_358 = tpu.vector_load %arg8[%get3A_357] {strides = array<i32>} : memref<128xi32, #tpu.memory_space<vmem>>, vector<16xi32>,
          %get3A_359 = vector.shape_cast %get3A_358 : vector<16xi32> to vector<16xi32>
          %and3A_360 = arith.constant 65535 : i32
          %and3A_361 = vector.broadcast %and3A_360 : i32 to vector<16xi32>
          %and3A_362 = arith.andi %get3A_359, %and3A_361 : vector<16xi32>
          %swap3A_363 = arith.constant 80 : index
          %swap3A_364 = tpu.vector_load %arg11[%swap3A_363] {strides = array<i32>} : memref<128xi32, #tpu.memory_space<vmem>>, vector<16xi32>,
          %swap3A_365 = vector.shape_cast %swap3A_364 : vector<16xi32> to vector<16xi32>
          %swap3A_366 = vector.shape_cast %and3A_362 : vector<16xi32> to vector<16xi32>
          tpu.vector_store %arg11[%swap3A_363], %swap3A_366 {strides = array<i32>} : memref<128xi32, #tpu.memory_space<vmem>>, vector<16xi32>,
          %shift_right_logical3A_367 = arith.constant 16 : i32
          %shift_right_logical3A_368 = vector.broadcast %shift_right_logical3A_367 : i32 to vector<16xi32>
          %shift_right_logical3A_369 = arith.shrui %get3A_359, %shift_right_logical3A_368 : vector<16xi32>
          %swap3A_370 = arith.constant 80 : index
          %swap3A_371 = tpu.vector_load %arg14[%swap3A_370] {strides = array<i32>} : memref<128xi32, #tpu.memory_space<vmem>>, vector<16xi32>,
          %swap3A_372 = vector.shape_cast %swap3A_371 : vector<16xi32> to vector<16xi32>
          %swap3A_373 = vector.shape_cast %shift_right_logical3A_369 : vector<16xi32> to vector<16xi32>
          tpu.vector_store %arg14[%swap3A_370], %swap3A_373 {strides = array<i32>} : memref<128xi32, #tpu.memory_space<vmem>>, vector<16xi32>,
          %get3A_374 = arith.constant 96 : index
          %get3A_375 = tpu.vector_load %arg8[%get3A_374] {strides = array<i32>} : memref<128xi32, #tpu.memory_space<vmem>>, vector<16xi32>,
          %get3A_376 = vector.shape_cast %get3A_375 : vector<16xi32> to vector<16xi32>
          %and3A_377 = arith.constant 65535 : i32
          %and3A_378 = vector.broadcast %and3A_377 : i32 to vector<16xi32>
          %and3A_379 = arith.andi %get3A_376, %and3A_378 : vector<16xi32>
          %swap3A_380 = arith.constant 96 : index
          %swap3A_381 = tpu.vector_load %arg11[%swap3A_380] {strides = array<i32>} : memref<128xi32, #tpu.memory_space<vmem>>, vector<16xi32>,
          %swap3A_382 = vector.shape_cast %swap3A_381 : vector<16xi32> to vector<16xi32>
          %swap3A_383 = vector.shape_cast %and3A_379 : vector<16xi32> to vector<16xi32>
          tpu.vector_store %arg11[%swap3A_380], %swap3A_383 {strides = array<i32>} : memref<128xi32, #tpu.memory_space<vmem>>, vector<16xi32>,
          %shift_right_logical3A_384 = arith.constant 16 : i32
          %shift_right_logical3A_385 = vector.broadcast %shift_right_logical3A_384 : i32 to vector<16xi32>
          %shift_right_logical3A_386 = arith.shrui %get3A_376, %shift_right_logical3A_385 : vector<16xi32>
          %swap3A_387 = arith.constant 96 : index
          %swap3A_388 = tpu.vector_load %arg14[%swap3A_387] {strides = array<i32>} : memref<128xi32, #tpu.memory_space<vmem>>, vector<16xi32>,
          %swap3A_389 = vector.shape_cast %swap3A_388 : vector<16xi32> to vector<16xi32>
          %swap3A_390 = vector.shape_cast %shift_right_logical3A_386 : vector<16xi32> to vector<16xi32>
          tpu.vector_store %arg14[%swap3A_387], %swap3A_390 {strides = array<i32>} : memref<128xi32, #tpu.memory_space<vmem>>, vector<16xi32>,
          %get3A_391 = arith.constant 112 : index
          %get3A_392 = tpu.vector_load %arg8[%get3A_391] {strides = array<i32>} : memref<128xi32, #tpu.memory_space<vmem>>, vector<16xi32>,
          %get3A_393 = vector.shape_cast %get3A_392 : vector<16xi32> to vector<16xi32>
          %and3A_394 = arith.constant 65535 : i32
          %and3A_395 = vector.broadcast %and3A_394 : i32 to vector<16xi32>
          %and3A_396 = arith.andi %get3A_393, %and3A_395 : vector<16xi32>
          %swap3A_397 = arith.constant 112 : index
          %swap3A_398 = tpu.vector_load %arg11[%swap3A_397] {strides = array<i32>} : memref<128xi32, #tpu.memory_space<vmem>>, vector<16xi32>,
          %swap3A_399 = vector.shape_cast %swap3A_398 : vector<16xi32> to vector<16xi32>
          %swap3A_400 = vector.shape_cast %and3A_396 : vector<16xi32> to vector<16xi32>
          tpu.vector_store %arg11[%swap3A_397], %swap3A_400 {strides = array<i32>} : memref<128xi32, #tpu.memory_space<vmem>>, vector<16xi32>,
          %shift_right_logical3A_401 = arith.constant 16 : i32
          %shift_right_logical3A_402 = vector.broadcast %shift_right_logical3A_401 : i32 to vector<16xi32>
          %shift_right_logical3A_403 = arith.shrui %get3A_393, %shift_right_logical3A_402 : vector<16xi32>
          %swap3A_404 = arith.constant 112 : index
          %swap3A_405 = tpu.vector_load %arg14[%swap3A_404] {strides = array<i32>} : memref<128xi32, #tpu.memory_space<vmem>>, vector<16xi32>,
          %swap3A_406 = vector.shape_cast %swap3A_405 : vector<16xi32> to vector<16xi32>
          %swap3A_407 = vector.shape_cast %shift_right_logical3A_403 : vector<16xi32> to vector<16xi32>
          tpu.vector_store %arg14[%swap3A_404], %swap3A_407 {strides = array<i32>} : memref<128xi32, #tpu.memory_space<vmem>>, vector<16xi32>,
          %dma_start3A_408 = arith.constant 0 : i32
          %dma_start3A_409 = arith.constant 0 : i32
          %dma_start3A_410 = tpu.memref_slice %arg2[%dma_start3A_408, %dma_start3A_409] : memref<10000x128xf32, #tpu.memory_space<hbm>> -> memref<10000x128xf32, #tpu.memory_space<hbm>>
          tpu.enqueue_indirect_dma source(%dma_start3A_410 : memref<10000x128xf32, #tpu.memory_space<hbm>>) target(%arg17 : memref<128x128xf32, #tpu.memory_space<vmem>>) offsets(%arg11 : memref<128xi32, #tpu.memory_space<vmem>>) semaphore(%arg24 : memref<!tpu.dma_semaphore, #tpu.memory_space<semaphore_mem>>)
          %add3A_411 = arith.constant 2 : i32
          %add3A_412 = arith.addi %while3A_191, %add3A_411 : i32
          %lt3A_413 = arith.cmpi slt, %add3A_412, %select_n3A_6 : i32
          %convert_element_type3A_414 = arith.extui %lt3A_413 : i1 to i32
          %cond3A_415 = arith.constant 0 : i32
          %cond3A_416 = arith.cmpi ne, %convert_element_type3A_414, %cond3A_415 : i32
          scf.if %cond3A_416 {
            %add3A_417 = arith.constant 2 : i32
            %add3A_418 = arith.addi %while3A_191, %add3A_417 : i32
            %mul3A_419 = arith.constant 32 : i32
            %mul3A_420 = arith.muli %add3A_418, %mul3A_419 : i32
            %add3A_421 = arith.addi %mul3A_420, %add3A : i32
            %mul3A_422 = arith.constant 128 : i32
            %mul3A_423 = arith.muli %add3A_421, %mul3A_422 : i32
            %dma_start3A_424 = tpu.memref_slice %arg3[%mul3A_423] : memref<320000xi32, #tpu.memory_space<hbm>> -> memref<128xi32, #tpu.memory_space<hbm>>
            %dma_start3A_425 = tpu.memref_slice %arg3[%mul3A_423] : memref<320000xi32, #tpu.memory_space<hbm>> -> memref<128xi32, #tpu.memory_space<hbm>>
            tpu.enqueue_dma source(%dma_start3A_425 : memref<128xi32, #tpu.memory_space<hbm>>) target(%arg6 : memref<128xi32, #tpu.memory_space<vmem>>) target_semaphore(%arg19 : memref<!tpu.dma_semaphore, #tpu.memory_space<semaphore_mem>>)
          } else {
          }
        } else {
        }
      } else {
      }
      %jit3A_228 = arith.constant 3 : i32
      %eq3A_229 = arith.constant 0 : i32
      %eq3A_230 = arith.cmpi eq, %jit3A_228, %eq3A_229 : i32
      %jit3A_231 = arith.constant 1 : i32
      %select_n3A_232 = arith.select %eq3A_230, %jit3A_231, %jit3A_228 : i32
      %rem3A_233 = arith.remsi %while3A_191, %select_n3A_232 : i32
      %ne3A_234 = arith.constant 0 : i32
      %ne3A_235 = arith.cmpi ne, %rem3A_233, %ne3A_234 : i32
      %lt3A_236 = arith.constant 0 : i32
      %lt3A_237 = arith.cmpi slt, %rem3A_233, %lt3A_236 : i32
      %lt3A_238 = arith.constant 0 : i32
      %lt3A_239 = arith.cmpi slt, %select_n3A_232, %lt3A_238 : i32
      %ne3A_240 = arith.xori %lt3A_237, %lt3A_239 : i1
      %and3A_241 = arith.andi %ne3A_240, %ne3A_235 : i1
      %add3A_242 = arith.addi %rem3A_233, %select_n3A_232 : i32
      %select_n3A_243 = arith.select %and3A_241, %add3A_242, %rem3A_233 : i32
      %eq3A_244 = arith.constant 2 : i32
      %eq3A_245 = arith.cmpi eq, %select_n3A_243, %eq3A_244 : i32
      %convert_element_type3A_246 = arith.extui %eq3A_245 : i1 to i32
      %cond3A_247 = arith.constant 0 : i32
      %cond3A_248 = arith.cmpi ne, %convert_element_type3A_246, %cond3A_247 : i32
      scf.if %cond3A_248 {
        %dma_wait3A_249 = arith.constant 0 : i32
        %dma_wait3A_250 = arith.constant 0 : i32
        %dma_wait3A_251 = tpu.memref_slice %arg2[%dma_wait3A_249, %dma_wait3A_250] : memref<10000x128xf32, #tpu.memory_space<hbm>> -> memref<128x128xf32, #tpu.memory_space<hbm>>
        %dma_wait3A_252 = arith.constant 0 : i32
        %dma_wait3A_253 = arith.constant 0 : i32
        %dma_wait3A_254 = tpu.memref_slice %arg2[%dma_wait3A_252, %dma_wait3A_253] : memref<10000x128xf32, #tpu.memory_space<hbm>> -> memref<128x128xf32, #tpu.memory_space<hbm>>
        tpu.wait_dma2 semaphore(%arg24 : memref<!tpu.dma_semaphore, #tpu.memory_space<semaphore_mem>>) src(%dma_wait3A_254 : memref<128x128xf32, #tpu.memory_space<hbm>>) dst(%arg17 : memref<128x128xf32, #tpu.memory_space<vmem>>)
        %dma_start3A_255 = arith.constant 0 : i32
        %dma_start3A_256 = arith.constant 0 : i32
        %dma_start3A_257 = tpu.memref_slice %arg18[%dma_start3A_255, %dma_start3A_256] : memref<10000x128xf32, #tpu.memory_space<vmem_shared>> -> memref<10000x128xf32, #tpu.memory_space<vmem_shared>>
        tpu.enqueue_indirect_dma source(%arg17 : memref<128x128xf32, #tpu.memory_space<vmem>>) target(%dma_start3A_257 : memref<10000x128xf32, #tpu.memory_space<vmem_shared>>) offsets(%arg14 : memref<128xi32, #tpu.memory_space<vmem>>) semaphore(%arg27 : memref<!tpu.dma_semaphore, #tpu.memory_space<semaphore_mem>>) {add = true}
        %add3A_258 = arith.constant 1 : i32
        %add3A_259 = arith.addi %while3A_191, %add3A_258 : i32
        %lt3A_260 = arith.cmpi slt, %add3A_259, %select_n3A_6 : i32
        %convert_element_type3A_261 = arith.extui %lt3A_260 : i1 to i32
        %cond3A_262 = arith.constant 0 : i32
        %cond3A_263 = arith.cmpi ne, %convert_element_type3A_261, %cond3A_262 : i32
        scf.if %cond3A_263 {
          %ge3A = arith.constant 2 : i32
          %ge3A_264 = arith.cmpi sge, %while3A_191, %ge3A : i32
          %convert_element_type3A_265 = arith.extui %ge3A_264 : i1 to i32
          %cond3A_266 = arith.constant 0 : i32
          %cond3A_267 = arith.cmpi ne, %convert_element_type3A_265, %cond3A_266 : i32
          scf.if %cond3A_267 {
            %dma_wait3A_417 = arith.constant 0 : i32
            %dma_wait3A_418 = arith.constant 0 : i32
            %dma_wait3A_419 = tpu.memref_slice %arg2[%dma_wait3A_417, %dma_wait3A_418] : memref<10000x128xf32, #tpu.memory_space<hbm>> -> memref<128x128xf32, #tpu.memory_space<hbm>>
            %dma_wait3A_420 = arith.constant 0 : i32
            %dma_wait3A_421 = arith.constant 0 : i32
            %dma_wait3A_422 = tpu.memref_slice %arg2[%dma_wait3A_420, %dma_wait3A_421] : memref<10000x128xf32, #tpu.memory_space<hbm>> -> memref<128x128xf32, #tpu.memory_space<hbm>>
            tpu.wait_dma2 semaphore(%arg25 : memref<!tpu.dma_semaphore, #tpu.memory_space<semaphore_mem>>) src(%dma_wait3A_422 : memref<128x128xf32, #tpu.memory_space<hbm>>) dst(%arg15 : memref<128x128xf32, #tpu.memory_space<vmem>>)
          } else {
          }
          %dma_wait3A_268 = arith.constant 0 : i32
          %dma_wait3A_269 = tpu.memref_slice %arg3[%dma_wait3A_268] : memref<320000xi32, #tpu.memory_space<hbm>> -> memref<128xi32, #tpu.memory_space<hbm>>
          %dma_wait3A_270 = arith.constant 0 : i32
          %dma_wait3A_271 = tpu.memref_slice %arg3[%dma_wait3A_270] : memref<320000xi32, #tpu.memory_space<hbm>> -> memref<128xi32, #tpu.memory_space<hbm>>
          tpu.wait_dma2 semaphore(%arg19 : memref<!tpu.dma_semaphore, #tpu.memory_space<semaphore_mem>>) src(%dma_wait3A_271 : memref<128xi32, #tpu.memory_space<hbm>>) dst(%arg6 : memref<128xi32, #tpu.memory_space<vmem>>)
          %get3A_272 = arith.constant 0 : index
          %get3A_273 = tpu.vector_load %arg6[%get3A_272] {strides = array<i32>} : memref<128xi32, #tpu.memory_space<vmem>>, vector<16xi32>,
          %get3A_274 = vector.shape_cast %get3A_273 : vector<16xi32> to vector<16xi32>
          %and3A_275 = arith.constant 65535 : i32
          %and3A_276 = vector.broadcast %and3A_275 : i32 to vector<16xi32>
          %and3A_277 = arith.andi %get3A_274, %and3A_276 : vector<16xi32>
          %swap3A_278 = arith.constant 0 : index
          %swap3A_279 = tpu.vector_load %arg9[%swap3A_278] {strides = array<i32>} : memref<128xi32, #tpu.memory_space<vmem>>, vector<16xi32>,
          %swap3A_280 = vector.shape_cast %swap3A_279 : vector<16xi32> to vector<16xi32>
          %swap3A_281 = vector.shape_cast %and3A_277 : vector<16xi32> to vector<16xi32>
          tpu.vector_store %arg9[%swap3A_278], %swap3A_281 {strides = array<i32>} : memref<128xi32, #tpu.memory_space<vmem>>, vector<16xi32>,
          %shift_right_logical3A_282 = arith.constant 16 : i32
          %shift_right_logical3A_283 = vector.broadcast %shift_right_logical3A_282 : i32 to vector<16xi32>
          %shift_right_logical3A_284 = arith.shrui %get3A_274, %shift_right_logical3A_283 : vector<16xi32>
          %swap3A_285 = arith.constant 0 : index
          %swap3A_286 = tpu.vector_load %arg12[%swap3A_285] {strides = array<i32>} : memref<128xi32, #tpu.memory_space<vmem>>, vector<16xi32>,
          %swap3A_287 = vector.shape_cast %swap3A_286 : vector<16xi32> to vector<16xi32>
          %swap3A_288 = vector.shape_cast %shift_right_logical3A_284 : vector<16xi32> to vector<16xi32>
          tpu.vector_store %arg12[%swap3A_285], %swap3A_288 {strides = array<i32>} : memref<128xi32, #tpu.memory_space<vmem>>, vector<16xi32>,
          %get3A_289 = arith.constant 16 : index
          %get3A_290 = tpu.vector_load %arg6[%get3A_289] {strides = array<i32>} : memref<128xi32, #tpu.memory_space<vmem>>, vector<16xi32>,
          %get3A_291 = vector.shape_cast %get3A_290 : vector<16xi32> to vector<16xi32>
          %and3A_292 = arith.constant 65535 : i32
          %and3A_293 = vector.broadcast %and3A_292 : i32 to vector<16xi32>
          %and3A_294 = arith.andi %get3A_291, %and3A_293 : vector<16xi32>
          %swap3A_295 = arith.constant 16 : index
          %swap3A_296 = tpu.vector_load %arg9[%swap3A_295] {strides = array<i32>} : memref<128xi32, #tpu.memory_space<vmem>>, vector<16xi32>,
          %swap3A_297 = vector.shape_cast %swap3A_296 : vector<16xi32> to vector<16xi32>
          %swap3A_298 = vector.shape_cast %and3A_294 : vector<16xi32> to vector<16xi32>
          tpu.vector_store %arg9[%swap3A_295], %swap3A_298 {strides = array<i32>} : memref<128xi32, #tpu.memory_space<vmem>>, vector<16xi32>,
          %shift_right_logical3A_299 = arith.constant 16 : i32
          %shift_right_logical3A_300 = vector.broadcast %shift_right_logical3A_299 : i32 to vector<16xi32>
          %shift_right_logical3A_301 = arith.shrui %get3A_291, %shift_right_logical3A_300 : vector<16xi32>
          %swap3A_302 = arith.constant 16 : index
          %swap3A_303 = tpu.vector_load %arg12[%swap3A_302] {strides = array<i32>} : memref<128xi32, #tpu.memory_space<vmem>>, vector<16xi32>,
          %swap3A_304 = vector.shape_cast %swap3A_303 : vector<16xi32> to vector<16xi32>
          %swap3A_305 = vector.shape_cast %shift_right_logical3A_301 : vector<16xi32> to vector<16xi32>
          tpu.vector_store %arg12[%swap3A_302], %swap3A_305 {strides = array<i32>} : memref<128xi32, #tpu.memory_space<vmem>>, vector<16xi32>,
          %get3A_306 = arith.constant 32 : index
          %get3A_307 = tpu.vector_load %arg6[%get3A_306] {strides = array<i32>} : memref<128xi32, #tpu.memory_space<vmem>>, vector<16xi32>,
          %get3A_308 = vector.shape_cast %get3A_307 : vector<16xi32> to vector<16xi32>
          %and3A_309 = arith.constant 65535 : i32
          %and3A_310 = vector.broadcast %and3A_309 : i32 to vector<16xi32>
          %and3A_311 = arith.andi %get3A_308, %and3A_310 : vector<16xi32>
          %swap3A_312 = arith.constant 32 : index
          %swap3A_313 = tpu.vector_load %arg9[%swap3A_312] {strides = array<i32>} : memref<128xi32, #tpu.memory_space<vmem>>, vector<16xi32>,
          %swap3A_314 = vector.shape_cast %swap3A_313 : vector<16xi32> to vector<16xi32>
          %swap3A_315 = vector.shape_cast %and3A_311 : vector<16xi32> to vector<16xi32>
          tpu.vector_store %arg9[%swap3A_312], %swap3A_315 {strides = array<i32>} : memref<128xi32, #tpu.memory_space<vmem>>, vector<16xi32>,
          %shift_right_logical3A_316 = arith.constant 16 : i32
          %shift_right_logical3A_317 = vector.broadcast %shift_right_logical3A_316 : i32 to vector<16xi32>
          %shift_right_logical3A_318 = arith.shrui %get3A_308, %shift_right_logical3A_317 : vector<16xi32>
          %swap3A_319 = arith.constant 32 : index
          %swap3A_320 = tpu.vector_load %arg12[%swap3A_319] {strides = array<i32>} : memref<128xi32, #tpu.memory_space<vmem>>, vector<16xi32>,
          %swap3A_321 = vector.shape_cast %swap3A_320 : vector<16xi32> to vector<16xi32>
          %swap3A_322 = vector.shape_cast %shift_right_logical3A_318 : vector<16xi32> to vector<16xi32>
          tpu.vector_store %arg12[%swap3A_319], %swap3A_322 {strides = array<i32>} : memref<128xi32, #tpu.memory_space<vmem>>, vector<16xi32>,
          %get3A_323 = arith.constant 48 : index
          %get3A_324 = tpu.vector_load %arg6[%get3A_323] {strides = array<i32>} : memref<128xi32, #tpu.memory_space<vmem>>, vector<16xi32>,
          %get3A_325 = vector.shape_cast %get3A_324 : vector<16xi32> to vector<16xi32>
          %and3A_326 = arith.constant 65535 : i32
          %and3A_327 = vector.broadcast %and3A_326 : i32 to vector<16xi32>
          %and3A_328 = arith.andi %get3A_325, %and3A_327 : vector<16xi32>
          %swap3A_329 = arith.constant 48 : index
          %swap3A_330 = tpu.vector_load %arg9[%swap3A_329] {strides = array<i32>} : memref<128xi32, #tpu.memory_space<vmem>>, vector<16xi32>,
          %swap3A_331 = vector.shape_cast %swap3A_330 : vector<16xi32> to vector<16xi32>
          %swap3A_332 = vector.shape_cast %and3A_328 : vector<16xi32> to vector<16xi32>
          tpu.vector_store %arg9[%swap3A_329], %swap3A_332 {strides = array<i32>} : memref<128xi32, #tpu.memory_space<vmem>>, vector<16xi32>,
          %shift_right_logical3A_333 = arith.constant 16 : i32
          %shift_right_logical3A_334 = vector.broadcast %shift_right_logical3A_333 : i32 to vector<16xi32>
          %shift_right_logical3A_335 = arith.shrui %get3A_325, %shift_right_logical3A_334 : vector<16xi32>
          %swap3A_336 = arith.constant 48 : index
          %swap3A_337 = tpu.vector_load %arg12[%swap3A_336] {strides = array<i32>} : memref<128xi32, #tpu.memory_space<vmem>>, vector<16xi32>,
          %swap3A_338 = vector.shape_cast %swap3A_337 : vector<16xi32> to vector<16xi32>
          %swap3A_339 = vector.shape_cast %shift_right_logical3A_335 : vector<16xi32> to vector<16xi32>
          tpu.vector_store %arg12[%swap3A_336], %swap3A_339 {strides = array<i32>} : memref<128xi32, #tpu.memory_space<vmem>>, vector<16xi32>,
          %get3A_340 = arith.constant 64 : index
          %get3A_341 = tpu.vector_load %arg6[%get3A_340] {strides = array<i32>} : memref<128xi32, #tpu.memory_space<vmem>>, vector<16xi32>,
          %get3A_342 = vector.shape_cast %get3A_341 : vector<16xi32> to vector<16xi32>
          %and3A_343 = arith.constant 65535 : i32
          %and3A_344 = vector.broadcast %and3A_343 : i32 to vector<16xi32>
          %and3A_345 = arith.andi %get3A_342, %and3A_344 : vector<16xi32>
          %swap3A_346 = arith.constant 64 : index
          %swap3A_347 = tpu.vector_load %arg9[%swap3A_346] {strides = array<i32>} : memref<128xi32, #tpu.memory_space<vmem>>, vector<16xi32>,
          %swap3A_348 = vector.shape_cast %swap3A_347 : vector<16xi32> to vector<16xi32>
          %swap3A_349 = vector.shape_cast %and3A_345 : vector<16xi32> to vector<16xi32>
          tpu.vector_store %arg9[%swap3A_346], %swap3A_349 {strides = array<i32>} : memref<128xi32, #tpu.memory_space<vmem>>, vector<16xi32>,
          %shift_right_logical3A_350 = arith.constant 16 : i32
          %shift_right_logical3A_351 = vector.broadcast %shift_right_logical3A_350 : i32 to vector<16xi32>
          %shift_right_logical3A_352 = arith.shrui %get3A_342, %shift_right_logical3A_351 : vector<16xi32>
          %swap3A_353 = arith.constant 64 : index
          %swap3A_354 = tpu.vector_load %arg12[%swap3A_353] {strides = array<i32>} : memref<128xi32, #tpu.memory_space<vmem>>, vector<16xi32>,
          %swap3A_355 = vector.shape_cast %swap3A_354 : vector<16xi32> to vector<16xi32>
          %swap3A_356 = vector.shape_cast %shift_right_logical3A_352 : vector<16xi32> to vector<16xi32>
          tpu.vector_store %arg12[%swap3A_353], %swap3A_356 {strides = array<i32>} : memref<128xi32, #tpu.memory_space<vmem>>, vector<16xi32>,
          %get3A_357 = arith.constant 80 : index
          %get3A_358 = tpu.vector_load %arg6[%get3A_357] {strides = array<i32>} : memref<128xi32, #tpu.memory_space<vmem>>, vector<16xi32>,
          %get3A_359 = vector.shape_cast %get3A_358 : vector<16xi32> to vector<16xi32>
          %and3A_360 = arith.constant 65535 : i32
          %and3A_361 = vector.broadcast %and3A_360 : i32 to vector<16xi32>
          %and3A_362 = arith.andi %get3A_359, %and3A_361 : vector<16xi32>
          %swap3A_363 = arith.constant 80 : index
          %swap3A_364 = tpu.vector_load %arg9[%swap3A_363] {strides = array<i32>} : memref<128xi32, #tpu.memory_space<vmem>>, vector<16xi32>,
          %swap3A_365 = vector.shape_cast %swap3A_364 : vector<16xi32> to vector<16xi32>
          %swap3A_366 = vector.shape_cast %and3A_362 : vector<16xi32> to vector<16xi32>
          tpu.vector_store %arg9[%swap3A_363], %swap3A_366 {strides = array<i32>} : memref<128xi32, #tpu.memory_space<vmem>>, vector<16xi32>,
          %shift_right_logical3A_367 = arith.constant 16 : i32
          %shift_right_logical3A_368 = vector.broadcast %shift_right_logical3A_367 : i32 to vector<16xi32>
          %shift_right_logical3A_369 = arith.shrui %get3A_359, %shift_right_logical3A_368 : vector<16xi32>
          %swap3A_370 = arith.constant 80 : index
          %swap3A_371 = tpu.vector_load %arg12[%swap3A_370] {strides = array<i32>} : memref<128xi32, #tpu.memory_space<vmem>>, vector<16xi32>,
          %swap3A_372 = vector.shape_cast %swap3A_371 : vector<16xi32> to vector<16xi32>
          %swap3A_373 = vector.shape_cast %shift_right_logical3A_369 : vector<16xi32> to vector<16xi32>
          tpu.vector_store %arg12[%swap3A_370], %swap3A_373 {strides = array<i32>} : memref<128xi32, #tpu.memory_space<vmem>>, vector<16xi32>,
          %get3A_374 = arith.constant 96 : index
          %get3A_375 = tpu.vector_load %arg6[%get3A_374] {strides = array<i32>} : memref<128xi32, #tpu.memory_space<vmem>>, vector<16xi32>,
          %get3A_376 = vector.shape_cast %get3A_375 : vector<16xi32> to vector<16xi32>
          %and3A_377 = arith.constant 65535 : i32
          %and3A_378 = vector.broadcast %and3A_377 : i32 to vector<16xi32>
          %and3A_379 = arith.andi %get3A_376, %and3A_378 : vector<16xi32>
          %swap3A_380 = arith.constant 96 : index
          %swap3A_381 = tpu.vector_load %arg9[%swap3A_380] {strides = array<i32>} : memref<128xi32, #tpu.memory_space<vmem>>, vector<16xi32>,
          %swap3A_382 = vector.shape_cast %swap3A_381 : vector<16xi32> to vector<16xi32>
          %swap3A_383 = vector.shape_cast %and3A_379 : vector<16xi32> to vector<16xi32>
          tpu.vector_store %arg9[%swap3A_380], %swap3A_383 {strides = array<i32>} : memref<128xi32, #tpu.memory_space<vmem>>, vector<16xi32>,
          %shift_right_logical3A_384 = arith.constant 16 : i32
          %shift_right_logical3A_385 = vector.broadcast %shift_right_logical3A_384 : i32 to vector<16xi32>
          %shift_right_logical3A_386 = arith.shrui %get3A_376, %shift_right_logical3A_385 : vector<16xi32>
          %swap3A_387 = arith.constant 96 : index
          %swap3A_388 = tpu.vector_load %arg12[%swap3A_387] {strides = array<i32>} : memref<128xi32, #tpu.memory_space<vmem>>, vector<16xi32>,
          %swap3A_389 = vector.shape_cast %swap3A_388 : vector<16xi32> to vector<16xi32>
          %swap3A_390 = vector.shape_cast %shift_right_logical3A_386 : vector<16xi32> to vector<16xi32>
          tpu.vector_store %arg12[%swap3A_387], %swap3A_390 {strides = array<i32>} : memref<128xi32, #tpu.memory_space<vmem>>, vector<16xi32>,
          %get3A_391 = arith.constant 112 : index
          %get3A_392 = tpu.vector_load %arg6[%get3A_391] {strides = array<i32>} : memref<128xi32, #tpu.memory_space<vmem>>, vector<16xi32>,
          %get3A_393 = vector.shape_cast %get3A_392 : vector<16xi32> to vector<16xi32>
          %and3A_394 = arith.constant 65535 : i32
          %and3A_395 = vector.broadcast %and3A_394 : i32 to vector<16xi32>
          %and3A_396 = arith.andi %get3A_393, %and3A_395 : vector<16xi32>
          %swap3A_397 = arith.constant 112 : index
          %swap3A_398 = tpu.vector_load %arg9[%swap3A_397] {strides = array<i32>} : memref<128xi32, #tpu.memory_space<vmem>>, vector<16xi32>,
          %swap3A_399 = vector.shape_cast %swap3A_398 : vector<16xi32> to vector<16xi32>
          %swap3A_400 = vector.shape_cast %and3A_396 : vector<16xi32> to vector<16xi32>
          tpu.vector_store %arg9[%swap3A_397], %swap3A_400 {strides = array<i32>} : memref<128xi32, #tpu.memory_space<vmem>>, vector<16xi32>,
          %shift_right_logical3A_401 = arith.constant 16 : i32
          %shift_right_logical3A_402 = vector.broadcast %shift_right_logical3A_401 : i32 to vector<16xi32>
          %shift_right_logical3A_403 = arith.shrui %get3A_393, %shift_right_logical3A_402 : vector<16xi32>
          %swap3A_404 = arith.constant 112 : index
          %swap3A_405 = tpu.vector_load %arg12[%swap3A_404] {strides = array<i32>} : memref<128xi32, #tpu.memory_space<vmem>>, vector<16xi32>,
          %swap3A_406 = vector.shape_cast %swap3A_405 : vector<16xi32> to vector<16xi32>
          %swap3A_407 = vector.shape_cast %shift_right_logical3A_403 : vector<16xi32> to vector<16xi32>
          tpu.vector_store %arg12[%swap3A_404], %swap3A_407 {strides = array<i32>} : memref<128xi32, #tpu.memory_space<vmem>>, vector<16xi32>,
          %dma_start3A_408 = arith.constant 0 : i32
          %dma_start3A_409 = arith.constant 0 : i32
          %dma_start3A_410 = tpu.memref_slice %arg2[%dma_start3A_408, %dma_start3A_409] : memref<10000x128xf32, #tpu.memory_space<hbm>> -> memref<10000x128xf32, #tpu.memory_space<hbm>>
          tpu.enqueue_indirect_dma source(%dma_start3A_410 : memref<10000x128xf32, #tpu.memory_space<hbm>>) target(%arg15 : memref<128x128xf32, #tpu.memory_space<vmem>>) offsets(%arg9 : memref<128xi32, #tpu.memory_space<vmem>>) semaphore(%arg22 : memref<!tpu.dma_semaphore, #tpu.memory_space<semaphore_mem>>)
          %add3A_411 = arith.constant 2 : i32
          %add3A_412 = arith.addi %while3A_191, %add3A_411 : i32
          %lt3A_413 = arith.cmpi slt, %add3A_412, %select_n3A_6 : i32
          %convert_element_type3A_414 = arith.extui %lt3A_413 : i1 to i32
          %cond3A_415 = arith.constant 0 : i32
          %cond3A_416 = arith.cmpi ne, %convert_element_type3A_414, %cond3A_415 : i32
          scf.if %cond3A_416 {
            %add3A_417 = arith.constant 2 : i32
            %add3A_418 = arith.addi %while3A_191, %add3A_417 : i32
            %mul3A_419 = arith.constant 32 : i32
            %mul3A_420 = arith.muli %add3A_418, %mul3A_419 : i32
            %add3A_421 = arith.addi %mul3A_420, %add3A : i32
            %mul3A_422 = arith.constant 128 : i32
            %mul3A_423 = arith.muli %add3A_421, %mul3A_422 : i32
            %dma_start3A_424 = tpu.memref_slice %arg3[%mul3A_423] : memref<320000xi32, #tpu.memory_space<hbm>> -> memref<128xi32, #tpu.memory_space<hbm>>
            %dma_start3A_425 = tpu.memref_slice %arg3[%mul3A_423] : memref<320000xi32, #tpu.memory_space<hbm>> -> memref<128xi32, #tpu.memory_space<hbm>>
            tpu.enqueue_dma source(%dma_start3A_425 : memref<128xi32, #tpu.memory_space<hbm>>) target(%arg7 : memref<128xi32, #tpu.memory_space<vmem>>) target_semaphore(%arg20 : memref<!tpu.dma_semaphore, #tpu.memory_space<semaphore_mem>>)
          } else {
          }
        } else {
        }
      } else {
      }
    }
    %dma_wait3A_168 = arith.constant 0 : i32
    %dma_wait3A_169 = arith.constant 0 : i32
    %dma_wait3A_170 = tpu.memref_slice %arg2[%dma_wait3A_168, %dma_wait3A_169] : memref<10000x128xf32, #tpu.memory_space<hbm>> -> memref<128x128xf32, #tpu.memory_space<hbm>>
    %dma_wait3A_171 = arith.constant 0 : i32
    %dma_wait3A_172 = arith.constant 0 : i32
    %dma_wait3A_173 = tpu.memref_slice %arg2[%dma_wait3A_171, %dma_wait3A_172] : memref<10000x128xf32, #tpu.memory_space<hbm>> -> memref<128x128xf32, #tpu.memory_space<hbm>>
    tpu.wait_dma2 semaphore(%arg25 : memref<!tpu.dma_semaphore, #tpu.memory_space<semaphore_mem>>) src(%dma_wait3A_173 : memref<128x128xf32, #tpu.memory_space<hbm>>) dst(%arg15 : memref<128x128xf32, #tpu.memory_space<vmem>>)
    %dma_wait3A_174 = arith.constant 0 : i32
    %dma_wait3A_175 = arith.constant 0 : i32
    %dma_wait3A_176 = tpu.memref_slice %arg2[%dma_wait3A_174, %dma_wait3A_175] : memref<10000x128xf32, #tpu.memory_space<hbm>> -> memref<128x128xf32, #tpu.memory_space<hbm>>
    %dma_wait3A_177 = arith.constant 0 : i32
    %dma_wait3A_178 = arith.constant 0 : i32
    %dma_wait3A_179 = tpu.memref_slice %arg2[%dma_wait3A_177, %dma_wait3A_178] : memref<10000x128xf32, #tpu.memory_space<hbm>> -> memref<128x128xf32, #tpu.memory_space<hbm>>
    tpu.wait_dma2 semaphore(%arg26 : memref<!tpu.dma_semaphore, #tpu.memory_space<semaphore_mem>>) src(%dma_wait3A_179 : memref<128x128xf32, #tpu.memory_space<hbm>>) dst(%arg16 : memref<128x128xf32, #tpu.memory_space<vmem>>)
    %dma_wait3A_180 = arith.constant 0 : i32
    %dma_wait3A_181 = arith.constant 0 : i32
    %dma_wait3A_182 = tpu.memref_slice %arg2[%dma_wait3A_180, %dma_wait3A_181] : memref<10000x128xf32, #tpu.memory_space<hbm>> -> memref<128x128xf32, #tpu.memory_space<hbm>>
    %dma_wait3A_183 = arith.constant 0 : i32
    %dma_wait3A_184 = arith.constant 0 : i32
    %dma_wait3A_185 = tpu.memref_slice %arg2[%dma_wait3A_183, %dma_wait3A_184] : memref<10000x128xf32, #tpu.memory_space<hbm>> -> memref<128x128xf32, #tpu.memory_space<hbm>>
    tpu.wait_dma2 semaphore(%arg27 : memref<!tpu.dma_semaphore, #tpu.memory_space<semaphore_mem>>) src(%dma_wait3A_185 : memref<128x128xf32, #tpu.memory_space<hbm>>) dst(%arg17 : memref<128x128xf32, #tpu.memory_space<vmem>>)
    %barrier3A_186 = arith.constant 0 : index
    tpu.barrier barrier_id(%barrier3A_186)
    %mul3A_187 = arith.constant 624 : i32
    %mul3A_188 = arith.muli %arg1, %mul3A_187 : i32
    %mul3A_189 = arith.constant 624 : i32
    %mul3A_190 = arith.muli %arg1, %mul3A_189 : i32
    "tpu.region"() ({
      %run_scoped3A = tpu.sem_alloc : memref<!tpu.dma_semaphore, #tpu.memory_space<semaphore_mem>>
      %dma_start3A_191 = arith.constant 0 : i32
      %dma_start3A_192 = tpu.memref_slice %arg5[%arg0, %mul3A_190, %dma_start3A_191] : memref<2x10000x128xf32, #tpu.memory_space<hbm>> -> memref<1x640x128xf32, #tpu.memory_space<hbm>>
      %dma_start3A_193 = tpu.memref_squeeze %dma_start3A_192 : memref<1x640x128xf32, #tpu.memory_space<hbm>> -> memref<640x128xf32, #tpu.memory_space<hbm>>
      %dma_start3A_194 = arith.constant 0 : i32
      %dma_start3A_195 = tpu.memref_slice %arg18[%mul3A_188, %dma_start3A_194] : memref<10000x128xf32, #tpu.memory_space<vmem_shared>> -> memref<640x128xf32, #tpu.memory_space<vmem_shared>>
      tpu.enqueue_dma source(%dma_start3A_195 : memref<640x128xf32, #tpu.memory_space<vmem_shared>>) target(%dma_start3A_193 : memref<640x128xf32, #tpu.memory_space<hbm>>) target_semaphore(%run_scoped3A : memref<!tpu.dma_semaphore, #tpu.memory_space<semaphore_mem>>)
      %dma_wait3A_196 = arith.constant 0 : i32
      %dma_wait3A_197 = tpu.memref_slice %arg5[%arg0, %mul3A_190, %dma_wait3A_196] : memref<2x10000x128xf32, #tpu.memory_space<hbm>> -> memref<1x640x128xf32, #tpu.memory_space<hbm>>
      %dma_wait3A_198 = tpu.memref_squeeze %dma_wait3A_197 : memref<1x640x128xf32, #tpu.memory_space<hbm>> -> memref<640x128xf32, #tpu.memory_space<hbm>>
      %dma_wait3A_199 = arith.constant 0 : i32
      %dma_wait3A_200 = tpu.memref_slice %arg18[%mul3A_188, %dma_wait3A_199] : memref<10000x128xf32, #tpu.memory_space<vmem_shared>> -> memref<640x128xf32, #tpu.memory_space<vmem_shared>>
      tpu.wait_dma2 semaphore(%run_scoped3A : memref<!tpu.dma_semaphore, #tpu.memory_space<semaphore_mem>>) src(%dma_wait3A_200 : memref<640x128xf32, #tpu.memory_space<vmem_shared>>) dst(%dma_wait3A_198 : memref<640x128xf32, #tpu.memory_space<hbm>>)
      tpu.yield
    }) : () -> ()
    return
  }
}

module attributes {stable_mosaic.version = 14 : i64} {
  func.func @_mm_body(%arg0: i32, %arg1: memref<2000x128xf32, #tpu.memory_space<vmem>>, %arg2: memref<2000x128xf32, #tpu.memory_space<vmem>>, %arg3: memref<128x128xf32, #tpu.memory_space<vmem>>, %arg4: memref<1x128xf32, #tpu.memory_space<vmem>>, %arg5: memref<2000x128xf32, #tpu.memory_space<vmem>>) attributes {dimension_semantics = [#tpu.dimension_semantics<arbitrary>], iteration_bounds = array<i64: 5>, scalar_prefetch = 0 : i64, scratch_operands = 0 : i64, tpu.core_type = #tpu.core_type<tc>, window_params = [{transform_indices = @transform_0, window_bounds = array<i64: 2000, 128>}, {transform_indices = @transform_1, window_bounds = array<i64: 2000, 128>}, {pipeline_mode = #tpu.pipeline_mode<synchronous>, transform_indices = @transform_2, window_bounds = array<i64: 128, 128>}, {pipeline_mode = #tpu.pipeline_mode<synchronous>, transform_indices = @transform_3, window_bounds = array<i64: 1, 128>}, {transform_indices = @transform_4, window_bounds = array<i64: 2000, 128>}]} {
    %get3A = arith.constant 0 : index
    %get3A_0 = arith.constant 0 : index
    %get3A_1 = vector.load %arg1[%get3A, %get3A_0] : memref<2000x128xf32, #tpu.memory_space<vmem>>, vector<2000x128xf32>
    %get3A_2 = arith.constant 0 : index
    %get3A_3 = arith.constant 0 : index
    %get3A_4 = vector.load %arg2[%get3A_2, %get3A_3] : memref<2000x128xf32, #tpu.memory_space<vmem>>, vector<2000x128xf32>
    %add3A = arith.addf %get3A_1, %get3A_4 : vector<2000x128xf32>
    %get3A_5 = arith.constant 0 : index
    %get3A_6 = arith.constant 0 : index
    %get3A_7 = vector.load %arg3[%get3A_5, %get3A_6] : memref<128x128xf32, #tpu.memory_space<vmem>>, vector<128x128xf32>
    %dot_general3A = arith.constant dense<0.000000e+00> : vector<2000x128xf32>
    %dot_general3A_8 = tpu.matmul %add3A, %get3A_7, %dot_general3A {dimension_numbers = #tpu.dot_dimension_numbers<[1], [0], [0], [1], [0, 0, 1, 1], [], []>, transpose_lhs_hint = false} : vector<2000x128xf32>, vector<128x128xf32>, vector<2000x128xf32> -> vector<2000x128xf32>
    %get3A_9 = arith.constant 0 : index
    %get3A_10 = arith.constant 0 : index
    %get3A_11 = vector.load %arg4[%get3A_9, %get3A_10] : memref<1x128xf32, #tpu.memory_space<vmem>>, vector<1x128xf32>
    %add3A_12 = vector.broadcast %get3A_11 : vector<1x128xf32> to vector<2000x128xf32>
    %add3A_13 = arith.addf %dot_general3A_8, %add3A_12 : vector<2000x128xf32>
    %max3A = arith.constant 0.000000e+00 : f32
    %max3A_14 = vector.broadcast %max3A : f32 to vector<2000x128xf32>
    %max3A_15 = arith.maximumf %add3A_13, %max3A_14 : vector<2000x128xf32>
    %swap3A = arith.constant 0 : index
    %swap3A_16 = arith.constant 0 : index
    %swap3A_17 = vector.load %arg5[%swap3A, %swap3A_16] : memref<2000x128xf32, #tpu.memory_space<vmem>>, vector<2000x128xf32>
    tpu.vector_store %arg5[%swap3A, %swap3A_16], %max3A_15 {strides = array<i32>} : memref<2000x128xf32, #tpu.memory_space<vmem>>, vector<2000x128xf32>,
    return
  }
  func.func @transform_0(%arg0: i32) -> (i32, i32) {
    %c0_i32 = arith.constant 0 : i32
    %c0_i32_0 = arith.constant 0 : i32
    return %arg0, %c0_i32 : i32, i32
  }
  func.func @transform_1(%arg0: i32) -> (i32, i32) {
    %c0_i32 = arith.constant 0 : i32
    %c0_i32_0 = arith.constant 0 : i32
    return %arg0, %c0_i32 : i32, i32
  }
  func.func @transform_2(%arg0: i32) -> (i32, i32) {
    %c0_i32 = arith.constant 0 : i32
    %c0_i32_0 = arith.constant 0 : i32
    %c0_i32_1 = arith.constant 0 : i32
    return %c0_i32, %c0_i32_0 : i32, i32
  }
  func.func @transform_3(%arg0: i32) -> (i32, i32) {
    %c0_i32 = arith.constant 0 : i32
    %c0_i32_0 = arith.constant 0 : i32
    %c0_i32_1 = arith.constant 0 : i32
    return %c0_i32, %c0_i32_0 : i32, i32
  }
  func.func @transform_4(%arg0: i32) -> (i32, i32) {
    %c0_i32 = arith.constant 0 : i32
    %c0_i32_0 = arith.constant 0 : i32
    return %arg0, %c0_i32 : i32, i32
  }
}

module attributes {stable_mosaic.version = 14 : i64} {
  func.func @_mm_pool_body(%arg0: i32, %arg1: memref<2000x128xf32, #tpu.memory_space<vmem>>, %arg2: memref<2000x128xf32, #tpu.memory_space<vmem>>, %arg3: memref<128x128xf32, #tpu.memory_space<vmem>>, %arg4: memref<1x128xf32, #tpu.memory_space<vmem>>, %arg5: memref<1x1x2000xi32, #tpu.memory_space<vmem>>, %arg6: memref<8x128xf32, #tpu.memory_space<vmem>>, %arg7: memref<8x128xf32, #tpu.memory_space<vmem>>, %arg8: memref<8x128xf32, #tpu.memory_space<vmem>>) attributes {dimension_semantics = [#tpu.dimension_semantics<arbitrary>], iteration_bounds = array<i64: 5>, scalar_prefetch = 0 : i64, scratch_operands = 2 : i64, tpu.core_type = #tpu.core_type<tc>, window_params = [{transform_indices = @transform_0, window_bounds = array<i64: 2000, 128>}, {transform_indices = @transform_1, window_bounds = array<i64: 2000, 128>}, {pipeline_mode = #tpu.pipeline_mode<synchronous>, transform_indices = @transform_2, window_bounds = array<i64: 128, 128>}, {pipeline_mode = #tpu.pipeline_mode<synchronous>, transform_indices = @transform_3, window_bounds = array<i64: 1, 128>}, {transform_indices = @transform_4, window_bounds = array<i64: 1, 1, 2000>}, {pipeline_mode = #tpu.pipeline_mode<synchronous>, transform_indices = @transform_5, window_bounds = array<i64: 8, 128>}]} {
    %eq3A = arith.constant 0 : i32
    %eq3A_0 = arith.cmpi eq, %arg0, %eq3A : i32
    %convert_element_type3A = arith.extui %eq3A_0 : i1 to i32
    %cond3A = arith.constant 0 : i32
    %cond3A_1 = arith.cmpi ne, %convert_element_type3A, %cond3A : i32
    scf.if %cond3A_1 {
      %broadcast_in_dim3A_51 = arith.constant 0.000000e+00 : f32
      %broadcast_in_dim3A_52 = vector.broadcast %broadcast_in_dim3A_51 : f32 to vector<8x128xf32>
      %swap3A_53 = arith.constant 0 : index
      %swap3A_54 = arith.constant 0 : index
      %swap3A_55 = vector.load %arg7[%swap3A_53, %swap3A_54] : memref<8x128xf32, #tpu.memory_space<vmem>>, vector<8x128xf32>
      tpu.vector_store %arg7[%swap3A_53, %swap3A_54], %broadcast_in_dim3A_52 {strides = array<i32>} : memref<8x128xf32, #tpu.memory_space<vmem>>, vector<8x128xf32>,
      %broadcast_in_dim3A_56 = arith.constant 0.000000e+00 : f32
      %broadcast_in_dim3A_57 = vector.broadcast %broadcast_in_dim3A_56 : f32 to vector<8x128xf32>
      %swap3A_58 = arith.constant 0 : index
      %swap3A_59 = arith.constant 0 : index
      %swap3A_60 = vector.load %arg8[%swap3A_58, %swap3A_59] : memref<8x128xf32, #tpu.memory_space<vmem>>, vector<8x128xf32>
      tpu.vector_store %arg8[%swap3A_58, %swap3A_59], %broadcast_in_dim3A_57 {strides = array<i32>} : memref<8x128xf32, #tpu.memory_space<vmem>>, vector<8x128xf32>,
    } else {
    }
    %get3A = arith.constant 0 : index
    %get3A_2 = arith.constant 0 : index
    %get3A_3 = vector.load %arg1[%get3A, %get3A_2] : memref<2000x128xf32, #tpu.memory_space<vmem>>, vector<2000x128xf32>
    %get3A_4 = arith.constant 0 : index
    %get3A_5 = arith.constant 0 : index
    %get3A_6 = vector.load %arg2[%get3A_4, %get3A_5] : memref<2000x128xf32, #tpu.memory_space<vmem>>, vector<2000x128xf32>
    %add3A = arith.addf %get3A_3, %get3A_6 : vector<2000x128xf32>
    %get3A_7 = arith.constant 0 : index
    %get3A_8 = arith.constant 0 : index
    %get3A_9 = vector.load %arg3[%get3A_7, %get3A_8] : memref<128x128xf32, #tpu.memory_space<vmem>>, vector<128x128xf32>
    %dot_general3A = arith.constant dense<0.000000e+00> : vector<2000x128xf32>
    %dot_general3A_10 = tpu.matmul %add3A, %get3A_9, %dot_general3A {dimension_numbers = #tpu.dot_dimension_numbers<[1], [0], [0], [1], [0, 0, 1, 1], [], []>, transpose_lhs_hint = false} : vector<2000x128xf32>, vector<128x128xf32>, vector<2000x128xf32> -> vector<2000x128xf32>
    %get3A_11 = arith.constant 0 : index
    %get3A_12 = arith.constant 0 : index
    %get3A_13 = vector.load %arg4[%get3A_11, %get3A_12] : memref<1x128xf32, #tpu.memory_space<vmem>>, vector<1x128xf32>
    %add3A_14 = vector.broadcast %get3A_13 : vector<1x128xf32> to vector<2000x128xf32>
    %add3A_15 = arith.addf %dot_general3A_10, %add3A_14 : vector<2000x128xf32>
    %max3A = arith.constant 0.000000e+00 : f32
    %max3A_16 = vector.broadcast %max3A : f32 to vector<2000x128xf32>
    %max3A_17 = arith.maximumf %add3A_15, %max3A_16 : vector<2000x128xf32>
    %get3A_18 = arith.constant 0 : index
    %get3A_19 = arith.constant 0 : index
    %get3A_20 = arith.constant 0 : index
    %get3A_21 = vector.load %arg5[%get3A_18, %get3A_19, %get3A_20] : memref<1x1x2000xi32, #tpu.memory_space<vmem>>, vector<1x1x2000xi32>
    %get3A_22 = vector.shape_cast %get3A_21 : vector<1x1x2000xi32> to vector<2000xi32>
    %broadcast_in_dim3A = vector.shape_cast %get3A_22 : vector<2000xi32> to vector<1x2000xi32>
    %iota3A = tpu.iota {dimensions = array<i32: 0>} : vector<8x2000xi32>
    %eq3A_23 = vector.broadcast %broadcast_in_dim3A : vector<1x2000xi32> to vector<8x2000xi32>
    %eq3A_24 = arith.cmpi eq, %eq3A_23, %iota3A : vector<8x2000xi32>
    %convert_element_type3A_25 = arith.extui %eq3A_24 : vector<8x2000xi1> to vector<8x2000xi32>
    %convert_element_type3A_26 = arith.sitofp %convert_element_type3A_25 : vector<8x2000xi32> to vector<8x2000xf32>
    %get3A_27 = arith.constant 0 : index
    %get3A_28 = arith.constant 0 : index
    %get3A_29 = vector.load %arg7[%get3A_27, %get3A_28] : memref<8x128xf32, #tpu.memory_space<vmem>>, vector<8x128xf32>
    %dot_general3A_30 = arith.constant dense<0.000000e+00> : vector<8x128xf32>
    %dot_general3A_31 = tpu.matmul %convert_element_type3A_26, %max3A_17, %dot_general3A_30 {dimension_numbers = #tpu.dot_dimension_numbers<[1], [0], [0], [1], [0, 0, 1, 1], [], []>, transpose_lhs_hint = false} : vector<8x2000xf32>, vector<2000x128xf32>, vector<8x128xf32> -> vector<8x128xf32>
    %add3A_32 = arith.addf %get3A_29, %dot_general3A_31 : vector<8x128xf32>
    %swap3A = arith.constant 0 : index
    %swap3A_33 = arith.constant 0 : index
    %swap3A_34 = vector.load %arg7[%swap3A, %swap3A_33] : memref<8x128xf32, #tpu.memory_space<vmem>>, vector<8x128xf32>
    tpu.vector_store %arg7[%swap3A, %swap3A_33], %add3A_32 {strides = array<i32>} : memref<8x128xf32, #tpu.memory_space<vmem>>, vector<8x128xf32>,
    %get3A_35 = arith.constant 0 : index
    %get3A_36 = arith.constant 0 : index
    %get3A_37 = vector.load %arg8[%get3A_35, %get3A_36] : memref<8x128xf32, #tpu.memory_space<vmem>>, vector<8x128xf32>
    %reduce_sum3A = arith.constant dense<0.000000e+00> : vector<8xf32>
    %reduce_sum3A_38 = vector.multi_reduction <add>, %convert_element_type3A_26, %reduce_sum3A [1] : vector<8x2000xf32> to vector<8xf32>
    %broadcast_in_dim3A_39 = vector.shape_cast %reduce_sum3A_38 : vector<8xf32> to vector<8x1xf32>
    %broadcast_in_dim3A_40 = vector.shape_cast %broadcast_in_dim3A_39 : vector<8x1xf32> to vector<8x1xf32>
    %broadcast_in_dim3A_41 = vector.broadcast %broadcast_in_dim3A_40 : vector<8x1xf32> to vector<8x128xf32>
    %add3A_42 = arith.addf %get3A_37, %broadcast_in_dim3A_41 : vector<8x128xf32>
    %swap3A_43 = arith.constant 0 : index
    %swap3A_44 = arith.constant 0 : index
    %swap3A_45 = vector.load %arg8[%swap3A_43, %swap3A_44] : memref<8x128xf32, #tpu.memory_space<vmem>>, vector<8x128xf32>
    tpu.vector_store %arg8[%swap3A_43, %swap3A_44], %add3A_42 {strides = array<i32>} : memref<8x128xf32, #tpu.memory_space<vmem>>, vector<8x128xf32>,
    %eq3A_46 = arith.constant 4 : i32
    %eq3A_47 = arith.cmpi eq, %arg0, %eq3A_46 : i32
    %convert_element_type3A_48 = arith.extui %eq3A_47 : i1 to i32
    %cond3A_49 = arith.constant 0 : i32
    %cond3A_50 = arith.cmpi ne, %convert_element_type3A_48, %cond3A_49 : i32
    scf.if %cond3A_50 {
      %get3A_51 = arith.constant 0 : index
      %get3A_52 = arith.constant 0 : index
      %get3A_53 = vector.load %arg7[%get3A_51, %get3A_52] : memref<8x128xf32, #tpu.memory_space<vmem>>, vector<8x128xf32>
      %get3A_54 = arith.constant 0 : index
      %get3A_55 = arith.constant 0 : index
      %get3A_56 = vector.load %arg8[%get3A_54, %get3A_55] : memref<8x128xf32, #tpu.memory_space<vmem>>, vector<8x128xf32>
      %max3A_57 = arith.constant 1.000000e+00 : f32
      %max3A_58 = vector.broadcast %max3A_57 : f32 to vector<8x128xf32>
      %max3A_59 = arith.maximumf %get3A_56, %max3A_58 : vector<8x128xf32>
      %div3A = arith.divf %get3A_53, %max3A_59 : vector<8x128xf32>
      %swap3A_60 = arith.constant 0 : index
      %swap3A_61 = arith.constant 0 : index
      %swap3A_62 = vector.load %arg6[%swap3A_60, %swap3A_61] : memref<8x128xf32, #tpu.memory_space<vmem>>, vector<8x128xf32>
      tpu.vector_store %arg6[%swap3A_60, %swap3A_61], %div3A {strides = array<i32>} : memref<8x128xf32, #tpu.memory_space<vmem>>, vector<8x128xf32>,
    } else {
    }
    return
  }
  func.func @transform_0(%arg0: i32) -> (i32, i32) {
    %c0_i32 = arith.constant 0 : i32
    %c0_i32_0 = arith.constant 0 : i32
    return %arg0, %c0_i32 : i32, i32
  }
  func.func @transform_1(%arg0: i32) -> (i32, i32) {
    %c0_i32 = arith.constant 0 : i32
    %c0_i32_0 = arith.constant 0 : i32
    return %arg0, %c0_i32 : i32, i32
  }
  func.func @transform_2(%arg0: i32) -> (i32, i32) {
    %c0_i32 = arith.constant 0 : i32
    %c0_i32_0 = arith.constant 0 : i32
    %c0_i32_1 = arith.constant 0 : i32
    return %c0_i32, %c0_i32_0 : i32, i32
  }
  func.func @transform_3(%arg0: i32) -> (i32, i32) {
    %c0_i32 = arith.constant 0 : i32
    %c0_i32_0 = arith.constant 0 : i32
    %c0_i32_1 = arith.constant 0 : i32
    return %c0_i32, %c0_i32_0 : i32, i32
  }
  func.func @transform_4(%arg0: i32) -> (i32, i32, i32) {
    %c0_i32 = arith.constant 0 : i32
    %c0_i32_0 = arith.constant 0 : i32
    %c0_i32_1 = arith.constant 0 : i32
    return %arg0, %c0_i32, %c0_i32_0 : i32, i32, i32
  }
  func.func @transform_5(%arg0: i32) -> (i32, i32) {
    %c0_i32 = arith.constant 0 : i32
    %c0_i32_0 = arith.constant 0 : i32
    %c0_i32_1 = arith.constant 0 : i32
    return %c0_i32, %c0_i32_0 : i32, i32
  }
}

</mosaic_0001>

<sc_bundles>
// kernel: kernel.6.cloned.1.call-start
scs
__scs_entry_jumppad:
0x0: {  	(pc) =	sbr.rel $0x88, $3  }
0x1: {  	(tag) =	ssettag $0x0;
	lr =	simm.s32 $0x1  }
0x2: {  	[smem:$0x3F9A] =	sst lr;
	_ =	strace $0xD0000000  }
0x3: {  	_ = 	snop  }
0x4: {  	_ = 	snop  }
0x5: {  	_ = 	snop  }
0x6: {  	_ = 	snop  }
0x7: {  	_ = 	snop  }
__scs_overlays_trampoline_lowered:
0x8: {  	[smem:$0x3FA9] =	sst s0  }
0x9: {  	[smem:$0x3FAA] =	sst s1  }
0xa: {  	[smem:$0x3FAB] =	sst s2  }
0xb: {  	[smem:$0x3FAC] =	sst s3  }
0xc: {  	[smem:$0x3FAD] =	sst s4  }
0xd: {  	[smem:$0x3FAE] =	sst s5  }
0xe: {  	[smem:$0x3FAF] =	sst s6  }
0xf: {  	[smem:$0x3FB0] =	sst s7  }
0x10: {  	[smem:$0x3FB1] =	sst s8  }
0x11: {  	[smem:$0x3FB2] =	sst s9;
	s0 =	simm.s32 @!p0 $0x0  }
0x12: {  	s1 =	sld [smem:$0x3F98];
	s0 =	simm.s32 @p0 $0x1  }
0x13: {  	[smem:$0x3FB3] =	sst s0;
	s0 =	simm.s32 @!p1 $0x0  }
0x14: {  	s2 =	sld [smem:$0x3F97];
	s0 =	simm.s32 @p1 $0x1  }
0x15: {  	[smem:$0x3FB4] =	sst s0;
	s0 =	simm.s32 @!p2 $0x0  }
0x16: {  	s3 =	sld [smem:$0x3FDB];
	s0 =	simm.s32 @p2 $0x1  }
0x17: {  	s4 =	simm.s32 $0x1BF5;
	[smem:$0x3FB6] =	sst s0  }
0x18: {  	s0 =	sld [smem:$0x3F99];
	_ =	swait.ge [sflag:s4], $0x0  }
0x19: {  	s7 =	sld [smem:$0x3F9A]  }
0x1a: {  	s8 =	sadd.s32 $0xFFFFE003, lr  }
0x1b: {  	s9 =	sadd.s32 $0xFFFFFEF7, lr;
	s5 =	simm.s32 $0xFFFFFFFF;
	p2 =	slt.u32 s8, $0xFFFFF086  }
0x1c: {  	p1 =	slt.u32 s9, $0xF7A;
	s5 =	simm.s32 @!p2 $0x0  }
0x1d: {  	s5 =	simm.s32 @p1 $0x1;
	p0 =	seq.s32 s7, s2  }
0x1e: {  	s7 =	smul.u32 @!p0 $0xF7A, s2;
	p2 =	seq.s32 @!p0 s5, $0x0  }
0x1f: {  	s9 =	smul.u32 $0xF7A, s1;
	s8 =	simm.s32 @!p0 $0x1BF5;
	p2 =	por !p2, p0  }
0x20: {  	[sflag:s8] =	ssyncset.s32 @!p0 $0xFFFFF086;
	s6 =	sadd.s32 @!p0 s3, s7;
	s7 =	simm.s32 @!p0 $0x108  }
0x21: {  	s3 =	sadd.s32 s3, s9;
	s6 =	sadd.s32 @!p0 $0x88, s6;
	s7 =	simm.s32 @p2 $0x1082  }
0x22: {  	[simem:s7], [sflag:s8] =	dma.local @!p0 [hbm:s6], $0xF7A  }
0x23: {  	s9 =	sor.u32 $0xD0000000, s2;
	s6 =	simm.s32 $0x108;
	_ =	swait.ge @!p0 [sflag:s8], $0x0  }
0x24: {  	s3 =	sadd.s32 $0x88, s3;
	s6 =	simm.s32 @!p1 $0x1082;
	[sflag:s4] =	ssyncset.s32 $0xFFFFF086  }
0x25: {  	[simem:s6], [sflag:s4] =	dma.local [hbm:s3], $0xF7A  }
0x26: {  	[smem:$0x3F9A] =	sst s1;
	(tag) =	ssettag s2;
	_ =	strace s9  }
0x27: {  	s1 =	sld [smem:$0x3FAA]  }
0x28: {  	s2 =	sld [smem:$0x3FAB]  }
0x29: {  	s4 =	sld [smem:$0x3FAD]  }
0x2a: {  	p0 =	seq.s32 s5, $0x0;
	s5 =	sld [smem:$0x3FAE]  }
0x2b: {  	s6 =	sld [smem:$0x3FAF]  }
0x2c: {  	s7 =	sld [smem:$0x3FB0]  }
0x2d: {  	s3 =	simm.s32 $0x108;
	s8 =	sld [smem:$0x3FB1]  }
0x2e: {  	s3 =	simm.s32 @!p0 $0x1082;
	s9 =	sld [smem:$0x3FB2]  }
0x2f: {  	lr =	sadd.s32 s0, s3;
	s0 =	sld [smem:$0x3FA9]  }
0x30: {  	s3 =	sld [smem:$0x3FAC]  }
0x31: {  	[smem:$0x3FB5] =	sst s10  }
0x32: {  	s10 =	sld [smem:$0x3FB3];
	_ =	sdelay $0x3  }
0x33: {  	p0 =	seq.s32 s10, $0x1;
	s10 =	sld [smem:$0x3FB5];
	_ =	sdelay $0x3  }
0x34: {  	[smem:$0x3FB5] =	sst s10  }
0x35: {  	s10 =	sld [smem:$0x3FB4];
	_ =	sdelay $0x3  }
0x36: {  	p1 =	seq.s32 s10, $0x1;
	s10 =	sld [smem:$0x3FB5];
	_ =	sdelay $0x3  }
0x37: {  	[smem:$0x3FB5] =	sst s10  }
0x38: {  	s10 =	sld [smem:$0x3FB6]  }
0x39: {  	_ = 	snop;
	(pc) =	sbr.ind lr, $3  }
0x3a: {  	_ = 	snop  }
0x3b: {  	_ = 	snop  }
0x3c: {  	p2 =	seq.s32 s10, $0x1;
	s10 =	sld [smem:$0x3FB5]  }
0x3d: {  	_ =	shalt  }
0x3e: {  	_ =	shalt  }
0x3f: {  	_ =	shalt  }
0x40: {  	_ =	shalt  }
0x41: {  	_ =	shalt  }
0x42: {  	_ =	shalt  }
0x43: {  	_ =	shalt  }
0x44: {  	_ =	shalt  }
0x45: {  	_ =	shalt  }
0x46: {  	_ =	shalt  }
0x47: {  	_ =	shalt  }
0x48: {  	_ =	shalt  }
0x49: {  	_ =	shalt  }
0x4a: {  	_ =	shalt  }
0x4b: {  	_ =	shalt  }
0x4c: {  	_ =	shalt  }
0x4d: {  	_ =	shalt  }
0x4e: {  	_ =	shalt  }
0x4f: {  	_ =	shalt  }
0x50: {  	_ =	shalt  }
0x51: {  	_ =	shalt  }
0x52: {  	_ =	shalt  }
0x53: {  	_ =	shalt  }
0x54: {  	_ =	shalt  }
0x55: {  	_ =	shalt  }
0x56: {  	_ =	shalt  }
0x57: {  	_ =	shalt  }
0x58: {  	_ =	shalt  }
0x59: {  	_ =	shalt  }
0x5a: {  	_ =	shalt  }
0x5b: {  	_ =	shalt  }
0x5c: {  	_ =	shalt  }
0x5d: {  	_ =	shalt  }
0x5e: {  	_ =	shalt  }
0x5f: {  	_ =	shalt  }
0x60: {  	_ =	shalt  }
0x61: {  	_ =	shalt  }
0x62: {  	_ =	shalt  }
0x63: {  	_ =	shalt  }
0x64: {  	_ =	shalt  }
0x65: {  	_ =	shalt  }
0x66: {  	_ =	shalt  }
0x67: {  	_ =	shalt  }
0x68: {  	_ =	shalt  }
0x69: {  	_ =	shalt  }
0x6a: {  	_ =	shalt  }
0x6b: {  	_ =	shalt  }
0x6c: {  	_ =	shalt  }
0x6d: {  	_ =	shalt  }
0x6e: {  	_ =	shalt  }
0x6f: {  	_ =	shalt  }
0x70: {  	_ =	shalt  }
0x71: {  	_ =	shalt  }
0x72: {  	_ =	shalt  }
0x73: {  	_ =	shalt  }
0x74: {  	_ =	shalt  }
0x75: {  	_ =	shalt  }
0x76: {  	_ =	shalt  }
0x77: {  	_ =	shalt  }
0x78: {  	_ =	shalt  }
0x79: {  	_ =	shalt  }
0x7a: {  	_ =	shalt  }
0x7b: {  	_ =	shalt  }
0x7c: {  	_ =	shalt  }
0x7d: {  	_ =	shalt  }
0x7e: {  	_ =	shalt  }
0x7f: {  	_ =	shalt  }
0x80: {  	_ =	shalt  }
0x81: {  	_ =	shalt  }
0x82: {  	_ =	shalt  }
0x83: {  	_ =	shalt  }
0x84: {  	_ =	shalt  }
0x85: {  	_ =	shalt  }
0x86: {  	_ =	shalt  }
0x87: {  	_ =	shalt  }
.Lfunc_end0:
.L_simem_size_0:
called_computation_lowered:
.L_overlay_start_0:
0x88: {  	s2 =	sld [smem:$0x3FD9]  }
0x89: {  	s3 =	sld [smem:$0x3FFE];
	_ =	sdelay $0x1  }
0x8a: {  	s1 =	srdreg.scid  }
0x8b: {  	s0 =	sand.u32 $0x1, s1  }
0x8c: {  	s17 =	sshll.u32 s0, $0xA;
	s2 =	sadd.s32 s3, s2  }
0x8d: {  	s2 =	sadd.s32 s2, s17  }
0x8e: {  	[smem:$0x3FC1] =	sst s2  }
0x8f: {  	_ = 	snop  }
0x90: {  	s2 =	sld [smem:$0x3FC9];
	(tm) =	ssettm $0x1  }
0x91: {  	s18 =	sld [smem:$0x3FFB];
	_ =	sdelay $0x3  }
0x92: {  	_ =	strace s18  }
0x93: {  	s3 =	sld [smem:$0x3FFC];
	_ =	sdelay $0x3  }
0x94: {  	_ =	strace s3  }
0x95: {  	s3 =	sld [smem:$0x3FFD];
	_ =	sdelay $0x3  }
0x96: {  	_ =	strace s3  }
0x97: {  	_ =	strace $0x8FFFFFFF  }
0x98: {  	s19 =	sld [smem:$0x3FDB];
	_ =	sdelay $0x1  }
0x99: {  	s4 =	simm.s32 $_scs_section_size  }
0x9a: {  	s5 =	simm.s32 $_size__tile_overlayer_lowered;
	s6 =	simm.s32 $_tile_overlayer_lowered  }
0x9b: {  	s22 =	simm.s32 $0x1BFF;
	s21 =	sshll.u32 s6, $0x1;
	s3 =	sadd.s32 s4, s19  }
0x9c: {  	s7 =	simm.s32 $0x0;
	s20 =	sshll.u32 s5, $0x1;
	s5 =	sadd.s32 s21, s3  }
0x9d: {  	[timem:s7], [sflag:s22] =	dma.local [hbm:s5], s20  }
0x9e: {  	_ =	swait.ge [sflag:s22], s20  }
0x9f: {  	s4 =	ssub.s32 $0x0, s20;
	[sflag:s22] =	ssyncset.done $0x0  }
0xa0: {  	[sflag:s22] =	ssyncadd.s32 s4;
	_ =	sdelay $0x1  }
0xa1: {  	s23 =	simm.s32 $0x1B8B  }
0xa2: {  	_ =	swait.ge [sflag:s23], $0x1  }
0xa3: {  	[sflag:s23] =	ssyncset.done $0x0  }
0xa4: {  	s25 =	simm.s32 $0x1B8E;
	s24 =	sld [smem:$0x3FFE];
	[sflag:s23] =	ssyncadd.s32 $0xFFFFFFFF  }
0xa5: {  	s26 =	simm.s32 $execute0_lowered;
	[smem:$0x3FD2] =	sst s25  }
0xa6: {  	s5 =	sshll.u32 s26, $0x1;
	_ =	strace $0x80000046;
	[dreg:$0x1] =	wrdreg $0xFFFFFFFF  }
0xa7: {  	s28 =	simm.s32 $_size_execute0_lowered;
	s3 =	sadd.s32 s3, s5;
	[dreg:$0x0] =	wrdreg $0x0  }
0xa8: {  	s5 =	sshll.u32 s28, $0x1;
	[dreg:$0x2] =	wrdreg s3  }
0xa9: {  	[dreg:$0x3] =	wrdreg s5  }
0xaa: {  	[dreg:$0x4] =	wrdreg $0xC0  }
0xab: {  	_ =	task [dreg:s7], $0x5FFFF  }
0xac: {  	[dreg:$0x1] =	wrdreg $0xFFFFFFFF  }
0xad: {  	[dreg:$0x0] =	wrdreg $0x60  }
0xae: {  	[dreg:$0x2] =	wrdreg s2  }
0xaf: {  	[dreg:$0x3] =	wrdreg s24  }
0xb0: {  	[dreg:$0x4] =	wrdreg $0xC4800  }
0xb1: {  	[dreg:$0x5] =	wrdreg $0x9  }
0xb2: {  	_ =	task.clear_ibuf [dreg:s7], $0x6FFFF;
	_ =	strace $0x90000046  }
0xb3: {  	s29 =	simm.s32 $0x9;
	_ =	strace $0x80000048  }
0xb4: {  	_ =	swait.ge [sflag:s29], $0x1  }
0xb5: {  	[sflag:s29] =	ssyncadd.s32 $0xFFFFFFFF  }
0xb6: {  	_ =	strace $0x90000048  }
0xb7: {  	_ =	sfence  }
0xb8: {  	s30 =	sld [smem:$0x0];
	_ =	sdelay $0x2  }
0xb9: {  	s31 =	sshll.u32 s1, $0xD;
	s1 =	sshrl.u32 s1, $0x2  }
0xba: {  	s3 =	sand.u32 $0x4000, s31;
	s1 =	sadd.s32 s1, s30  }
0xbb: {  	s0 =	sor.u32 s3, s0;
	s1 =	sshll.u32 s1, $0x11  }
0xbc: {  	s0 =	sor.u32 s1, s0  }
0xbd: {  	s0 =	sadd.s32 $0x8F2B, s0  }
0xbe: {  	[sflag:s0] =	ssyncadd.remote.s32 $0x1  }
0xbf: {  	_ =	sfence.sel $0xFFFF  }
0xc0: {  	[dreg:$0x0] =	wrdreg $0xFFFFFFFF;
	(pc) =	sbr.abs _section_cstart, $3  }
0xc1: {  	[dreg:$0x1] =	wrdreg $0xFFFFFFFF  }
0xc2: {  	_ =	task.clear_ibuf [dreg:s7], $0x2FFFF;
	_ =	strace $0x9FFFFFFF  }
0xc3: {  	(tm) =	ssettm $0x7FFFFFFF  }
tec
execute0_lowered:
.L_overlay_start_1:
0x0: {  	(tag) =	ssettag $0x1  }
0x1: {  	s0 =	rddreg [dreg:$0x0]  }
0x2: {  	s1 =	rddreg [dreg:$0x1]  }
0x3: {  	s2 =	srdreg.scid;
	s3 =	rddreg [dreg:$0x2]  }
0x4: {  	s10 =	stileid.u32;
	s6 =	simm.s32 $0x0;
	s16 =	simm.s32 $0x80  }
0x5: {  	s17 =	simm.s32 $0x1;
	s28 =	simm.s32 $0xB;
	s29 =	simm.s32 $0x5  }
0x6: {  	s30 =	simm.s32 $0x380;
	s31 =	simm.s32 $0x4480;
	s2 =	sand.u32 $0x1, s2  }
0x7: {  	s5 =	smul.u32 $0x13800, s10;
	[smem:$0x7FF] =	sst s6;
	s18 =	sadd.s32 $0x1400, s1  }
0x8: {  	s19 =	smul.u32 $0x4E000, s10;
	s7 =	sadd.s32 $0xB200, s1;
	s22 =	sshll.u32 s10, $0x6  }
0x9: {  	p0 =	slt.u32 s10, $0x2;
	s24 =	sshll.u32 s10, $0x5;
	s10 =	sshll.u32 s10, $0x8  }
0xa: {  	s4 =	smul.u32 $0x138800, s2;
	_ =	strace $0x80000047;
	[dreg:$0x4] =	wrdreg s7  }
0xb: {  	s20 =	ssub.s32 $0x2, s2;
	[dreg:$0x5] =	wrdreg s22;
	s6 =	sor.u32 $0x1C0A, s22  }
0xc: {  	s9 =	sshll.u32 s2, $0x4;
	s2 =	sshll.u32 s2, $0x7;
	s22 =	simm.s32 $0x400  }
0xd: {  	s21 =	sshrl.u32 s20, $0x1;
	s8 =	sshrl.u32 s19, $0x2;
	[dreg:$0x6] =	wrdreg s6  }
0xe: {  	s9 =	sor.u32 s9, s24;
	s2 =	sor.u32 s2, s10;
	s19 =	simm.s32 $0x480  }
0xf: {  	s24 =	simm.s32 $0x7;
	s4 =	sadd.s32 s5, s4;
	s23 =	sadd.s32 s8, s3  }
0x10: {  	s8 =	simm.s32 $0x4F;
	s9 =	sadd.s32 s18, s9;
	s2 =	sor.u32 $0x2000, s2  }
0x11: {  	s4 =	sshrl.u32 s4, $0x3;
	s8 =	simm.s32 @!p0 $0x4E;
	s25 =	sadd.s32 $0x200, s9  }
0x12: {  	s26 =	sshrl.u32 s2, $0x3;
	s15 =	sshrl.u32 s23, $0x3;
	s23 =	simm.s32 $0x8480  }
.Ltmp0:
0x13: {  	s2 =	simm.s32 $0x300;
	s1 =	sadd.s32 s4, s1;
	(pc) =	sbr.rel .LBB2_1-.Ltmp0, $4  }
0x14: {  	s4 =	ssub.s32 s20, s21;
	[dreg:$0x7] =	wrdreg s25;
	s11 =	sadd.s32 $0xFFFFFFFF, s8  }
0x15: {  	s20 =	simm.s32 $0xA;
	s21 =	simm.s32 $0x6;
	s25 =	simm.s32 $0x8  }
0x16: {  	s12 =	sadd.s32 $0xDA00, s1;
	s13 =	smax.u32 s4, $0x1;
	s4 =	sadd.s32 s26, s18  }
0x17: {  	s26 =	simm.s32 $0x9;
	s1 =	simm.s32 $0x4;
	s18 =	simm.s32 $0x0  }
.LBB2_8:
0x18: {  	_ =	swait.ge [sflag:s24], $0x4000  }
0x19: {  	[sflag:s24] =	ssyncset.done $0x0  }
0x1a: {  	[sflag:s24] =	ssyncadd.s32 $0xFFFFC000  }
0x1b: {  	_ =	swait.ge [sflag:s25], $0x4000  }
0x1c: {  	[sflag:s25] =	ssyncset.done $0x0  }
0x1d: {  	[sflag:s25] =	ssyncadd.s32 $0xFFFFC000  }
0x1e: {  	_ =	swait.ge [sflag:s26], $0x4000  }
0x1f: {  	[sflag:s26] =	ssyncset.done $0x0  }
0x20: {  	[sflag:s26] =	ssyncadd.s32 $0xFFFFC000  }
0x21: {  	s18 =	sadd.s32 $0x1, s18;
	[bflag:$0x0] =	sbarrier.arrive $0xFFFF  }
0x22: {  	p0 =	sne.s32 s18, s13;
	s5 =	rddreg [dreg:$0x5]  }
.Ltmp1:
0x23: {  	s5 =	sor.u32 $0x1C0B, s5;
	(pc) =	sbr.rel @!p0 .LBB2_9-.Ltmp1, $4  }
0x24: {  	[hbm:s12], [sflag:s5] =	dma.local [spmem:s15], $0x2800  }
0x25: {  	_ =	swait.ge [sflag:s28], $0x2800  }
0x26: {  	[sflag:s28] =	ssyncset.done $0x0  }
0x27: {  	[sflag:s28] =	ssyncadd.s32 $0xFFFFD800  }
.LBB2_1:
0x28: {  	s5 =	rddreg [dreg:$0x4]  }
0x29: {  	s6 =	rddreg [dreg:$0x6];
	s10 =	simm.s32 $0x0  }
0x2a: {  	[spmem:s15], [sflag:s6] =	dma.local [hbm:s5], $0x2800  }
0x2b: {  	[tilespmem:s10], [sflag:$0x1] =	stream.linear.gather [hbm4b:s9+s10], $0x80, $0x38;
	[tilespmem:$0x1FD00] =	vst v63  }
0x2c: {  	s6 =	rddreg [dreg:$0x7]  }
0x2d: {  	[tilespmem:s16], [sflag:$0x2] =	stream.linear.gather [hbm4b:s6+s10], $0x80, $0x38;
	[tilespmem:$0x1FD00] =	vst v63  }
0x2e: {  	_ =	swait.ge [sflag:s17], $0x80  }
0x2f: {  	[sflag:s17] =	ssyncset.done $0x0  }
0x30: {  	[sflag:s17] =	ssyncadd.s32 $0xFFFFFF80  }
0x31: {  	v0 =	vld [tilespmem:$0x0];
	_ =	sdelay $0x1  }
0x32: {  	v1 =	vld [tilespmem:$0x10];
	_ =	sdelay $0x1  }
0x33: {  	v2 =	vld [tilespmem:$0x20]  }
0x34: {  	v3 =	vand.u32 $0xFFFF, v0  }
0x35: {  	v45 =	vld [tilespmem:$0x30];
	v0 =	vshrl.u32 v0, $0x10;
	[tilespmem:$0x180] =	vst v3  }
0x36: {  	v46 =	vand.u32 $0xFFFF, v1;
	[tilespmem:$0x300] =	vst v0  }
0x37: {  	v48 =	vld [tilespmem:$0x40];
	v47 =	vshrl.u32 v1, $0x10;
	[tilespmem:$0x190] =	vst v46  }
0x38: {  	v49 =	vand.u32 $0xFFFF, v2;
	[tilespmem:$0x310] =	vst v47  }
0x39: {  	v51 =	vld [tilespmem:$0x50];
	v50 =	vshrl.u32 v2, $0x10;
	[tilespmem:$0x1A0] =	vst v49  }
0x3a: {  	v52 =	vand.u32 $0xFFFF, v45;
	[tilespmem:$0x320] =	vst v50  }
0x3b: {  	v54 =	vld [tilespmem:$0x60];
	v53 =	vshrl.u32 v45, $0x10;
	[tilespmem:$0x1B0] =	vst v52  }
0x3c: {  	v55 =	vand.u32 $0xFFFF, v48;
	[tilespmem:$0x330] =	vst v53  }
0x3d: {  	v57 =	vld [tilespmem:$0x70];
	v56 =	vshrl.u32 v48, $0x10;
	[tilespmem:$0x1C0] =	vst v55  }
0x3e: {  	v58 =	vand.u32 $0xFFFF, v51;
	[tilespmem:$0x340] =	vst v56  }
0x3f: {  	v59 =	vshrl.u32 v51, $0x10;
	[tilespmem:$0x1D0] =	vst v58  }
0x40: {  	v60 =	vand.u32 $0xFFFF, v54;
	[tilespmem:$0x350] =	vst v59  }
0x41: {  	v61 =	vshrl.u32 v54, $0x10;
	[tilespmem:$0x1E0] =	vst v60  }
0x42: {  	v62 =	vand.u32 $0xFFFF, v57;
	[tilespmem:$0x360] =	vst v61  }
0x43: {  	v63 =	vshrl.u32 v57, $0x10;
	[tilespmem:$0x1F0] =	vst v62  }
0x44: {  	s14 =	simm.s32 $0x180;
	[tilespmem:$0x370] =	vst v63  }
0x45: {  	[tilespmem:s19], [sflag:$0x4] =	stream.indirect.gather [hbm4b:s0+s16], $0x80, s14, s16, $0xb8;
	[tilespmem:$0x1FD00] =	vst v63  }
.Ltmp2:
0x46: {  	_ =	swait.ge [sflag:s20], $0x2800;
	(pc) =	sbr.rel .LBB2_2-.Ltmp2, $4  }
0x47: {  	[sflag:s20] =	ssyncset.done $0x0  }
0x48: {  	[sflag:s20] =	ssyncadd.s32 $0xFFFFD800  }
0x49: {  	[bflag:$0x0] =	sbarrier.arrive $0xFFFF  }
0x4a: {  	s5 =	simm.s32 $0x0;
	s14 =	smov.u32 s4  }
.LBB2_6:
0x4b: {  	_ =	swait.ge [sflag:s21], $0x4000  }
0x4c: {  	p0 =	sge.u32 s5, s11;
	[sflag:s21] =	ssyncset.done $0x0  }
0x4d: {  	s6 =	simm.s32 @!p0 $0x7;
	[sflag:s21] =	ssyncadd.s32 $0xFFFFC000  }
0x4e: {  	[spmem:s3] =	stream.indirect.scatter.add.f32 [tilespmem:s23], [sflag:$0x9], $0x80, s22, s16, $0xb8;
	[tilespmem:$0x1FD00] =	vst v63  }
0x4f: {  	_ =	swait.ge @!p0 [sflag:s6], $0x4000  }
0x50: {  	[sflag:s6] =	ssyncset.done @!p0 $0x0  }
0x51: {  	[sflag:s6] =	ssyncadd.s32 @!p0 $0xFFFFC000;
	s6 =	simm.s32 @!p0 $0x1  }
0x52: {  	_ =	swait.ge @!p0 [sflag:s6], $0x80  }
0x53: {  	[sflag:s6] =	ssyncset.done @!p0 $0x0  }
0x54: {  	[sflag:s6] =	ssyncadd.s32 @!p0 $0xFFFFFF80  }
0x55: {  	v0 =	vld @!p0 [tilespmem:$0x0];
	_ =	sdelay $0x1  }
0x56: {  	v1 =	vld @!p0 [tilespmem:$0x10];
	_ =	sdelay $0x1  }
0x57: {  	v2 =	vld @!p0 [tilespmem:$0x20]  }
0x58: {  	v3 =	vand.u32 @!p0 $0xFFFF, v0  }
0x59: {  	v0 =	vshrl.u32 @!p0 v0, $0x10;
	[tilespmem:$0x180] =	vst @!p0 v3;
	v3 =	vld @!p0 [tilespmem:$0x30]  }
0x5a: {  	[tilespmem:$0x300] =	vst @!p0 v0;
	v0 =	vand.u32 @!p0 $0xFFFF, v1  }
0x5b: {  	[tilespmem:$0x190] =	vst @!p0 v0;
	v0 =	vshrl.u32 @!p0 v1, $0x10;
	v1 =	vld @!p0 [tilespmem:$0x40]  }
0x5c: {  	[tilespmem:$0x310] =	vst @!p0 v0;
	v0 =	vand.u32 @!p0 $0xFFFF, v2  }
0x5d: {  	[tilespmem:$0x1A0] =	vst @!p0 v0;
	v0 =	vshrl.u32 @!p0 v2, $0x10;
	v2 =	vld @!p0 [tilespmem:$0x50]  }
0x5e: {  	[tilespmem:$0x320] =	vst @!p0 v0;
	v0 =	vand.u32 @!p0 $0xFFFF, v3  }
0x5f: {  	[tilespmem:$0x1B0] =	vst @!p0 v0;
	v0 =	vshrl.u32 @!p0 v3, $0x10;
	v3 =	vld @!p0 [tilespmem:$0x60]  }
0x60: {  	[tilespmem:$0x330] =	vst @!p0 v0;
	v0 =	vand.u32 @!p0 $0xFFFF, v1  }
0x61: {  	[tilespmem:$0x1C0] =	vst @!p0 v0;
	v0 =	vshrl.u32 @!p0 v1, $0x10;
	v1 =	vld @!p0 [tilespmem:$0x70]  }
0x62: {  	[tilespmem:$0x340] =	vst @!p0 v0;
	v0 =	vand.u32 @!p0 $0xFFFF, v2  }
0x63: {  	[tilespmem:$0x1D0] =	vst @!p0 v0;
	v0 =	vshrl.u32 @!p0 v2, $0x10  }
0x64: {  	[tilespmem:$0x350] =	vst @!p0 v0;
	v0 =	vand.u32 @!p0 $0xFFFF, v3  }
0x65: {  	[tilespmem:$0x1E0] =	vst @!p0 v0;
	v0 =	vshrl.u32 @!p0 v3, $0x10  }
0x66: {  	[tilespmem:$0x360] =	vst @!p0 v0;
	v0 =	vand.u32 @!p0 $0xFFFF, v1  }
0x67: {  	[tilespmem:$0x1F0] =	vst @!p0 v0;
	v0 =	vshrl.u32 @!p0 v1, $0x10  }
0x68: {  	s7 =	simm.s32 @!p0 $0x180;
	s10 =	simm.s32 @!p0 $0x480;
	s6 =	simm.s32 @!p0 $0x80;
	[tilespmem:$0x370] =	vst @!p0 v0  }
0x69: {  	[tilespmem:s10], [sflag:$0x4] =	stream.indirect.gather @!p0 [hbm4b:s0+s6], $0x80, s7, s6, $0xb8;
	[tilespmem:$0x1FD00] =	vst v63  }
0x6a: {  	s6 =	sadd.s32 @!p0 $0x2, s5  }
0x6b: {  	p1 =	sge.u32 @!p0 s6, s8  }
0x6c: {  	p0 =	por p1, p0  }
0x6d: {  	s6 =	simm.s32 @!p0 $0x0;
	s7 =	simm.s32 @!p0 $0x80  }
0x6e: {  	[tilespmem:s7], [sflag:$0x2] =	stream.linear.gather @!p0 [hbm4b:s14+s6], $0x80, $0x38;
	[tilespmem:$0x1FD00] =	vst v63  }
.LBB2_7:
0x6f: {  	s5 =	sadd.s32 $0x1, s5  }
0x70: {  	p0 =	sne.s32 s8, s5  }
.Ltmp3:
0x71: {  	_ = 	snop;
	(pc) =	sbr.rel @!p0 .LBB2_8-.Ltmp3, $2  }
0x72: {  	_ =	sdelay $0x2  }
0x73: {  	s14 =	sadd.s32 $0x200, s14  }
.LBB2_2:
0x74: {  	s7 =	smulhi.u32 $0xAAAAAAAB, s5;
	_ =	sdelay $0x1  }
0x75: {  	s7 =	sshrl.u32 s7, $0x1  }
0x76: {  	s7 =	smul.u32 $0xFFFFFFFD, s7;
	_ =	sdelay $0x1  }
0x77: {  	s7 =	sadd.s32 s7, s5  }
0x78: {  	p0 =	seq.s32 s7, $0x2  }
.Ltmp4:
0x79: {  	_ = 	snop;
	(pc) =	sbr.rel @p0 .LBB2_6-.Ltmp4, $1  }
0x7a: {  	_ =	sdelay $0x3  }
0x7b: {  	p0 =	seq.s32 s7, $0x1  }
.Ltmp5:
0x7c: {  	_ = 	snop;
	(pc) =	sbr.rel @!p0 .LBB2_4-.Ltmp5, $1  }
0x7d: {  	_ =	sdelay $0x3  }
0x7e: {  	_ =	swait.ge [sflag:s29], $0x4000;
	p0 =	sge.u32 s5, s11  }
0x7f: {  	[sflag:s29] =	ssyncset.done $0x0;
	p1 =	slt.u32 @!p0 s5, $0x2  }
0x80: {  	[sflag:s29] =	ssyncadd.s32 $0xFFFFC000;
	p1 =	por p1, p0  }
0x81: {  	[spmem:s3] =	stream.indirect.scatter.add.f32 [tilespmem:s31], [sflag:$0x8], $0x80, s30, s16, $0xb8;
	[tilespmem:$0x1FD00] =	vst v63  }
0x82: {  	s6 =	simm.s32 @!p1 $0x9  }
0x83: {  	_ =	swait.ge @!p1 [sflag:s6], $0x4000  }
0x84: {  	[sflag:s6] =	ssyncset.done @!p1 $0x0  }
0x85: {  	[sflag:s6] =	ssyncadd.s32 @!p1 $0xFFFFC000;
	s6 =	simm.s32 @!p0 $0x3  }
0x86: {  	_ =	swait.ge @!p0 [sflag:s6], $0x80  }
0x87: {  	[sflag:s6] =	ssyncset.done @!p0 $0x0  }
0x88: {  	[sflag:s6] =	ssyncadd.s32 @!p0 $0xFFFFFF80  }
0x89: {  	v0 =	vld @!p0 [tilespmem:$0x100];
	_ =	sdelay $0x1  }
0x8a: {  	v1 =	vld @!p0 [tilespmem:$0x110];
	_ =	sdelay $0x1  }
0x8b: {  	v2 =	vld @!p0 [tilespmem:$0x120]  }
0x8c: {  	v3 =	vand.u32 @!p0 $0xFFFF, v0  }
0x8d: {  	v0 =	vshrl.u32 @!p0 v0, $0x10;
	[tilespmem:$0x280] =	vst @!p0 v3;
	v3 =	vld @!p0 [tilespmem:$0x130]  }
0x8e: {  	[tilespmem:$0x400] =	vst @!p0 v0;
	v0 =	vand.u32 @!p0 $0xFFFF, v1  }
0x8f: {  	[tilespmem:$0x290] =	vst @!p0 v0;
	v0 =	vshrl.u32 @!p0 v1, $0x10;
	v1 =	vld @!p0 [tilespmem:$0x140]  }
0x90: {  	[tilespmem:$0x410] =	vst @!p0 v0;
	v0 =	vand.u32 @!p0 $0xFFFF, v2  }
0x91: {  	[tilespmem:$0x2A0] =	vst @!p0 v0;
	v0 =	vshrl.u32 @!p0 v2, $0x10;
	v2 =	vld @!p0 [tilespmem:$0x150]  }
0x92: {  	[tilespmem:$0x420] =	vst @!p0 v0;
	v0 =	vand.u32 @!p0 $0xFFFF, v3  }
0x93: {  	[tilespmem:$0x2B0] =	vst @!p0 v0;
	v0 =	vshrl.u32 @!p0 v3, $0x10;
	v3 =	vld @!p0 [tilespmem:$0x160]  }
0x94: {  	[tilespmem:$0x430] =	vst @!p0 v0;
	v0 =	vand.u32 @!p0 $0xFFFF, v1  }
0x95: {  	[tilespmem:$0x2C0] =	vst @!p0 v0;
	v0 =	vshrl.u32 @!p0 v1, $0x10;
	v1 =	vld @!p0 [tilespmem:$0x170]  }
0x96: {  	[tilespmem:$0x440] =	vst @!p0 v0;
	v0 =	vand.u32 @!p0 $0xFFFF, v2  }
0x97: {  	[tilespmem:$0x2D0] =	vst @!p0 v0;
	v0 =	vshrl.u32 @!p0 v2, $0x10  }
0x98: {  	[tilespmem:$0x450] =	vst @!p0 v0;
	v0 =	vand.u32 @!p0 $0xFFFF, v3  }
0x99: {  	[tilespmem:$0x2E0] =	vst @!p0 v0;
	v0 =	vshrl.u32 @!p0 v3, $0x10  }
0x9a: {  	[tilespmem:$0x460] =	vst @!p0 v0;
	v0 =	vand.u32 @!p0 $0xFFFF, v1  }
0x9b: {  	[tilespmem:$0x2F0] =	vst @!p0 v0;
	v0 =	vshrl.u32 @!p0 v1, $0x10  }
0x9c: {  	s7 =	simm.s32 @!p0 $0x280;
	s10 =	simm.s32 @!p0 $0x8480;
	s6 =	simm.s32 @!p0 $0x80;
	[tilespmem:$0x470] =	vst @!p0 v0  }
0x9d: {  	[tilespmem:s10], [sflag:$0x6] =	stream.indirect.gather @!p0 [hbm4b:s0+s6], $0x80, s7, s6, $0xb8;
	[tilespmem:$0x1FD00] =	vst v63  }
.Ltmp6:
0x9e: {  	s6 =	sadd.s32 @!p0 $0x2, s5;
	(pc) =	sbr.rel .LBB2_7-.Ltmp6, $4  }
0x9f: {  	p1 =	sge.u32 @!p0 s6, s8  }
0xa0: {  	p0 =	por p1, p0  }
0xa1: {  	s6 =	simm.s32 @!p0 $0x0  }
0xa2: {  	[tilespmem:s6], [sflag:$0x1] =	stream.linear.gather @!p0 [hbm4b:s14+s6], $0x80, $0x38;
	[tilespmem:$0x1FD00] =	vst v63  }
.LBB2_4:
0xa3: {  	_ =	swait.ge [sflag:s1], $0x4000;
	p0 =	sge.u32 s5, s11  }
0xa4: {  	[sflag:s1] =	ssyncset.done $0x0;
	p1 =	slt.u32 @!p0 s5, $0x2  }
0xa5: {  	[sflag:s1] =	ssyncadd.s32 $0xFFFFC000;
	p1 =	por p1, p0  }
0xa6: {  	[spmem:s3] =	stream.indirect.scatter.add.f32 [tilespmem:s19], [sflag:$0x7], $0x80, s2, s16, $0xb8;
	[tilespmem:$0x1FD00] =	vst v63  }
0xa7: {  	s7 =	simm.s32 @!p1 $0x8  }
0xa8: {  	_ =	swait.ge @!p1 [sflag:s7], $0x4000  }
0xa9: {  	[sflag:s7] =	ssyncset.done @!p1 $0x0  }
0xaa: {  	[sflag:s7] =	ssyncadd.s32 @!p1 $0xFFFFC000;
	s7 =	simm.s32 @!p0 $0x2  }
0xab: {  	_ =	swait.ge @!p0 [sflag:s7], $0x80  }
0xac: {  	[sflag:s7] =	ssyncset.done @!p0 $0x0  }
0xad: {  	[sflag:s7] =	ssyncadd.s32 @!p0 $0xFFFFFF80  }
0xae: {  	v0 =	vld @!p0 [tilespmem:$0x80];
	_ =	sdelay $0x1  }
0xaf: {  	v1 =	vld @!p0 [tilespmem:$0x90];
	_ =	sdelay $0x1  }
0xb0: {  	v2 =	vld @!p0 [tilespmem:$0xA0]  }
0xb1: {  	v3 =	vand.u32 @!p0 $0xFFFF, v0  }
0xb2: {  	v0 =	vshrl.u32 @!p0 v0, $0x10;
	[tilespmem:$0x200] =	vst @!p0 v3;
	v3 =	vld @!p0 [tilespmem:$0xB0]  }
0xb3: {  	[tilespmem:$0x380] =	vst @!p0 v0;
	v0 =	vand.u32 @!p0 $0xFFFF, v1  }
0xb4: {  	[tilespmem:$0x210] =	vst @!p0 v0;
	v0 =	vshrl.u32 @!p0 v1, $0x10;
	v1 =	vld @!p0 [tilespmem:$0xC0]  }
0xb5: {  	[tilespmem:$0x390] =	vst @!p0 v0;
	v0 =	vand.u32 @!p0 $0xFFFF, v2  }
0xb6: {  	[tilespmem:$0x220] =	vst @!p0 v0;
	v0 =	vshrl.u32 @!p0 v2, $0x10;
	v2 =	vld @!p0 [tilespmem:$0xD0]  }
0xb7: {  	[tilespmem:$0x3A0] =	vst @!p0 v0;
	v0 =	vand.u32 @!p0 $0xFFFF, v3  }
0xb8: {  	[tilespmem:$0x230] =	vst @!p0 v0;
	v0 =	vshrl.u32 @!p0 v3, $0x10;
	v3 =	vld @!p0 [tilespmem:$0xE0]  }
0xb9: {  	[tilespmem:$0x3B0] =	vst @!p0 v0;
	v0 =	vand.u32 @!p0 $0xFFFF, v1  }
0xba: {  	[tilespmem:$0x240] =	vst @!p0 v0;
	v0 =	vshrl.u32 @!p0 v1, $0x10;
	v1 =	vld @!p0 [tilespmem:$0xF0]  }
0xbb: {  	[tilespmem:$0x3C0] =	vst @!p0 v0;
	v0 =	vand.u32 @!p0 $0xFFFF, v2  }
0xbc: {  	[tilespmem:$0x250] =	vst @!p0 v0;
	v0 =	vshrl.u32 @!p0 v2, $0x10  }
0xbd: {  	[tilespmem:$0x3D0] =	vst @!p0 v0;
	v0 =	vand.u32 @!p0 $0xFFFF, v3  }
0xbe: {  	[tilespmem:$0x260] =	vst @!p0 v0;
	v0 =	vshrl.u32 @!p0 v3, $0x10  }
0xbf: {  	[tilespmem:$0x3E0] =	vst @!p0 v0;
	v0 =	vand.u32 @!p0 $0xFFFF, v1  }
0xc0: {  	[tilespmem:$0x270] =	vst @!p0 v0;
	v0 =	vshrl.u32 @!p0 v1, $0x10  }
0xc1: {  	s6 =	simm.s32 @!p0 $0x200;
	s10 =	simm.s32 @!p0 $0x4480;
	s7 =	simm.s32 @!p0 $0x80;
	[tilespmem:$0x3F0] =	vst @!p0 v0  }
0xc2: {  	[tilespmem:s10], [sflag:$0x5] =	stream.indirect.gather @!p0 [hbm4b:s0+s7], $0x80, s6, s7, $0xb8;
	[tilespmem:$0x1FD00] =	vst v63  }
.Ltmp7:
0xc3: {  	s6 =	sadd.s32 @!p0 $0x2, s5;
	(pc) =	sbr.rel .LBB2_7-.Ltmp7, $4  }
0xc4: {  	p1 =	sge.u32 @!p0 s6, s8  }
0xc5: {  	p0 =	por p1, p0  }
0xc6: {  	s6 =	simm.s32 @!p0 $0x0;
	s7 =	simm.s32 @!p0 $0x100  }
0xc7: {  	[tilespmem:s7], [sflag:$0x3] =	stream.linear.gather @!p0 [hbm4b:s14+s6], $0x80, $0x38;
	[tilespmem:$0x1FD00] =	vst v63  }
.LBB2_9:
0xc8: {  	_ =	sfence.sel $0x180000  }
0xc9: {  	[bflag:$0x0] =	sbarrier.arrive $0xFFFF  }
0xca: {  	_ =	strace $0x90000047  }
0xcb: {  	s0 =	stileid.u32;
	[bflag:$0x2] =	sbarrier.arrive $0xFFFF  }
0xcc: {  	p0 =	sne.s32 s0, $0x0;
	s0 =	rddreg [dreg:$0x3]  }
0xcd: {  	s0 =	sadd.s32 @!p0 $0x100000, s0  }
0xce: {  	[sflag:s0] =	ssyncadd.tile.s32 @!p0 $0x1;
	_ =	shalt  }
.Lfunc_end2:
_tile_overlayer_lowered:
.L_overlay_start_2:
0xcf: {  	(tag) =	ssettag $0x2  }
0xd0: {  	s0 =	rddreg [dreg:$0x0];
	s2 =	stileid.u32  }
0xd1: {  	s1 =	rddreg [dreg:$0x1];
	p0 =	sne.s32 s2, $0x0  }
0xd2: {  	s3 =	rddreg [dreg:$0x2];
	[bflag:$0x3] =	sbarrier.arrive $0xFFFF;
	s2 =	simm.s32 @!p0 $0x1C0B  }
0xd3: {  	[timem:s3], [sflag:s2] =	dma.local @!p0 [hbm:s0], s1  }
0xd4: {  	s0 =	simm.s32 @!p0 $0xB  }
0xd5: {  	_ =	swait.ge @!p0 [sflag:s0], s1  }
0xd6: {  	s1 =	ssub.s32 @!p0 $0x0, s1;
	[sflag:s0] =	ssyncset.done @!p0 $0x0  }
0xd7: {  	[sflag:s0] =	ssyncadd.s32 @!p0 s1  }
0xd8: {  	[bflag:$0x3] =	sbarrier.arrive $0xFFFF  }
0xd9: {  	_ =	shalt  }

// kernel: kernel.9.cloned.1.call-start
scs
__scs_entry_jumppad:
0x0: {  	(pc) =	sbr.rel $0x88, $3  }
0x1: {  	(tag) =	ssettag $0x0;
	lr =	simm.s32 $0x1  }
0x2: {  	[smem:$0x3F9A] =	sst lr;
	_ =	strace $0xD0000000  }
0x3: {  	_ = 	snop  }
0x4: {  	_ = 	snop  }
0x5: {  	_ = 	snop  }
0x6: {  	_ = 	snop  }
0x7: {  	_ = 	snop  }
__scs_overlays_trampoline_lowered:
0x8: {  	[smem:$0x3FA9] =	sst s0  }
0x9: {  	[smem:$0x3FAA] =	sst s1  }
0xa: {  	[smem:$0x3FAB] =	sst s2  }
0xb: {  	[smem:$0x3FAC] =	sst s3  }
0xc: {  	[smem:$0x3FAD] =	sst s4  }
0xd: {  	[smem:$0x3FAE] =	sst s5  }
0xe: {  	[smem:$0x3FAF] =	sst s6  }
0xf: {  	[smem:$0x3FB0] =	sst s7  }
0x10: {  	[smem:$0x3FB1] =	sst s8  }
0x11: {  	[smem:$0x3FB2] =	sst s9;
	s0 =	simm.s32 @!p0 $0x0  }
0x12: {  	s1 =	sld [smem:$0x3F98];
	s0 =	simm.s32 @p0 $0x1  }
0x13: {  	[smem:$0x3FB3] =	sst s0;
	s0 =	simm.s32 @!p1 $0x0  }
0x14: {  	s2 =	sld [smem:$0x3F97];
	s0 =	simm.s32 @p1 $0x1  }
0x15: {  	[smem:$0x3FB4] =	sst s0;
	s0 =	simm.s32 @!p2 $0x0  }
0x16: {  	s3 =	sld [smem:$0x3FDB];
	s0 =	simm.s32 @p2 $0x1  }
0x17: {  	s4 =	simm.s32 $0x1BF5;
	[smem:$0x3FB6] =	sst s0  }
0x18: {  	s0 =	sld [smem:$0x3F99];
	_ =	swait.ge [sflag:s4], $0x0  }
0x19: {  	s7 =	sld [smem:$0x3F9A]  }
0x1a: {  	s8 =	sadd.s32 $0xFFFFE003, lr  }
0x1b: {  	s9 =	sadd.s32 $0xFFFFFEF7, lr;
	s5 =	simm.s32 $0xFFFFFFFF;
	p2 =	slt.u32 s8, $0xFFFFF086  }
0x1c: {  	p1 =	slt.u32 s9, $0xF7A;
	s5 =	simm.s32 @!p2 $0x0  }
0x1d: {  	s5 =	simm.s32 @p1 $0x1;
	p0 =	seq.s32 s7, s2  }
0x1e: {  	s7 =	smul.u32 @!p0 $0xF7A, s2;
	p2 =	seq.s32 @!p0 s5, $0x0  }
0x1f: {  	s9 =	smul.u32 $0xF7A, s1;
	s8 =	simm.s32 @!p0 $0x1BF5;
	p2 =	por !p2, p0  }
0x20: {  	[sflag:s8] =	ssyncset.s32 @!p0 $0xFFFFF086;
	s6 =	sadd.s32 @!p0 s3, s7;
	s7 =	simm.s32 @!p0 $0x108  }
0x21: {  	s3 =	sadd.s32 s3, s9;
	s6 =	sadd.s32 @!p0 $0x88, s6;
	s7 =	simm.s32 @p2 $0x1082  }
0x22: {  	[simem:s7], [sflag:s8] =	dma.local @!p0 [hbm:s6], $0xF7A  }
0x23: {  	s9 =	sor.u32 $0xD0000000, s2;
	s6 =	simm.s32 $0x108;
	_ =	swait.ge @!p0 [sflag:s8], $0x0  }
0x24: {  	s3 =	sadd.s32 $0x88, s3;
	s6 =	simm.s32 @!p1 $0x1082;
	[sflag:s4] =	ssyncset.s32 $0xFFFFF086  }
0x25: {  	[simem:s6], [sflag:s4] =	dma.local [hbm:s3], $0xF7A  }
0x26: {  	[smem:$0x3F9A] =	sst s1;
	(tag) =	ssettag s2;
	_ =	strace s9  }
0x27: {  	s1 =	sld [smem:$0x3FAA]  }
0x28: {  	s2 =	sld [smem:$0x3FAB]  }
0x29: {  	s4 =	sld [smem:$0x3FAD]  }
0x2a: {  	p0 =	seq.s32 s5, $0x0;
	s5 =	sld [smem:$0x3FAE]  }
0x2b: {  	s6 =	sld [smem:$0x3FAF]  }
0x2c: {  	s7 =	sld [smem:$0x3FB0]  }
0x2d: {  	s3 =	simm.s32 $0x108;
	s8 =	sld [smem:$0x3FB1]  }
0x2e: {  	s3 =	simm.s32 @!p0 $0x1082;
	s9 =	sld [smem:$0x3FB2]  }
0x2f: {  	lr =	sadd.s32 s0, s3;
	s0 =	sld [smem:$0x3FA9]  }
0x30: {  	s3 =	sld [smem:$0x3FAC]  }
0x31: {  	[smem:$0x3FB5] =	sst s10  }
0x32: {  	s10 =	sld [smem:$0x3FB3];
	_ =	sdelay $0x3  }
0x33: {  	p0 =	seq.s32 s10, $0x1;
	s10 =	sld [smem:$0x3FB5];
	_ =	sdelay $0x3  }
0x34: {  	[smem:$0x3FB5] =	sst s10  }
0x35: {  	s10 =	sld [smem:$0x3FB4];
	_ =	sdelay $0x3  }
0x36: {  	p1 =	seq.s32 s10, $0x1;
	s10 =	sld [smem:$0x3FB5];
	_ =	sdelay $0x3  }
0x37: {  	[smem:$0x3FB5] =	sst s10  }
0x38: {  	s10 =	sld [smem:$0x3FB6]  }
0x39: {  	_ = 	snop;
	(pc) =	sbr.ind lr, $3  }
0x3a: {  	_ = 	snop  }
0x3b: {  	_ = 	snop  }
0x3c: {  	p2 =	seq.s32 s10, $0x1;
	s10 =	sld [smem:$0x3FB5]  }
0x3d: {  	_ =	shalt  }
0x3e: {  	_ =	shalt  }
0x3f: {  	_ =	shalt  }
0x40: {  	_ =	shalt  }
0x41: {  	_ =	shalt  }
0x42: {  	_ =	shalt  }
0x43: {  	_ =	shalt  }
0x44: {  	_ =	shalt  }
0x45: {  	_ =	shalt  }
0x46: {  	_ =	shalt  }
0x47: {  	_ =	shalt  }
0x48: {  	_ =	shalt  }
0x49: {  	_ =	shalt  }
0x4a: {  	_ =	shalt  }
0x4b: {  	_ =	shalt  }
0x4c: {  	_ =	shalt  }
0x4d: {  	_ =	shalt  }
0x4e: {  	_ =	shalt  }
0x4f: {  	_ =	shalt  }
0x50: {  	_ =	shalt  }
0x51: {  	_ =	shalt  }
0x52: {  	_ =	shalt  }
0x53: {  	_ =	shalt  }
0x54: {  	_ =	shalt  }
0x55: {  	_ =	shalt  }
0x56: {  	_ =	shalt  }
0x57: {  	_ =	shalt  }
0x58: {  	_ =	shalt  }
0x59: {  	_ =	shalt  }
0x5a: {  	_ =	shalt  }
0x5b: {  	_ =	shalt  }
0x5c: {  	_ =	shalt  }
0x5d: {  	_ =	shalt  }
0x5e: {  	_ =	shalt  }
0x5f: {  	_ =	shalt  }
0x60: {  	_ =	shalt  }
0x61: {  	_ =	shalt  }
0x62: {  	_ =	shalt  }
0x63: {  	_ =	shalt  }
0x64: {  	_ =	shalt  }
0x65: {  	_ =	shalt  }
0x66: {  	_ =	shalt  }
0x67: {  	_ =	shalt  }
0x68: {  	_ =	shalt  }
0x69: {  	_ =	shalt  }
0x6a: {  	_ =	shalt  }
0x6b: {  	_ =	shalt  }
0x6c: {  	_ =	shalt  }
0x6d: {  	_ =	shalt  }
0x6e: {  	_ =	shalt  }
0x6f: {  	_ =	shalt  }
0x70: {  	_ =	shalt  }
0x71: {  	_ =	shalt  }
0x72: {  	_ =	shalt  }
0x73: {  	_ =	shalt  }
0x74: {  	_ =	shalt  }
0x75: {  	_ =	shalt  }
0x76: {  	_ =	shalt  }
0x77: {  	_ =	shalt  }
0x78: {  	_ =	shalt  }
0x79: {  	_ =	shalt  }
0x7a: {  	_ =	shalt  }
0x7b: {  	_ =	shalt  }
0x7c: {  	_ =	shalt  }
0x7d: {  	_ =	shalt  }
0x7e: {  	_ =	shalt  }
0x7f: {  	_ =	shalt  }
0x80: {  	_ =	shalt  }
0x81: {  	_ =	shalt  }
0x82: {  	_ =	shalt  }
0x83: {  	_ =	shalt  }
0x84: {  	_ =	shalt  }
0x85: {  	_ =	shalt  }
0x86: {  	_ =	shalt  }
0x87: {  	_ =	shalt  }
.Lfunc_end0:
.L_simem_size_0:
called_computation.1_lowered:
.L_overlay_start_0:
0x88: {  	s2 =	sld [smem:$0x3FD9]  }
0x89: {  	s3 =	sld [smem:$0x3FFE];
	_ =	sdelay $0x1  }
0x8a: {  	s1 =	srdreg.scid  }
0x8b: {  	s0 =	sand.u32 $0x1, s1  }
0x8c: {  	s16 =	sshll.u32 s0, $0xA;
	s2 =	sadd.s32 s3, s2  }
0x8d: {  	s2 =	sadd.s32 s2, s16  }
0x8e: {  	[smem:$0x3FC1] =	sst s2  }
0x8f: {  	_ = 	snop  }
0x90: {  	(tm) =	ssettm $0x1  }
0x91: {  	s17 =	sld [smem:$0x3FFB];
	_ =	sdelay $0x3  }
0x92: {  	_ =	strace s17  }
0x93: {  	s2 =	sld [smem:$0x3FFC];
	_ =	sdelay $0x3  }
0x94: {  	_ =	strace s2  }
0x95: {  	s2 =	sld [smem:$0x3FFD];
	_ =	sdelay $0x3  }
0x96: {  	_ =	strace s2  }
0x97: {  	_ =	strace $0x8FFFFFFF  }
0x98: {  	s18 =	sld [smem:$0x3FDB];
	_ =	sdelay $0x1  }
0x99: {  	s19 =	simm.s32 $_scs_section_size  }
0x9a: {  	s4 =	simm.s32 $_size__tile_overlayer_lowered;
	s5 =	simm.s32 $_tile_overlayer_lowered  }
0x9b: {  	s22 =	simm.s32 $0x1BFF;
	s21 =	sshll.u32 s5, $0x1;
	s2 =	sadd.s32 s19, s18  }
0x9c: {  	s6 =	simm.s32 $0x0;
	s20 =	sshll.u32 s4, $0x1;
	s4 =	sadd.s32 s21, s2  }
0x9d: {  	[timem:s6], [sflag:s22] =	dma.local [hbm:s4], s20  }
0x9e: {  	_ =	swait.ge [sflag:s22], s20  }
0x9f: {  	s3 =	ssub.s32 $0x0, s20;
	[sflag:s22] =	ssyncset.done $0x0  }
0xa0: {  	[sflag:s22] =	ssyncadd.s32 s3;
	_ =	sdelay $0x1  }
0xa1: {  	s23 =	simm.s32 $0x1B8B  }
0xa2: {  	_ =	swait.ge [sflag:s23], $0x1  }
0xa3: {  	[sflag:s23] =	ssyncset.done $0x0  }
0xa4: {  	s25 =	simm.s32 $0x1B8E;
	s24 =	sld [smem:$0x3FFE];
	[sflag:s23] =	ssyncadd.s32 $0xFFFFFFFF  }
0xa5: {  	s26 =	simm.s32 $execute0_lowered;
	[smem:$0x3FD2] =	sst s25  }
0xa6: {  	s4 =	sshll.u32 s26, $0x1;
	_ =	strace $0x80000049;
	[dreg:$0x1] =	wrdreg $0xFFFFFFFF  }
0xa7: {  	s28 =	simm.s32 $_size_execute0_lowered;
	s2 =	sadd.s32 s2, s4;
	[dreg:$0x0] =	wrdreg $0x0  }
0xa8: {  	s4 =	sshll.u32 s28, $0x1;
	[dreg:$0x2] =	wrdreg s2  }
0xa9: {  	[dreg:$0x3] =	wrdreg s4  }
0xaa: {  	[dreg:$0x4] =	wrdreg $0xC0  }
0xab: {  	_ =	task [dreg:s6], $0x5FFFF  }
0xac: {  	[dreg:$0x1] =	wrdreg $0xFFFFFFFF  }
0xad: {  	[dreg:$0x0] =	wrdreg $0x60  }
0xae: {  	[dreg:$0x2] =	wrdreg s24  }
0xaf: {  	[dreg:$0x3] =	wrdreg $0xC4800  }
0xb0: {  	[dreg:$0x4] =	wrdreg $0x9  }
0xb1: {  	_ =	task.clear_ibuf [dreg:s6], $0x5FFFF;
	_ =	strace $0x90000049  }
0xb2: {  	s29 =	simm.s32 $0x9;
	_ =	strace $0x8000004B  }
0xb3: {  	_ =	swait.ge [sflag:s29], $0x1  }
0xb4: {  	[sflag:s29] =	ssyncadd.s32 $0xFFFFFFFF  }
0xb5: {  	_ =	strace $0x9000004B  }
0xb6: {  	_ =	sfence  }
0xb7: {  	s30 =	sld [smem:$0x0];
	_ =	sdelay $0x2  }
0xb8: {  	s31 =	sshll.u32 s1, $0xD;
	s1 =	sshrl.u32 s1, $0x2  }
0xb9: {  	s3 =	sand.u32 $0x4000, s31;
	s1 =	sadd.s32 s1, s30  }
0xba: {  	s0 =	sor.u32 s3, s0;
	s1 =	sshll.u32 s1, $0x11  }
0xbb: {  	s0 =	sor.u32 s1, s0  }
0xbc: {  	s0 =	sadd.s32 $0x8F2B, s0  }
0xbd: {  	[sflag:s0] =	ssyncadd.remote.s32 $0x1  }
0xbe: {  	_ =	sfence.sel $0xFFFF  }
0xbf: {  	[dreg:$0x0] =	wrdreg $0xFFFFFFFF;
	(pc) =	sbr.abs _section_cstart, $3  }
0xc0: {  	[dreg:$0x1] =	wrdreg $0xFFFFFFFF  }
0xc1: {  	_ =	task.clear_ibuf [dreg:s6], $0x2FFFF;
	_ =	strace $0x9FFFFFFF  }
0xc2: {  	(tm) =	ssettm $0x7FFFFFFF  }
0xc3: {  	_ =	shalt  }
tec
execute0_lowered:
.L_overlay_start_1:
0x0: {  	(tag) =	ssettag $0x1  }
0x1: {  	s0 =	rddreg [dreg:$0x0];
	s1 =	srdreg.scid  }
0x2: {  	s2 =	rddreg [dreg:$0x1];
	s10 =	stileid.u32  }
0x3: {  	s4 =	simm.s32 $0x0;
	s16 =	simm.s32 $0x80;
	s17 =	simm.s32 $0x1  }
0x4: {  	s28 =	simm.s32 $0xB;
	s29 =	simm.s32 $0x5;
	s30 =	simm.s32 $0x380  }
0x5: {  	s31 =	simm.s32 $0x4480;
	s18 =	simm.s32 $0x0;
	s1 =	sand.u32 $0x1, s1  }
0x6: {  	s5 =	smul.u32 $0x13800, s10;
	[smem:$0x7FF] =	sst s4;
	s4 =	sadd.s32 $0xDA00, s0  }
0x7: {  	s19 =	sadd.s32 $0x1400, s0;
	s6 =	smul.u32 $0x4E000, s10;
	s7 =	sadd.s32 $0xB200, s0  }
0x8: {  	s22 =	sshll.u32 s10, $0x6;
	p0 =	slt.u32 s10, $0x2;
	s24 =	sshll.u32 s10, $0x5  }
0x9: {  	s10 =	sshll.u32 s10, $0x8;
	_ =	strace $0x8000004A;
	[dreg:$0x3] =	wrdreg s7  }
0xa: {  	s3 =	smul.u32 $0x138800, s1;
	s20 =	ssub.s32 $0x2, s1;
	[dreg:$0x4] =	wrdreg s22  }
0xb: {  	s9 =	sshll.u32 s1, $0x4;
	s1 =	sshll.u32 s1, $0x7;
	s21 =	sshrl.u32 s20, $0x1  }
0xc: {  	s8 =	sshrl.u32 s6, $0x2;
	s6 =	sor.u32 $0x1C0A, s22;
	s9 =	sor.u32 s9, s24  }
0xd: {  	s1 =	sor.u32 s1, s10;
	s22 =	simm.s32 $0x400;
	s24 =	simm.s32 $0x7  }
0xe: {  	s3 =	sadd.s32 s5, s3;
	s23 =	sadd.s32 s8, s2;
	[dreg:$0x5] =	wrdreg s6  }
0xf: {  	s8 =	simm.s32 $0x4F;
	s9 =	sadd.s32 s19, s9;
	s1 =	sor.u32 $0x2000, s1  }
0x10: {  	s3 =	sshrl.u32 s3, $0x3;
	s8 =	simm.s32 @!p0 $0x4E;
	s25 =	sadd.s32 $0x200, s9  }
0x11: {  	s26 =	sshrl.u32 s1, $0x3;
	s15 =	sshrl.u32 s23, $0x3;
	s23 =	simm.s32 $0x8480  }
.Ltmp0:
0x12: {  	s1 =	simm.s32 $0x300;
	s0 =	sadd.s32 s3, s0;
	(pc) =	sbr.rel .LBB2_1-.Ltmp0, $4  }
0x13: {  	s3 =	ssub.s32 s20, s21;
	[dreg:$0x6] =	wrdreg s25;
	s11 =	sadd.s32 $0xFFFFFFFF, s8  }
0x14: {  	s20 =	simm.s32 $0xA;
	s21 =	simm.s32 $0x6;
	s25 =	simm.s32 $0x8  }
0x15: {  	s12 =	sadd.s32 $0x34C00, s0;
	s13 =	smax.u32 s3, $0x1;
	s3 =	sadd.s32 s26, s19  }
0x16: {  	s19 =	simm.s32 $0x480;
	s26 =	simm.s32 $0x9;
	s0 =	simm.s32 $0x4  }
.LBB2_8:
0x17: {  	_ =	swait.ge [sflag:s24], $0x4000  }
0x18: {  	[sflag:s24] =	ssyncset.done $0x0  }
0x19: {  	[sflag:s24] =	ssyncadd.s32 $0xFFFFC000  }
0x1a: {  	_ =	swait.ge [sflag:s25], $0x4000  }
0x1b: {  	[sflag:s25] =	ssyncset.done $0x0  }
0x1c: {  	[sflag:s25] =	ssyncadd.s32 $0xFFFFC000  }
0x1d: {  	_ =	swait.ge [sflag:s26], $0x4000  }
0x1e: {  	[sflag:s26] =	ssyncset.done $0x0  }
0x1f: {  	[sflag:s26] =	ssyncadd.s32 $0xFFFFC000  }
0x20: {  	s18 =	sadd.s32 $0x1, s18;
	[bflag:$0x0] =	sbarrier.arrive $0xFFFF  }
0x21: {  	p0 =	sne.s32 s18, s13;
	s5 =	rddreg [dreg:$0x4]  }
.Ltmp1:
0x22: {  	s5 =	sor.u32 $0x1C0B, s5;
	(pc) =	sbr.rel @!p0 .LBB2_9-.Ltmp1, $4  }
0x23: {  	[hbm:s12], [sflag:s5] =	dma.local [spmem:s15], $0x2800  }
0x24: {  	_ =	swait.ge [sflag:s28], $0x2800  }
0x25: {  	[sflag:s28] =	ssyncset.done $0x0  }
0x26: {  	[sflag:s28] =	ssyncadd.s32 $0xFFFFD800  }
.LBB2_1:
0x27: {  	s5 =	rddreg [dreg:$0x3]  }
0x28: {  	s6 =	rddreg [dreg:$0x5];
	s10 =	simm.s32 $0x0  }
0x29: {  	[spmem:s15], [sflag:s6] =	dma.local [hbm:s5], $0x2800  }
0x2a: {  	[tilespmem:s10], [sflag:$0x1] =	stream.linear.gather [hbm4b:s9+s10], $0x80, $0x38;
	[tilespmem:$0x1FD00] =	vst v63  }
0x2b: {  	s6 =	rddreg [dreg:$0x6]  }
0x2c: {  	[tilespmem:s16], [sflag:$0x2] =	stream.linear.gather [hbm4b:s6+s10], $0x80, $0x38;
	[tilespmem:$0x1FD00] =	vst v63  }
0x2d: {  	_ =	swait.ge [sflag:s17], $0x80  }
0x2e: {  	[sflag:s17] =	ssyncset.done $0x0  }
0x2f: {  	[sflag:s17] =	ssyncadd.s32 $0xFFFFFF80  }
0x30: {  	v0 =	vld [tilespmem:$0x0];
	_ =	sdelay $0x1  }
0x31: {  	v1 =	vld [tilespmem:$0x10];
	_ =	sdelay $0x1  }
0x32: {  	v2 =	vld [tilespmem:$0x20]  }
0x33: {  	v3 =	vand.u32 $0xFFFF, v0  }
0x34: {  	v45 =	vld [tilespmem:$0x30];
	v0 =	vshrl.u32 v0, $0x10;
	[tilespmem:$0x180] =	vst v3  }
0x35: {  	v46 =	vand.u32 $0xFFFF, v1;
	[tilespmem:$0x300] =	vst v0  }
0x36: {  	v48 =	vld [tilespmem:$0x40];
	v47 =	vshrl.u32 v1, $0x10;
	[tilespmem:$0x190] =	vst v46  }
0x37: {  	v49 =	vand.u32 $0xFFFF, v2;
	[tilespmem:$0x310] =	vst v47  }
0x38: {  	v51 =	vld [tilespmem:$0x50];
	v50 =	vshrl.u32 v2, $0x10;
	[tilespmem:$0x1A0] =	vst v49  }
0x39: {  	v52 =	vand.u32 $0xFFFF, v45;
	[tilespmem:$0x320] =	vst v50  }
0x3a: {  	v54 =	vld [tilespmem:$0x60];
	v53 =	vshrl.u32 v45, $0x10;
	[tilespmem:$0x1B0] =	vst v52  }
0x3b: {  	v55 =	vand.u32 $0xFFFF, v48;
	[tilespmem:$0x330] =	vst v53  }
0x3c: {  	v57 =	vld [tilespmem:$0x70];
	v56 =	vshrl.u32 v48, $0x10;
	[tilespmem:$0x1C0] =	vst v55  }
0x3d: {  	v58 =	vand.u32 $0xFFFF, v51;
	[tilespmem:$0x340] =	vst v56  }
0x3e: {  	v59 =	vshrl.u32 v51, $0x10;
	[tilespmem:$0x1D0] =	vst v58  }
0x3f: {  	v60 =	vand.u32 $0xFFFF, v54;
	[tilespmem:$0x350] =	vst v59  }
0x40: {  	v61 =	vshrl.u32 v54, $0x10;
	[tilespmem:$0x1E0] =	vst v60  }
0x41: {  	v62 =	vand.u32 $0xFFFF, v57;
	[tilespmem:$0x360] =	vst v61  }
0x42: {  	v63 =	vshrl.u32 v57, $0x10;
	[tilespmem:$0x1F0] =	vst v62  }
0x43: {  	s14 =	simm.s32 $0x180;
	[tilespmem:$0x370] =	vst v63  }
0x44: {  	[tilespmem:s19], [sflag:$0x4] =	stream.indirect.gather [hbm4b:s4+s16], $0x80, s14, s16, $0xb8;
	[tilespmem:$0x1FD00] =	vst v63  }
.Ltmp2:
0x45: {  	_ =	swait.ge [sflag:s20], $0x2800;
	(pc) =	sbr.rel .LBB2_2-.Ltmp2, $4  }
0x46: {  	[sflag:s20] =	ssyncset.done $0x0  }
0x47: {  	[sflag:s20] =	ssyncadd.s32 $0xFFFFD800  }
0x48: {  	[bflag:$0x0] =	sbarrier.arrive $0xFFFF  }
0x49: {  	s5 =	simm.s32 $0x0;
	s14 =	smov.u32 s3  }
.LBB2_6:
0x4a: {  	_ =	swait.ge [sflag:s21], $0x4000  }
0x4b: {  	p0 =	sge.u32 s5, s11;
	[sflag:s21] =	ssyncset.done $0x0  }
0x4c: {  	s6 =	simm.s32 @!p0 $0x7;
	[sflag:s21] =	ssyncadd.s32 $0xFFFFC000  }
0x4d: {  	[spmem:s2] =	stream.indirect.scatter.add.f32 [tilespmem:s23], [sflag:$0x9], $0x80, s22, s16, $0xb8;
	[tilespmem:$0x1FD00] =	vst v63  }
0x4e: {  	_ =	swait.ge @!p0 [sflag:s6], $0x4000  }
0x4f: {  	[sflag:s6] =	ssyncset.done @!p0 $0x0  }
0x50: {  	[sflag:s6] =	ssyncadd.s32 @!p0 $0xFFFFC000;
	s6 =	simm.s32 @!p0 $0x1  }
0x51: {  	_ =	swait.ge @!p0 [sflag:s6], $0x80  }
0x52: {  	[sflag:s6] =	ssyncset.done @!p0 $0x0  }
0x53: {  	[sflag:s6] =	ssyncadd.s32 @!p0 $0xFFFFFF80  }
0x54: {  	v0 =	vld @!p0 [tilespmem:$0x0];
	_ =	sdelay $0x1  }
0x55: {  	v1 =	vld @!p0 [tilespmem:$0x10];
	_ =	sdelay $0x1  }
0x56: {  	v2 =	vld @!p0 [tilespmem:$0x20]  }
0x57: {  	v3 =	vand.u32 @!p0 $0xFFFF, v0  }
0x58: {  	v0 =	vshrl.u32 @!p0 v0, $0x10;
	[tilespmem:$0x180] =	vst @!p0 v3;
	v3 =	vld @!p0 [tilespmem:$0x30]  }
0x59: {  	[tilespmem:$0x300] =	vst @!p0 v0;
	v0 =	vand.u32 @!p0 $0xFFFF, v1  }
0x5a: {  	[tilespmem:$0x190] =	vst @!p0 v0;
	v0 =	vshrl.u32 @!p0 v1, $0x10;
	v1 =	vld @!p0 [tilespmem:$0x40]  }
0x5b: {  	[tilespmem:$0x310] =	vst @!p0 v0;
	v0 =	vand.u32 @!p0 $0xFFFF, v2  }
0x5c: {  	[tilespmem:$0x1A0] =	vst @!p0 v0;
	v0 =	vshrl.u32 @!p0 v2, $0x10;
	v2 =	vld @!p0 [tilespmem:$0x50]  }
0x5d: {  	[tilespmem:$0x320] =	vst @!p0 v0;
	v0 =	vand.u32 @!p0 $0xFFFF, v3  }
0x5e: {  	[tilespmem:$0x1B0] =	vst @!p0 v0;
	v0 =	vshrl.u32 @!p0 v3, $0x10;
	v3 =	vld @!p0 [tilespmem:$0x60]  }
0x5f: {  	[tilespmem:$0x330] =	vst @!p0 v0;
	v0 =	vand.u32 @!p0 $0xFFFF, v1  }
0x60: {  	[tilespmem:$0x1C0] =	vst @!p0 v0;
	v0 =	vshrl.u32 @!p0 v1, $0x10;
	v1 =	vld @!p0 [tilespmem:$0x70]  }
0x61: {  	[tilespmem:$0x340] =	vst @!p0 v0;
	v0 =	vand.u32 @!p0 $0xFFFF, v2  }
0x62: {  	[tilespmem:$0x1D0] =	vst @!p0 v0;
	v0 =	vshrl.u32 @!p0 v2, $0x10  }
0x63: {  	[tilespmem:$0x350] =	vst @!p0 v0;
	v0 =	vand.u32 @!p0 $0xFFFF, v3  }
0x64: {  	[tilespmem:$0x1E0] =	vst @!p0 v0;
	v0 =	vshrl.u32 @!p0 v3, $0x10  }
0x65: {  	[tilespmem:$0x360] =	vst @!p0 v0;
	v0 =	vand.u32 @!p0 $0xFFFF, v1  }
0x66: {  	[tilespmem:$0x1F0] =	vst @!p0 v0;
	v0 =	vshrl.u32 @!p0 v1, $0x10  }
0x67: {  	s7 =	simm.s32 @!p0 $0x180;
	s10 =	simm.s32 @!p0 $0x480;
	s6 =	simm.s32 @!p0 $0x80;
	[tilespmem:$0x370] =	vst @!p0 v0  }
0x68: {  	[tilespmem:s10], [sflag:$0x4] =	stream.indirect.gather @!p0 [hbm4b:s4+s6], $0x80, s7, s6, $0xb8;
	[tilespmem:$0x1FD00] =	vst v63  }
0x69: {  	s6 =	sadd.s32 @!p0 $0x2, s5  }
0x6a: {  	p1 =	sge.u32 @!p0 s6, s8  }
0x6b: {  	p0 =	por p1, p0  }
0x6c: {  	s6 =	simm.s32 @!p0 $0x0;
	s7 =	simm.s32 @!p0 $0x80  }
0x6d: {  	[tilespmem:s7], [sflag:$0x2] =	stream.linear.gather @!p0 [hbm4b:s14+s6], $0x80, $0x38;
	[tilespmem:$0x1FD00] =	vst v63  }
.LBB2_7:
0x6e: {  	s5 =	sadd.s32 $0x1, s5  }
0x6f: {  	p0 =	sne.s32 s8, s5  }
.Ltmp3:
0x70: {  	_ = 	snop;
	(pc) =	sbr.rel @!p0 .LBB2_8-.Ltmp3, $2  }
0x71: {  	_ =	sdelay $0x2  }
0x72: {  	s14 =	sadd.s32 $0x200, s14  }
.LBB2_2:
0x73: {  	s7 =	smulhi.u32 $0xAAAAAAAB, s5;
	_ =	sdelay $0x1  }
0x74: {  	s7 =	sshrl.u32 s7, $0x1  }
0x75: {  	s7 =	smul.u32 $0xFFFFFFFD, s7;
	_ =	sdelay $0x1  }
0x76: {  	s7 =	sadd.s32 s7, s5  }
0x77: {  	p0 =	seq.s32 s7, $0x2  }
.Ltmp4:
0x78: {  	_ = 	snop;
	(pc) =	sbr.rel @p0 .LBB2_6-.Ltmp4, $1  }
0x79: {  	_ =	sdelay $0x3  }
0x7a: {  	p0 =	seq.s32 s7, $0x1  }
.Ltmp5:
0x7b: {  	_ = 	snop;
	(pc) =	sbr.rel @!p0 .LBB2_4-.Ltmp5, $1  }
0x7c: {  	_ =	sdelay $0x3  }
0x7d: {  	_ =	swait.ge [sflag:s29], $0x4000;
	p0 =	sge.u32 s5, s11  }
0x7e: {  	[sflag:s29] =	ssyncset.done $0x0;
	p1 =	slt.u32 @!p0 s5, $0x2  }
0x7f: {  	[sflag:s29] =	ssyncadd.s32 $0xFFFFC000;
	p1 =	por p1, p0  }
0x80: {  	[spmem:s2] =	stream.indirect.scatter.add.f32 [tilespmem:s31], [sflag:$0x8], $0x80, s30, s16, $0xb8;
	[tilespmem:$0x1FD00] =	vst v63  }
0x81: {  	s6 =	simm.s32 @!p1 $0x9  }
0x82: {  	_ =	swait.ge @!p1 [sflag:s6], $0x4000  }
0x83: {  	[sflag:s6] =	ssyncset.done @!p1 $0x0  }
0x84: {  	[sflag:s6] =	ssyncadd.s32 @!p1 $0xFFFFC000;
	s6 =	simm.s32 @!p0 $0x3  }
0x85: {  	_ =	swait.ge @!p0 [sflag:s6], $0x80  }
0x86: {  	[sflag:s6] =	ssyncset.done @!p0 $0x0  }
0x87: {  	[sflag:s6] =	ssyncadd.s32 @!p0 $0xFFFFFF80  }
0x88: {  	v0 =	vld @!p0 [tilespmem:$0x100];
	_ =	sdelay $0x1  }
0x89: {  	v1 =	vld @!p0 [tilespmem:$0x110];
	_ =	sdelay $0x1  }
0x8a: {  	v2 =	vld @!p0 [tilespmem:$0x120]  }
0x8b: {  	v3 =	vand.u32 @!p0 $0xFFFF, v0  }
0x8c: {  	v0 =	vshrl.u32 @!p0 v0, $0x10;
	[tilespmem:$0x280] =	vst @!p0 v3;
	v3 =	vld @!p0 [tilespmem:$0x130]  }
0x8d: {  	[tilespmem:$0x400] =	vst @!p0 v0;
	v0 =	vand.u32 @!p0 $0xFFFF, v1  }
0x8e: {  	[tilespmem:$0x290] =	vst @!p0 v0;
	v0 =	vshrl.u32 @!p0 v1, $0x10;
	v1 =	vld @!p0 [tilespmem:$0x140]  }
0x8f: {  	[tilespmem:$0x410] =	vst @!p0 v0;
	v0 =	vand.u32 @!p0 $0xFFFF, v2  }
0x90: {  	[tilespmem:$0x2A0] =	vst @!p0 v0;
	v0 =	vshrl.u32 @!p0 v2, $0x10;
	v2 =	vld @!p0 [tilespmem:$0x150]  }
0x91: {  	[tilespmem:$0x420] =	vst @!p0 v0;
	v0 =	vand.u32 @!p0 $0xFFFF, v3  }
0x92: {  	[tilespmem:$0x2B0] =	vst @!p0 v0;
	v0 =	vshrl.u32 @!p0 v3, $0x10;
	v3 =	vld @!p0 [tilespmem:$0x160]  }
0x93: {  	[tilespmem:$0x430] =	vst @!p0 v0;
	v0 =	vand.u32 @!p0 $0xFFFF, v1  }
0x94: {  	[tilespmem:$0x2C0] =	vst @!p0 v0;
	v0 =	vshrl.u32 @!p0 v1, $0x10;
	v1 =	vld @!p0 [tilespmem:$0x170]  }
0x95: {  	[tilespmem:$0x440] =	vst @!p0 v0;
	v0 =	vand.u32 @!p0 $0xFFFF, v2  }
0x96: {  	[tilespmem:$0x2D0] =	vst @!p0 v0;
	v0 =	vshrl.u32 @!p0 v2, $0x10  }
0x97: {  	[tilespmem:$0x450] =	vst @!p0 v0;
	v0 =	vand.u32 @!p0 $0xFFFF, v3  }
0x98: {  	[tilespmem:$0x2E0] =	vst @!p0 v0;
	v0 =	vshrl.u32 @!p0 v3, $0x10  }
0x99: {  	[tilespmem:$0x460] =	vst @!p0 v0;
	v0 =	vand.u32 @!p0 $0xFFFF, v1  }
0x9a: {  	[tilespmem:$0x2F0] =	vst @!p0 v0;
	v0 =	vshrl.u32 @!p0 v1, $0x10  }
0x9b: {  	s7 =	simm.s32 @!p0 $0x280;
	s10 =	simm.s32 @!p0 $0x8480;
	s6 =	simm.s32 @!p0 $0x80;
	[tilespmem:$0x470] =	vst @!p0 v0  }
0x9c: {  	[tilespmem:s10], [sflag:$0x6] =	stream.indirect.gather @!p0 [hbm4b:s4+s6], $0x80, s7, s6, $0xb8;
	[tilespmem:$0x1FD00] =	vst v63  }
.Ltmp6:
0x9d: {  	s6 =	sadd.s32 @!p0 $0x2, s5;
	(pc) =	sbr.rel .LBB2_7-.Ltmp6, $4  }
0x9e: {  	p1 =	sge.u32 @!p0 s6, s8  }
0x9f: {  	p0 =	por p1, p0  }
0xa0: {  	s6 =	simm.s32 @!p0 $0x0  }
0xa1: {  	[tilespmem:s6], [sflag:$0x1] =	stream.linear.gather @!p0 [hbm4b:s14+s6], $0x80, $0x38;
	[tilespmem:$0x1FD00] =	vst v63  }
.LBB2_4:
0xa2: {  	_ =	swait.ge [sflag:s0], $0x4000;
	p0 =	sge.u32 s5, s11  }
0xa3: {  	[sflag:s0] =	ssyncset.done $0x0;
	p1 =	slt.u32 @!p0 s5, $0x2  }
0xa4: {  	[sflag:s0] =	ssyncadd.s32 $0xFFFFC000;
	p1 =	por p1, p0  }
0xa5: {  	[spmem:s2] =	stream.indirect.scatter.add.f32 [tilespmem:s19], [sflag:$0x7], $0x80, s1, s16, $0xb8;
	[tilespmem:$0x1FD00] =	vst v63  }
0xa6: {  	s7 =	simm.s32 @!p1 $0x8  }
0xa7: {  	_ =	swait.ge @!p1 [sflag:s7], $0x4000  }
0xa8: {  	[sflag:s7] =	ssyncset.done @!p1 $0x0  }
0xa9: {  	[sflag:s7] =	ssyncadd.s32 @!p1 $0xFFFFC000;
	s7 =	simm.s32 @!p0 $0x2  }
0xaa: {  	_ =	swait.ge @!p0 [sflag:s7], $0x80  }
0xab: {  	[sflag:s7] =	ssyncset.done @!p0 $0x0  }
0xac: {  	[sflag:s7] =	ssyncadd.s32 @!p0 $0xFFFFFF80  }
0xad: {  	v0 =	vld @!p0 [tilespmem:$0x80];
	_ =	sdelay $0x1  }
0xae: {  	v1 =	vld @!p0 [tilespmem:$0x90];
	_ =	sdelay $0x1  }
0xaf: {  	v2 =	vld @!p0 [tilespmem:$0xA0]  }
0xb0: {  	v3 =	vand.u32 @!p0 $0xFFFF, v0  }
0xb1: {  	v0 =	vshrl.u32 @!p0 v0, $0x10;
	[tilespmem:$0x200] =	vst @!p0 v3;
	v3 =	vld @!p0 [tilespmem:$0xB0]  }
0xb2: {  	[tilespmem:$0x380] =	vst @!p0 v0;
	v0 =	vand.u32 @!p0 $0xFFFF, v1  }
0xb3: {  	[tilespmem:$0x210] =	vst @!p0 v0;
	v0 =	vshrl.u32 @!p0 v1, $0x10;
	v1 =	vld @!p0 [tilespmem:$0xC0]  }
0xb4: {  	[tilespmem:$0x390] =	vst @!p0 v0;
	v0 =	vand.u32 @!p0 $0xFFFF, v2  }
0xb5: {  	[tilespmem:$0x220] =	vst @!p0 v0;
	v0 =	vshrl.u32 @!p0 v2, $0x10;
	v2 =	vld @!p0 [tilespmem:$0xD0]  }
0xb6: {  	[tilespmem:$0x3A0] =	vst @!p0 v0;
	v0 =	vand.u32 @!p0 $0xFFFF, v3  }
0xb7: {  	[tilespmem:$0x230] =	vst @!p0 v0;
	v0 =	vshrl.u32 @!p0 v3, $0x10;
	v3 =	vld @!p0 [tilespmem:$0xE0]  }
0xb8: {  	[tilespmem:$0x3B0] =	vst @!p0 v0;
	v0 =	vand.u32 @!p0 $0xFFFF, v1  }
0xb9: {  	[tilespmem:$0x240] =	vst @!p0 v0;
	v0 =	vshrl.u32 @!p0 v1, $0x10;
	v1 =	vld @!p0 [tilespmem:$0xF0]  }
0xba: {  	[tilespmem:$0x3C0] =	vst @!p0 v0;
	v0 =	vand.u32 @!p0 $0xFFFF, v2  }
0xbb: {  	[tilespmem:$0x250] =	vst @!p0 v0;
	v0 =	vshrl.u32 @!p0 v2, $0x10  }
0xbc: {  	[tilespmem:$0x3D0] =	vst @!p0 v0;
	v0 =	vand.u32 @!p0 $0xFFFF, v3  }
0xbd: {  	[tilespmem:$0x260] =	vst @!p0 v0;
	v0 =	vshrl.u32 @!p0 v3, $0x10  }
0xbe: {  	[tilespmem:$0x3E0] =	vst @!p0 v0;
	v0 =	vand.u32 @!p0 $0xFFFF, v1  }
0xbf: {  	[tilespmem:$0x270] =	vst @!p0 v0;
	v0 =	vshrl.u32 @!p0 v1, $0x10  }
0xc0: {  	s6 =	simm.s32 @!p0 $0x200;
	s10 =	simm.s32 @!p0 $0x4480;
	s7 =	simm.s32 @!p0 $0x80;
	[tilespmem:$0x3F0] =	vst @!p0 v0  }
0xc1: {  	[tilespmem:s10], [sflag:$0x5] =	stream.indirect.gather @!p0 [hbm4b:s4+s7], $0x80, s6, s7, $0xb8;
	[tilespmem:$0x1FD00] =	vst v63  }
.Ltmp7:
0xc2: {  	s6 =	sadd.s32 @!p0 $0x2, s5;
	(pc) =	sbr.rel .LBB2_7-.Ltmp7, $4  }
0xc3: {  	p1 =	sge.u32 @!p0 s6, s8  }
0xc4: {  	p0 =	por p1, p0  }
0xc5: {  	s6 =	simm.s32 @!p0 $0x0;
	s7 =	simm.s32 @!p0 $0x100  }
0xc6: {  	[tilespmem:s7], [sflag:$0x3] =	stream.linear.gather @!p0 [hbm4b:s14+s6], $0x80, $0x38;
	[tilespmem:$0x1FD00] =	vst v63  }
.LBB2_9:
0xc7: {  	_ =	sfence.sel $0x180000  }
0xc8: {  	[bflag:$0x0] =	sbarrier.arrive $0xFFFF  }
0xc9: {  	_ =	strace $0x9000004A  }
0xca: {  	s0 =	stileid.u32;
	[bflag:$0x2] =	sbarrier.arrive $0xFFFF  }
0xcb: {  	p0 =	sne.s32 s0, $0x0;
	s0 =	rddreg [dreg:$0x2]  }
0xcc: {  	s0 =	sadd.s32 @!p0 $0x100000, s0  }
0xcd: {  	[sflag:s0] =	ssyncadd.tile.s32 @!p0 $0x1;
	_ =	shalt  }
.Lfunc_end2:
_tile_overlayer_lowered:
.L_overlay_start_2:
0xce: {  	(tag) =	ssettag $0x2  }
0xcf: {  	s0 =	rddreg [dreg:$0x0];
	s2 =	stileid.u32  }
0xd0: {  	s1 =	rddreg [dreg:$0x1];
	p0 =	sne.s32 s2, $0x0  }
0xd1: {  	s3 =	rddreg [dreg:$0x2];
	[bflag:$0x3] =	sbarrier.arrive $0xFFFF;
	s2 =	simm.s32 @!p0 $0x1C0B  }
0xd2: {  	[timem:s3], [sflag:s2] =	dma.local @!p0 [hbm:s0], s1  }
0xd3: {  	s0 =	simm.s32 @!p0 $0xB  }
0xd4: {  	_ =	swait.ge @!p0 [sflag:s0], s1  }
0xd5: {  	s1 =	ssub.s32 @!p0 $0x0, s1;
	[sflag:s0] =	ssyncset.done @!p0 $0x0  }
0xd6: {  	[sflag:s0] =	ssyncadd.s32 @!p0 s1  }
0xd7: {  	[bflag:$0x3] =	sbarrier.arrive $0xFFFF  }
0xd8: {  	_ =	shalt  }

</sc_bundles>
